<compile_context>
chip_gen: v7x
topology: tpu7x:2x2x1
jax: 0.10.2.dev20260603
libtpu: 0.0.44.dev20260713+nightly
codegen_flags: <defaults>
</compile_context>

<pallas_src>
import functools

import jax
import jax.numpy as jnp
from jax import lax
from jax.experimental import pallas as pl
from jax.experimental.pallas import tpu as pltpu
from jax.experimental.pallas import tpu_sc as plsc

N_EMB = 1000000
D_EMB = 32
BATCH = 16384

L = 16
NC = 2
NS = 16
NW = NC * NS
B_PER_W = BATCH // NW
CHUNK = 32
N_CHUNKS = B_PER_W // CHUNK
C_GROUPS = CHUNK // L


@functools.partial(
    pl.kernel,
    mesh=plsc.VectorSubcoreMesh(core_axis_name="c", subcore_axis_name="s"),
    out_type=jax.ShapeDtypeStruct((BATCH,), jnp.float32),
    scratch_types=[
        pltpu.VMEM((B_PER_W,), jnp.int32),
        pltpu.VMEM((B_PER_W,), jnp.int32),
        pltpu.VMEM((2, CHUNK, 8, D_EMB), jnp.float32),
        pltpu.VMEM(((D_EMB + 1) * L,), jnp.float32),
        pltpu.VMEM((B_PER_W,), jnp.float32),
        [pltpu.SemaphoreType.DMA] * 2,
    ],
    compiler_params=pltpu.CompilerParams(needs_layout_passes=False),
)
def _sc_gather_dot(idx_hbm, table3_hbm, wb_hbm, out_hbm,
                   idx_v, tid_v, slabs_v, wb_v, out_v, sems):
    wid = lax.axis_index("s") * NC + lax.axis_index("c")
    base = wid * B_PER_W

    pltpu.sync_copy(idx_hbm.at[pl.ds(base, B_PER_W)], idx_v)
    pltpu.sync_copy(wb_hbm, wb_v)

    def tid_body(t, carry):
        t0 = t * L
        tid_v[pl.ds(t0, L)] = lax.shift_right_logical(idx_v[pl.ds(t0, L)], 3)
        return carry

    lax.fori_loop(0, B_PER_W // L, tid_body, 0)

    ws = [wb_v[pl.ds(d * L, L)] for d in range(D_EMB)]
    bias = wb_v[pl.ds(D_EMB * L, L)]
    lane = lax.iota(jnp.int32, L)

    def fire(k, b):
        k0 = k * CHUNK
        for t in range(CHUNK // L):
            tv = tid_v[pl.ds(k0 + t * L, L)]
            for l in range(L):
                pltpu.async_copy(
                    table3_hbm.at[tv[l]], slabs_v.at[b, t * L + l], sems[b])

    def drain(b):
        pltpu.make_async_copy(
            table3_hbm.at[pl.ds(0, CHUNK)], slabs_v.at[b], sems[b]).wait()

    def compute(k, b):
        k0 = k * CHUNK
        bsplat = jnp.full((L,), b, dtype=jnp.int32)
        for g in range(C_GROUPS):
            row0 = k0 + g * L
            idx16 = idx_v[pl.ds(row0, L)]
            sub = lax.bitwise_and(idx16, 7)
            cvec = lane + g * L
            acc = bias
            for d in range(D_EMB):
                col = plsc.load_gather(
                    slabs_v,
                    [bsplat, cvec, sub, jnp.full((L,), d, dtype=jnp.int32)])
                acc = acc + col * ws[d]
            out_v[pl.ds(row0, L)] = acc

    fire(0, 0)

    def pair_body(kk, carry):
        for b in range(2):
            k = kk * 2 + b

            @pl.when(k + 1 < N_CHUNKS)
            def _():
                fire(k + 1, 1 - b)

            drain(b)
            compute(k, b)
        return carry

    lax.fori_loop(0, N_CHUNKS // 2, pair_body, 0)

    pltpu.sync_copy(out_v, out_hbm.at[pl.ds(base, B_PER_W)])


def kernel(idx, table, W, b):
    table3 = table.reshape(N_EMB // 8, 8, D_EMB)
    wb = jnp.concatenate(
        [
            jnp.broadcast_to(W.reshape(D_EMB, 1), (D_EMB, L)),
            jnp.broadcast_to(b.reshape(1, 1), (1, L)),
        ],
        axis=0,
    ).reshape((D_EMB + 1) * L)
    y = _sc_gather_dot(idx.astype(jnp.int32), table3, wb)
    return y.reshape(BATCH, 1)

# --- scband reference (transcript-rebuilt; emitter-appended) ---
"""Pipeline reference for scband-model-20607253086806 (READ-ONLY COPY).

The authoritative reference and input builder live on the scoring server;
editing this copy changes nothing except your own understanding.
"""

import jax, jax.numpy as jnp
import numpy as np

N_EMB = 1000000
D_EMB = 32
BATCH = 16384

def setup_inputs(seed: int = 0) -> dict:
    key = jax.random.key(seed)
    k_idx, k_tab, k_w, k_b = jax.random.split(key, 4)
    idx = jax.random.randint(k_idx, (BATCH,), 0, N_EMB, dtype=jnp.int64 if jax.config.jax_enable_x64 else jnp.int32)
    table = jax.random.normal(k_tab, (N_EMB, D_EMB), dtype=jnp.float32)
    # nn.Linear(d_emb, 1): weight [1, d_emb], bias [1]
    W = jax.random.normal(k_w, (1, D_EMB), dtype=jnp.float32) * (1.0 / np.sqrt(D_EMB))
    b = jax.random.normal(k_b, (1,), dtype=jnp.float32) * 0.01
    return {"idx": idx, "table": table, "W": W, "b": b}

def reference(idx, table, W, b):
    # embedding lookup (gather)
    embs = jnp.take(table, idx, axis=0)  # [B, d_emb]
    # linear layer: y = embs @ W.T + b
    y = embs @ W.T + b  # [B, 1]
    return y

if __name__ == "__main__":
    import jax
    _d = setup_inputs()
    print(jax.jit(kernel)(*tuple(_d.values())))

</pallas_src>

<mosaic_0001>
#map = affine_map<(d0, d1) -> (0)>
#map1 = affine_map<(d0, d1) -> (0, 0, 0)>
module attributes {stable_mosaic.version = 14 : i64} {
  func.func @_sc_gather_dot(%arg0: i32, %arg1: i32, %arg2: memref<16384xi32, #tpu.memory_space<hbm>>, %arg3: memref<125000x8x32xf32, #tpu.memory_space<hbm>>, %arg4: memref<528xf32, #tpu.memory_space<hbm>>, %arg5: memref<16384xf32, #tpu.memory_space<hbm>>, %arg6: memref<512xi32, #tpu.memory_space<vmem>>, %arg7: memref<512xi32, #tpu.memory_space<vmem>>, %arg8: memref<2x32x8x32xf32, #tpu.memory_space<vmem>>, %arg9: memref<528xf32, #tpu.memory_space<vmem>>, %arg10: memref<512xf32, #tpu.memory_space<vmem>>, %arg11: memref<!tpu.dma_semaphore, #tpu.memory_space<semaphore_mem>>, %arg12: memref<!tpu.dma_semaphore, #tpu.memory_space<semaphore_mem>>) attributes {dimension_semantics = [#tpu.dimension_semantics<core_parallel>, #tpu.dimension_semantics<subcore_parallel>], iteration_bounds = array<i64: 2, 16>, scalar_prefetch = 0 : i64, scratch_operands = 7 : i64, tpu.core_type = #tpu.core_type<sc_vector_subcore>, window_params = [{transform_indices = #map}, {transform_indices = #map1}, {transform_indices = #map}, {transform_indices = #map}]} {
    %mul3A = arith.constant 2 : i32
    %mul3A_0 = arith.muli %arg1, %mul3A : i32
    %add3A = arith.addi %mul3A_0, %arg0 : i32
    %mul3A_1 = arith.constant 512 : i32
    %mul3A_2 = arith.muli %add3A, %mul3A_1 : i32
    "tpu.region"() ({
      %run_scoped3A = tpu.sem_alloc : memref<!tpu.dma_semaphore, #tpu.memory_space<semaphore_mem>>
      %dma_start3A_720 = tpu.memref_slice %arg2[%mul3A_2] : memref<16384xi32, #tpu.memory_space<hbm>> -> memref<512xi32, #tpu.memory_space<hbm>>
      %dma_start3A_721 = tpu.memref_slice %arg2[%mul3A_2] : memref<16384xi32, #tpu.memory_space<hbm>> -> memref<512xi32, #tpu.memory_space<hbm>>
      tpu.enqueue_dma source(%dma_start3A_721 : memref<512xi32, #tpu.memory_space<hbm>>) target(%arg6 : memref<512xi32, #tpu.memory_space<vmem>>) target_semaphore(%run_scoped3A : memref<!tpu.dma_semaphore, #tpu.memory_space<semaphore_mem>>)
      %dma_wait3A = tpu.memref_slice %arg2[%mul3A_2] : memref<16384xi32, #tpu.memory_space<hbm>> -> memref<512xi32, #tpu.memory_space<hbm>>
      %dma_wait3A_722 = tpu.memref_slice %arg2[%mul3A_2] : memref<16384xi32, #tpu.memory_space<hbm>> -> memref<512xi32, #tpu.memory_space<hbm>>
      tpu.wait_dma2 semaphore(%run_scoped3A : memref<!tpu.dma_semaphore, #tpu.memory_space<semaphore_mem>>) src(%dma_wait3A_722 : memref<512xi32, #tpu.memory_space<hbm>>) dst(%arg6 : memref<512xi32, #tpu.memory_space<vmem>>)
      tpu.yield
    }) : () -> ()
    "tpu.region"() ({
      %run_scoped3A = tpu.sem_alloc : memref<!tpu.dma_semaphore, #tpu.memory_space<semaphore_mem>>
      tpu.enqueue_dma source(%arg4 : memref<528xf32, #tpu.memory_space<hbm>>) target(%arg9 : memref<528xf32, #tpu.memory_space<vmem>>) target_semaphore(%run_scoped3A : memref<!tpu.dma_semaphore, #tpu.memory_space<semaphore_mem>>)
      tpu.wait_dma2 semaphore(%run_scoped3A : memref<!tpu.dma_semaphore, #tpu.memory_space<semaphore_mem>>) src(%arg4 : memref<528xf32, #tpu.memory_space<hbm>>) dst(%arg9 : memref<528xf32, #tpu.memory_space<vmem>>)
      tpu.yield
    }) : () -> ()
    %scan3A = arith.constant 0 : i32
    %scan3A_3 = arith.constant 0 : i32
    %scan3A_4 = arith.constant 32 : i32
    %scan3A_5 = arith.addi %scan3A_3, %scan3A_4 : i32
    %scan3A_6 = arith.constant 1 : i32
    scf.for %scan3A_720 = %scan3A_3 to %scan3A_5 step %scan3A_6  : i32 {
      %mul3A_721 = arith.constant 16 : i32
      %mul3A_722 = arith.muli %scan3A_720, %mul3A_721 : i32
      %get3A_723 = arith.index_cast %mul3A_722 : i32 to index
      %get3A_724 = tpu.vector_load %arg6[%get3A_723] {strides = array<i32>} : memref<512xi32, #tpu.memory_space<vmem>>, vector<16xi32>,
      %shift_right_logical3A = arith.constant 3 : i32
      %shift_right_logical3A_725 = vector.broadcast %shift_right_logical3A : i32 to vector<16xi32>
      %shift_right_logical3A_726 = arith.shrui %get3A_724, %shift_right_logical3A_725 : vector<16xi32>
      %swap3A = arith.index_cast %mul3A_722 : i32 to index
      %swap3A_727 = tpu.vector_load %arg7[%swap3A] {strides = array<i32>} : memref<512xi32, #tpu.memory_space<vmem>>, vector<16xi32>,
      tpu.vector_store %arg7[%swap3A], %shift_right_logical3A_726 {strides = array<i32>} : memref<512xi32, #tpu.memory_space<vmem>>, vector<16xi32>,
    }
    %scan3A_7 = arith.constant 32 : i32
    %get3A = arith.constant 0 : index
    %get3A_8 = tpu.vector_load %arg9[%get3A] {strides = array<i32>} : memref<528xf32, #tpu.memory_space<vmem>>, vector<16xf32>,
    %get3A_9 = arith.constant 16 : index
    %get3A_10 = tpu.vector_load %arg9[%get3A_9] {strides = array<i32>} : memref<528xf32, #tpu.memory_space<vmem>>, vector<16xf32>,
    %get3A_11 = arith.constant 32 : index
    %get3A_12 = tpu.vector_load %arg9[%get3A_11] {strides = array<i32>} : memref<528xf32, #tpu.memory_space<vmem>>, vector<16xf32>,
    %get3A_13 = arith.constant 48 : index
    %get3A_14 = tpu.vector_load %arg9[%get3A_13] {strides = array<i32>} : memref<528xf32, #tpu.memory_space<vmem>>, vector<16xf32>,
    %get3A_15 = arith.constant 64 : index
    %get3A_16 = tpu.vector_load %arg9[%get3A_15] {strides = array<i32>} : memref<528xf32, #tpu.memory_space<vmem>>, vector<16xf32>,
    %get3A_17 = arith.constant 80 : index
    %get3A_18 = tpu.vector_load %arg9[%get3A_17] {strides = array<i32>} : memref<528xf32, #tpu.memory_space<vmem>>, vector<16xf32>,
    %get3A_19 = arith.constant 96 : index
    %get3A_20 = tpu.vector_load %arg9[%get3A_19] {strides = array<i32>} : memref<528xf32, #tpu.memory_space<vmem>>, vector<16xf32>,
    %get3A_21 = arith.constant 112 : index
    %get3A_22 = tpu.vector_load %arg9[%get3A_21] {strides = array<i32>} : memref<528xf32, #tpu.memory_space<vmem>>, vector<16xf32>,
    %get3A_23 = arith.constant 128 : index
    %get3A_24 = tpu.vector_load %arg9[%get3A_23] {strides = array<i32>} : memref<528xf32, #tpu.memory_space<vmem>>, vector<16xf32>,
    %get3A_25 = arith.constant 144 : index
    %get3A_26 = tpu.vector_load %arg9[%get3A_25] {strides = array<i32>} : memref<528xf32, #tpu.memory_space<vmem>>, vector<16xf32>,
    %get3A_27 = arith.constant 160 : index
    %get3A_28 = tpu.vector_load %arg9[%get3A_27] {strides = array<i32>} : memref<528xf32, #tpu.memory_space<vmem>>, vector<16xf32>,
    %get3A_29 = arith.constant 176 : index
    %get3A_30 = tpu.vector_load %arg9[%get3A_29] {strides = array<i32>} : memref<528xf32, #tpu.memory_space<vmem>>, vector<16xf32>,
    %get3A_31 = arith.constant 192 : index
    %get3A_32 = tpu.vector_load %arg9[%get3A_31] {strides = array<i32>} : memref<528xf32, #tpu.memory_space<vmem>>, vector<16xf32>,
    %get3A_33 = arith.constant 208 : index
    %get3A_34 = tpu.vector_load %arg9[%get3A_33] {strides = array<i32>} : memref<528xf32, #tpu.memory_space<vmem>>, vector<16xf32>,
    %get3A_35 = arith.constant 224 : index
    %get3A_36 = tpu.vector_load %arg9[%get3A_35] {strides = array<i32>} : memref<528xf32, #tpu.memory_space<vmem>>, vector<16xf32>,
    %get3A_37 = arith.constant 240 : index
    %get3A_38 = tpu.vector_load %arg9[%get3A_37] {strides = array<i32>} : memref<528xf32, #tpu.memory_space<vmem>>, vector<16xf32>,
    %get3A_39 = arith.constant 256 : index
    %get3A_40 = tpu.vector_load %arg9[%get3A_39] {strides = array<i32>} : memref<528xf32, #tpu.memory_space<vmem>>, vector<16xf32>,
    %get3A_41 = arith.constant 272 : index
    %get3A_42 = tpu.vector_load %arg9[%get3A_41] {strides = array<i32>} : memref<528xf32, #tpu.memory_space<vmem>>, vector<16xf32>,
    %get3A_43 = arith.constant 288 : index
    %get3A_44 = tpu.vector_load %arg9[%get3A_43] {strides = array<i32>} : memref<528xf32, #tpu.memory_space<vmem>>, vector<16xf32>,
    %get3A_45 = arith.constant 304 : index
    %get3A_46 = tpu.vector_load %arg9[%get3A_45] {strides = array<i32>} : memref<528xf32, #tpu.memory_space<vmem>>, vector<16xf32>,
    %get3A_47 = arith.constant 320 : index
    %get3A_48 = tpu.vector_load %arg9[%get3A_47] {strides = array<i32>} : memref<528xf32, #tpu.memory_space<vmem>>, vector<16xf32>,
    %get3A_49 = arith.constant 336 : index
    %get3A_50 = tpu.vector_load %arg9[%get3A_49] {strides = array<i32>} : memref<528xf32, #tpu.memory_space<vmem>>, vector<16xf32>,
    %get3A_51 = arith.constant 352 : index
    %get3A_52 = tpu.vector_load %arg9[%get3A_51] {strides = array<i32>} : memref<528xf32, #tpu.memory_space<vmem>>, vector<16xf32>,
    %get3A_53 = arith.constant 368 : index
    %get3A_54 = tpu.vector_load %arg9[%get3A_53] {strides = array<i32>} : memref<528xf32, #tpu.memory_space<vmem>>, vector<16xf32>,
    %get3A_55 = arith.constant 384 : index
    %get3A_56 = tpu.vector_load %arg9[%get3A_55] {strides = array<i32>} : memref<528xf32, #tpu.memory_space<vmem>>, vector<16xf32>,
    %get3A_57 = arith.constant 400 : index
    %get3A_58 = tpu.vector_load %arg9[%get3A_57] {strides = array<i32>} : memref<528xf32, #tpu.memory_space<vmem>>, vector<16xf32>,
    %get3A_59 = arith.constant 416 : index
    %get3A_60 = tpu.vector_load %arg9[%get3A_59] {strides = array<i32>} : memref<528xf32, #tpu.memory_space<vmem>>, vector<16xf32>,
    %get3A_61 = arith.constant 432 : index
    %get3A_62 = tpu.vector_load %arg9[%get3A_61] {strides = array<i32>} : memref<528xf32, #tpu.memory_space<vmem>>, vector<16xf32>,
    %get3A_63 = arith.constant 448 : index
    %get3A_64 = tpu.vector_load %arg9[%get3A_63] {strides = array<i32>} : memref<528xf32, #tpu.memory_space<vmem>>, vector<16xf32>,
    %get3A_65 = arith.constant 464 : index
    %get3A_66 = tpu.vector_load %arg9[%get3A_65] {strides = array<i32>} : memref<528xf32, #tpu.memory_space<vmem>>, vector<16xf32>,
    %get3A_67 = arith.constant 480 : index
    %get3A_68 = tpu.vector_load %arg9[%get3A_67] {strides = array<i32>} : memref<528xf32, #tpu.memory_space<vmem>>, vector<16xf32>,
    %get3A_69 = arith.constant 496 : index
    %get3A_70 = tpu.vector_load %arg9[%get3A_69] {strides = array<i32>} : memref<528xf32, #tpu.memory_space<vmem>>, vector<16xf32>,
    %get3A_71 = arith.constant 512 : index
    %get3A_72 = tpu.vector_load %arg9[%get3A_71] {strides = array<i32>} : memref<528xf32, #tpu.memory_space<vmem>>, vector<16xf32>,
    %iota3A = tpu.iota {dimensions = array<i32: 0>} : vector<16xi32>
    %get3A_73 = arith.constant 0 : index
    %get3A_74 = tpu.vector_load %arg7[%get3A_73] {strides = array<i32>} : memref<512xi32, #tpu.memory_space<vmem>>, vector<16xi32>,
    %slice3A = vector.extract_strided_slice %get3A_74 {offsets = [0], sizes = [1], strides = [1]} : vector<16xi32> to vector<1xi32>
    %squeeze3A = vector.extract %slice3A[0] : i32 from vector<1xi32>
    %dma_start3A = arith.constant 0 : i32
    %dma_start3A_75 = arith.constant 0 : i32
    %dma_start3A_76 = arith.constant 0 : i32
    %dma_start3A_77 = arith.constant 0 : i32
    %dma_start3A_78 = tpu.memref_slice %arg8[%dma_start3A, %dma_start3A_75, %dma_start3A_76, %dma_start3A_77] : memref<2x32x8x32xf32, #tpu.memory_space<vmem>> -> memref<1x1x8x32xf32, #tpu.memory_space<vmem>>
    %dma_start3A_79 = tpu.memref_squeeze %dma_start3A_78 : memref<1x1x8x32xf32, #tpu.memory_space<vmem>> -> memref<8x32xf32, #tpu.memory_space<vmem>>
    %dma_start3A_80 = arith.constant 0 : i32
    %dma_start3A_81 = arith.constant 0 : i32
    %dma_start3A_82 = tpu.memref_slice %arg3[%squeeze3A, %dma_start3A_80, %dma_start3A_81] : memref<125000x8x32xf32, #tpu.memory_space<hbm>> -> memref<1x8x32xf32, #tpu.memory_space<hbm>>
    %dma_start3A_83 = tpu.memref_squeeze %dma_start3A_82 : memref<1x8x32xf32, #tpu.memory_space<hbm>> -> memref<8x32xf32, #tpu.memory_space<hbm>>
    %dma_start3A_84 = arith.constant 0 : i32
    %dma_start3A_85 = arith.constant 0 : i32
    %dma_start3A_86 = tpu.memref_slice %arg8[%dma_start3A, %dma_start3A_75, %dma_start3A_84, %dma_start3A_85] : memref<2x32x8x32xf32, #tpu.memory_space<vmem>> -> memref<1x1x8x32xf32, #tpu.memory_space<vmem>>
    %dma_start3A_87 = tpu.memref_squeeze %dma_start3A_86 : memref<1x1x8x32xf32, #tpu.memory_space<vmem>> -> memref<8x32xf32, #tpu.memory_space<vmem>>
    %dma_start3A_88 = arith.constant 0 : i32
    %dma_start3A_89 = arith.constant 0 : i32
    %dma_start3A_90 = tpu.memref_slice %arg3[%squeeze3A, %dma_start3A_88, %dma_start3A_89] : memref<125000x8x32xf32, #tpu.memory_space<hbm>> -> memref<1x8x32xf32, #tpu.memory_space<hbm>>
    %dma_start3A_91 = tpu.memref_squeeze %dma_start3A_90 : memref<1x8x32xf32, #tpu.memory_space<hbm>> -> memref<8x32xf32, #tpu.memory_space<hbm>>
    tpu.enqueue_dma source(%dma_start3A_91 : memref<8x32xf32, #tpu.memory_space<hbm>>) target(%dma_start3A_87 : memref<8x32xf32, #tpu.memory_space<vmem>>) target_semaphore(%arg11 : memref<!tpu.dma_semaphore, #tpu.memory_space<semaphore_mem>>)
    %slice3A_92 = vector.extract_strided_slice %get3A_74 {offsets = [1], sizes = [1], strides = [1]} : vector<16xi32> to vector<1xi32>
    %squeeze3A_93 = vector.extract %slice3A_92[0] : i32 from vector<1xi32>
    %dma_start3A_94 = arith.constant 0 : i32
    %dma_start3A_95 = arith.constant 1 : i32
    %dma_start3A_96 = arith.constant 0 : i32
    %dma_start3A_97 = arith.constant 0 : i32
    %dma_start3A_98 = tpu.memref_slice %arg8[%dma_start3A_94, %dma_start3A_95, %dma_start3A_96, %dma_start3A_97] : memref<2x32x8x32xf32, #tpu.memory_space<vmem>> -> memref<1x1x8x32xf32, #tpu.memory_space<vmem>>
    %dma_start3A_99 = tpu.memref_squeeze %dma_start3A_98 : memref<1x1x8x32xf32, #tpu.memory_space<vmem>> -> memref<8x32xf32, #tpu.memory_space<vmem>>
    %dma_start3A_100 = arith.constant 0 : i32
    %dma_start3A_101 = arith.constant 0 : i32
    %dma_start3A_102 = tpu.memref_slice %arg3[%squeeze3A_93, %dma_start3A_100, %dma_start3A_101] : memref<125000x8x32xf32, #tpu.memory_space<hbm>> -> memref<1x8x32xf32, #tpu.memory_space<hbm>>
    %dma_start3A_103 = tpu.memref_squeeze %dma_start3A_102 : memref<1x8x32xf32, #tpu.memory_space<hbm>> -> memref<8x32xf32, #tpu.memory_space<hbm>>
    %dma_start3A_104 = arith.constant 0 : i32
    %dma_start3A_105 = arith.constant 0 : i32
    %dma_start3A_106 = tpu.memref_slice %arg8[%dma_start3A_94, %dma_start3A_95, %dma_start3A_104, %dma_start3A_105] : memref<2x32x8x32xf32, #tpu.memory_space<vmem>> -> memref<1x1x8x32xf32, #tpu.memory_space<vmem>>
    %dma_start3A_107 = tpu.memref_squeeze %dma_start3A_106 : memref<1x1x8x32xf32, #tpu.memory_space<vmem>> -> memref<8x32xf32, #tpu.memory_space<vmem>>
    %dma_start3A_108 = arith.constant 0 : i32
    %dma_start3A_109 = arith.constant 0 : i32
    %dma_start3A_110 = tpu.memref_slice %arg3[%squeeze3A_93, %dma_start3A_108, %dma_start3A_109] : memref<125000x8x32xf32, #tpu.memory_space<hbm>> -> memref<1x8x32xf32, #tpu.memory_space<hbm>>
    %dma_start3A_111 = tpu.memref_squeeze %dma_start3A_110 : memref<1x8x32xf32, #tpu.memory_space<hbm>> -> memref<8x32xf32, #tpu.memory_space<hbm>>
    tpu.enqueue_dma source(%dma_start3A_111 : memref<8x32xf32, #tpu.memory_space<hbm>>) target(%dma_start3A_107 : memref<8x32xf32, #tpu.memory_space<vmem>>) target_semaphore(%arg11 : memref<!tpu.dma_semaphore, #tpu.memory_space<semaphore_mem>>)
    %slice3A_112 = vector.extract_strided_slice %get3A_74 {offsets = [2], sizes = [1], strides = [1]} : vector<16xi32> to vector<1xi32>
    %squeeze3A_113 = vector.extract %slice3A_112[0] : i32 from vector<1xi32>
    %dma_start3A_114 = arith.constant 0 : i32
    %dma_start3A_115 = arith.constant 2 : i32
    %dma_start3A_116 = arith.constant 0 : i32
    %dma_start3A_117 = arith.constant 0 : i32
    %dma_start3A_118 = tpu.memref_slice %arg8[%dma_start3A_114, %dma_start3A_115, %dma_start3A_116, %dma_start3A_117] : memref<2x32x8x32xf32, #tpu.memory_space<vmem>> -> memref<1x1x8x32xf32, #tpu.memory_space<vmem>>
    %dma_start3A_119 = tpu.memref_squeeze %dma_start3A_118 : memref<1x1x8x32xf32, #tpu.memory_space<vmem>> -> memref<8x32xf32, #tpu.memory_space<vmem>>
    %dma_start3A_120 = arith.constant 0 : i32
    %dma_start3A_121 = arith.constant 0 : i32
    %dma_start3A_122 = tpu.memref_slice %arg3[%squeeze3A_113, %dma_start3A_120, %dma_start3A_121] : memref<125000x8x32xf32, #tpu.memory_space<hbm>> -> memref<1x8x32xf32, #tpu.memory_space<hbm>>
    %dma_start3A_123 = tpu.memref_squeeze %dma_start3A_122 : memref<1x8x32xf32, #tpu.memory_space<hbm>> -> memref<8x32xf32, #tpu.memory_space<hbm>>
    %dma_start3A_124 = arith.constant 0 : i32
    %dma_start3A_125 = arith.constant 0 : i32
    %dma_start3A_126 = tpu.memref_slice %arg8[%dma_start3A_114, %dma_start3A_115, %dma_start3A_124, %dma_start3A_125] : memref<2x32x8x32xf32, #tpu.memory_space<vmem>> -> memref<1x1x8x32xf32, #tpu.memory_space<vmem>>
    %dma_start3A_127 = tpu.memref_squeeze %dma_start3A_126 : memref<1x1x8x32xf32, #tpu.memory_space<vmem>> -> memref<8x32xf32, #tpu.memory_space<vmem>>
    %dma_start3A_128 = arith.constant 0 : i32
    %dma_start3A_129 = arith.constant 0 : i32
    %dma_start3A_130 = tpu.memref_slice %arg3[%squeeze3A_113, %dma_start3A_128, %dma_start3A_129] : memref<125000x8x32xf32, #tpu.memory_space<hbm>> -> memref<1x8x32xf32, #tpu.memory_space<hbm>>
    %dma_start3A_131 = tpu.memref_squeeze %dma_start3A_130 : memref<1x8x32xf32, #tpu.memory_space<hbm>> -> memref<8x32xf32, #tpu.memory_space<hbm>>
    tpu.enqueue_dma source(%dma_start3A_131 : memref<8x32xf32, #tpu.memory_space<hbm>>) target(%dma_start3A_127 : memref<8x32xf32, #tpu.memory_space<vmem>>) target_semaphore(%arg11 : memref<!tpu.dma_semaphore, #tpu.memory_space<semaphore_mem>>)
    %slice3A_132 = vector.extract_strided_slice %get3A_74 {offsets = [3], sizes = [1], strides = [1]} : vector<16xi32> to vector<1xi32>
    %squeeze3A_133 = vector.extract %slice3A_132[0] : i32 from vector<1xi32>
    %dma_start3A_134 = arith.constant 0 : i32
    %dma_start3A_135 = arith.constant 3 : i32
    %dma_start3A_136 = arith.constant 0 : i32
    %dma_start3A_137 = arith.constant 0 : i32
    %dma_start3A_138 = tpu.memref_slice %arg8[%dma_start3A_134, %dma_start3A_135, %dma_start3A_136, %dma_start3A_137] : memref<2x32x8x32xf32, #tpu.memory_space<vmem>> -> memref<1x1x8x32xf32, #tpu.memory_space<vmem>>
    %dma_start3A_139 = tpu.memref_squeeze %dma_start3A_138 : memref<1x1x8x32xf32, #tpu.memory_space<vmem>> -> memref<8x32xf32, #tpu.memory_space<vmem>>
    %dma_start3A_140 = arith.constant 0 : i32
    %dma_start3A_141 = arith.constant 0 : i32
    %dma_start3A_142 = tpu.memref_slice %arg3[%squeeze3A_133, %dma_start3A_140, %dma_start3A_141] : memref<125000x8x32xf32, #tpu.memory_space<hbm>> -> memref<1x8x32xf32, #tpu.memory_space<hbm>>
    %dma_start3A_143 = tpu.memref_squeeze %dma_start3A_142 : memref<1x8x32xf32, #tpu.memory_space<hbm>> -> memref<8x32xf32, #tpu.memory_space<hbm>>
    %dma_start3A_144 = arith.constant 0 : i32
    %dma_start3A_145 = arith.constant 0 : i32
    %dma_start3A_146 = tpu.memref_slice %arg8[%dma_start3A_134, %dma_start3A_135, %dma_start3A_144, %dma_start3A_145] : memref<2x32x8x32xf32, #tpu.memory_space<vmem>> -> memref<1x1x8x32xf32, #tpu.memory_space<vmem>>
    %dma_start3A_147 = tpu.memref_squeeze %dma_start3A_146 : memref<1x1x8x32xf32, #tpu.memory_space<vmem>> -> memref<8x32xf32, #tpu.memory_space<vmem>>
    %dma_start3A_148 = arith.constant 0 : i32
    %dma_start3A_149 = arith.constant 0 : i32
    %dma_start3A_150 = tpu.memref_slice %arg3[%squeeze3A_133, %dma_start3A_148, %dma_start3A_149] : memref<125000x8x32xf32, #tpu.memory_space<hbm>> -> memref<1x8x32xf32, #tpu.memory_space<hbm>>
    %dma_start3A_151 = tpu.memref_squeeze %dma_start3A_150 : memref<1x8x32xf32, #tpu.memory_space<hbm>> -> memref<8x32xf32, #tpu.memory_space<hbm>>
    tpu.enqueue_dma source(%dma_start3A_151 : memref<8x32xf32, #tpu.memory_space<hbm>>) target(%dma_start3A_147 : memref<8x32xf32, #tpu.memory_space<vmem>>) target_semaphore(%arg11 : memref<!tpu.dma_semaphore, #tpu.memory_space<semaphore_mem>>)
    %slice3A_152 = vector.extract_strided_slice %get3A_74 {offsets = [4], sizes = [1], strides = [1]} : vector<16xi32> to vector<1xi32>
    %squeeze3A_153 = vector.extract %slice3A_152[0] : i32 from vector<1xi32>
    %dma_start3A_154 = arith.constant 0 : i32
    %dma_start3A_155 = arith.constant 4 : i32
    %dma_start3A_156 = arith.constant 0 : i32
    %dma_start3A_157 = arith.constant 0 : i32
    %dma_start3A_158 = tpu.memref_slice %arg8[%dma_start3A_154, %dma_start3A_155, %dma_start3A_156, %dma_start3A_157] : memref<2x32x8x32xf32, #tpu.memory_space<vmem>> -> memref<1x1x8x32xf32, #tpu.memory_space<vmem>>
    %dma_start3A_159 = tpu.memref_squeeze %dma_start3A_158 : memref<1x1x8x32xf32, #tpu.memory_space<vmem>> -> memref<8x32xf32, #tpu.memory_space<vmem>>
    %dma_start3A_160 = arith.constant 0 : i32
    %dma_start3A_161 = arith.constant 0 : i32
    %dma_start3A_162 = tpu.memref_slice %arg3[%squeeze3A_153, %dma_start3A_160, %dma_start3A_161] : memref<125000x8x32xf32, #tpu.memory_space<hbm>> -> memref<1x8x32xf32, #tpu.memory_space<hbm>>
    %dma_start3A_163 = tpu.memref_squeeze %dma_start3A_162 : memref<1x8x32xf32, #tpu.memory_space<hbm>> -> memref<8x32xf32, #tpu.memory_space<hbm>>
    %dma_start3A_164 = arith.constant 0 : i32
    %dma_start3A_165 = arith.constant 0 : i32
    %dma_start3A_166 = tpu.memref_slice %arg8[%dma_start3A_154, %dma_start3A_155, %dma_start3A_164, %dma_start3A_165] : memref<2x32x8x32xf32, #tpu.memory_space<vmem>> -> memref<1x1x8x32xf32, #tpu.memory_space<vmem>>
    %dma_start3A_167 = tpu.memref_squeeze %dma_start3A_166 : memref<1x1x8x32xf32, #tpu.memory_space<vmem>> -> memref<8x32xf32, #tpu.memory_space<vmem>>
    %dma_start3A_168 = arith.constant 0 : i32
    %dma_start3A_169 = arith.constant 0 : i32
    %dma_start3A_170 = tpu.memref_slice %arg3[%squeeze3A_153, %dma_start3A_168, %dma_start3A_169] : memref<125000x8x32xf32, #tpu.memory_space<hbm>> -> memref<1x8x32xf32, #tpu.memory_space<hbm>>
    %dma_start3A_171 = tpu.memref_squeeze %dma_start3A_170 : memref<1x8x32xf32, #tpu.memory_space<hbm>> -> memref<8x32xf32, #tpu.memory_space<hbm>>
    tpu.enqueue_dma source(%dma_start3A_171 : memref<8x32xf32, #tpu.memory_space<hbm>>) target(%dma_start3A_167 : memref<8x32xf32, #tpu.memory_space<vmem>>) target_semaphore(%arg11 : memref<!tpu.dma_semaphore, #tpu.memory_space<semaphore_mem>>)
    %slice3A_172 = vector.extract_strided_slice %get3A_74 {offsets = [5], sizes = [1], strides = [1]} : vector<16xi32> to vector<1xi32>
    %squeeze3A_173 = vector.extract %slice3A_172[0] : i32 from vector<1xi32>
    %dma_start3A_174 = arith.constant 0 : i32
    %dma_start3A_175 = arith.constant 5 : i32
    %dma_start3A_176 = arith.constant 0 : i32
    %dma_start3A_177 = arith.constant 0 : i32
    %dma_start3A_178 = tpu.memref_slice %arg8[%dma_start3A_174, %dma_start3A_175, %dma_start3A_176, %dma_start3A_177] : memref<2x32x8x32xf32, #tpu.memory_space<vmem>> -> memref<1x1x8x32xf32, #tpu.memory_space<vmem>>
    %dma_start3A_179 = tpu.memref_squeeze %dma_start3A_178 : memref<1x1x8x32xf32, #tpu.memory_space<vmem>> -> memref<8x32xf32, #tpu.memory_space<vmem>>
    %dma_start3A_180 = arith.constant 0 : i32
    %dma_start3A_181 = arith.constant 0 : i32
    %dma_start3A_182 = tpu.memref_slice %arg3[%squeeze3A_173, %dma_start3A_180, %dma_start3A_181] : memref<125000x8x32xf32, #tpu.memory_space<hbm>> -> memref<1x8x32xf32, #tpu.memory_space<hbm>>
    %dma_start3A_183 = tpu.memref_squeeze %dma_start3A_182 : memref<1x8x32xf32, #tpu.memory_space<hbm>> -> memref<8x32xf32, #tpu.memory_space<hbm>>
    %dma_start3A_184 = arith.constant 0 : i32
    %dma_start3A_185 = arith.constant 0 : i32
    %dma_start3A_186 = tpu.memref_slice %arg8[%dma_start3A_174, %dma_start3A_175, %dma_start3A_184, %dma_start3A_185] : memref<2x32x8x32xf32, #tpu.memory_space<vmem>> -> memref<1x1x8x32xf32, #tpu.memory_space<vmem>>
    %dma_start3A_187 = tpu.memref_squeeze %dma_start3A_186 : memref<1x1x8x32xf32, #tpu.memory_space<vmem>> -> memref<8x32xf32, #tpu.memory_space<vmem>>
    %dma_start3A_188 = arith.constant 0 : i32
    %dma_start3A_189 = arith.constant 0 : i32
    %dma_start3A_190 = tpu.memref_slice %arg3[%squeeze3A_173, %dma_start3A_188, %dma_start3A_189] : memref<125000x8x32xf32, #tpu.memory_space<hbm>> -> memref<1x8x32xf32, #tpu.memory_space<hbm>>
    %dma_start3A_191 = tpu.memref_squeeze %dma_start3A_190 : memref<1x8x32xf32, #tpu.memory_space<hbm>> -> memref<8x32xf32, #tpu.memory_space<hbm>>
    tpu.enqueue_dma source(%dma_start3A_191 : memref<8x32xf32, #tpu.memory_space<hbm>>) target(%dma_start3A_187 : memref<8x32xf32, #tpu.memory_space<vmem>>) target_semaphore(%arg11 : memref<!tpu.dma_semaphore, #tpu.memory_space<semaphore_mem>>)
    %slice3A_192 = vector.extract_strided_slice %get3A_74 {offsets = [6], sizes = [1], strides = [1]} : vector<16xi32> to vector<1xi32>
    %squeeze3A_193 = vector.extract %slice3A_192[0] : i32 from vector<1xi32>
    %dma_start3A_194 = arith.constant 0 : i32
    %dma_start3A_195 = arith.constant 6 : i32
    %dma_start3A_196 = arith.constant 0 : i32
    %dma_start3A_197 = arith.constant 0 : i32
    %dma_start3A_198 = tpu.memref_slice %arg8[%dma_start3A_194, %dma_start3A_195, %dma_start3A_196, %dma_start3A_197] : memref<2x32x8x32xf32, #tpu.memory_space<vmem>> -> memref<1x1x8x32xf32, #tpu.memory_space<vmem>>
    %dma_start3A_199 = tpu.memref_squeeze %dma_start3A_198 : memref<1x1x8x32xf32, #tpu.memory_space<vmem>> -> memref<8x32xf32, #tpu.memory_space<vmem>>
    %dma_start3A_200 = arith.constant 0 : i32
    %dma_start3A_201 = arith.constant 0 : i32
    %dma_start3A_202 = tpu.memref_slice %arg3[%squeeze3A_193, %dma_start3A_200, %dma_start3A_201] : memref<125000x8x32xf32, #tpu.memory_space<hbm>> -> memref<1x8x32xf32, #tpu.memory_space<hbm>>
    %dma_start3A_203 = tpu.memref_squeeze %dma_start3A_202 : memref<1x8x32xf32, #tpu.memory_space<hbm>> -> memref<8x32xf32, #tpu.memory_space<hbm>>
    %dma_start3A_204 = arith.constant 0 : i32
    %dma_start3A_205 = arith.constant 0 : i32
    %dma_start3A_206 = tpu.memref_slice %arg8[%dma_start3A_194, %dma_start3A_195, %dma_start3A_204, %dma_start3A_205] : memref<2x32x8x32xf32, #tpu.memory_space<vmem>> -> memref<1x1x8x32xf32, #tpu.memory_space<vmem>>
    %dma_start3A_207 = tpu.memref_squeeze %dma_start3A_206 : memref<1x1x8x32xf32, #tpu.memory_space<vmem>> -> memref<8x32xf32, #tpu.memory_space<vmem>>
    %dma_start3A_208 = arith.constant 0 : i32
    %dma_start3A_209 = arith.constant 0 : i32
    %dma_start3A_210 = tpu.memref_slice %arg3[%squeeze3A_193, %dma_start3A_208, %dma_start3A_209] : memref<125000x8x32xf32, #tpu.memory_space<hbm>> -> memref<1x8x32xf32, #tpu.memory_space<hbm>>
    %dma_start3A_211 = tpu.memref_squeeze %dma_start3A_210 : memref<1x8x32xf32, #tpu.memory_space<hbm>> -> memref<8x32xf32, #tpu.memory_space<hbm>>
    tpu.enqueue_dma source(%dma_start3A_211 : memref<8x32xf32, #tpu.memory_space<hbm>>) target(%dma_start3A_207 : memref<8x32xf32, #tpu.memory_space<vmem>>) target_semaphore(%arg11 : memref<!tpu.dma_semaphore, #tpu.memory_space<semaphore_mem>>)
    %slice3A_212 = vector.extract_strided_slice %get3A_74 {offsets = [7], sizes = [1], strides = [1]} : vector<16xi32> to vector<1xi32>
    %squeeze3A_213 = vector.extract %slice3A_212[0] : i32 from vector<1xi32>
    %dma_start3A_214 = arith.constant 0 : i32
    %dma_start3A_215 = arith.constant 7 : i32
    %dma_start3A_216 = arith.constant 0 : i32
    %dma_start3A_217 = arith.constant 0 : i32
    %dma_start3A_218 = tpu.memref_slice %arg8[%dma_start3A_214, %dma_start3A_215, %dma_start3A_216, %dma_start3A_217] : memref<2x32x8x32xf32, #tpu.memory_space<vmem>> -> memref<1x1x8x32xf32, #tpu.memory_space<vmem>>
    %dma_start3A_219 = tpu.memref_squeeze %dma_start3A_218 : memref<1x1x8x32xf32, #tpu.memory_space<vmem>> -> memref<8x32xf32, #tpu.memory_space<vmem>>
    %dma_start3A_220 = arith.constant 0 : i32
    %dma_start3A_221 = arith.constant 0 : i32
    %dma_start3A_222 = tpu.memref_slice %arg3[%squeeze3A_213, %dma_start3A_220, %dma_start3A_221] : memref<125000x8x32xf32, #tpu.memory_space<hbm>> -> memref<1x8x32xf32, #tpu.memory_space<hbm>>
    %dma_start3A_223 = tpu.memref_squeeze %dma_start3A_222 : memref<1x8x32xf32, #tpu.memory_space<hbm>> -> memref<8x32xf32, #tpu.memory_space<hbm>>
    %dma_start3A_224 = arith.constant 0 : i32
    %dma_start3A_225 = arith.constant 0 : i32
    %dma_start3A_226 = tpu.memref_slice %arg8[%dma_start3A_214, %dma_start3A_215, %dma_start3A_224, %dma_start3A_225] : memref<2x32x8x32xf32, #tpu.memory_space<vmem>> -> memref<1x1x8x32xf32, #tpu.memory_space<vmem>>
    %dma_start3A_227 = tpu.memref_squeeze %dma_start3A_226 : memref<1x1x8x32xf32, #tpu.memory_space<vmem>> -> memref<8x32xf32, #tpu.memory_space<vmem>>
    %dma_start3A_228 = arith.constant 0 : i32
    %dma_start3A_229 = arith.constant 0 : i32
    %dma_start3A_230 = tpu.memref_slice %arg3[%squeeze3A_213, %dma_start3A_228, %dma_start3A_229] : memref<125000x8x32xf32, #tpu.memory_space<hbm>> -> memref<1x8x32xf32, #tpu.memory_space<hbm>>
    %dma_start3A_231 = tpu.memref_squeeze %dma_start3A_230 : memref<1x8x32xf32, #tpu.memory_space<hbm>> -> memref<8x32xf32, #tpu.memory_space<hbm>>
    tpu.enqueue_dma source(%dma_start3A_231 : memref<8x32xf32, #tpu.memory_space<hbm>>) target(%dma_start3A_227 : memref<8x32xf32, #tpu.memory_space<vmem>>) target_semaphore(%arg11 : memref<!tpu.dma_semaphore, #tpu.memory_space<semaphore_mem>>)
    %slice3A_232 = vector.extract_strided_slice %get3A_74 {offsets = [8], sizes = [1], strides = [1]} : vector<16xi32> to vector<1xi32>
    %squeeze3A_233 = vector.extract %slice3A_232[0] : i32 from vector<1xi32>
    %dma_start3A_234 = arith.constant 0 : i32
    %dma_start3A_235 = arith.constant 8 : i32
    %dma_start3A_236 = arith.constant 0 : i32
    %dma_start3A_237 = arith.constant 0 : i32
    %dma_start3A_238 = tpu.memref_slice %arg8[%dma_start3A_234, %dma_start3A_235, %dma_start3A_236, %dma_start3A_237] : memref<2x32x8x32xf32, #tpu.memory_space<vmem>> -> memref<1x1x8x32xf32, #tpu.memory_space<vmem>>
    %dma_start3A_239 = tpu.memref_squeeze %dma_start3A_238 : memref<1x1x8x32xf32, #tpu.memory_space<vmem>> -> memref<8x32xf32, #tpu.memory_space<vmem>>
    %dma_start3A_240 = arith.constant 0 : i32
    %dma_start3A_241 = arith.constant 0 : i32
    %dma_start3A_242 = tpu.memref_slice %arg3[%squeeze3A_233, %dma_start3A_240, %dma_start3A_241] : memref<125000x8x32xf32, #tpu.memory_space<hbm>> -> memref<1x8x32xf32, #tpu.memory_space<hbm>>
    %dma_start3A_243 = tpu.memref_squeeze %dma_start3A_242 : memref<1x8x32xf32, #tpu.memory_space<hbm>> -> memref<8x32xf32, #tpu.memory_space<hbm>>
    %dma_start3A_244 = arith.constant 0 : i32
    %dma_start3A_245 = arith.constant 0 : i32
    %dma_start3A_246 = tpu.memref_slice %arg8[%dma_start3A_234, %dma_start3A_235, %dma_start3A_244, %dma_start3A_245] : memref<2x32x8x32xf32, #tpu.memory_space<vmem>> -> memref<1x1x8x32xf32, #tpu.memory_space<vmem>>
    %dma_start3A_247 = tpu.memref_squeeze %dma_start3A_246 : memref<1x1x8x32xf32, #tpu.memory_space<vmem>> -> memref<8x32xf32, #tpu.memory_space<vmem>>
    %dma_start3A_248 = arith.constant 0 : i32
    %dma_start3A_249 = arith.constant 0 : i32
    %dma_start3A_250 = tpu.memref_slice %arg3[%squeeze3A_233, %dma_start3A_248, %dma_start3A_249] : memref<125000x8x32xf32, #tpu.memory_space<hbm>> -> memref<1x8x32xf32, #tpu.memory_space<hbm>>
    %dma_start3A_251 = tpu.memref_squeeze %dma_start3A_250 : memref<1x8x32xf32, #tpu.memory_space<hbm>> -> memref<8x32xf32, #tpu.memory_space<hbm>>
    tpu.enqueue_dma source(%dma_start3A_251 : memref<8x32xf32, #tpu.memory_space<hbm>>) target(%dma_start3A_247 : memref<8x32xf32, #tpu.memory_space<vmem>>) target_semaphore(%arg11 : memref<!tpu.dma_semaphore, #tpu.memory_space<semaphore_mem>>)
    %slice3A_252 = vector.extract_strided_slice %get3A_74 {offsets = [9], sizes = [1], strides = [1]} : vector<16xi32> to vector<1xi32>
    %squeeze3A_253 = vector.extract %slice3A_252[0] : i32 from vector<1xi32>
    %dma_start3A_254 = arith.constant 0 : i32
    %dma_start3A_255 = arith.constant 9 : i32
    %dma_start3A_256 = arith.constant 0 : i32
    %dma_start3A_257 = arith.constant 0 : i32
    %dma_start3A_258 = tpu.memref_slice %arg8[%dma_start3A_254, %dma_start3A_255, %dma_start3A_256, %dma_start3A_257] : memref<2x32x8x32xf32, #tpu.memory_space<vmem>> -> memref<1x1x8x32xf32, #tpu.memory_space<vmem>>
    %dma_start3A_259 = tpu.memref_squeeze %dma_start3A_258 : memref<1x1x8x32xf32, #tpu.memory_space<vmem>> -> memref<8x32xf32, #tpu.memory_space<vmem>>
    %dma_start3A_260 = arith.constant 0 : i32
    %dma_start3A_261 = arith.constant 0 : i32
    %dma_start3A_262 = tpu.memref_slice %arg3[%squeeze3A_253, %dma_start3A_260, %dma_start3A_261] : memref<125000x8x32xf32, #tpu.memory_space<hbm>> -> memref<1x8x32xf32, #tpu.memory_space<hbm>>
    %dma_start3A_263 = tpu.memref_squeeze %dma_start3A_262 : memref<1x8x32xf32, #tpu.memory_space<hbm>> -> memref<8x32xf32, #tpu.memory_space<hbm>>
    %dma_start3A_264 = arith.constant 0 : i32
    %dma_start3A_265 = arith.constant 0 : i32
    %dma_start3A_266 = tpu.memref_slice %arg8[%dma_start3A_254, %dma_start3A_255, %dma_start3A_264, %dma_start3A_265] : memref<2x32x8x32xf32, #tpu.memory_space<vmem>> -> memref<1x1x8x32xf32, #tpu.memory_space<vmem>>
    %dma_start3A_267 = tpu.memref_squeeze %dma_start3A_266 : memref<1x1x8x32xf32, #tpu.memory_space<vmem>> -> memref<8x32xf32, #tpu.memory_space<vmem>>
    %dma_start3A_268 = arith.constant 0 : i32
    %dma_start3A_269 = arith.constant 0 : i32
    %dma_start3A_270 = tpu.memref_slice %arg3[%squeeze3A_253, %dma_start3A_268, %dma_start3A_269] : memref<125000x8x32xf32, #tpu.memory_space<hbm>> -> memref<1x8x32xf32, #tpu.memory_space<hbm>>
    %dma_start3A_271 = tpu.memref_squeeze %dma_start3A_270 : memref<1x8x32xf32, #tpu.memory_space<hbm>> -> memref<8x32xf32, #tpu.memory_space<hbm>>
    tpu.enqueue_dma source(%dma_start3A_271 : memref<8x32xf32, #tpu.memory_space<hbm>>) target(%dma_start3A_267 : memref<8x32xf32, #tpu.memory_space<vmem>>) target_semaphore(%arg11 : memref<!tpu.dma_semaphore, #tpu.memory_space<semaphore_mem>>)
    %slice3A_272 = vector.extract_strided_slice %get3A_74 {offsets = [10], sizes = [1], strides = [1]} : vector<16xi32> to vector<1xi32>
    %squeeze3A_273 = vector.extract %slice3A_272[0] : i32 from vector<1xi32>
    %dma_start3A_274 = arith.constant 0 : i32
    %dma_start3A_275 = arith.constant 10 : i32
    %dma_start3A_276 = arith.constant 0 : i32
    %dma_start3A_277 = arith.constant 0 : i32
    %dma_start3A_278 = tpu.memref_slice %arg8[%dma_start3A_274, %dma_start3A_275, %dma_start3A_276, %dma_start3A_277] : memref<2x32x8x32xf32, #tpu.memory_space<vmem>> -> memref<1x1x8x32xf32, #tpu.memory_space<vmem>>
    %dma_start3A_279 = tpu.memref_squeeze %dma_start3A_278 : memref<1x1x8x32xf32, #tpu.memory_space<vmem>> -> memref<8x32xf32, #tpu.memory_space<vmem>>
    %dma_start3A_280 = arith.constant 0 : i32
    %dma_start3A_281 = arith.constant 0 : i32
    %dma_start3A_282 = tpu.memref_slice %arg3[%squeeze3A_273, %dma_start3A_280, %dma_start3A_281] : memref<125000x8x32xf32, #tpu.memory_space<hbm>> -> memref<1x8x32xf32, #tpu.memory_space<hbm>>
    %dma_start3A_283 = tpu.memref_squeeze %dma_start3A_282 : memref<1x8x32xf32, #tpu.memory_space<hbm>> -> memref<8x32xf32, #tpu.memory_space<hbm>>
    %dma_start3A_284 = arith.constant 0 : i32
    %dma_start3A_285 = arith.constant 0 : i32
    %dma_start3A_286 = tpu.memref_slice %arg8[%dma_start3A_274, %dma_start3A_275, %dma_start3A_284, %dma_start3A_285] : memref<2x32x8x32xf32, #tpu.memory_space<vmem>> -> memref<1x1x8x32xf32, #tpu.memory_space<vmem>>
    %dma_start3A_287 = tpu.memref_squeeze %dma_start3A_286 : memref<1x1x8x32xf32, #tpu.memory_space<vmem>> -> memref<8x32xf32, #tpu.memory_space<vmem>>
    %dma_start3A_288 = arith.constant 0 : i32
    %dma_start3A_289 = arith.constant 0 : i32
    %dma_start3A_290 = tpu.memref_slice %arg3[%squeeze3A_273, %dma_start3A_288, %dma_start3A_289] : memref<125000x8x32xf32, #tpu.memory_space<hbm>> -> memref<1x8x32xf32, #tpu.memory_space<hbm>>
    %dma_start3A_291 = tpu.memref_squeeze %dma_start3A_290 : memref<1x8x32xf32, #tpu.memory_space<hbm>> -> memref<8x32xf32, #tpu.memory_space<hbm>>
    tpu.enqueue_dma source(%dma_start3A_291 : memref<8x32xf32, #tpu.memory_space<hbm>>) target(%dma_start3A_287 : memref<8x32xf32, #tpu.memory_space<vmem>>) target_semaphore(%arg11 : memref<!tpu.dma_semaphore, #tpu.memory_space<semaphore_mem>>)
    %slice3A_292 = vector.extract_strided_slice %get3A_74 {offsets = [11], sizes = [1], strides = [1]} : vector<16xi32> to vector<1xi32>
    %squeeze3A_293 = vector.extract %slice3A_292[0] : i32 from vector<1xi32>
    %dma_start3A_294 = arith.constant 0 : i32
    %dma_start3A_295 = arith.constant 11 : i32
    %dma_start3A_296 = arith.constant 0 : i32
    %dma_start3A_297 = arith.constant 0 : i32
    %dma_start3A_298 = tpu.memref_slice %arg8[%dma_start3A_294, %dma_start3A_295, %dma_start3A_296, %dma_start3A_297] : memref<2x32x8x32xf32, #tpu.memory_space<vmem>> -> memref<1x1x8x32xf32, #tpu.memory_space<vmem>>
    %dma_start3A_299 = tpu.memref_squeeze %dma_start3A_298 : memref<1x1x8x32xf32, #tpu.memory_space<vmem>> -> memref<8x32xf32, #tpu.memory_space<vmem>>
    %dma_start3A_300 = arith.constant 0 : i32
    %dma_start3A_301 = arith.constant 0 : i32
    %dma_start3A_302 = tpu.memref_slice %arg3[%squeeze3A_293, %dma_start3A_300, %dma_start3A_301] : memref<125000x8x32xf32, #tpu.memory_space<hbm>> -> memref<1x8x32xf32, #tpu.memory_space<hbm>>
    %dma_start3A_303 = tpu.memref_squeeze %dma_start3A_302 : memref<1x8x32xf32, #tpu.memory_space<hbm>> -> memref<8x32xf32, #tpu.memory_space<hbm>>
    %dma_start3A_304 = arith.constant 0 : i32
    %dma_start3A_305 = arith.constant 0 : i32
    %dma_start3A_306 = tpu.memref_slice %arg8[%dma_start3A_294, %dma_start3A_295, %dma_start3A_304, %dma_start3A_305] : memref<2x32x8x32xf32, #tpu.memory_space<vmem>> -> memref<1x1x8x32xf32, #tpu.memory_space<vmem>>
    %dma_start3A_307 = tpu.memref_squeeze %dma_start3A_306 : memref<1x1x8x32xf32, #tpu.memory_space<vmem>> -> memref<8x32xf32, #tpu.memory_space<vmem>>
    %dma_start3A_308 = arith.constant 0 : i32
    %dma_start3A_309 = arith.constant 0 : i32
    %dma_start3A_310 = tpu.memref_slice %arg3[%squeeze3A_293, %dma_start3A_308, %dma_start3A_309] : memref<125000x8x32xf32, #tpu.memory_space<hbm>> -> memref<1x8x32xf32, #tpu.memory_space<hbm>>
    %dma_start3A_311 = tpu.memref_squeeze %dma_start3A_310 : memref<1x8x32xf32, #tpu.memory_space<hbm>> -> memref<8x32xf32, #tpu.memory_space<hbm>>
    tpu.enqueue_dma source(%dma_start3A_311 : memref<8x32xf32, #tpu.memory_space<hbm>>) target(%dma_start3A_307 : memref<8x32xf32, #tpu.memory_space<vmem>>) target_semaphore(%arg11 : memref<!tpu.dma_semaphore, #tpu.memory_space<semaphore_mem>>)
    %slice3A_312 = vector.extract_strided_slice %get3A_74 {offsets = [12], sizes = [1], strides = [1]} : vector<16xi32> to vector<1xi32>
    %squeeze3A_313 = vector.extract %slice3A_312[0] : i32 from vector<1xi32>
    %dma_start3A_314 = arith.constant 0 : i32
    %dma_start3A_315 = arith.constant 12 : i32
    %dma_start3A_316 = arith.constant 0 : i32
    %dma_start3A_317 = arith.constant 0 : i32
    %dma_start3A_318 = tpu.memref_slice %arg8[%dma_start3A_314, %dma_start3A_315, %dma_start3A_316, %dma_start3A_317] : memref<2x32x8x32xf32, #tpu.memory_space<vmem>> -> memref<1x1x8x32xf32, #tpu.memory_space<vmem>>
    %dma_start3A_319 = tpu.memref_squeeze %dma_start3A_318 : memref<1x1x8x32xf32, #tpu.memory_space<vmem>> -> memref<8x32xf32, #tpu.memory_space<vmem>>
    %dma_start3A_320 = arith.constant 0 : i32
    %dma_start3A_321 = arith.constant 0 : i32
    %dma_start3A_322 = tpu.memref_slice %arg3[%squeeze3A_313, %dma_start3A_320, %dma_start3A_321] : memref<125000x8x32xf32, #tpu.memory_space<hbm>> -> memref<1x8x32xf32, #tpu.memory_space<hbm>>
    %dma_start3A_323 = tpu.memref_squeeze %dma_start3A_322 : memref<1x8x32xf32, #tpu.memory_space<hbm>> -> memref<8x32xf32, #tpu.memory_space<hbm>>
    %dma_start3A_324 = arith.constant 0 : i32
    %dma_start3A_325 = arith.constant 0 : i32
    %dma_start3A_326 = tpu.memref_slice %arg8[%dma_start3A_314, %dma_start3A_315, %dma_start3A_324, %dma_start3A_325] : memref<2x32x8x32xf32, #tpu.memory_space<vmem>> -> memref<1x1x8x32xf32, #tpu.memory_space<vmem>>
    %dma_start3A_327 = tpu.memref_squeeze %dma_start3A_326 : memref<1x1x8x32xf32, #tpu.memory_space<vmem>> -> memref<8x32xf32, #tpu.memory_space<vmem>>
    %dma_start3A_328 = arith.constant 0 : i32
    %dma_start3A_329 = arith.constant 0 : i32
    %dma_start3A_330 = tpu.memref_slice %arg3[%squeeze3A_313, %dma_start3A_328, %dma_start3A_329] : memref<125000x8x32xf32, #tpu.memory_space<hbm>> -> memref<1x8x32xf32, #tpu.memory_space<hbm>>
    %dma_start3A_331 = tpu.memref_squeeze %dma_start3A_330 : memref<1x8x32xf32, #tpu.memory_space<hbm>> -> memref<8x32xf32, #tpu.memory_space<hbm>>
    tpu.enqueue_dma source(%dma_start3A_331 : memref<8x32xf32, #tpu.memory_space<hbm>>) target(%dma_start3A_327 : memref<8x32xf32, #tpu.memory_space<vmem>>) target_semaphore(%arg11 : memref<!tpu.dma_semaphore, #tpu.memory_space<semaphore_mem>>)
    %slice3A_332 = vector.extract_strided_slice %get3A_74 {offsets = [13], sizes = [1], strides = [1]} : vector<16xi32> to vector<1xi32>
    %squeeze3A_333 = vector.extract %slice3A_332[0] : i32 from vector<1xi32>
    %dma_start3A_334 = arith.constant 0 : i32
    %dma_start3A_335 = arith.constant 13 : i32
    %dma_start3A_336 = arith.constant 0 : i32
    %dma_start3A_337 = arith.constant 0 : i32
    %dma_start3A_338 = tpu.memref_slice %arg8[%dma_start3A_334, %dma_start3A_335, %dma_start3A_336, %dma_start3A_337] : memref<2x32x8x32xf32, #tpu.memory_space<vmem>> -> memref<1x1x8x32xf32, #tpu.memory_space<vmem>>
    %dma_start3A_339 = tpu.memref_squeeze %dma_start3A_338 : memref<1x1x8x32xf32, #tpu.memory_space<vmem>> -> memref<8x32xf32, #tpu.memory_space<vmem>>
    %dma_start3A_340 = arith.constant 0 : i32
    %dma_start3A_341 = arith.constant 0 : i32
    %dma_start3A_342 = tpu.memref_slice %arg3[%squeeze3A_333, %dma_start3A_340, %dma_start3A_341] : memref<125000x8x32xf32, #tpu.memory_space<hbm>> -> memref<1x8x32xf32, #tpu.memory_space<hbm>>
    %dma_start3A_343 = tpu.memref_squeeze %dma_start3A_342 : memref<1x8x32xf32, #tpu.memory_space<hbm>> -> memref<8x32xf32, #tpu.memory_space<hbm>>
    %dma_start3A_344 = arith.constant 0 : i32
    %dma_start3A_345 = arith.constant 0 : i32
    %dma_start3A_346 = tpu.memref_slice %arg8[%dma_start3A_334, %dma_start3A_335, %dma_start3A_344, %dma_start3A_345] : memref<2x32x8x32xf32, #tpu.memory_space<vmem>> -> memref<1x1x8x32xf32, #tpu.memory_space<vmem>>
    %dma_start3A_347 = tpu.memref_squeeze %dma_start3A_346 : memref<1x1x8x32xf32, #tpu.memory_space<vmem>> -> memref<8x32xf32, #tpu.memory_space<vmem>>
    %dma_start3A_348 = arith.constant 0 : i32
    %dma_start3A_349 = arith.constant 0 : i32
    %dma_start3A_350 = tpu.memref_slice %arg3[%squeeze3A_333, %dma_start3A_348, %dma_start3A_349] : memref<125000x8x32xf32, #tpu.memory_space<hbm>> -> memref<1x8x32xf32, #tpu.memory_space<hbm>>
    %dma_start3A_351 = tpu.memref_squeeze %dma_start3A_350 : memref<1x8x32xf32, #tpu.memory_space<hbm>> -> memref<8x32xf32, #tpu.memory_space<hbm>>
    tpu.enqueue_dma source(%dma_start3A_351 : memref<8x32xf32, #tpu.memory_space<hbm>>) target(%dma_start3A_347 : memref<8x32xf32, #tpu.memory_space<vmem>>) target_semaphore(%arg11 : memref<!tpu.dma_semaphore, #tpu.memory_space<semaphore_mem>>)
    %slice3A_352 = vector.extract_strided_slice %get3A_74 {offsets = [14], sizes = [1], strides = [1]} : vector<16xi32> to vector<1xi32>
    %squeeze3A_353 = vector.extract %slice3A_352[0] : i32 from vector<1xi32>
    %dma_start3A_354 = arith.constant 0 : i32
    %dma_start3A_355 = arith.constant 14 : i32
    %dma_start3A_356 = arith.constant 0 : i32
    %dma_start3A_357 = arith.constant 0 : i32
    %dma_start3A_358 = tpu.memref_slice %arg8[%dma_start3A_354, %dma_start3A_355, %dma_start3A_356, %dma_start3A_357] : memref<2x32x8x32xf32, #tpu.memory_space<vmem>> -> memref<1x1x8x32xf32, #tpu.memory_space<vmem>>
    %dma_start3A_359 = tpu.memref_squeeze %dma_start3A_358 : memref<1x1x8x32xf32, #tpu.memory_space<vmem>> -> memref<8x32xf32, #tpu.memory_space<vmem>>
    %dma_start3A_360 = arith.constant 0 : i32
    %dma_start3A_361 = arith.constant 0 : i32
    %dma_start3A_362 = tpu.memref_slice %arg3[%squeeze3A_353, %dma_start3A_360, %dma_start3A_361] : memref<125000x8x32xf32, #tpu.memory_space<hbm>> -> memref<1x8x32xf32, #tpu.memory_space<hbm>>
    %dma_start3A_363 = tpu.memref_squeeze %dma_start3A_362 : memref<1x8x32xf32, #tpu.memory_space<hbm>> -> memref<8x32xf32, #tpu.memory_space<hbm>>
    %dma_start3A_364 = arith.constant 0 : i32
    %dma_start3A_365 = arith.constant 0 : i32
    %dma_start3A_366 = tpu.memref_slice %arg8[%dma_start3A_354, %dma_start3A_355, %dma_start3A_364, %dma_start3A_365] : memref<2x32x8x32xf32, #tpu.memory_space<vmem>> -> memref<1x1x8x32xf32, #tpu.memory_space<vmem>>
    %dma_start3A_367 = tpu.memref_squeeze %dma_start3A_366 : memref<1x1x8x32xf32, #tpu.memory_space<vmem>> -> memref<8x32xf32, #tpu.memory_space<vmem>>
    %dma_start3A_368 = arith.constant 0 : i32
    %dma_start3A_369 = arith.constant 0 : i32
    %dma_start3A_370 = tpu.memref_slice %arg3[%squeeze3A_353, %dma_start3A_368, %dma_start3A_369] : memref<125000x8x32xf32, #tpu.memory_space<hbm>> -> memref<1x8x32xf32, #tpu.memory_space<hbm>>
    %dma_start3A_371 = tpu.memref_squeeze %dma_start3A_370 : memref<1x8x32xf32, #tpu.memory_space<hbm>> -> memref<8x32xf32, #tpu.memory_space<hbm>>
    tpu.enqueue_dma source(%dma_start3A_371 : memref<8x32xf32, #tpu.memory_space<hbm>>) target(%dma_start3A_367 : memref<8x32xf32, #tpu.memory_space<vmem>>) target_semaphore(%arg11 : memref<!tpu.dma_semaphore, #tpu.memory_space<semaphore_mem>>)
    %slice3A_372 = vector.extract_strided_slice %get3A_74 {offsets = [15], sizes = [1], strides = [1]} : vector<16xi32> to vector<1xi32>
    %squeeze3A_373 = vector.extract %slice3A_372[0] : i32 from vector<1xi32>
    %dma_start3A_374 = arith.constant 0 : i32
    %dma_start3A_375 = arith.constant 15 : i32
    %dma_start3A_376 = arith.constant 0 : i32
    %dma_start3A_377 = arith.constant 0 : i32
    %dma_start3A_378 = tpu.memref_slice %arg8[%dma_start3A_374, %dma_start3A_375, %dma_start3A_376, %dma_start3A_377] : memref<2x32x8x32xf32, #tpu.memory_space<vmem>> -> memref<1x1x8x32xf32, #tpu.memory_space<vmem>>
    %dma_start3A_379 = tpu.memref_squeeze %dma_start3A_378 : memref<1x1x8x32xf32, #tpu.memory_space<vmem>> -> memref<8x32xf32, #tpu.memory_space<vmem>>
    %dma_start3A_380 = arith.constant 0 : i32
    %dma_start3A_381 = arith.constant 0 : i32
    %dma_start3A_382 = tpu.memref_slice %arg3[%squeeze3A_373, %dma_start3A_380, %dma_start3A_381] : memref<125000x8x32xf32, #tpu.memory_space<hbm>> -> memref<1x8x32xf32, #tpu.memory_space<hbm>>
    %dma_start3A_383 = tpu.memref_squeeze %dma_start3A_382 : memref<1x8x32xf32, #tpu.memory_space<hbm>> -> memref<8x32xf32, #tpu.memory_space<hbm>>
    %dma_start3A_384 = arith.constant 0 : i32
    %dma_start3A_385 = arith.constant 0 : i32
    %dma_start3A_386 = tpu.memref_slice %arg8[%dma_start3A_374, %dma_start3A_375, %dma_start3A_384, %dma_start3A_385] : memref<2x32x8x32xf32, #tpu.memory_space<vmem>> -> memref<1x1x8x32xf32, #tpu.memory_space<vmem>>
    %dma_start3A_387 = tpu.memref_squeeze %dma_start3A_386 : memref<1x1x8x32xf32, #tpu.memory_space<vmem>> -> memref<8x32xf32, #tpu.memory_space<vmem>>
    %dma_start3A_388 = arith.constant 0 : i32
    %dma_start3A_389 = arith.constant 0 : i32
    %dma_start3A_390 = tpu.memref_slice %arg3[%squeeze3A_373, %dma_start3A_388, %dma_start3A_389] : memref<125000x8x32xf32, #tpu.memory_space<hbm>> -> memref<1x8x32xf32, #tpu.memory_space<hbm>>
    %dma_start3A_391 = tpu.memref_squeeze %dma_start3A_390 : memref<1x8x32xf32, #tpu.memory_space<hbm>> -> memref<8x32xf32, #tpu.memory_space<hbm>>
    tpu.enqueue_dma source(%dma_start3A_391 : memref<8x32xf32, #tpu.memory_space<hbm>>) target(%dma_start3A_387 : memref<8x32xf32, #tpu.memory_space<vmem>>) target_semaphore(%arg11 : memref<!tpu.dma_semaphore, #tpu.memory_space<semaphore_mem>>)
    %get3A_392 = arith.constant 16 : index
    %get3A_393 = tpu.vector_load %arg7[%get3A_392] {strides = array<i32>} : memref<512xi32, #tpu.memory_space<vmem>>, vector<16xi32>,
    %slice3A_394 = vector.extract_strided_slice %get3A_393 {offsets = [0], sizes = [1], strides = [1]} : vector<16xi32> to vector<1xi32>
    %squeeze3A_395 = vector.extract %slice3A_394[0] : i32 from vector<1xi32>
    %dma_start3A_396 = arith.constant 0 : i32
    %dma_start3A_397 = arith.constant 16 : i32
    %dma_start3A_398 = arith.constant 0 : i32
    %dma_start3A_399 = arith.constant 0 : i32
    %dma_start3A_400 = tpu.memref_slice %arg8[%dma_start3A_396, %dma_start3A_397, %dma_start3A_398, %dma_start3A_399] : memref<2x32x8x32xf32, #tpu.memory_space<vmem>> -> memref<1x1x8x32xf32, #tpu.memory_space<vmem>>
    %dma_start3A_401 = tpu.memref_squeeze %dma_start3A_400 : memref<1x1x8x32xf32, #tpu.memory_space<vmem>> -> memref<8x32xf32, #tpu.memory_space<vmem>>
    %dma_start3A_402 = arith.constant 0 : i32
    %dma_start3A_403 = arith.constant 0 : i32
    %dma_start3A_404 = tpu.memref_slice %arg3[%squeeze3A_395, %dma_start3A_402, %dma_start3A_403] : memref<125000x8x32xf32, #tpu.memory_space<hbm>> -> memref<1x8x32xf32, #tpu.memory_space<hbm>>
    %dma_start3A_405 = tpu.memref_squeeze %dma_start3A_404 : memref<1x8x32xf32, #tpu.memory_space<hbm>> -> memref<8x32xf32, #tpu.memory_space<hbm>>
    %dma_start3A_406 = arith.constant 0 : i32
    %dma_start3A_407 = arith.constant 0 : i32
    %dma_start3A_408 = tpu.memref_slice %arg8[%dma_start3A_396, %dma_start3A_397, %dma_start3A_406, %dma_start3A_407] : memref<2x32x8x32xf32, #tpu.memory_space<vmem>> -> memref<1x1x8x32xf32, #tpu.memory_space<vmem>>
    %dma_start3A_409 = tpu.memref_squeeze %dma_start3A_408 : memref<1x1x8x32xf32, #tpu.memory_space<vmem>> -> memref<8x32xf32, #tpu.memory_space<vmem>>
    %dma_start3A_410 = arith.constant 0 : i32
    %dma_start3A_411 = arith.constant 0 : i32
    %dma_start3A_412 = tpu.memref_slice %arg3[%squeeze3A_395, %dma_start3A_410, %dma_start3A_411] : memref<125000x8x32xf32, #tpu.memory_space<hbm>> -> memref<1x8x32xf32, #tpu.memory_space<hbm>>
    %dma_start3A_413 = tpu.memref_squeeze %dma_start3A_412 : memref<1x8x32xf32, #tpu.memory_space<hbm>> -> memref<8x32xf32, #tpu.memory_space<hbm>>
    tpu.enqueue_dma source(%dma_start3A_413 : memref<8x32xf32, #tpu.memory_space<hbm>>) target(%dma_start3A_409 : memref<8x32xf32, #tpu.memory_space<vmem>>) target_semaphore(%arg11 : memref<!tpu.dma_semaphore, #tpu.memory_space<semaphore_mem>>)
    %slice3A_414 = vector.extract_strided_slice %get3A_393 {offsets = [1], sizes = [1], strides = [1]} : vector<16xi32> to vector<1xi32>
    %squeeze3A_415 = vector.extract %slice3A_414[0] : i32 from vector<1xi32>
    %dma_start3A_416 = arith.constant 0 : i32
    %dma_start3A_417 = arith.constant 17 : i32
    %dma_start3A_418 = arith.constant 0 : i32
    %dma_start3A_419 = arith.constant 0 : i32
    %dma_start3A_420 = tpu.memref_slice %arg8[%dma_start3A_416, %dma_start3A_417, %dma_start3A_418, %dma_start3A_419] : memref<2x32x8x32xf32, #tpu.memory_space<vmem>> -> memref<1x1x8x32xf32, #tpu.memory_space<vmem>>
    %dma_start3A_421 = tpu.memref_squeeze %dma_start3A_420 : memref<1x1x8x32xf32, #tpu.memory_space<vmem>> -> memref<8x32xf32, #tpu.memory_space<vmem>>
    %dma_start3A_422 = arith.constant 0 : i32
    %dma_start3A_423 = arith.constant 0 : i32
    %dma_start3A_424 = tpu.memref_slice %arg3[%squeeze3A_415, %dma_start3A_422, %dma_start3A_423] : memref<125000x8x32xf32, #tpu.memory_space<hbm>> -> memref<1x8x32xf32, #tpu.memory_space<hbm>>
    %dma_start3A_425 = tpu.memref_squeeze %dma_start3A_424 : memref<1x8x32xf32, #tpu.memory_space<hbm>> -> memref<8x32xf32, #tpu.memory_space<hbm>>
    %dma_start3A_426 = arith.constant 0 : i32
    %dma_start3A_427 = arith.constant 0 : i32
    %dma_start3A_428 = tpu.memref_slice %arg8[%dma_start3A_416, %dma_start3A_417, %dma_start3A_426, %dma_start3A_427] : memref<2x32x8x32xf32, #tpu.memory_space<vmem>> -> memref<1x1x8x32xf32, #tpu.memory_space<vmem>>
    %dma_start3A_429 = tpu.memref_squeeze %dma_start3A_428 : memref<1x1x8x32xf32, #tpu.memory_space<vmem>> -> memref<8x32xf32, #tpu.memory_space<vmem>>
    %dma_start3A_430 = arith.constant 0 : i32
    %dma_start3A_431 = arith.constant 0 : i32
    %dma_start3A_432 = tpu.memref_slice %arg3[%squeeze3A_415, %dma_start3A_430, %dma_start3A_431] : memref<125000x8x32xf32, #tpu.memory_space<hbm>> -> memref<1x8x32xf32, #tpu.memory_space<hbm>>
    %dma_start3A_433 = tpu.memref_squeeze %dma_start3A_432 : memref<1x8x32xf32, #tpu.memory_space<hbm>> -> memref<8x32xf32, #tpu.memory_space<hbm>>
    tpu.enqueue_dma source(%dma_start3A_433 : memref<8x32xf32, #tpu.memory_space<hbm>>) target(%dma_start3A_429 : memref<8x32xf32, #tpu.memory_space<vmem>>) target_semaphore(%arg11 : memref<!tpu.dma_semaphore, #tpu.memory_space<semaphore_mem>>)
    %slice3A_434 = vector.extract_strided_slice %get3A_393 {offsets = [2], sizes = [1], strides = [1]} : vector<16xi32> to vector<1xi32>
    %squeeze3A_435 = vector.extract %slice3A_434[0] : i32 from vector<1xi32>
    %dma_start3A_436 = arith.constant 0 : i32
    %dma_start3A_437 = arith.constant 18 : i32
    %dma_start3A_438 = arith.constant 0 : i32
    %dma_start3A_439 = arith.constant 0 : i32
    %dma_start3A_440 = tpu.memref_slice %arg8[%dma_start3A_436, %dma_start3A_437, %dma_start3A_438, %dma_start3A_439] : memref<2x32x8x32xf32, #tpu.memory_space<vmem>> -> memref<1x1x8x32xf32, #tpu.memory_space<vmem>>
    %dma_start3A_441 = tpu.memref_squeeze %dma_start3A_440 : memref<1x1x8x32xf32, #tpu.memory_space<vmem>> -> memref<8x32xf32, #tpu.memory_space<vmem>>
    %dma_start3A_442 = arith.constant 0 : i32
    %dma_start3A_443 = arith.constant 0 : i32
    %dma_start3A_444 = tpu.memref_slice %arg3[%squeeze3A_435, %dma_start3A_442, %dma_start3A_443] : memref<125000x8x32xf32, #tpu.memory_space<hbm>> -> memref<1x8x32xf32, #tpu.memory_space<hbm>>
    %dma_start3A_445 = tpu.memref_squeeze %dma_start3A_444 : memref<1x8x32xf32, #tpu.memory_space<hbm>> -> memref<8x32xf32, #tpu.memory_space<hbm>>
    %dma_start3A_446 = arith.constant 0 : i32
    %dma_start3A_447 = arith.constant 0 : i32
    %dma_start3A_448 = tpu.memref_slice %arg8[%dma_start3A_436, %dma_start3A_437, %dma_start3A_446, %dma_start3A_447] : memref<2x32x8x32xf32, #tpu.memory_space<vmem>> -> memref<1x1x8x32xf32, #tpu.memory_space<vmem>>
    %dma_start3A_449 = tpu.memref_squeeze %dma_start3A_448 : memref<1x1x8x32xf32, #tpu.memory_space<vmem>> -> memref<8x32xf32, #tpu.memory_space<vmem>>
    %dma_start3A_450 = arith.constant 0 : i32
    %dma_start3A_451 = arith.constant 0 : i32
    %dma_start3A_452 = tpu.memref_slice %arg3[%squeeze3A_435, %dma_start3A_450, %dma_start3A_451] : memref<125000x8x32xf32, #tpu.memory_space<hbm>> -> memref<1x8x32xf32, #tpu.memory_space<hbm>>
    %dma_start3A_453 = tpu.memref_squeeze %dma_start3A_452 : memref<1x8x32xf32, #tpu.memory_space<hbm>> -> memref<8x32xf32, #tpu.memory_space<hbm>>
    tpu.enqueue_dma source(%dma_start3A_453 : memref<8x32xf32, #tpu.memory_space<hbm>>) target(%dma_start3A_449 : memref<8x32xf32, #tpu.memory_space<vmem>>) target_semaphore(%arg11 : memref<!tpu.dma_semaphore, #tpu.memory_space<semaphore_mem>>)
    %slice3A_454 = vector.extract_strided_slice %get3A_393 {offsets = [3], sizes = [1], strides = [1]} : vector<16xi32> to vector<1xi32>
    %squeeze3A_455 = vector.extract %slice3A_454[0] : i32 from vector<1xi32>
    %dma_start3A_456 = arith.constant 0 : i32
    %dma_start3A_457 = arith.constant 19 : i32
    %dma_start3A_458 = arith.constant 0 : i32
    %dma_start3A_459 = arith.constant 0 : i32
    %dma_start3A_460 = tpu.memref_slice %arg8[%dma_start3A_456, %dma_start3A_457, %dma_start3A_458, %dma_start3A_459] : memref<2x32x8x32xf32, #tpu.memory_space<vmem>> -> memref<1x1x8x32xf32, #tpu.memory_space<vmem>>
    %dma_start3A_461 = tpu.memref_squeeze %dma_start3A_460 : memref<1x1x8x32xf32, #tpu.memory_space<vmem>> -> memref<8x32xf32, #tpu.memory_space<vmem>>
    %dma_start3A_462 = arith.constant 0 : i32
    %dma_start3A_463 = arith.constant 0 : i32
    %dma_start3A_464 = tpu.memref_slice %arg3[%squeeze3A_455, %dma_start3A_462, %dma_start3A_463] : memref<125000x8x32xf32, #tpu.memory_space<hbm>> -> memref<1x8x32xf32, #tpu.memory_space<hbm>>
    %dma_start3A_465 = tpu.memref_squeeze %dma_start3A_464 : memref<1x8x32xf32, #tpu.memory_space<hbm>> -> memref<8x32xf32, #tpu.memory_space<hbm>>
    %dma_start3A_466 = arith.constant 0 : i32
    %dma_start3A_467 = arith.constant 0 : i32
    %dma_start3A_468 = tpu.memref_slice %arg8[%dma_start3A_456, %dma_start3A_457, %dma_start3A_466, %dma_start3A_467] : memref<2x32x8x32xf32, #tpu.memory_space<vmem>> -> memref<1x1x8x32xf32, #tpu.memory_space<vmem>>
    %dma_start3A_469 = tpu.memref_squeeze %dma_start3A_468 : memref<1x1x8x32xf32, #tpu.memory_space<vmem>> -> memref<8x32xf32, #tpu.memory_space<vmem>>
    %dma_start3A_470 = arith.constant 0 : i32
    %dma_start3A_471 = arith.constant 0 : i32
    %dma_start3A_472 = tpu.memref_slice %arg3[%squeeze3A_455, %dma_start3A_470, %dma_start3A_471] : memref<125000x8x32xf32, #tpu.memory_space<hbm>> -> memref<1x8x32xf32, #tpu.memory_space<hbm>>
    %dma_start3A_473 = tpu.memref_squeeze %dma_start3A_472 : memref<1x8x32xf32, #tpu.memory_space<hbm>> -> memref<8x32xf32, #tpu.memory_space<hbm>>
    tpu.enqueue_dma source(%dma_start3A_473 : memref<8x32xf32, #tpu.memory_space<hbm>>) target(%dma_start3A_469 : memref<8x32xf32, #tpu.memory_space<vmem>>) target_semaphore(%arg11 : memref<!tpu.dma_semaphore, #tpu.memory_space<semaphore_mem>>)
    %slice3A_474 = vector.extract_strided_slice %get3A_393 {offsets = [4], sizes = [1], strides = [1]} : vector<16xi32> to vector<1xi32>
    %squeeze3A_475 = vector.extract %slice3A_474[0] : i32 from vector<1xi32>
    %dma_start3A_476 = arith.constant 0 : i32
    %dma_start3A_477 = arith.constant 20 : i32
    %dma_start3A_478 = arith.constant 0 : i32
    %dma_start3A_479 = arith.constant 0 : i32
    %dma_start3A_480 = tpu.memref_slice %arg8[%dma_start3A_476, %dma_start3A_477, %dma_start3A_478, %dma_start3A_479] : memref<2x32x8x32xf32, #tpu.memory_space<vmem>> -> memref<1x1x8x32xf32, #tpu.memory_space<vmem>>
    %dma_start3A_481 = tpu.memref_squeeze %dma_start3A_480 : memref<1x1x8x32xf32, #tpu.memory_space<vmem>> -> memref<8x32xf32, #tpu.memory_space<vmem>>
    %dma_start3A_482 = arith.constant 0 : i32
    %dma_start3A_483 = arith.constant 0 : i32
    %dma_start3A_484 = tpu.memref_slice %arg3[%squeeze3A_475, %dma_start3A_482, %dma_start3A_483] : memref<125000x8x32xf32, #tpu.memory_space<hbm>> -> memref<1x8x32xf32, #tpu.memory_space<hbm>>
    %dma_start3A_485 = tpu.memref_squeeze %dma_start3A_484 : memref<1x8x32xf32, #tpu.memory_space<hbm>> -> memref<8x32xf32, #tpu.memory_space<hbm>>
    %dma_start3A_486 = arith.constant 0 : i32
    %dma_start3A_487 = arith.constant 0 : i32
    %dma_start3A_488 = tpu.memref_slice %arg8[%dma_start3A_476, %dma_start3A_477, %dma_start3A_486, %dma_start3A_487] : memref<2x32x8x32xf32, #tpu.memory_space<vmem>> -> memref<1x1x8x32xf32, #tpu.memory_space<vmem>>
    %dma_start3A_489 = tpu.memref_squeeze %dma_start3A_488 : memref<1x1x8x32xf32, #tpu.memory_space<vmem>> -> memref<8x32xf32, #tpu.memory_space<vmem>>
    %dma_start3A_490 = arith.constant 0 : i32
    %dma_start3A_491 = arith.constant 0 : i32
    %dma_start3A_492 = tpu.memref_slice %arg3[%squeeze3A_475, %dma_start3A_490, %dma_start3A_491] : memref<125000x8x32xf32, #tpu.memory_space<hbm>> -> memref<1x8x32xf32, #tpu.memory_space<hbm>>
    %dma_start3A_493 = tpu.memref_squeeze %dma_start3A_492 : memref<1x8x32xf32, #tpu.memory_space<hbm>> -> memref<8x32xf32, #tpu.memory_space<hbm>>
    tpu.enqueue_dma source(%dma_start3A_493 : memref<8x32xf32, #tpu.memory_space<hbm>>) target(%dma_start3A_489 : memref<8x32xf32, #tpu.memory_space<vmem>>) target_semaphore(%arg11 : memref<!tpu.dma_semaphore, #tpu.memory_space<semaphore_mem>>)
    %slice3A_494 = vector.extract_strided_slice %get3A_393 {offsets = [5], sizes = [1], strides = [1]} : vector<16xi32> to vector<1xi32>
    %squeeze3A_495 = vector.extract %slice3A_494[0] : i32 from vector<1xi32>
    %dma_start3A_496 = arith.constant 0 : i32
    %dma_start3A_497 = arith.constant 21 : i32
    %dma_start3A_498 = arith.constant 0 : i32
    %dma_start3A_499 = arith.constant 0 : i32
    %dma_start3A_500 = tpu.memref_slice %arg8[%dma_start3A_496, %dma_start3A_497, %dma_start3A_498, %dma_start3A_499] : memref<2x32x8x32xf32, #tpu.memory_space<vmem>> -> memref<1x1x8x32xf32, #tpu.memory_space<vmem>>
    %dma_start3A_501 = tpu.memref_squeeze %dma_start3A_500 : memref<1x1x8x32xf32, #tpu.memory_space<vmem>> -> memref<8x32xf32, #tpu.memory_space<vmem>>
    %dma_start3A_502 = arith.constant 0 : i32
    %dma_start3A_503 = arith.constant 0 : i32
    %dma_start3A_504 = tpu.memref_slice %arg3[%squeeze3A_495, %dma_start3A_502, %dma_start3A_503] : memref<125000x8x32xf32, #tpu.memory_space<hbm>> -> memref<1x8x32xf32, #tpu.memory_space<hbm>>
    %dma_start3A_505 = tpu.memref_squeeze %dma_start3A_504 : memref<1x8x32xf32, #tpu.memory_space<hbm>> -> memref<8x32xf32, #tpu.memory_space<hbm>>
    %dma_start3A_506 = arith.constant 0 : i32
    %dma_start3A_507 = arith.constant 0 : i32
    %dma_start3A_508 = tpu.memref_slice %arg8[%dma_start3A_496, %dma_start3A_497, %dma_start3A_506, %dma_start3A_507] : memref<2x32x8x32xf32, #tpu.memory_space<vmem>> -> memref<1x1x8x32xf32, #tpu.memory_space<vmem>>
    %dma_start3A_509 = tpu.memref_squeeze %dma_start3A_508 : memref<1x1x8x32xf32, #tpu.memory_space<vmem>> -> memref<8x32xf32, #tpu.memory_space<vmem>>
    %dma_start3A_510 = arith.constant 0 : i32
    %dma_start3A_511 = arith.constant 0 : i32
    %dma_start3A_512 = tpu.memref_slice %arg3[%squeeze3A_495, %dma_start3A_510, %dma_start3A_511] : memref<125000x8x32xf32, #tpu.memory_space<hbm>> -> memref<1x8x32xf32, #tpu.memory_space<hbm>>
    %dma_start3A_513 = tpu.memref_squeeze %dma_start3A_512 : memref<1x8x32xf32, #tpu.memory_space<hbm>> -> memref<8x32xf32, #tpu.memory_space<hbm>>
    tpu.enqueue_dma source(%dma_start3A_513 : memref<8x32xf32, #tpu.memory_space<hbm>>) target(%dma_start3A_509 : memref<8x32xf32, #tpu.memory_space<vmem>>) target_semaphore(%arg11 : memref<!tpu.dma_semaphore, #tpu.memory_space<semaphore_mem>>)
    %slice3A_514 = vector.extract_strided_slice %get3A_393 {offsets = [6], sizes = [1], strides = [1]} : vector<16xi32> to vector<1xi32>
    %squeeze3A_515 = vector.extract %slice3A_514[0] : i32 from vector<1xi32>
    %dma_start3A_516 = arith.constant 0 : i32
    %dma_start3A_517 = arith.constant 22 : i32
    %dma_start3A_518 = arith.constant 0 : i32
    %dma_start3A_519 = arith.constant 0 : i32
    %dma_start3A_520 = tpu.memref_slice %arg8[%dma_start3A_516, %dma_start3A_517, %dma_start3A_518, %dma_start3A_519] : memref<2x32x8x32xf32, #tpu.memory_space<vmem>> -> memref<1x1x8x32xf32, #tpu.memory_space<vmem>>
    %dma_start3A_521 = tpu.memref_squeeze %dma_start3A_520 : memref<1x1x8x32xf32, #tpu.memory_space<vmem>> -> memref<8x32xf32, #tpu.memory_space<vmem>>
    %dma_start3A_522 = arith.constant 0 : i32
    %dma_start3A_523 = arith.constant 0 : i32
    %dma_start3A_524 = tpu.memref_slice %arg3[%squeeze3A_515, %dma_start3A_522, %dma_start3A_523] : memref<125000x8x32xf32, #tpu.memory_space<hbm>> -> memref<1x8x32xf32, #tpu.memory_space<hbm>>
    %dma_start3A_525 = tpu.memref_squeeze %dma_start3A_524 : memref<1x8x32xf32, #tpu.memory_space<hbm>> -> memref<8x32xf32, #tpu.memory_space<hbm>>
    %dma_start3A_526 = arith.constant 0 : i32
    %dma_start3A_527 = arith.constant 0 : i32
    %dma_start3A_528 = tpu.memref_slice %arg8[%dma_start3A_516, %dma_start3A_517, %dma_start3A_526, %dma_start3A_527] : memref<2x32x8x32xf32, #tpu.memory_space<vmem>> -> memref<1x1x8x32xf32, #tpu.memory_space<vmem>>
    %dma_start3A_529 = tpu.memref_squeeze %dma_start3A_528 : memref<1x1x8x32xf32, #tpu.memory_space<vmem>> -> memref<8x32xf32, #tpu.memory_space<vmem>>
    %dma_start3A_530 = arith.constant 0 : i32
    %dma_start3A_531 = arith.constant 0 : i32
    %dma_start3A_532 = tpu.memref_slice %arg3[%squeeze3A_515, %dma_start3A_530, %dma_start3A_531] : memref<125000x8x32xf32, #tpu.memory_space<hbm>> -> memref<1x8x32xf32, #tpu.memory_space<hbm>>
    %dma_start3A_533 = tpu.memref_squeeze %dma_start3A_532 : memref<1x8x32xf32, #tpu.memory_space<hbm>> -> memref<8x32xf32, #tpu.memory_space<hbm>>
    tpu.enqueue_dma source(%dma_start3A_533 : memref<8x32xf32, #tpu.memory_space<hbm>>) target(%dma_start3A_529 : memref<8x32xf32, #tpu.memory_space<vmem>>) target_semaphore(%arg11 : memref<!tpu.dma_semaphore, #tpu.memory_space<semaphore_mem>>)
    %slice3A_534 = vector.extract_strided_slice %get3A_393 {offsets = [7], sizes = [1], strides = [1]} : vector<16xi32> to vector<1xi32>
    %squeeze3A_535 = vector.extract %slice3A_534[0] : i32 from vector<1xi32>
    %dma_start3A_536 = arith.constant 0 : i32
    %dma_start3A_537 = arith.constant 23 : i32
    %dma_start3A_538 = arith.constant 0 : i32
    %dma_start3A_539 = arith.constant 0 : i32
    %dma_start3A_540 = tpu.memref_slice %arg8[%dma_start3A_536, %dma_start3A_537, %dma_start3A_538, %dma_start3A_539] : memref<2x32x8x32xf32, #tpu.memory_space<vmem>> -> memref<1x1x8x32xf32, #tpu.memory_space<vmem>>
    %dma_start3A_541 = tpu.memref_squeeze %dma_start3A_540 : memref<1x1x8x32xf32, #tpu.memory_space<vmem>> -> memref<8x32xf32, #tpu.memory_space<vmem>>
    %dma_start3A_542 = arith.constant 0 : i32
    %dma_start3A_543 = arith.constant 0 : i32
    %dma_start3A_544 = tpu.memref_slice %arg3[%squeeze3A_535, %dma_start3A_542, %dma_start3A_543] : memref<125000x8x32xf32, #tpu.memory_space<hbm>> -> memref<1x8x32xf32, #tpu.memory_space<hbm>>
    %dma_start3A_545 = tpu.memref_squeeze %dma_start3A_544 : memref<1x8x32xf32, #tpu.memory_space<hbm>> -> memref<8x32xf32, #tpu.memory_space<hbm>>
    %dma_start3A_546 = arith.constant 0 : i32
    %dma_start3A_547 = arith.constant 0 : i32
    %dma_start3A_548 = tpu.memref_slice %arg8[%dma_start3A_536, %dma_start3A_537, %dma_start3A_546, %dma_start3A_547] : memref<2x32x8x32xf32, #tpu.memory_space<vmem>> -> memref<1x1x8x32xf32, #tpu.memory_space<vmem>>
    %dma_start3A_549 = tpu.memref_squeeze %dma_start3A_548 : memref<1x1x8x32xf32, #tpu.memory_space<vmem>> -> memref<8x32xf32, #tpu.memory_space<vmem>>
    %dma_start3A_550 = arith.constant 0 : i32
    %dma_start3A_551 = arith.constant 0 : i32
    %dma_start3A_552 = tpu.memref_slice %arg3[%squeeze3A_535, %dma_start3A_550, %dma_start3A_551] : memref<125000x8x32xf32, #tpu.memory_space<hbm>> -> memref<1x8x32xf32, #tpu.memory_space<hbm>>
    %dma_start3A_553 = tpu.memref_squeeze %dma_start3A_552 : memref<1x8x32xf32, #tpu.memory_space<hbm>> -> memref<8x32xf32, #tpu.memory_space<hbm>>
    tpu.enqueue_dma source(%dma_start3A_553 : memref<8x32xf32, #tpu.memory_space<hbm>>) target(%dma_start3A_549 : memref<8x32xf32, #tpu.memory_space<vmem>>) target_semaphore(%arg11 : memref<!tpu.dma_semaphore, #tpu.memory_space<semaphore_mem>>)
    %slice3A_554 = vector.extract_strided_slice %get3A_393 {offsets = [8], sizes = [1], strides = [1]} : vector<16xi32> to vector<1xi32>
    %squeeze3A_555 = vector.extract %slice3A_554[0] : i32 from vector<1xi32>
    %dma_start3A_556 = arith.constant 0 : i32
    %dma_start3A_557 = arith.constant 24 : i32
    %dma_start3A_558 = arith.constant 0 : i32
    %dma_start3A_559 = arith.constant 0 : i32
    %dma_start3A_560 = tpu.memref_slice %arg8[%dma_start3A_556, %dma_start3A_557, %dma_start3A_558, %dma_start3A_559] : memref<2x32x8x32xf32, #tpu.memory_space<vmem>> -> memref<1x1x8x32xf32, #tpu.memory_space<vmem>>
    %dma_start3A_561 = tpu.memref_squeeze %dma_start3A_560 : memref<1x1x8x32xf32, #tpu.memory_space<vmem>> -> memref<8x32xf32, #tpu.memory_space<vmem>>
    %dma_start3A_562 = arith.constant 0 : i32
    %dma_start3A_563 = arith.constant 0 : i32
    %dma_start3A_564 = tpu.memref_slice %arg3[%squeeze3A_555, %dma_start3A_562, %dma_start3A_563] : memref<125000x8x32xf32, #tpu.memory_space<hbm>> -> memref<1x8x32xf32, #tpu.memory_space<hbm>>
    %dma_start3A_565 = tpu.memref_squeeze %dma_start3A_564 : memref<1x8x32xf32, #tpu.memory_space<hbm>> -> memref<8x32xf32, #tpu.memory_space<hbm>>
    %dma_start3A_566 = arith.constant 0 : i32
    %dma_start3A_567 = arith.constant 0 : i32
    %dma_start3A_568 = tpu.memref_slice %arg8[%dma_start3A_556, %dma_start3A_557, %dma_start3A_566, %dma_start3A_567] : memref<2x32x8x32xf32, #tpu.memory_space<vmem>> -> memref<1x1x8x32xf32, #tpu.memory_space<vmem>>
    %dma_start3A_569 = tpu.memref_squeeze %dma_start3A_568 : memref<1x1x8x32xf32, #tpu.memory_space<vmem>> -> memref<8x32xf32, #tpu.memory_space<vmem>>
    %dma_start3A_570 = arith.constant 0 : i32
    %dma_start3A_571 = arith.constant 0 : i32
    %dma_start3A_572 = tpu.memref_slice %arg3[%squeeze3A_555, %dma_start3A_570, %dma_start3A_571] : memref<125000x8x32xf32, #tpu.memory_space<hbm>> -> memref<1x8x32xf32, #tpu.memory_space<hbm>>
    %dma_start3A_573 = tpu.memref_squeeze %dma_start3A_572 : memref<1x8x32xf32, #tpu.memory_space<hbm>> -> memref<8x32xf32, #tpu.memory_space<hbm>>
    tpu.enqueue_dma source(%dma_start3A_573 : memref<8x32xf32, #tpu.memory_space<hbm>>) target(%dma_start3A_569 : memref<8x32xf32, #tpu.memory_space<vmem>>) target_semaphore(%arg11 : memref<!tpu.dma_semaphore, #tpu.memory_space<semaphore_mem>>)
    %slice3A_574 = vector.extract_strided_slice %get3A_393 {offsets = [9], sizes = [1], strides = [1]} : vector<16xi32> to vector<1xi32>
    %squeeze3A_575 = vector.extract %slice3A_574[0] : i32 from vector<1xi32>
    %dma_start3A_576 = arith.constant 0 : i32
    %dma_start3A_577 = arith.constant 25 : i32
    %dma_start3A_578 = arith.constant 0 : i32
    %dma_start3A_579 = arith.constant 0 : i32
    %dma_start3A_580 = tpu.memref_slice %arg8[%dma_start3A_576, %dma_start3A_577, %dma_start3A_578, %dma_start3A_579] : memref<2x32x8x32xf32, #tpu.memory_space<vmem>> -> memref<1x1x8x32xf32, #tpu.memory_space<vmem>>
    %dma_start3A_581 = tpu.memref_squeeze %dma_start3A_580 : memref<1x1x8x32xf32, #tpu.memory_space<vmem>> -> memref<8x32xf32, #tpu.memory_space<vmem>>
    %dma_start3A_582 = arith.constant 0 : i32
    %dma_start3A_583 = arith.constant 0 : i32
    %dma_start3A_584 = tpu.memref_slice %arg3[%squeeze3A_575, %dma_start3A_582, %dma_start3A_583] : memref<125000x8x32xf32, #tpu.memory_space<hbm>> -> memref<1x8x32xf32, #tpu.memory_space<hbm>>
    %dma_start3A_585 = tpu.memref_squeeze %dma_start3A_584 : memref<1x8x32xf32, #tpu.memory_space<hbm>> -> memref<8x32xf32, #tpu.memory_space<hbm>>
    %dma_start3A_586 = arith.constant 0 : i32
    %dma_start3A_587 = arith.constant 0 : i32
    %dma_start3A_588 = tpu.memref_slice %arg8[%dma_start3A_576, %dma_start3A_577, %dma_start3A_586, %dma_start3A_587] : memref<2x32x8x32xf32, #tpu.memory_space<vmem>> -> memref<1x1x8x32xf32, #tpu.memory_space<vmem>>
    %dma_start3A_589 = tpu.memref_squeeze %dma_start3A_588 : memref<1x1x8x32xf32, #tpu.memory_space<vmem>> -> memref<8x32xf32, #tpu.memory_space<vmem>>
    %dma_start3A_590 = arith.constant 0 : i32
    %dma_start3A_591 = arith.constant 0 : i32
    %dma_start3A_592 = tpu.memref_slice %arg3[%squeeze3A_575, %dma_start3A_590, %dma_start3A_591] : memref<125000x8x32xf32, #tpu.memory_space<hbm>> -> memref<1x8x32xf32, #tpu.memory_space<hbm>>
    %dma_start3A_593 = tpu.memref_squeeze %dma_start3A_592 : memref<1x8x32xf32, #tpu.memory_space<hbm>> -> memref<8x32xf32, #tpu.memory_space<hbm>>
    tpu.enqueue_dma source(%dma_start3A_593 : memref<8x32xf32, #tpu.memory_space<hbm>>) target(%dma_start3A_589 : memref<8x32xf32, #tpu.memory_space<vmem>>) target_semaphore(%arg11 : memref<!tpu.dma_semaphore, #tpu.memory_space<semaphore_mem>>)
    %slice3A_594 = vector.extract_strided_slice %get3A_393 {offsets = [10], sizes = [1], strides = [1]} : vector<16xi32> to vector<1xi32>
    %squeeze3A_595 = vector.extract %slice3A_594[0] : i32 from vector<1xi32>
    %dma_start3A_596 = arith.constant 0 : i32
    %dma_start3A_597 = arith.constant 26 : i32
    %dma_start3A_598 = arith.constant 0 : i32
    %dma_start3A_599 = arith.constant 0 : i32
    %dma_start3A_600 = tpu.memref_slice %arg8[%dma_start3A_596, %dma_start3A_597, %dma_start3A_598, %dma_start3A_599] : memref<2x32x8x32xf32, #tpu.memory_space<vmem>> -> memref<1x1x8x32xf32, #tpu.memory_space<vmem>>
    %dma_start3A_601 = tpu.memref_squeeze %dma_start3A_600 : memref<1x1x8x32xf32, #tpu.memory_space<vmem>> -> memref<8x32xf32, #tpu.memory_space<vmem>>
    %dma_start3A_602 = arith.constant 0 : i32
    %dma_start3A_603 = arith.constant 0 : i32
    %dma_start3A_604 = tpu.memref_slice %arg3[%squeeze3A_595, %dma_start3A_602, %dma_start3A_603] : memref<125000x8x32xf32, #tpu.memory_space<hbm>> -> memref<1x8x32xf32, #tpu.memory_space<hbm>>
    %dma_start3A_605 = tpu.memref_squeeze %dma_start3A_604 : memref<1x8x32xf32, #tpu.memory_space<hbm>> -> memref<8x32xf32, #tpu.memory_space<hbm>>
    %dma_start3A_606 = arith.constant 0 : i32
    %dma_start3A_607 = arith.constant 0 : i32
    %dma_start3A_608 = tpu.memref_slice %arg8[%dma_start3A_596, %dma_start3A_597, %dma_start3A_606, %dma_start3A_607] : memref<2x32x8x32xf32, #tpu.memory_space<vmem>> -> memref<1x1x8x32xf32, #tpu.memory_space<vmem>>
    %dma_start3A_609 = tpu.memref_squeeze %dma_start3A_608 : memref<1x1x8x32xf32, #tpu.memory_space<vmem>> -> memref<8x32xf32, #tpu.memory_space<vmem>>
    %dma_start3A_610 = arith.constant 0 : i32
    %dma_start3A_611 = arith.constant 0 : i32
    %dma_start3A_612 = tpu.memref_slice %arg3[%squeeze3A_595, %dma_start3A_610, %dma_start3A_611] : memref<125000x8x32xf32, #tpu.memory_space<hbm>> -> memref<1x8x32xf32, #tpu.memory_space<hbm>>
    %dma_start3A_613 = tpu.memref_squeeze %dma_start3A_612 : memref<1x8x32xf32, #tpu.memory_space<hbm>> -> memref<8x32xf32, #tpu.memory_space<hbm>>
    tpu.enqueue_dma source(%dma_start3A_613 : memref<8x32xf32, #tpu.memory_space<hbm>>) target(%dma_start3A_609 : memref<8x32xf32, #tpu.memory_space<vmem>>) target_semaphore(%arg11 : memref<!tpu.dma_semaphore, #tpu.memory_space<semaphore_mem>>)
    %slice3A_614 = vector.extract_strided_slice %get3A_393 {offsets = [11], sizes = [1], strides = [1]} : vector<16xi32> to vector<1xi32>
    %squeeze3A_615 = vector.extract %slice3A_614[0] : i32 from vector<1xi32>
    %dma_start3A_616 = arith.constant 0 : i32
    %dma_start3A_617 = arith.constant 27 : i32
    %dma_start3A_618 = arith.constant 0 : i32
    %dma_start3A_619 = arith.constant 0 : i32
    %dma_start3A_620 = tpu.memref_slice %arg8[%dma_start3A_616, %dma_start3A_617, %dma_start3A_618, %dma_start3A_619] : memref<2x32x8x32xf32, #tpu.memory_space<vmem>> -> memref<1x1x8x32xf32, #tpu.memory_space<vmem>>
    %dma_start3A_621 = tpu.memref_squeeze %dma_start3A_620 : memref<1x1x8x32xf32, #tpu.memory_space<vmem>> -> memref<8x32xf32, #tpu.memory_space<vmem>>
    %dma_start3A_622 = arith.constant 0 : i32
    %dma_start3A_623 = arith.constant 0 : i32
    %dma_start3A_624 = tpu.memref_slice %arg3[%squeeze3A_615, %dma_start3A_622, %dma_start3A_623] : memref<125000x8x32xf32, #tpu.memory_space<hbm>> -> memref<1x8x32xf32, #tpu.memory_space<hbm>>
    %dma_start3A_625 = tpu.memref_squeeze %dma_start3A_624 : memref<1x8x32xf32, #tpu.memory_space<hbm>> -> memref<8x32xf32, #tpu.memory_space<hbm>>
    %dma_start3A_626 = arith.constant 0 : i32
    %dma_start3A_627 = arith.constant 0 : i32
    %dma_start3A_628 = tpu.memref_slice %arg8[%dma_start3A_616, %dma_start3A_617, %dma_start3A_626, %dma_start3A_627] : memref<2x32x8x32xf32, #tpu.memory_space<vmem>> -> memref<1x1x8x32xf32, #tpu.memory_space<vmem>>
    %dma_start3A_629 = tpu.memref_squeeze %dma_start3A_628 : memref<1x1x8x32xf32, #tpu.memory_space<vmem>> -> memref<8x32xf32, #tpu.memory_space<vmem>>
    %dma_start3A_630 = arith.constant 0 : i32
    %dma_start3A_631 = arith.constant 0 : i32
    %dma_start3A_632 = tpu.memref_slice %arg3[%squeeze3A_615, %dma_start3A_630, %dma_start3A_631] : memref<125000x8x32xf32, #tpu.memory_space<hbm>> -> memref<1x8x32xf32, #tpu.memory_space<hbm>>
    %dma_start3A_633 = tpu.memref_squeeze %dma_start3A_632 : memref<1x8x32xf32, #tpu.memory_space<hbm>> -> memref<8x32xf32, #tpu.memory_space<hbm>>
    tpu.enqueue_dma source(%dma_start3A_633 : memref<8x32xf32, #tpu.memory_space<hbm>>) target(%dma_start3A_629 : memref<8x32xf32, #tpu.memory_space<vmem>>) target_semaphore(%arg11 : memref<!tpu.dma_semaphore, #tpu.memory_space<semaphore_mem>>)
    %slice3A_634 = vector.extract_strided_slice %get3A_393 {offsets = [12], sizes = [1], strides = [1]} : vector<16xi32> to vector<1xi32>
    %squeeze3A_635 = vector.extract %slice3A_634[0] : i32 from vector<1xi32>
    %dma_start3A_636 = arith.constant 0 : i32
    %dma_start3A_637 = arith.constant 28 : i32
    %dma_start3A_638 = arith.constant 0 : i32
    %dma_start3A_639 = arith.constant 0 : i32
    %dma_start3A_640 = tpu.memref_slice %arg8[%dma_start3A_636, %dma_start3A_637, %dma_start3A_638, %dma_start3A_639] : memref<2x32x8x32xf32, #tpu.memory_space<vmem>> -> memref<1x1x8x32xf32, #tpu.memory_space<vmem>>
    %dma_start3A_641 = tpu.memref_squeeze %dma_start3A_640 : memref<1x1x8x32xf32, #tpu.memory_space<vmem>> -> memref<8x32xf32, #tpu.memory_space<vmem>>
    %dma_start3A_642 = arith.constant 0 : i32
    %dma_start3A_643 = arith.constant 0 : i32
    %dma_start3A_644 = tpu.memref_slice %arg3[%squeeze3A_635, %dma_start3A_642, %dma_start3A_643] : memref<125000x8x32xf32, #tpu.memory_space<hbm>> -> memref<1x8x32xf32, #tpu.memory_space<hbm>>
    %dma_start3A_645 = tpu.memref_squeeze %dma_start3A_644 : memref<1x8x32xf32, #tpu.memory_space<hbm>> -> memref<8x32xf32, #tpu.memory_space<hbm>>
    %dma_start3A_646 = arith.constant 0 : i32
    %dma_start3A_647 = arith.constant 0 : i32
    %dma_start3A_648 = tpu.memref_slice %arg8[%dma_start3A_636, %dma_start3A_637, %dma_start3A_646, %dma_start3A_647] : memref<2x32x8x32xf32, #tpu.memory_space<vmem>> -> memref<1x1x8x32xf32, #tpu.memory_space<vmem>>
    %dma_start3A_649 = tpu.memref_squeeze %dma_start3A_648 : memref<1x1x8x32xf32, #tpu.memory_space<vmem>> -> memref<8x32xf32, #tpu.memory_space<vmem>>
    %dma_start3A_650 = arith.constant 0 : i32
    %dma_start3A_651 = arith.constant 0 : i32
    %dma_start3A_652 = tpu.memref_slice %arg3[%squeeze3A_635, %dma_start3A_650, %dma_start3A_651] : memref<125000x8x32xf32, #tpu.memory_space<hbm>> -> memref<1x8x32xf32, #tpu.memory_space<hbm>>
    %dma_start3A_653 = tpu.memref_squeeze %dma_start3A_652 : memref<1x8x32xf32, #tpu.memory_space<hbm>> -> memref<8x32xf32, #tpu.memory_space<hbm>>
    tpu.enqueue_dma source(%dma_start3A_653 : memref<8x32xf32, #tpu.memory_space<hbm>>) target(%dma_start3A_649 : memref<8x32xf32, #tpu.memory_space<vmem>>) target_semaphore(%arg11 : memref<!tpu.dma_semaphore, #tpu.memory_space<semaphore_mem>>)
    %slice3A_654 = vector.extract_strided_slice %get3A_393 {offsets = [13], sizes = [1], strides = [1]} : vector<16xi32> to vector<1xi32>
    %squeeze3A_655 = vector.extract %slice3A_654[0] : i32 from vector<1xi32>
    %dma_start3A_656 = arith.constant 0 : i32
    %dma_start3A_657 = arith.constant 29 : i32
    %dma_start3A_658 = arith.constant 0 : i32
    %dma_start3A_659 = arith.constant 0 : i32
    %dma_start3A_660 = tpu.memref_slice %arg8[%dma_start3A_656, %dma_start3A_657, %dma_start3A_658, %dma_start3A_659] : memref<2x32x8x32xf32, #tpu.memory_space<vmem>> -> memref<1x1x8x32xf32, #tpu.memory_space<vmem>>
    %dma_start3A_661 = tpu.memref_squeeze %dma_start3A_660 : memref<1x1x8x32xf32, #tpu.memory_space<vmem>> -> memref<8x32xf32, #tpu.memory_space<vmem>>
    %dma_start3A_662 = arith.constant 0 : i32
    %dma_start3A_663 = arith.constant 0 : i32
    %dma_start3A_664 = tpu.memref_slice %arg3[%squeeze3A_655, %dma_start3A_662, %dma_start3A_663] : memref<125000x8x32xf32, #tpu.memory_space<hbm>> -> memref<1x8x32xf32, #tpu.memory_space<hbm>>
    %dma_start3A_665 = tpu.memref_squeeze %dma_start3A_664 : memref<1x8x32xf32, #tpu.memory_space<hbm>> -> memref<8x32xf32, #tpu.memory_space<hbm>>
    %dma_start3A_666 = arith.constant 0 : i32
    %dma_start3A_667 = arith.constant 0 : i32
    %dma_start3A_668 = tpu.memref_slice %arg8[%dma_start3A_656, %dma_start3A_657, %dma_start3A_666, %dma_start3A_667] : memref<2x32x8x32xf32, #tpu.memory_space<vmem>> -> memref<1x1x8x32xf32, #tpu.memory_space<vmem>>
    %dma_start3A_669 = tpu.memref_squeeze %dma_start3A_668 : memref<1x1x8x32xf32, #tpu.memory_space<vmem>> -> memref<8x32xf32, #tpu.memory_space<vmem>>
    %dma_start3A_670 = arith.constant 0 : i32
    %dma_start3A_671 = arith.constant 0 : i32
    %dma_start3A_672 = tpu.memref_slice %arg3[%squeeze3A_655, %dma_start3A_670, %dma_start3A_671] : memref<125000x8x32xf32, #tpu.memory_space<hbm>> -> memref<1x8x32xf32, #tpu.memory_space<hbm>>
    %dma_start3A_673 = tpu.memref_squeeze %dma_start3A_672 : memref<1x8x32xf32, #tpu.memory_space<hbm>> -> memref<8x32xf32, #tpu.memory_space<hbm>>
    tpu.enqueue_dma source(%dma_start3A_673 : memref<8x32xf32, #tpu.memory_space<hbm>>) target(%dma_start3A_669 : memref<8x32xf32, #tpu.memory_space<vmem>>) target_semaphore(%arg11 : memref<!tpu.dma_semaphore, #tpu.memory_space<semaphore_mem>>)
    %slice3A_674 = vector.extract_strided_slice %get3A_393 {offsets = [14], sizes = [1], strides = [1]} : vector<16xi32> to vector<1xi32>
    %squeeze3A_675 = vector.extract %slice3A_674[0] : i32 from vector<1xi32>
    %dma_start3A_676 = arith.constant 0 : i32
    %dma_start3A_677 = arith.constant 30 : i32
    %dma_start3A_678 = arith.constant 0 : i32
    %dma_start3A_679 = arith.constant 0 : i32
    %dma_start3A_680 = tpu.memref_slice %arg8[%dma_start3A_676, %dma_start3A_677, %dma_start3A_678, %dma_start3A_679] : memref<2x32x8x32xf32, #tpu.memory_space<vmem>> -> memref<1x1x8x32xf32, #tpu.memory_space<vmem>>
    %dma_start3A_681 = tpu.memref_squeeze %dma_start3A_680 : memref<1x1x8x32xf32, #tpu.memory_space<vmem>> -> memref<8x32xf32, #tpu.memory_space<vmem>>
    %dma_start3A_682 = arith.constant 0 : i32
    %dma_start3A_683 = arith.constant 0 : i32
    %dma_start3A_684 = tpu.memref_slice %arg3[%squeeze3A_675, %dma_start3A_682, %dma_start3A_683] : memref<125000x8x32xf32, #tpu.memory_space<hbm>> -> memref<1x8x32xf32, #tpu.memory_space<hbm>>
    %dma_start3A_685 = tpu.memref_squeeze %dma_start3A_684 : memref<1x8x32xf32, #tpu.memory_space<hbm>> -> memref<8x32xf32, #tpu.memory_space<hbm>>
    %dma_start3A_686 = arith.constant 0 : i32
    %dma_start3A_687 = arith.constant 0 : i32
    %dma_start3A_688 = tpu.memref_slice %arg8[%dma_start3A_676, %dma_start3A_677, %dma_start3A_686, %dma_start3A_687] : memref<2x32x8x32xf32, #tpu.memory_space<vmem>> -> memref<1x1x8x32xf32, #tpu.memory_space<vmem>>
    %dma_start3A_689 = tpu.memref_squeeze %dma_start3A_688 : memref<1x1x8x32xf32, #tpu.memory_space<vmem>> -> memref<8x32xf32, #tpu.memory_space<vmem>>
    %dma_start3A_690 = arith.constant 0 : i32
    %dma_start3A_691 = arith.constant 0 : i32
    %dma_start3A_692 = tpu.memref_slice %arg3[%squeeze3A_675, %dma_start3A_690, %dma_start3A_691] : memref<125000x8x32xf32, #tpu.memory_space<hbm>> -> memref<1x8x32xf32, #tpu.memory_space<hbm>>
    %dma_start3A_693 = tpu.memref_squeeze %dma_start3A_692 : memref<1x8x32xf32, #tpu.memory_space<hbm>> -> memref<8x32xf32, #tpu.memory_space<hbm>>
    tpu.enqueue_dma source(%dma_start3A_693 : memref<8x32xf32, #tpu.memory_space<hbm>>) target(%dma_start3A_689 : memref<8x32xf32, #tpu.memory_space<vmem>>) target_semaphore(%arg11 : memref<!tpu.dma_semaphore, #tpu.memory_space<semaphore_mem>>)
    %slice3A_694 = vector.extract_strided_slice %get3A_393 {offsets = [15], sizes = [1], strides = [1]} : vector<16xi32> to vector<1xi32>
    %squeeze3A_695 = vector.extract %slice3A_694[0] : i32 from vector<1xi32>
    %dma_start3A_696 = arith.constant 0 : i32
    %dma_start3A_697 = arith.constant 31 : i32
    %dma_start3A_698 = arith.constant 0 : i32
    %dma_start3A_699 = arith.constant 0 : i32
    %dma_start3A_700 = tpu.memref_slice %arg8[%dma_start3A_696, %dma_start3A_697, %dma_start3A_698, %dma_start3A_699] : memref<2x32x8x32xf32, #tpu.memory_space<vmem>> -> memref<1x1x8x32xf32, #tpu.memory_space<vmem>>
    %dma_start3A_701 = tpu.memref_squeeze %dma_start3A_700 : memref<1x1x8x32xf32, #tpu.memory_space<vmem>> -> memref<8x32xf32, #tpu.memory_space<vmem>>
    %dma_start3A_702 = arith.constant 0 : i32
    %dma_start3A_703 = arith.constant 0 : i32
    %dma_start3A_704 = tpu.memref_slice %arg3[%squeeze3A_695, %dma_start3A_702, %dma_start3A_703] : memref<125000x8x32xf32, #tpu.memory_space<hbm>> -> memref<1x8x32xf32, #tpu.memory_space<hbm>>
    %dma_start3A_705 = tpu.memref_squeeze %dma_start3A_704 : memref<1x8x32xf32, #tpu.memory_space<hbm>> -> memref<8x32xf32, #tpu.memory_space<hbm>>
    %dma_start3A_706 = arith.constant 0 : i32
    %dma_start3A_707 = arith.constant 0 : i32
    %dma_start3A_708 = tpu.memref_slice %arg8[%dma_start3A_696, %dma_start3A_697, %dma_start3A_706, %dma_start3A_707] : memref<2x32x8x32xf32, #tpu.memory_space<vmem>> -> memref<1x1x8x32xf32, #tpu.memory_space<vmem>>
    %dma_start3A_709 = tpu.memref_squeeze %dma_start3A_708 : memref<1x1x8x32xf32, #tpu.memory_space<vmem>> -> memref<8x32xf32, #tpu.memory_space<vmem>>
    %dma_start3A_710 = arith.constant 0 : i32
    %dma_start3A_711 = arith.constant 0 : i32
    %dma_start3A_712 = tpu.memref_slice %arg3[%squeeze3A_695, %dma_start3A_710, %dma_start3A_711] : memref<125000x8x32xf32, #tpu.memory_space<hbm>> -> memref<1x8x32xf32, #tpu.memory_space<hbm>>
    %dma_start3A_713 = tpu.memref_squeeze %dma_start3A_712 : memref<1x8x32xf32, #tpu.memory_space<hbm>> -> memref<8x32xf32, #tpu.memory_space<hbm>>
    tpu.enqueue_dma source(%dma_start3A_713 : memref<8x32xf32, #tpu.memory_space<hbm>>) target(%dma_start3A_709 : memref<8x32xf32, #tpu.memory_space<vmem>>) target_semaphore(%arg11 : memref<!tpu.dma_semaphore, #tpu.memory_space<semaphore_mem>>)
    %scan3A_714 = arith.constant 0 : i32
    %scan3A_715 = arith.constant 0 : i32
    %scan3A_716 = arith.constant 8 : i32
    %scan3A_717 = arith.addi %scan3A_715, %scan3A_716 : i32
    %scan3A_718 = arith.constant 1 : i32
    scf.for %scan3A_720 = %scan3A_715 to %scan3A_717 step %scan3A_718  : i32 {
      %mul3A_721 = arith.constant 2 : i32
      %mul3A_722 = arith.muli %scan3A_720, %mul3A_721 : i32
      %add3A_723 = arith.constant 0 : i32
      %add3A_724 = arith.addi %mul3A_722, %add3A_723 : i32
      %add3A_725 = arith.constant 1 : i32
      %add3A_726 = arith.addi %add3A_724, %add3A_725 : i32
      %lt3A = arith.constant 16 : i32
      %lt3A_727 = arith.cmpi slt, %add3A_726, %lt3A : i32
      %convert_element_type3A = arith.extui %lt3A_727 : i1 to i32
      %cond3A = arith.constant 0 : i32
      %cond3A_728 = arith.cmpi ne, %convert_element_type3A, %cond3A : i32
      scf.if %cond3A_728 {
        %add3A_1469 = arith.constant 1 : i32
        %add3A_1470 = arith.addi %add3A_724, %add3A_1469 : i32
        %mul3A_1471 = arith.constant 32 : i32
        %mul3A_1472 = arith.muli %add3A_1470, %mul3A_1471 : i32
        %add3A_1473 = arith.constant 0 : i32
        %add3A_1474 = arith.addi %mul3A_1472, %add3A_1473 : i32
        %get3A_1475 = arith.index_cast %add3A_1474 : i32 to index
        %get3A_1476 = tpu.vector_load %arg7[%get3A_1475] {strides = array<i32>} : memref<512xi32, #tpu.memory_space<vmem>>, vector<16xi32>,
        %slice3A_1477 = vector.extract_strided_slice %get3A_1476 {offsets = [0], sizes = [1], strides = [1]} : vector<16xi32> to vector<1xi32>
        %squeeze3A_1478 = vector.extract %slice3A_1477[0] : i32 from vector<1xi32>
        %dma_start3A_1479 = arith.constant 1 : i32
        %dma_start3A_1480 = arith.constant 0 : i32
        %dma_start3A_1481 = arith.constant 0 : i32
        %dma_start3A_1482 = arith.constant 0 : i32
        %dma_start3A_1483 = tpu.memref_slice %arg8[%dma_start3A_1479, %dma_start3A_1480, %dma_start3A_1481, %dma_start3A_1482] : memref<2x32x8x32xf32, #tpu.memory_space<vmem>> -> memref<1x1x8x32xf32, #tpu.memory_space<vmem>>
        %dma_start3A_1484 = tpu.memref_squeeze %dma_start3A_1483 : memref<1x1x8x32xf32, #tpu.memory_space<vmem>> -> memref<8x32xf32, #tpu.memory_space<vmem>>
        %dma_start3A_1485 = arith.constant 0 : i32
        %dma_start3A_1486 = arith.constant 0 : i32
        %dma_start3A_1487 = tpu.memref_slice %arg3[%squeeze3A_1478, %dma_start3A_1485, %dma_start3A_1486] : memref<125000x8x32xf32, #tpu.memory_space<hbm>> -> memref<1x8x32xf32, #tpu.memory_space<hbm>>
        %dma_start3A_1488 = tpu.memref_squeeze %dma_start3A_1487 : memref<1x8x32xf32, #tpu.memory_space<hbm>> -> memref<8x32xf32, #tpu.memory_space<hbm>>
        %dma_start3A_1489 = arith.constant 0 : i32
        %dma_start3A_1490 = arith.constant 0 : i32
        %dma_start3A_1491 = tpu.memref_slice %arg8[%dma_start3A_1479, %dma_start3A_1480, %dma_start3A_1489, %dma_start3A_1490] : memref<2x32x8x32xf32, #tpu.memory_space<vmem>> -> memref<1x1x8x32xf32, #tpu.memory_space<vmem>>
        %dma_start3A_1492 = tpu.memref_squeeze %dma_start3A_1491 : memref<1x1x8x32xf32, #tpu.memory_space<vmem>> -> memref<8x32xf32, #tpu.memory_space<vmem>>
        %dma_start3A_1493 = arith.constant 0 : i32
        %dma_start3A_1494 = arith.constant 0 : i32
        %dma_start3A_1495 = tpu.memref_slice %arg3[%squeeze3A_1478, %dma_start3A_1493, %dma_start3A_1494] : memref<125000x8x32xf32, #tpu.memory_space<hbm>> -> memref<1x8x32xf32, #tpu.memory_space<hbm>>
        %dma_start3A_1496 = tpu.memref_squeeze %dma_start3A_1495 : memref<1x8x32xf32, #tpu.memory_space<hbm>> -> memref<8x32xf32, #tpu.memory_space<hbm>>
        tpu.enqueue_dma source(%dma_start3A_1496 : memref<8x32xf32, #tpu.memory_space<hbm>>) target(%dma_start3A_1492 : memref<8x32xf32, #tpu.memory_space<vmem>>) target_semaphore(%arg12 : memref<!tpu.dma_semaphore, #tpu.memory_space<semaphore_mem>>)
        %slice3A_1497 = vector.extract_strided_slice %get3A_1476 {offsets = [1], sizes = [1], strides = [1]} : vector<16xi32> to vector<1xi32>
        %squeeze3A_1498 = vector.extract %slice3A_1497[0] : i32 from vector<1xi32>
        %dma_start3A_1499 = arith.constant 1 : i32
        %dma_start3A_1500 = arith.constant 1 : i32
        %dma_start3A_1501 = arith.constant 0 : i32
        %dma_start3A_1502 = arith.constant 0 : i32
        %dma_start3A_1503 = tpu.memref_slice %arg8[%dma_start3A_1499, %dma_start3A_1500, %dma_start3A_1501, %dma_start3A_1502] : memref<2x32x8x32xf32, #tpu.memory_space<vmem>> -> memref<1x1x8x32xf32, #tpu.memory_space<vmem>>
        %dma_start3A_1504 = tpu.memref_squeeze %dma_start3A_1503 : memref<1x1x8x32xf32, #tpu.memory_space<vmem>> -> memref<8x32xf32, #tpu.memory_space<vmem>>
        %dma_start3A_1505 = arith.constant 0 : i32
        %dma_start3A_1506 = arith.constant 0 : i32
        %dma_start3A_1507 = tpu.memref_slice %arg3[%squeeze3A_1498, %dma_start3A_1505, %dma_start3A_1506] : memref<125000x8x32xf32, #tpu.memory_space<hbm>> -> memref<1x8x32xf32, #tpu.memory_space<hbm>>
        %dma_start3A_1508 = tpu.memref_squeeze %dma_start3A_1507 : memref<1x8x32xf32, #tpu.memory_space<hbm>> -> memref<8x32xf32, #tpu.memory_space<hbm>>
        %dma_start3A_1509 = arith.constant 0 : i32
        %dma_start3A_1510 = arith.constant 0 : i32
        %dma_start3A_1511 = tpu.memref_slice %arg8[%dma_start3A_1499, %dma_start3A_1500, %dma_start3A_1509, %dma_start3A_1510] : memref<2x32x8x32xf32, #tpu.memory_space<vmem>> -> memref<1x1x8x32xf32, #tpu.memory_space<vmem>>
        %dma_start3A_1512 = tpu.memref_squeeze %dma_start3A_1511 : memref<1x1x8x32xf32, #tpu.memory_space<vmem>> -> memref<8x32xf32, #tpu.memory_space<vmem>>
        %dma_start3A_1513 = arith.constant 0 : i32
        %dma_start3A_1514 = arith.constant 0 : i32
        %dma_start3A_1515 = tpu.memref_slice %arg3[%squeeze3A_1498, %dma_start3A_1513, %dma_start3A_1514] : memref<125000x8x32xf32, #tpu.memory_space<hbm>> -> memref<1x8x32xf32, #tpu.memory_space<hbm>>
        %dma_start3A_1516 = tpu.memref_squeeze %dma_start3A_1515 : memref<1x8x32xf32, #tpu.memory_space<hbm>> -> memref<8x32xf32, #tpu.memory_space<hbm>>
        tpu.enqueue_dma source(%dma_start3A_1516 : memref<8x32xf32, #tpu.memory_space<hbm>>) target(%dma_start3A_1512 : memref<8x32xf32, #tpu.memory_space<vmem>>) target_semaphore(%arg12 : memref<!tpu.dma_semaphore, #tpu.memory_space<semaphore_mem>>)
        %slice3A_1517 = vector.extract_strided_slice %get3A_1476 {offsets = [2], sizes = [1], strides = [1]} : vector<16xi32> to vector<1xi32>
        %squeeze3A_1518 = vector.extract %slice3A_1517[0] : i32 from vector<1xi32>
        %dma_start3A_1519 = arith.constant 1 : i32
        %dma_start3A_1520 = arith.constant 2 : i32
        %dma_start3A_1521 = arith.constant 0 : i32
        %dma_start3A_1522 = arith.constant 0 : i32
        %dma_start3A_1523 = tpu.memref_slice %arg8[%dma_start3A_1519, %dma_start3A_1520, %dma_start3A_1521, %dma_start3A_1522] : memref<2x32x8x32xf32, #tpu.memory_space<vmem>> -> memref<1x1x8x32xf32, #tpu.memory_space<vmem>>
        %dma_start3A_1524 = tpu.memref_squeeze %dma_start3A_1523 : memref<1x1x8x32xf32, #tpu.memory_space<vmem>> -> memref<8x32xf32, #tpu.memory_space<vmem>>
        %dma_start3A_1525 = arith.constant 0 : i32
        %dma_start3A_1526 = arith.constant 0 : i32
        %dma_start3A_1527 = tpu.memref_slice %arg3[%squeeze3A_1518, %dma_start3A_1525, %dma_start3A_1526] : memref<125000x8x32xf32, #tpu.memory_space<hbm>> -> memref<1x8x32xf32, #tpu.memory_space<hbm>>
        %dma_start3A_1528 = tpu.memref_squeeze %dma_start3A_1527 : memref<1x8x32xf32, #tpu.memory_space<hbm>> -> memref<8x32xf32, #tpu.memory_space<hbm>>
        %dma_start3A_1529 = arith.constant 0 : i32
        %dma_start3A_1530 = arith.constant 0 : i32
        %dma_start3A_1531 = tpu.memref_slice %arg8[%dma_start3A_1519, %dma_start3A_1520, %dma_start3A_1529, %dma_start3A_1530] : memref<2x32x8x32xf32, #tpu.memory_space<vmem>> -> memref<1x1x8x32xf32, #tpu.memory_space<vmem>>
        %dma_start3A_1532 = tpu.memref_squeeze %dma_start3A_1531 : memref<1x1x8x32xf32, #tpu.memory_space<vmem>> -> memref<8x32xf32, #tpu.memory_space<vmem>>
        %dma_start3A_1533 = arith.constant 0 : i32
        %dma_start3A_1534 = arith.constant 0 : i32
        %dma_start3A_1535 = tpu.memref_slice %arg3[%squeeze3A_1518, %dma_start3A_1533, %dma_start3A_1534] : memref<125000x8x32xf32, #tpu.memory_space<hbm>> -> memref<1x8x32xf32, #tpu.memory_space<hbm>>
        %dma_start3A_1536 = tpu.memref_squeeze %dma_start3A_1535 : memref<1x8x32xf32, #tpu.memory_space<hbm>> -> memref<8x32xf32, #tpu.memory_space<hbm>>
        tpu.enqueue_dma source(%dma_start3A_1536 : memref<8x32xf32, #tpu.memory_space<hbm>>) target(%dma_start3A_1532 : memref<8x32xf32, #tpu.memory_space<vmem>>) target_semaphore(%arg12 : memref<!tpu.dma_semaphore, #tpu.memory_space<semaphore_mem>>)
        %slice3A_1537 = vector.extract_strided_slice %get3A_1476 {offsets = [3], sizes = [1], strides = [1]} : vector<16xi32> to vector<1xi32>
        %squeeze3A_1538 = vector.extract %slice3A_1537[0] : i32 from vector<1xi32>
        %dma_start3A_1539 = arith.constant 1 : i32
        %dma_start3A_1540 = arith.constant 3 : i32
        %dma_start3A_1541 = arith.constant 0 : i32
        %dma_start3A_1542 = arith.constant 0 : i32
        %dma_start3A_1543 = tpu.memref_slice %arg8[%dma_start3A_1539, %dma_start3A_1540, %dma_start3A_1541, %dma_start3A_1542] : memref<2x32x8x32xf32, #tpu.memory_space<vmem>> -> memref<1x1x8x32xf32, #tpu.memory_space<vmem>>
        %dma_start3A_1544 = tpu.memref_squeeze %dma_start3A_1543 : memref<1x1x8x32xf32, #tpu.memory_space<vmem>> -> memref<8x32xf32, #tpu.memory_space<vmem>>
        %dma_start3A_1545 = arith.constant 0 : i32
        %dma_start3A_1546 = arith.constant 0 : i32
        %dma_start3A_1547 = tpu.memref_slice %arg3[%squeeze3A_1538, %dma_start3A_1545, %dma_start3A_1546] : memref<125000x8x32xf32, #tpu.memory_space<hbm>> -> memref<1x8x32xf32, #tpu.memory_space<hbm>>
        %dma_start3A_1548 = tpu.memref_squeeze %dma_start3A_1547 : memref<1x8x32xf32, #tpu.memory_space<hbm>> -> memref<8x32xf32, #tpu.memory_space<hbm>>
        %dma_start3A_1549 = arith.constant 0 : i32
        %dma_start3A_1550 = arith.constant 0 : i32
        %dma_start3A_1551 = tpu.memref_slice %arg8[%dma_start3A_1539, %dma_start3A_1540, %dma_start3A_1549, %dma_start3A_1550] : memref<2x32x8x32xf32, #tpu.memory_space<vmem>> -> memref<1x1x8x32xf32, #tpu.memory_space<vmem>>
        %dma_start3A_1552 = tpu.memref_squeeze %dma_start3A_1551 : memref<1x1x8x32xf32, #tpu.memory_space<vmem>> -> memref<8x32xf32, #tpu.memory_space<vmem>>
        %dma_start3A_1553 = arith.constant 0 : i32
        %dma_start3A_1554 = arith.constant 0 : i32
        %dma_start3A_1555 = tpu.memref_slice %arg3[%squeeze3A_1538, %dma_start3A_1553, %dma_start3A_1554] : memref<125000x8x32xf32, #tpu.memory_space<hbm>> -> memref<1x8x32xf32, #tpu.memory_space<hbm>>
        %dma_start3A_1556 = tpu.memref_squeeze %dma_start3A_1555 : memref<1x8x32xf32, #tpu.memory_space<hbm>> -> memref<8x32xf32, #tpu.memory_space<hbm>>
        tpu.enqueue_dma source(%dma_start3A_1556 : memref<8x32xf32, #tpu.memory_space<hbm>>) target(%dma_start3A_1552 : memref<8x32xf32, #tpu.memory_space<vmem>>) target_semaphore(%arg12 : memref<!tpu.dma_semaphore, #tpu.memory_space<semaphore_mem>>)
        %slice3A_1557 = vector.extract_strided_slice %get3A_1476 {offsets = [4], sizes = [1], strides = [1]} : vector<16xi32> to vector<1xi32>
        %squeeze3A_1558 = vector.extract %slice3A_1557[0] : i32 from vector<1xi32>
        %dma_start3A_1559 = arith.constant 1 : i32
        %dma_start3A_1560 = arith.constant 4 : i32
        %dma_start3A_1561 = arith.constant 0 : i32
        %dma_start3A_1562 = arith.constant 0 : i32
        %dma_start3A_1563 = tpu.memref_slice %arg8[%dma_start3A_1559, %dma_start3A_1560, %dma_start3A_1561, %dma_start3A_1562] : memref<2x32x8x32xf32, #tpu.memory_space<vmem>> -> memref<1x1x8x32xf32, #tpu.memory_space<vmem>>
        %dma_start3A_1564 = tpu.memref_squeeze %dma_start3A_1563 : memref<1x1x8x32xf32, #tpu.memory_space<vmem>> -> memref<8x32xf32, #tpu.memory_space<vmem>>
        %dma_start3A_1565 = arith.constant 0 : i32
        %dma_start3A_1566 = arith.constant 0 : i32
        %dma_start3A_1567 = tpu.memref_slice %arg3[%squeeze3A_1558, %dma_start3A_1565, %dma_start3A_1566] : memref<125000x8x32xf32, #tpu.memory_space<hbm>> -> memref<1x8x32xf32, #tpu.memory_space<hbm>>
        %dma_start3A_1568 = tpu.memref_squeeze %dma_start3A_1567 : memref<1x8x32xf32, #tpu.memory_space<hbm>> -> memref<8x32xf32, #tpu.memory_space<hbm>>
        %dma_start3A_1569 = arith.constant 0 : i32
        %dma_start3A_1570 = arith.constant 0 : i32
        %dma_start3A_1571 = tpu.memref_slice %arg8[%dma_start3A_1559, %dma_start3A_1560, %dma_start3A_1569, %dma_start3A_1570] : memref<2x32x8x32xf32, #tpu.memory_space<vmem>> -> memref<1x1x8x32xf32, #tpu.memory_space<vmem>>
        %dma_start3A_1572 = tpu.memref_squeeze %dma_start3A_1571 : memref<1x1x8x32xf32, #tpu.memory_space<vmem>> -> memref<8x32xf32, #tpu.memory_space<vmem>>
        %dma_start3A_1573 = arith.constant 0 : i32
        %dma_start3A_1574 = arith.constant 0 : i32
        %dma_start3A_1575 = tpu.memref_slice %arg3[%squeeze3A_1558, %dma_start3A_1573, %dma_start3A_1574] : memref<125000x8x32xf32, #tpu.memory_space<hbm>> -> memref<1x8x32xf32, #tpu.memory_space<hbm>>
        %dma_start3A_1576 = tpu.memref_squeeze %dma_start3A_1575 : memref<1x8x32xf32, #tpu.memory_space<hbm>> -> memref<8x32xf32, #tpu.memory_space<hbm>>
        tpu.enqueue_dma source(%dma_start3A_1576 : memref<8x32xf32, #tpu.memory_space<hbm>>) target(%dma_start3A_1572 : memref<8x32xf32, #tpu.memory_space<vmem>>) target_semaphore(%arg12 : memref<!tpu.dma_semaphore, #tpu.memory_space<semaphore_mem>>)
        %slice3A_1577 = vector.extract_strided_slice %get3A_1476 {offsets = [5], sizes = [1], strides = [1]} : vector<16xi32> to vector<1xi32>
        %squeeze3A_1578 = vector.extract %slice3A_1577[0] : i32 from vector<1xi32>
        %dma_start3A_1579 = arith.constant 1 : i32
        %dma_start3A_1580 = arith.constant 5 : i32
        %dma_start3A_1581 = arith.constant 0 : i32
        %dma_start3A_1582 = arith.constant 0 : i32
        %dma_start3A_1583 = tpu.memref_slice %arg8[%dma_start3A_1579, %dma_start3A_1580, %dma_start3A_1581, %dma_start3A_1582] : memref<2x32x8x32xf32, #tpu.memory_space<vmem>> -> memref<1x1x8x32xf32, #tpu.memory_space<vmem>>
        %dma_start3A_1584 = tpu.memref_squeeze %dma_start3A_1583 : memref<1x1x8x32xf32, #tpu.memory_space<vmem>> -> memref<8x32xf32, #tpu.memory_space<vmem>>
        %dma_start3A_1585 = arith.constant 0 : i32
        %dma_start3A_1586 = arith.constant 0 : i32
        %dma_start3A_1587 = tpu.memref_slice %arg3[%squeeze3A_1578, %dma_start3A_1585, %dma_start3A_1586] : memref<125000x8x32xf32, #tpu.memory_space<hbm>> -> memref<1x8x32xf32, #tpu.memory_space<hbm>>
        %dma_start3A_1588 = tpu.memref_squeeze %dma_start3A_1587 : memref<1x8x32xf32, #tpu.memory_space<hbm>> -> memref<8x32xf32, #tpu.memory_space<hbm>>
        %dma_start3A_1589 = arith.constant 0 : i32
        %dma_start3A_1590 = arith.constant 0 : i32
        %dma_start3A_1591 = tpu.memref_slice %arg8[%dma_start3A_1579, %dma_start3A_1580, %dma_start3A_1589, %dma_start3A_1590] : memref<2x32x8x32xf32, #tpu.memory_space<vmem>> -> memref<1x1x8x32xf32, #tpu.memory_space<vmem>>
        %dma_start3A_1592 = tpu.memref_squeeze %dma_start3A_1591 : memref<1x1x8x32xf32, #tpu.memory_space<vmem>> -> memref<8x32xf32, #tpu.memory_space<vmem>>
        %dma_start3A_1593 = arith.constant 0 : i32
        %dma_start3A_1594 = arith.constant 0 : i32
        %dma_start3A_1595 = tpu.memref_slice %arg3[%squeeze3A_1578, %dma_start3A_1593, %dma_start3A_1594] : memref<125000x8x32xf32, #tpu.memory_space<hbm>> -> memref<1x8x32xf32, #tpu.memory_space<hbm>>
        %dma_start3A_1596 = tpu.memref_squeeze %dma_start3A_1595 : memref<1x8x32xf32, #tpu.memory_space<hbm>> -> memref<8x32xf32, #tpu.memory_space<hbm>>
        tpu.enqueue_dma source(%dma_start3A_1596 : memref<8x32xf32, #tpu.memory_space<hbm>>) target(%dma_start3A_1592 : memref<8x32xf32, #tpu.memory_space<vmem>>) target_semaphore(%arg12 : memref<!tpu.dma_semaphore, #tpu.memory_space<semaphore_mem>>)
        %slice3A_1597 = vector.extract_strided_slice %get3A_1476 {offsets = [6], sizes = [1], strides = [1]} : vector<16xi32> to vector<1xi32>
        %squeeze3A_1598 = vector.extract %slice3A_1597[0] : i32 from vector<1xi32>
        %dma_start3A_1599 = arith.constant 1 : i32
        %dma_start3A_1600 = arith.constant 6 : i32
        %dma_start3A_1601 = arith.constant 0 : i32
        %dma_start3A_1602 = arith.constant 0 : i32
        %dma_start3A_1603 = tpu.memref_slice %arg8[%dma_start3A_1599, %dma_start3A_1600, %dma_start3A_1601, %dma_start3A_1602] : memref<2x32x8x32xf32, #tpu.memory_space<vmem>> -> memref<1x1x8x32xf32, #tpu.memory_space<vmem>>
        %dma_start3A_1604 = tpu.memref_squeeze %dma_start3A_1603 : memref<1x1x8x32xf32, #tpu.memory_space<vmem>> -> memref<8x32xf32, #tpu.memory_space<vmem>>
        %dma_start3A_1605 = arith.constant 0 : i32
        %dma_start3A_1606 = arith.constant 0 : i32
        %dma_start3A_1607 = tpu.memref_slice %arg3[%squeeze3A_1598, %dma_start3A_1605, %dma_start3A_1606] : memref<125000x8x32xf32, #tpu.memory_space<hbm>> -> memref<1x8x32xf32, #tpu.memory_space<hbm>>
        %dma_start3A_1608 = tpu.memref_squeeze %dma_start3A_1607 : memref<1x8x32xf32, #tpu.memory_space<hbm>> -> memref<8x32xf32, #tpu.memory_space<hbm>>
        %dma_start3A_1609 = arith.constant 0 : i32
        %dma_start3A_1610 = arith.constant 0 : i32
        %dma_start3A_1611 = tpu.memref_slice %arg8[%dma_start3A_1599, %dma_start3A_1600, %dma_start3A_1609, %dma_start3A_1610] : memref<2x32x8x32xf32, #tpu.memory_space<vmem>> -> memref<1x1x8x32xf32, #tpu.memory_space<vmem>>
        %dma_start3A_1612 = tpu.memref_squeeze %dma_start3A_1611 : memref<1x1x8x32xf32, #tpu.memory_space<vmem>> -> memref<8x32xf32, #tpu.memory_space<vmem>>
        %dma_start3A_1613 = arith.constant 0 : i32
        %dma_start3A_1614 = arith.constant 0 : i32
        %dma_start3A_1615 = tpu.memref_slice %arg3[%squeeze3A_1598, %dma_start3A_1613, %dma_start3A_1614] : memref<125000x8x32xf32, #tpu.memory_space<hbm>> -> memref<1x8x32xf32, #tpu.memory_space<hbm>>
        %dma_start3A_1616 = tpu.memref_squeeze %dma_start3A_1615 : memref<1x8x32xf32, #tpu.memory_space<hbm>> -> memref<8x32xf32, #tpu.memory_space<hbm>>
        tpu.enqueue_dma source(%dma_start3A_1616 : memref<8x32xf32, #tpu.memory_space<hbm>>) target(%dma_start3A_1612 : memref<8x32xf32, #tpu.memory_space<vmem>>) target_semaphore(%arg12 : memref<!tpu.dma_semaphore, #tpu.memory_space<semaphore_mem>>)
        %slice3A_1617 = vector.extract_strided_slice %get3A_1476 {offsets = [7], sizes = [1], strides = [1]} : vector<16xi32> to vector<1xi32>
        %squeeze3A_1618 = vector.extract %slice3A_1617[0] : i32 from vector<1xi32>
        %dma_start3A_1619 = arith.constant 1 : i32
        %dma_start3A_1620 = arith.constant 7 : i32
        %dma_start3A_1621 = arith.constant 0 : i32
        %dma_start3A_1622 = arith.constant 0 : i32
        %dma_start3A_1623 = tpu.memref_slice %arg8[%dma_start3A_1619, %dma_start3A_1620, %dma_start3A_1621, %dma_start3A_1622] : memref<2x32x8x32xf32, #tpu.memory_space<vmem>> -> memref<1x1x8x32xf32, #tpu.memory_space<vmem>>
        %dma_start3A_1624 = tpu.memref_squeeze %dma_start3A_1623 : memref<1x1x8x32xf32, #tpu.memory_space<vmem>> -> memref<8x32xf32, #tpu.memory_space<vmem>>
        %dma_start3A_1625 = arith.constant 0 : i32
        %dma_start3A_1626 = arith.constant 0 : i32
        %dma_start3A_1627 = tpu.memref_slice %arg3[%squeeze3A_1618, %dma_start3A_1625, %dma_start3A_1626] : memref<125000x8x32xf32, #tpu.memory_space<hbm>> -> memref<1x8x32xf32, #tpu.memory_space<hbm>>
        %dma_start3A_1628 = tpu.memref_squeeze %dma_start3A_1627 : memref<1x8x32xf32, #tpu.memory_space<hbm>> -> memref<8x32xf32, #tpu.memory_space<hbm>>
        %dma_start3A_1629 = arith.constant 0 : i32
        %dma_start3A_1630 = arith.constant 0 : i32
        %dma_start3A_1631 = tpu.memref_slice %arg8[%dma_start3A_1619, %dma_start3A_1620, %dma_start3A_1629, %dma_start3A_1630] : memref<2x32x8x32xf32, #tpu.memory_space<vmem>> -> memref<1x1x8x32xf32, #tpu.memory_space<vmem>>
        %dma_start3A_1632 = tpu.memref_squeeze %dma_start3A_1631 : memref<1x1x8x32xf32, #tpu.memory_space<vmem>> -> memref<8x32xf32, #tpu.memory_space<vmem>>
        %dma_start3A_1633 = arith.constant 0 : i32
        %dma_start3A_1634 = arith.constant 0 : i32
        %dma_start3A_1635 = tpu.memref_slice %arg3[%squeeze3A_1618, %dma_start3A_1633, %dma_start3A_1634] : memref<125000x8x32xf32, #tpu.memory_space<hbm>> -> memref<1x8x32xf32, #tpu.memory_space<hbm>>
        %dma_start3A_1636 = tpu.memref_squeeze %dma_start3A_1635 : memref<1x8x32xf32, #tpu.memory_space<hbm>> -> memref<8x32xf32, #tpu.memory_space<hbm>>
        tpu.enqueue_dma source(%dma_start3A_1636 : memref<8x32xf32, #tpu.memory_space<hbm>>) target(%dma_start3A_1632 : memref<8x32xf32, #tpu.memory_space<vmem>>) target_semaphore(%arg12 : memref<!tpu.dma_semaphore, #tpu.memory_space<semaphore_mem>>)
        %slice3A_1637 = vector.extract_strided_slice %get3A_1476 {offsets = [8], sizes = [1], strides = [1]} : vector<16xi32> to vector<1xi32>
        %squeeze3A_1638 = vector.extract %slice3A_1637[0] : i32 from vector<1xi32>
        %dma_start3A_1639 = arith.constant 1 : i32
        %dma_start3A_1640 = arith.constant 8 : i32
        %dma_start3A_1641 = arith.constant 0 : i32
        %dma_start3A_1642 = arith.constant 0 : i32
        %dma_start3A_1643 = tpu.memref_slice %arg8[%dma_start3A_1639, %dma_start3A_1640, %dma_start3A_1641, %dma_start3A_1642] : memref<2x32x8x32xf32, #tpu.memory_space<vmem>> -> memref<1x1x8x32xf32, #tpu.memory_space<vmem>>
        %dma_start3A_1644 = tpu.memref_squeeze %dma_start3A_1643 : memref<1x1x8x32xf32, #tpu.memory_space<vmem>> -> memref<8x32xf32, #tpu.memory_space<vmem>>
        %dma_start3A_1645 = arith.constant 0 : i32
        %dma_start3A_1646 = arith.constant 0 : i32
        %dma_start3A_1647 = tpu.memref_slice %arg3[%squeeze3A_1638, %dma_start3A_1645, %dma_start3A_1646] : memref<125000x8x32xf32, #tpu.memory_space<hbm>> -> memref<1x8x32xf32, #tpu.memory_space<hbm>>
        %dma_start3A_1648 = tpu.memref_squeeze %dma_start3A_1647 : memref<1x8x32xf32, #tpu.memory_space<hbm>> -> memref<8x32xf32, #tpu.memory_space<hbm>>
        %dma_start3A_1649 = arith.constant 0 : i32
        %dma_start3A_1650 = arith.constant 0 : i32
        %dma_start3A_1651 = tpu.memref_slice %arg8[%dma_start3A_1639, %dma_start3A_1640, %dma_start3A_1649, %dma_start3A_1650] : memref<2x32x8x32xf32, #tpu.memory_space<vmem>> -> memref<1x1x8x32xf32, #tpu.memory_space<vmem>>
        %dma_start3A_1652 = tpu.memref_squeeze %dma_start3A_1651 : memref<1x1x8x32xf32, #tpu.memory_space<vmem>> -> memref<8x32xf32, #tpu.memory_space<vmem>>
        %dma_start3A_1653 = arith.constant 0 : i32
        %dma_start3A_1654 = arith.constant 0 : i32
        %dma_start3A_1655 = tpu.memref_slice %arg3[%squeeze3A_1638, %dma_start3A_1653, %dma_start3A_1654] : memref<125000x8x32xf32, #tpu.memory_space<hbm>> -> memref<1x8x32xf32, #tpu.memory_space<hbm>>
        %dma_start3A_1656 = tpu.memref_squeeze %dma_start3A_1655 : memref<1x8x32xf32, #tpu.memory_space<hbm>> -> memref<8x32xf32, #tpu.memory_space<hbm>>
        tpu.enqueue_dma source(%dma_start3A_1656 : memref<8x32xf32, #tpu.memory_space<hbm>>) target(%dma_start3A_1652 : memref<8x32xf32, #tpu.memory_space<vmem>>) target_semaphore(%arg12 : memref<!tpu.dma_semaphore, #tpu.memory_space<semaphore_mem>>)
        %slice3A_1657 = vector.extract_strided_slice %get3A_1476 {offsets = [9], sizes = [1], strides = [1]} : vector<16xi32> to vector<1xi32>
        %squeeze3A_1658 = vector.extract %slice3A_1657[0] : i32 from vector<1xi32>
        %dma_start3A_1659 = arith.constant 1 : i32
        %dma_start3A_1660 = arith.constant 9 : i32
        %dma_start3A_1661 = arith.constant 0 : i32
        %dma_start3A_1662 = arith.constant 0 : i32
        %dma_start3A_1663 = tpu.memref_slice %arg8[%dma_start3A_1659, %dma_start3A_1660, %dma_start3A_1661, %dma_start3A_1662] : memref<2x32x8x32xf32, #tpu.memory_space<vmem>> -> memref<1x1x8x32xf32, #tpu.memory_space<vmem>>
        %dma_start3A_1664 = tpu.memref_squeeze %dma_start3A_1663 : memref<1x1x8x32xf32, #tpu.memory_space<vmem>> -> memref<8x32xf32, #tpu.memory_space<vmem>>
        %dma_start3A_1665 = arith.constant 0 : i32
        %dma_start3A_1666 = arith.constant 0 : i32
        %dma_start3A_1667 = tpu.memref_slice %arg3[%squeeze3A_1658, %dma_start3A_1665, %dma_start3A_1666] : memref<125000x8x32xf32, #tpu.memory_space<hbm>> -> memref<1x8x32xf32, #tpu.memory_space<hbm>>
        %dma_start3A_1668 = tpu.memref_squeeze %dma_start3A_1667 : memref<1x8x32xf32, #tpu.memory_space<hbm>> -> memref<8x32xf32, #tpu.memory_space<hbm>>
        %dma_start3A_1669 = arith.constant 0 : i32
        %dma_start3A_1670 = arith.constant 0 : i32
        %dma_start3A_1671 = tpu.memref_slice %arg8[%dma_start3A_1659, %dma_start3A_1660, %dma_start3A_1669, %dma_start3A_1670] : memref<2x32x8x32xf32, #tpu.memory_space<vmem>> -> memref<1x1x8x32xf32, #tpu.memory_space<vmem>>
        %dma_start3A_1672 = tpu.memref_squeeze %dma_start3A_1671 : memref<1x1x8x32xf32, #tpu.memory_space<vmem>> -> memref<8x32xf32, #tpu.memory_space<vmem>>
        %dma_start3A_1673 = arith.constant 0 : i32
        %dma_start3A_1674 = arith.constant 0 : i32
        %dma_start3A_1675 = tpu.memref_slice %arg3[%squeeze3A_1658, %dma_start3A_1673, %dma_start3A_1674] : memref<125000x8x32xf32, #tpu.memory_space<hbm>> -> memref<1x8x32xf32, #tpu.memory_space<hbm>>
        %dma_start3A_1676 = tpu.memref_squeeze %dma_start3A_1675 : memref<1x8x32xf32, #tpu.memory_space<hbm>> -> memref<8x32xf32, #tpu.memory_space<hbm>>
        tpu.enqueue_dma source(%dma_start3A_1676 : memref<8x32xf32, #tpu.memory_space<hbm>>) target(%dma_start3A_1672 : memref<8x32xf32, #tpu.memory_space<vmem>>) target_semaphore(%arg12 : memref<!tpu.dma_semaphore, #tpu.memory_space<semaphore_mem>>)
        %slice3A_1677 = vector.extract_strided_slice %get3A_1476 {offsets = [10], sizes = [1], strides = [1]} : vector<16xi32> to vector<1xi32>
        %squeeze3A_1678 = vector.extract %slice3A_1677[0] : i32 from vector<1xi32>
        %dma_start3A_1679 = arith.constant 1 : i32
        %dma_start3A_1680 = arith.constant 10 : i32
        %dma_start3A_1681 = arith.constant 0 : i32
        %dma_start3A_1682 = arith.constant 0 : i32
        %dma_start3A_1683 = tpu.memref_slice %arg8[%dma_start3A_1679, %dma_start3A_1680, %dma_start3A_1681, %dma_start3A_1682] : memref<2x32x8x32xf32, #tpu.memory_space<vmem>> -> memref<1x1x8x32xf32, #tpu.memory_space<vmem>>
        %dma_start3A_1684 = tpu.memref_squeeze %dma_start3A_1683 : memref<1x1x8x32xf32, #tpu.memory_space<vmem>> -> memref<8x32xf32, #tpu.memory_space<vmem>>
        %dma_start3A_1685 = arith.constant 0 : i32
        %dma_start3A_1686 = arith.constant 0 : i32
        %dma_start3A_1687 = tpu.memref_slice %arg3[%squeeze3A_1678, %dma_start3A_1685, %dma_start3A_1686] : memref<125000x8x32xf32, #tpu.memory_space<hbm>> -> memref<1x8x32xf32, #tpu.memory_space<hbm>>
        %dma_start3A_1688 = tpu.memref_squeeze %dma_start3A_1687 : memref<1x8x32xf32, #tpu.memory_space<hbm>> -> memref<8x32xf32, #tpu.memory_space<hbm>>
        %dma_start3A_1689 = arith.constant 0 : i32
        %dma_start3A_1690 = arith.constant 0 : i32
        %dma_start3A_1691 = tpu.memref_slice %arg8[%dma_start3A_1679, %dma_start3A_1680, %dma_start3A_1689, %dma_start3A_1690] : memref<2x32x8x32xf32, #tpu.memory_space<vmem>> -> memref<1x1x8x32xf32, #tpu.memory_space<vmem>>
        %dma_start3A_1692 = tpu.memref_squeeze %dma_start3A_1691 : memref<1x1x8x32xf32, #tpu.memory_space<vmem>> -> memref<8x32xf32, #tpu.memory_space<vmem>>
        %dma_start3A_1693 = arith.constant 0 : i32
        %dma_start3A_1694 = arith.constant 0 : i32
        %dma_start3A_1695 = tpu.memref_slice %arg3[%squeeze3A_1678, %dma_start3A_1693, %dma_start3A_1694] : memref<125000x8x32xf32, #tpu.memory_space<hbm>> -> memref<1x8x32xf32, #tpu.memory_space<hbm>>
        %dma_start3A_1696 = tpu.memref_squeeze %dma_start3A_1695 : memref<1x8x32xf32, #tpu.memory_space<hbm>> -> memref<8x32xf32, #tpu.memory_space<hbm>>
        tpu.enqueue_dma source(%dma_start3A_1696 : memref<8x32xf32, #tpu.memory_space<hbm>>) target(%dma_start3A_1692 : memref<8x32xf32, #tpu.memory_space<vmem>>) target_semaphore(%arg12 : memref<!tpu.dma_semaphore, #tpu.memory_space<semaphore_mem>>)
        %slice3A_1697 = vector.extract_strided_slice %get3A_1476 {offsets = [11], sizes = [1], strides = [1]} : vector<16xi32> to vector<1xi32>
        %squeeze3A_1698 = vector.extract %slice3A_1697[0] : i32 from vector<1xi32>
        %dma_start3A_1699 = arith.constant 1 : i32
        %dma_start3A_1700 = arith.constant 11 : i32
        %dma_start3A_1701 = arith.constant 0 : i32
        %dma_start3A_1702 = arith.constant 0 : i32
        %dma_start3A_1703 = tpu.memref_slice %arg8[%dma_start3A_1699, %dma_start3A_1700, %dma_start3A_1701, %dma_start3A_1702] : memref<2x32x8x32xf32, #tpu.memory_space<vmem>> -> memref<1x1x8x32xf32, #tpu.memory_space<vmem>>
        %dma_start3A_1704 = tpu.memref_squeeze %dma_start3A_1703 : memref<1x1x8x32xf32, #tpu.memory_space<vmem>> -> memref<8x32xf32, #tpu.memory_space<vmem>>
        %dma_start3A_1705 = arith.constant 0 : i32
        %dma_start3A_1706 = arith.constant 0 : i32
        %dma_start3A_1707 = tpu.memref_slice %arg3[%squeeze3A_1698, %dma_start3A_1705, %dma_start3A_1706] : memref<125000x8x32xf32, #tpu.memory_space<hbm>> -> memref<1x8x32xf32, #tpu.memory_space<hbm>>
        %dma_start3A_1708 = tpu.memref_squeeze %dma_start3A_1707 : memref<1x8x32xf32, #tpu.memory_space<hbm>> -> memref<8x32xf32, #tpu.memory_space<hbm>>
        %dma_start3A_1709 = arith.constant 0 : i32
        %dma_start3A_1710 = arith.constant 0 : i32
        %dma_start3A_1711 = tpu.memref_slice %arg8[%dma_start3A_1699, %dma_start3A_1700, %dma_start3A_1709, %dma_start3A_1710] : memref<2x32x8x32xf32, #tpu.memory_space<vmem>> -> memref<1x1x8x32xf32, #tpu.memory_space<vmem>>
        %dma_start3A_1712 = tpu.memref_squeeze %dma_start3A_1711 : memref<1x1x8x32xf32, #tpu.memory_space<vmem>> -> memref<8x32xf32, #tpu.memory_space<vmem>>
        %dma_start3A_1713 = arith.constant 0 : i32
        %dma_start3A_1714 = arith.constant 0 : i32
        %dma_start3A_1715 = tpu.memref_slice %arg3[%squeeze3A_1698, %dma_start3A_1713, %dma_start3A_1714] : memref<125000x8x32xf32, #tpu.memory_space<hbm>> -> memref<1x8x32xf32, #tpu.memory_space<hbm>>
        %dma_start3A_1716 = tpu.memref_squeeze %dma_start3A_1715 : memref<1x8x32xf32, #tpu.memory_space<hbm>> -> memref<8x32xf32, #tpu.memory_space<hbm>>
        tpu.enqueue_dma source(%dma_start3A_1716 : memref<8x32xf32, #tpu.memory_space<hbm>>) target(%dma_start3A_1712 : memref<8x32xf32, #tpu.memory_space<vmem>>) target_semaphore(%arg12 : memref<!tpu.dma_semaphore, #tpu.memory_space<semaphore_mem>>)
        %slice3A_1717 = vector.extract_strided_slice %get3A_1476 {offsets = [12], sizes = [1], strides = [1]} : vector<16xi32> to vector<1xi32>
        %squeeze3A_1718 = vector.extract %slice3A_1717[0] : i32 from vector<1xi32>
        %dma_start3A_1719 = arith.constant 1 : i32
        %dma_start3A_1720 = arith.constant 12 : i32
        %dma_start3A_1721 = arith.constant 0 : i32
        %dma_start3A_1722 = arith.constant 0 : i32
        %dma_start3A_1723 = tpu.memref_slice %arg8[%dma_start3A_1719, %dma_start3A_1720, %dma_start3A_1721, %dma_start3A_1722] : memref<2x32x8x32xf32, #tpu.memory_space<vmem>> -> memref<1x1x8x32xf32, #tpu.memory_space<vmem>>
        %dma_start3A_1724 = tpu.memref_squeeze %dma_start3A_1723 : memref<1x1x8x32xf32, #tpu.memory_space<vmem>> -> memref<8x32xf32, #tpu.memory_space<vmem>>
        %dma_start3A_1725 = arith.constant 0 : i32
        %dma_start3A_1726 = arith.constant 0 : i32
        %dma_start3A_1727 = tpu.memref_slice %arg3[%squeeze3A_1718, %dma_start3A_1725, %dma_start3A_1726] : memref<125000x8x32xf32, #tpu.memory_space<hbm>> -> memref<1x8x32xf32, #tpu.memory_space<hbm>>
        %dma_start3A_1728 = tpu.memref_squeeze %dma_start3A_1727 : memref<1x8x32xf32, #tpu.memory_space<hbm>> -> memref<8x32xf32, #tpu.memory_space<hbm>>
        %dma_start3A_1729 = arith.constant 0 : i32
        %dma_start3A_1730 = arith.constant 0 : i32
        %dma_start3A_1731 = tpu.memref_slice %arg8[%dma_start3A_1719, %dma_start3A_1720, %dma_start3A_1729, %dma_start3A_1730] : memref<2x32x8x32xf32, #tpu.memory_space<vmem>> -> memref<1x1x8x32xf32, #tpu.memory_space<vmem>>
        %dma_start3A_1732 = tpu.memref_squeeze %dma_start3A_1731 : memref<1x1x8x32xf32, #tpu.memory_space<vmem>> -> memref<8x32xf32, #tpu.memory_space<vmem>>
        %dma_start3A_1733 = arith.constant 0 : i32
        %dma_start3A_1734 = arith.constant 0 : i32
        %dma_start3A_1735 = tpu.memref_slice %arg3[%squeeze3A_1718, %dma_start3A_1733, %dma_start3A_1734] : memref<125000x8x32xf32, #tpu.memory_space<hbm>> -> memref<1x8x32xf32, #tpu.memory_space<hbm>>
        %dma_start3A_1736 = tpu.memref_squeeze %dma_start3A_1735 : memref<1x8x32xf32, #tpu.memory_space<hbm>> -> memref<8x32xf32, #tpu.memory_space<hbm>>
        tpu.enqueue_dma source(%dma_start3A_1736 : memref<8x32xf32, #tpu.memory_space<hbm>>) target(%dma_start3A_1732 : memref<8x32xf32, #tpu.memory_space<vmem>>) target_semaphore(%arg12 : memref<!tpu.dma_semaphore, #tpu.memory_space<semaphore_mem>>)
        %slice3A_1737 = vector.extract_strided_slice %get3A_1476 {offsets = [13], sizes = [1], strides = [1]} : vector<16xi32> to vector<1xi32>
        %squeeze3A_1738 = vector.extract %slice3A_1737[0] : i32 from vector<1xi32>
        %dma_start3A_1739 = arith.constant 1 : i32
        %dma_start3A_1740 = arith.constant 13 : i32
        %dma_start3A_1741 = arith.constant 0 : i32
        %dma_start3A_1742 = arith.constant 0 : i32
        %dma_start3A_1743 = tpu.memref_slice %arg8[%dma_start3A_1739, %dma_start3A_1740, %dma_start3A_1741, %dma_start3A_1742] : memref<2x32x8x32xf32, #tpu.memory_space<vmem>> -> memref<1x1x8x32xf32, #tpu.memory_space<vmem>>
        %dma_start3A_1744 = tpu.memref_squeeze %dma_start3A_1743 : memref<1x1x8x32xf32, #tpu.memory_space<vmem>> -> memref<8x32xf32, #tpu.memory_space<vmem>>
        %dma_start3A_1745 = arith.constant 0 : i32
        %dma_start3A_1746 = arith.constant 0 : i32
        %dma_start3A_1747 = tpu.memref_slice %arg3[%squeeze3A_1738, %dma_start3A_1745, %dma_start3A_1746] : memref<125000x8x32xf32, #tpu.memory_space<hbm>> -> memref<1x8x32xf32, #tpu.memory_space<hbm>>
        %dma_start3A_1748 = tpu.memref_squeeze %dma_start3A_1747 : memref<1x8x32xf32, #tpu.memory_space<hbm>> -> memref<8x32xf32, #tpu.memory_space<hbm>>
        %dma_start3A_1749 = arith.constant 0 : i32
        %dma_start3A_1750 = arith.constant 0 : i32
        %dma_start3A_1751 = tpu.memref_slice %arg8[%dma_start3A_1739, %dma_start3A_1740, %dma_start3A_1749, %dma_start3A_1750] : memref<2x32x8x32xf32, #tpu.memory_space<vmem>> -> memref<1x1x8x32xf32, #tpu.memory_space<vmem>>
        %dma_start3A_1752 = tpu.memref_squeeze %dma_start3A_1751 : memref<1x1x8x32xf32, #tpu.memory_space<vmem>> -> memref<8x32xf32, #tpu.memory_space<vmem>>
        %dma_start3A_1753 = arith.constant 0 : i32
        %dma_start3A_1754 = arith.constant 0 : i32
        %dma_start3A_1755 = tpu.memref_slice %arg3[%squeeze3A_1738, %dma_start3A_1753, %dma_start3A_1754] : memref<125000x8x32xf32, #tpu.memory_space<hbm>> -> memref<1x8x32xf32, #tpu.memory_space<hbm>>
        %dma_start3A_1756 = tpu.memref_squeeze %dma_start3A_1755 : memref<1x8x32xf32, #tpu.memory_space<hbm>> -> memref<8x32xf32, #tpu.memory_space<hbm>>
        tpu.enqueue_dma source(%dma_start3A_1756 : memref<8x32xf32, #tpu.memory_space<hbm>>) target(%dma_start3A_1752 : memref<8x32xf32, #tpu.memory_space<vmem>>) target_semaphore(%arg12 : memref<!tpu.dma_semaphore, #tpu.memory_space<semaphore_mem>>)
        %slice3A_1757 = vector.extract_strided_slice %get3A_1476 {offsets = [14], sizes = [1], strides = [1]} : vector<16xi32> to vector<1xi32>
        %squeeze3A_1758 = vector.extract %slice3A_1757[0] : i32 from vector<1xi32>
        %dma_start3A_1759 = arith.constant 1 : i32
        %dma_start3A_1760 = arith.constant 14 : i32
        %dma_start3A_1761 = arith.constant 0 : i32
        %dma_start3A_1762 = arith.constant 0 : i32
        %dma_start3A_1763 = tpu.memref_slice %arg8[%dma_start3A_1759, %dma_start3A_1760, %dma_start3A_1761, %dma_start3A_1762] : memref<2x32x8x32xf32, #tpu.memory_space<vmem>> -> memref<1x1x8x32xf32, #tpu.memory_space<vmem>>
        %dma_start3A_1764 = tpu.memref_squeeze %dma_start3A_1763 : memref<1x1x8x32xf32, #tpu.memory_space<vmem>> -> memref<8x32xf32, #tpu.memory_space<vmem>>
        %dma_start3A_1765 = arith.constant 0 : i32
        %dma_start3A_1766 = arith.constant 0 : i32
        %dma_start3A_1767 = tpu.memref_slice %arg3[%squeeze3A_1758, %dma_start3A_1765, %dma_start3A_1766] : memref<125000x8x32xf32, #tpu.memory_space<hbm>> -> memref<1x8x32xf32, #tpu.memory_space<hbm>>
        %dma_start3A_1768 = tpu.memref_squeeze %dma_start3A_1767 : memref<1x8x32xf32, #tpu.memory_space<hbm>> -> memref<8x32xf32, #tpu.memory_space<hbm>>
        %dma_start3A_1769 = arith.constant 0 : i32
        %dma_start3A_1770 = arith.constant 0 : i32
        %dma_start3A_1771 = tpu.memref_slice %arg8[%dma_start3A_1759, %dma_start3A_1760, %dma_start3A_1769, %dma_start3A_1770] : memref<2x32x8x32xf32, #tpu.memory_space<vmem>> -> memref<1x1x8x32xf32, #tpu.memory_space<vmem>>
        %dma_start3A_1772 = tpu.memref_squeeze %dma_start3A_1771 : memref<1x1x8x32xf32, #tpu.memory_space<vmem>> -> memref<8x32xf32, #tpu.memory_space<vmem>>
        %dma_start3A_1773 = arith.constant 0 : i32
        %dma_start3A_1774 = arith.constant 0 : i32
        %dma_start3A_1775 = tpu.memref_slice %arg3[%squeeze3A_1758, %dma_start3A_1773, %dma_start3A_1774] : memref<125000x8x32xf32, #tpu.memory_space<hbm>> -> memref<1x8x32xf32, #tpu.memory_space<hbm>>
        %dma_start3A_1776 = tpu.memref_squeeze %dma_start3A_1775 : memref<1x8x32xf32, #tpu.memory_space<hbm>> -> memref<8x32xf32, #tpu.memory_space<hbm>>
        tpu.enqueue_dma source(%dma_start3A_1776 : memref<8x32xf32, #tpu.memory_space<hbm>>) target(%dma_start3A_1772 : memref<8x32xf32, #tpu.memory_space<vmem>>) target_semaphore(%arg12 : memref<!tpu.dma_semaphore, #tpu.memory_space<semaphore_mem>>)
        %slice3A_1777 = vector.extract_strided_slice %get3A_1476 {offsets = [15], sizes = [1], strides = [1]} : vector<16xi32> to vector<1xi32>
        %squeeze3A_1778 = vector.extract %slice3A_1777[0] : i32 from vector<1xi32>
        %dma_start3A_1779 = arith.constant 1 : i32
        %dma_start3A_1780 = arith.constant 15 : i32
        %dma_start3A_1781 = arith.constant 0 : i32
        %dma_start3A_1782 = arith.constant 0 : i32
        %dma_start3A_1783 = tpu.memref_slice %arg8[%dma_start3A_1779, %dma_start3A_1780, %dma_start3A_1781, %dma_start3A_1782] : memref<2x32x8x32xf32, #tpu.memory_space<vmem>> -> memref<1x1x8x32xf32, #tpu.memory_space<vmem>>
        %dma_start3A_1784 = tpu.memref_squeeze %dma_start3A_1783 : memref<1x1x8x32xf32, #tpu.memory_space<vmem>> -> memref<8x32xf32, #tpu.memory_space<vmem>>
        %dma_start3A_1785 = arith.constant 0 : i32
        %dma_start3A_1786 = arith.constant 0 : i32
        %dma_start3A_1787 = tpu.memref_slice %arg3[%squeeze3A_1778, %dma_start3A_1785, %dma_start3A_1786] : memref<125000x8x32xf32, #tpu.memory_space<hbm>> -> memref<1x8x32xf32, #tpu.memory_space<hbm>>
        %dma_start3A_1788 = tpu.memref_squeeze %dma_start3A_1787 : memref<1x8x32xf32, #tpu.memory_space<hbm>> -> memref<8x32xf32, #tpu.memory_space<hbm>>
        %dma_start3A_1789 = arith.constant 0 : i32
        %dma_start3A_1790 = arith.constant 0 : i32
        %dma_start3A_1791 = tpu.memref_slice %arg8[%dma_start3A_1779, %dma_start3A_1780, %dma_start3A_1789, %dma_start3A_1790] : memref<2x32x8x32xf32, #tpu.memory_space<vmem>> -> memref<1x1x8x32xf32, #tpu.memory_space<vmem>>
        %dma_start3A_1792 = tpu.memref_squeeze %dma_start3A_1791 : memref<1x1x8x32xf32, #tpu.memory_space<vmem>> -> memref<8x32xf32, #tpu.memory_space<vmem>>
        %dma_start3A_1793 = arith.constant 0 : i32
        %dma_start3A_1794 = arith.constant 0 : i32
        %dma_start3A_1795 = tpu.memref_slice %arg3[%squeeze3A_1778, %dma_start3A_1793, %dma_start3A_1794] : memref<125000x8x32xf32, #tpu.memory_space<hbm>> -> memref<1x8x32xf32, #tpu.memory_space<hbm>>
        %dma_start3A_1796 = tpu.memref_squeeze %dma_start3A_1795 : memref<1x8x32xf32, #tpu.memory_space<hbm>> -> memref<8x32xf32, #tpu.memory_space<hbm>>
        tpu.enqueue_dma source(%dma_start3A_1796 : memref<8x32xf32, #tpu.memory_space<hbm>>) target(%dma_start3A_1792 : memref<8x32xf32, #tpu.memory_space<vmem>>) target_semaphore(%arg12 : memref<!tpu.dma_semaphore, #tpu.memory_space<semaphore_mem>>)
        %add3A_1797 = arith.constant 16 : i32
        %add3A_1798 = arith.addi %mul3A_1472, %add3A_1797 : i32
        %get3A_1799 = arith.index_cast %add3A_1798 : i32 to index
        %get3A_1800 = tpu.vector_load %arg7[%get3A_1799] {strides = array<i32>} : memref<512xi32, #tpu.memory_space<vmem>>, vector<16xi32>,
        %slice3A_1801 = vector.extract_strided_slice %get3A_1800 {offsets = [0], sizes = [1], strides = [1]} : vector<16xi32> to vector<1xi32>
        %squeeze3A_1802 = vector.extract %slice3A_1801[0] : i32 from vector<1xi32>
        %dma_start3A_1803 = arith.constant 1 : i32
        %dma_start3A_1804 = arith.constant 16 : i32
        %dma_start3A_1805 = arith.constant 0 : i32
        %dma_start3A_1806 = arith.constant 0 : i32
        %dma_start3A_1807 = tpu.memref_slice %arg8[%dma_start3A_1803, %dma_start3A_1804, %dma_start3A_1805, %dma_start3A_1806] : memref<2x32x8x32xf32, #tpu.memory_space<vmem>> -> memref<1x1x8x32xf32, #tpu.memory_space<vmem>>
        %dma_start3A_1808 = tpu.memref_squeeze %dma_start3A_1807 : memref<1x1x8x32xf32, #tpu.memory_space<vmem>> -> memref<8x32xf32, #tpu.memory_space<vmem>>
        %dma_start3A_1809 = arith.constant 0 : i32
        %dma_start3A_1810 = arith.constant 0 : i32
        %dma_start3A_1811 = tpu.memref_slice %arg3[%squeeze3A_1802, %dma_start3A_1809, %dma_start3A_1810] : memref<125000x8x32xf32, #tpu.memory_space<hbm>> -> memref<1x8x32xf32, #tpu.memory_space<hbm>>
        %dma_start3A_1812 = tpu.memref_squeeze %dma_start3A_1811 : memref<1x8x32xf32, #tpu.memory_space<hbm>> -> memref<8x32xf32, #tpu.memory_space<hbm>>
        %dma_start3A_1813 = arith.constant 0 : i32
        %dma_start3A_1814 = arith.constant 0 : i32
        %dma_start3A_1815 = tpu.memref_slice %arg8[%dma_start3A_1803, %dma_start3A_1804, %dma_start3A_1813, %dma_start3A_1814] : memref<2x32x8x32xf32, #tpu.memory_space<vmem>> -> memref<1x1x8x32xf32, #tpu.memory_space<vmem>>
        %dma_start3A_1816 = tpu.memref_squeeze %dma_start3A_1815 : memref<1x1x8x32xf32, #tpu.memory_space<vmem>> -> memref<8x32xf32, #tpu.memory_space<vmem>>
        %dma_start3A_1817 = arith.constant 0 : i32
        %dma_start3A_1818 = arith.constant 0 : i32
        %dma_start3A_1819 = tpu.memref_slice %arg3[%squeeze3A_1802, %dma_start3A_1817, %dma_start3A_1818] : memref<125000x8x32xf32, #tpu.memory_space<hbm>> -> memref<1x8x32xf32, #tpu.memory_space<hbm>>
        %dma_start3A_1820 = tpu.memref_squeeze %dma_start3A_1819 : memref<1x8x32xf32, #tpu.memory_space<hbm>> -> memref<8x32xf32, #tpu.memory_space<hbm>>
        tpu.enqueue_dma source(%dma_start3A_1820 : memref<8x32xf32, #tpu.memory_space<hbm>>) target(%dma_start3A_1816 : memref<8x32xf32, #tpu.memory_space<vmem>>) target_semaphore(%arg12 : memref<!tpu.dma_semaphore, #tpu.memory_space<semaphore_mem>>)
        %slice3A_1821 = vector.extract_strided_slice %get3A_1800 {offsets = [1], sizes = [1], strides = [1]} : vector<16xi32> to vector<1xi32>
        %squeeze3A_1822 = vector.extract %slice3A_1821[0] : i32 from vector<1xi32>
        %dma_start3A_1823 = arith.constant 1 : i32
        %dma_start3A_1824 = arith.constant 17 : i32
        %dma_start3A_1825 = arith.constant 0 : i32
        %dma_start3A_1826 = arith.constant 0 : i32
        %dma_start3A_1827 = tpu.memref_slice %arg8[%dma_start3A_1823, %dma_start3A_1824, %dma_start3A_1825, %dma_start3A_1826] : memref<2x32x8x32xf32, #tpu.memory_space<vmem>> -> memref<1x1x8x32xf32, #tpu.memory_space<vmem>>
        %dma_start3A_1828 = tpu.memref_squeeze %dma_start3A_1827 : memref<1x1x8x32xf32, #tpu.memory_space<vmem>> -> memref<8x32xf32, #tpu.memory_space<vmem>>
        %dma_start3A_1829 = arith.constant 0 : i32
        %dma_start3A_1830 = arith.constant 0 : i32
        %dma_start3A_1831 = tpu.memref_slice %arg3[%squeeze3A_1822, %dma_start3A_1829, %dma_start3A_1830] : memref<125000x8x32xf32, #tpu.memory_space<hbm>> -> memref<1x8x32xf32, #tpu.memory_space<hbm>>
        %dma_start3A_1832 = tpu.memref_squeeze %dma_start3A_1831 : memref<1x8x32xf32, #tpu.memory_space<hbm>> -> memref<8x32xf32, #tpu.memory_space<hbm>>
        %dma_start3A_1833 = arith.constant 0 : i32
        %dma_start3A_1834 = arith.constant 0 : i32
        %dma_start3A_1835 = tpu.memref_slice %arg8[%dma_start3A_1823, %dma_start3A_1824, %dma_start3A_1833, %dma_start3A_1834] : memref<2x32x8x32xf32, #tpu.memory_space<vmem>> -> memref<1x1x8x32xf32, #tpu.memory_space<vmem>>
        %dma_start3A_1836 = tpu.memref_squeeze %dma_start3A_1835 : memref<1x1x8x32xf32, #tpu.memory_space<vmem>> -> memref<8x32xf32, #tpu.memory_space<vmem>>
        %dma_start3A_1837 = arith.constant 0 : i32
        %dma_start3A_1838 = arith.constant 0 : i32
        %dma_start3A_1839 = tpu.memref_slice %arg3[%squeeze3A_1822, %dma_start3A_1837, %dma_start3A_1838] : memref<125000x8x32xf32, #tpu.memory_space<hbm>> -> memref<1x8x32xf32, #tpu.memory_space<hbm>>
        %dma_start3A_1840 = tpu.memref_squeeze %dma_start3A_1839 : memref<1x8x32xf32, #tpu.memory_space<hbm>> -> memref<8x32xf32, #tpu.memory_space<hbm>>
        tpu.enqueue_dma source(%dma_start3A_1840 : memref<8x32xf32, #tpu.memory_space<hbm>>) target(%dma_start3A_1836 : memref<8x32xf32, #tpu.memory_space<vmem>>) target_semaphore(%arg12 : memref<!tpu.dma_semaphore, #tpu.memory_space<semaphore_mem>>)
        %slice3A_1841 = vector.extract_strided_slice %get3A_1800 {offsets = [2], sizes = [1], strides = [1]} : vector<16xi32> to vector<1xi32>
        %squeeze3A_1842 = vector.extract %slice3A_1841[0] : i32 from vector<1xi32>
        %dma_start3A_1843 = arith.constant 1 : i32
        %dma_start3A_1844 = arith.constant 18 : i32
        %dma_start3A_1845 = arith.constant 0 : i32
        %dma_start3A_1846 = arith.constant 0 : i32
        %dma_start3A_1847 = tpu.memref_slice %arg8[%dma_start3A_1843, %dma_start3A_1844, %dma_start3A_1845, %dma_start3A_1846] : memref<2x32x8x32xf32, #tpu.memory_space<vmem>> -> memref<1x1x8x32xf32, #tpu.memory_space<vmem>>
        %dma_start3A_1848 = tpu.memref_squeeze %dma_start3A_1847 : memref<1x1x8x32xf32, #tpu.memory_space<vmem>> -> memref<8x32xf32, #tpu.memory_space<vmem>>
        %dma_start3A_1849 = arith.constant 0 : i32
        %dma_start3A_1850 = arith.constant 0 : i32
        %dma_start3A_1851 = tpu.memref_slice %arg3[%squeeze3A_1842, %dma_start3A_1849, %dma_start3A_1850] : memref<125000x8x32xf32, #tpu.memory_space<hbm>> -> memref<1x8x32xf32, #tpu.memory_space<hbm>>
        %dma_start3A_1852 = tpu.memref_squeeze %dma_start3A_1851 : memref<1x8x32xf32, #tpu.memory_space<hbm>> -> memref<8x32xf32, #tpu.memory_space<hbm>>
        %dma_start3A_1853 = arith.constant 0 : i32
        %dma_start3A_1854 = arith.constant 0 : i32
        %dma_start3A_1855 = tpu.memref_slice %arg8[%dma_start3A_1843, %dma_start3A_1844, %dma_start3A_1853, %dma_start3A_1854] : memref<2x32x8x32xf32, #tpu.memory_space<vmem>> -> memref<1x1x8x32xf32, #tpu.memory_space<vmem>>
        %dma_start3A_1856 = tpu.memref_squeeze %dma_start3A_1855 : memref<1x1x8x32xf32, #tpu.memory_space<vmem>> -> memref<8x32xf32, #tpu.memory_space<vmem>>
        %dma_start3A_1857 = arith.constant 0 : i32
        %dma_start3A_1858 = arith.constant 0 : i32
        %dma_start3A_1859 = tpu.memref_slice %arg3[%squeeze3A_1842, %dma_start3A_1857, %dma_start3A_1858] : memref<125000x8x32xf32, #tpu.memory_space<hbm>> -> memref<1x8x32xf32, #tpu.memory_space<hbm>>
        %dma_start3A_1860 = tpu.memref_squeeze %dma_start3A_1859 : memref<1x8x32xf32, #tpu.memory_space<hbm>> -> memref<8x32xf32, #tpu.memory_space<hbm>>
        tpu.enqueue_dma source(%dma_start3A_1860 : memref<8x32xf32, #tpu.memory_space<hbm>>) target(%dma_start3A_1856 : memref<8x32xf32, #tpu.memory_space<vmem>>) target_semaphore(%arg12 : memref<!tpu.dma_semaphore, #tpu.memory_space<semaphore_mem>>)
        %slice3A_1861 = vector.extract_strided_slice %get3A_1800 {offsets = [3], sizes = [1], strides = [1]} : vector<16xi32> to vector<1xi32>
        %squeeze3A_1862 = vector.extract %slice3A_1861[0] : i32 from vector<1xi32>
        %dma_start3A_1863 = arith.constant 1 : i32
        %dma_start3A_1864 = arith.constant 19 : i32
        %dma_start3A_1865 = arith.constant 0 : i32
        %dma_start3A_1866 = arith.constant 0 : i32
        %dma_start3A_1867 = tpu.memref_slice %arg8[%dma_start3A_1863, %dma_start3A_1864, %dma_start3A_1865, %dma_start3A_1866] : memref<2x32x8x32xf32, #tpu.memory_space<vmem>> -> memref<1x1x8x32xf32, #tpu.memory_space<vmem>>
        %dma_start3A_1868 = tpu.memref_squeeze %dma_start3A_1867 : memref<1x1x8x32xf32, #tpu.memory_space<vmem>> -> memref<8x32xf32, #tpu.memory_space<vmem>>
        %dma_start3A_1869 = arith.constant 0 : i32
        %dma_start3A_1870 = arith.constant 0 : i32
        %dma_start3A_1871 = tpu.memref_slice %arg3[%squeeze3A_1862, %dma_start3A_1869, %dma_start3A_1870] : memref<125000x8x32xf32, #tpu.memory_space<hbm>> -> memref<1x8x32xf32, #tpu.memory_space<hbm>>
        %dma_start3A_1872 = tpu.memref_squeeze %dma_start3A_1871 : memref<1x8x32xf32, #tpu.memory_space<hbm>> -> memref<8x32xf32, #tpu.memory_space<hbm>>
        %dma_start3A_1873 = arith.constant 0 : i32
        %dma_start3A_1874 = arith.constant 0 : i32
        %dma_start3A_1875 = tpu.memref_slice %arg8[%dma_start3A_1863, %dma_start3A_1864, %dma_start3A_1873, %dma_start3A_1874] : memref<2x32x8x32xf32, #tpu.memory_space<vmem>> -> memref<1x1x8x32xf32, #tpu.memory_space<vmem>>
        %dma_start3A_1876 = tpu.memref_squeeze %dma_start3A_1875 : memref<1x1x8x32xf32, #tpu.memory_space<vmem>> -> memref<8x32xf32, #tpu.memory_space<vmem>>
        %dma_start3A_1877 = arith.constant 0 : i32
        %dma_start3A_1878 = arith.constant 0 : i32
        %dma_start3A_1879 = tpu.memref_slice %arg3[%squeeze3A_1862, %dma_start3A_1877, %dma_start3A_1878] : memref<125000x8x32xf32, #tpu.memory_space<hbm>> -> memref<1x8x32xf32, #tpu.memory_space<hbm>>
        %dma_start3A_1880 = tpu.memref_squeeze %dma_start3A_1879 : memref<1x8x32xf32, #tpu.memory_space<hbm>> -> memref<8x32xf32, #tpu.memory_space<hbm>>
        tpu.enqueue_dma source(%dma_start3A_1880 : memref<8x32xf32, #tpu.memory_space<hbm>>) target(%dma_start3A_1876 : memref<8x32xf32, #tpu.memory_space<vmem>>) target_semaphore(%arg12 : memref<!tpu.dma_semaphore, #tpu.memory_space<semaphore_mem>>)
        %slice3A_1881 = vector.extract_strided_slice %get3A_1800 {offsets = [4], sizes = [1], strides = [1]} : vector<16xi32> to vector<1xi32>
        %squeeze3A_1882 = vector.extract %slice3A_1881[0] : i32 from vector<1xi32>
        %dma_start3A_1883 = arith.constant 1 : i32
        %dma_start3A_1884 = arith.constant 20 : i32
        %dma_start3A_1885 = arith.constant 0 : i32
        %dma_start3A_1886 = arith.constant 0 : i32
        %dma_start3A_1887 = tpu.memref_slice %arg8[%dma_start3A_1883, %dma_start3A_1884, %dma_start3A_1885, %dma_start3A_1886] : memref<2x32x8x32xf32, #tpu.memory_space<vmem>> -> memref<1x1x8x32xf32, #tpu.memory_space<vmem>>
        %dma_start3A_1888 = tpu.memref_squeeze %dma_start3A_1887 : memref<1x1x8x32xf32, #tpu.memory_space<vmem>> -> memref<8x32xf32, #tpu.memory_space<vmem>>
        %dma_start3A_1889 = arith.constant 0 : i32
        %dma_start3A_1890 = arith.constant 0 : i32
        %dma_start3A_1891 = tpu.memref_slice %arg3[%squeeze3A_1882, %dma_start3A_1889, %dma_start3A_1890] : memref<125000x8x32xf32, #tpu.memory_space<hbm>> -> memref<1x8x32xf32, #tpu.memory_space<hbm>>
        %dma_start3A_1892 = tpu.memref_squeeze %dma_start3A_1891 : memref<1x8x32xf32, #tpu.memory_space<hbm>> -> memref<8x32xf32, #tpu.memory_space<hbm>>
        %dma_start3A_1893 = arith.constant 0 : i32
        %dma_start3A_1894 = arith.constant 0 : i32
        %dma_start3A_1895 = tpu.memref_slice %arg8[%dma_start3A_1883, %dma_start3A_1884, %dma_start3A_1893, %dma_start3A_1894] : memref<2x32x8x32xf32, #tpu.memory_space<vmem>> -> memref<1x1x8x32xf32, #tpu.memory_space<vmem>>
        %dma_start3A_1896 = tpu.memref_squeeze %dma_start3A_1895 : memref<1x1x8x32xf32, #tpu.memory_space<vmem>> -> memref<8x32xf32, #tpu.memory_space<vmem>>
        %dma_start3A_1897 = arith.constant 0 : i32
        %dma_start3A_1898 = arith.constant 0 : i32
        %dma_start3A_1899 = tpu.memref_slice %arg3[%squeeze3A_1882, %dma_start3A_1897, %dma_start3A_1898] : memref<125000x8x32xf32, #tpu.memory_space<hbm>> -> memref<1x8x32xf32, #tpu.memory_space<hbm>>
        %dma_start3A_1900 = tpu.memref_squeeze %dma_start3A_1899 : memref<1x8x32xf32, #tpu.memory_space<hbm>> -> memref<8x32xf32, #tpu.memory_space<hbm>>
        tpu.enqueue_dma source(%dma_start3A_1900 : memref<8x32xf32, #tpu.memory_space<hbm>>) target(%dma_start3A_1896 : memref<8x32xf32, #tpu.memory_space<vmem>>) target_semaphore(%arg12 : memref<!tpu.dma_semaphore, #tpu.memory_space<semaphore_mem>>)
        %slice3A_1901 = vector.extract_strided_slice %get3A_1800 {offsets = [5], sizes = [1], strides = [1]} : vector<16xi32> to vector<1xi32>
        %squeeze3A_1902 = vector.extract %slice3A_1901[0] : i32 from vector<1xi32>
        %dma_start3A_1903 = arith.constant 1 : i32
        %dma_start3A_1904 = arith.constant 21 : i32
        %dma_start3A_1905 = arith.constant 0 : i32
        %dma_start3A_1906 = arith.constant 0 : i32
        %dma_start3A_1907 = tpu.memref_slice %arg8[%dma_start3A_1903, %dma_start3A_1904, %dma_start3A_1905, %dma_start3A_1906] : memref<2x32x8x32xf32, #tpu.memory_space<vmem>> -> memref<1x1x8x32xf32, #tpu.memory_space<vmem>>
        %dma_start3A_1908 = tpu.memref_squeeze %dma_start3A_1907 : memref<1x1x8x32xf32, #tpu.memory_space<vmem>> -> memref<8x32xf32, #tpu.memory_space<vmem>>
        %dma_start3A_1909 = arith.constant 0 : i32
        %dma_start3A_1910 = arith.constant 0 : i32
        %dma_start3A_1911 = tpu.memref_slice %arg3[%squeeze3A_1902, %dma_start3A_1909, %dma_start3A_1910] : memref<125000x8x32xf32, #tpu.memory_space<hbm>> -> memref<1x8x32xf32, #tpu.memory_space<hbm>>
        %dma_start3A_1912 = tpu.memref_squeeze %dma_start3A_1911 : memref<1x8x32xf32, #tpu.memory_space<hbm>> -> memref<8x32xf32, #tpu.memory_space<hbm>>
        %dma_start3A_1913 = arith.constant 0 : i32
        %dma_start3A_1914 = arith.constant 0 : i32
        %dma_start3A_1915 = tpu.memref_slice %arg8[%dma_start3A_1903, %dma_start3A_1904, %dma_start3A_1913, %dma_start3A_1914] : memref<2x32x8x32xf32, #tpu.memory_space<vmem>> -> memref<1x1x8x32xf32, #tpu.memory_space<vmem>>
        %dma_start3A_1916 = tpu.memref_squeeze %dma_start3A_1915 : memref<1x1x8x32xf32, #tpu.memory_space<vmem>> -> memref<8x32xf32, #tpu.memory_space<vmem>>
        %dma_start3A_1917 = arith.constant 0 : i32
        %dma_start3A_1918 = arith.constant 0 : i32
        %dma_start3A_1919 = tpu.memref_slice %arg3[%squeeze3A_1902, %dma_start3A_1917, %dma_start3A_1918] : memref<125000x8x32xf32, #tpu.memory_space<hbm>> -> memref<1x8x32xf32, #tpu.memory_space<hbm>>
        %dma_start3A_1920 = tpu.memref_squeeze %dma_start3A_1919 : memref<1x8x32xf32, #tpu.memory_space<hbm>> -> memref<8x32xf32, #tpu.memory_space<hbm>>
        tpu.enqueue_dma source(%dma_start3A_1920 : memref<8x32xf32, #tpu.memory_space<hbm>>) target(%dma_start3A_1916 : memref<8x32xf32, #tpu.memory_space<vmem>>) target_semaphore(%arg12 : memref<!tpu.dma_semaphore, #tpu.memory_space<semaphore_mem>>)
        %slice3A_1921 = vector.extract_strided_slice %get3A_1800 {offsets = [6], sizes = [1], strides = [1]} : vector<16xi32> to vector<1xi32>
        %squeeze3A_1922 = vector.extract %slice3A_1921[0] : i32 from vector<1xi32>
        %dma_start3A_1923 = arith.constant 1 : i32
        %dma_start3A_1924 = arith.constant 22 : i32
        %dma_start3A_1925 = arith.constant 0 : i32
        %dma_start3A_1926 = arith.constant 0 : i32
        %dma_start3A_1927 = tpu.memref_slice %arg8[%dma_start3A_1923, %dma_start3A_1924, %dma_start3A_1925, %dma_start3A_1926] : memref<2x32x8x32xf32, #tpu.memory_space<vmem>> -> memref<1x1x8x32xf32, #tpu.memory_space<vmem>>
        %dma_start3A_1928 = tpu.memref_squeeze %dma_start3A_1927 : memref<1x1x8x32xf32, #tpu.memory_space<vmem>> -> memref<8x32xf32, #tpu.memory_space<vmem>>
        %dma_start3A_1929 = arith.constant 0 : i32
        %dma_start3A_1930 = arith.constant 0 : i32
        %dma_start3A_1931 = tpu.memref_slice %arg3[%squeeze3A_1922, %dma_start3A_1929, %dma_start3A_1930] : memref<125000x8x32xf32, #tpu.memory_space<hbm>> -> memref<1x8x32xf32, #tpu.memory_space<hbm>>
        %dma_start3A_1932 = tpu.memref_squeeze %dma_start3A_1931 : memref<1x8x32xf32, #tpu.memory_space<hbm>> -> memref<8x32xf32, #tpu.memory_space<hbm>>
        %dma_start3A_1933 = arith.constant 0 : i32
        %dma_start3A_1934 = arith.constant 0 : i32
        %dma_start3A_1935 = tpu.memref_slice %arg8[%dma_start3A_1923, %dma_start3A_1924, %dma_start3A_1933, %dma_start3A_1934] : memref<2x32x8x32xf32, #tpu.memory_space<vmem>> -> memref<1x1x8x32xf32, #tpu.memory_space<vmem>>
        %dma_start3A_1936 = tpu.memref_squeeze %dma_start3A_1935 : memref<1x1x8x32xf32, #tpu.memory_space<vmem>> -> memref<8x32xf32, #tpu.memory_space<vmem>>
        %dma_start3A_1937 = arith.constant 0 : i32
        %dma_start3A_1938 = arith.constant 0 : i32
        %dma_start3A_1939 = tpu.memref_slice %arg3[%squeeze3A_1922, %dma_start3A_1937, %dma_start3A_1938] : memref<125000x8x32xf32, #tpu.memory_space<hbm>> -> memref<1x8x32xf32, #tpu.memory_space<hbm>>
        %dma_start3A_1940 = tpu.memref_squeeze %dma_start3A_1939 : memref<1x8x32xf32, #tpu.memory_space<hbm>> -> memref<8x32xf32, #tpu.memory_space<hbm>>
        tpu.enqueue_dma source(%dma_start3A_1940 : memref<8x32xf32, #tpu.memory_space<hbm>>) target(%dma_start3A_1936 : memref<8x32xf32, #tpu.memory_space<vmem>>) target_semaphore(%arg12 : memref<!tpu.dma_semaphore, #tpu.memory_space<semaphore_mem>>)
        %slice3A_1941 = vector.extract_strided_slice %get3A_1800 {offsets = [7], sizes = [1], strides = [1]} : vector<16xi32> to vector<1xi32>
        %squeeze3A_1942 = vector.extract %slice3A_1941[0] : i32 from vector<1xi32>
        %dma_start3A_1943 = arith.constant 1 : i32
        %dma_start3A_1944 = arith.constant 23 : i32
        %dma_start3A_1945 = arith.constant 0 : i32
        %dma_start3A_1946 = arith.constant 0 : i32
        %dma_start3A_1947 = tpu.memref_slice %arg8[%dma_start3A_1943, %dma_start3A_1944, %dma_start3A_1945, %dma_start3A_1946] : memref<2x32x8x32xf32, #tpu.memory_space<vmem>> -> memref<1x1x8x32xf32, #tpu.memory_space<vmem>>
        %dma_start3A_1948 = tpu.memref_squeeze %dma_start3A_1947 : memref<1x1x8x32xf32, #tpu.memory_space<vmem>> -> memref<8x32xf32, #tpu.memory_space<vmem>>
        %dma_start3A_1949 = arith.constant 0 : i32
        %dma_start3A_1950 = arith.constant 0 : i32
        %dma_start3A_1951 = tpu.memref_slice %arg3[%squeeze3A_1942, %dma_start3A_1949, %dma_start3A_1950] : memref<125000x8x32xf32, #tpu.memory_space<hbm>> -> memref<1x8x32xf32, #tpu.memory_space<hbm>>
        %dma_start3A_1952 = tpu.memref_squeeze %dma_start3A_1951 : memref<1x8x32xf32, #tpu.memory_space<hbm>> -> memref<8x32xf32, #tpu.memory_space<hbm>>
        %dma_start3A_1953 = arith.constant 0 : i32
        %dma_start3A_1954 = arith.constant 0 : i32
        %dma_start3A_1955 = tpu.memref_slice %arg8[%dma_start3A_1943, %dma_start3A_1944, %dma_start3A_1953, %dma_start3A_1954] : memref<2x32x8x32xf32, #tpu.memory_space<vmem>> -> memref<1x1x8x32xf32, #tpu.memory_space<vmem>>
        %dma_start3A_1956 = tpu.memref_squeeze %dma_start3A_1955 : memref<1x1x8x32xf32, #tpu.memory_space<vmem>> -> memref<8x32xf32, #tpu.memory_space<vmem>>
        %dma_start3A_1957 = arith.constant 0 : i32
        %dma_start3A_1958 = arith.constant 0 : i32
        %dma_start3A_1959 = tpu.memref_slice %arg3[%squeeze3A_1942, %dma_start3A_1957, %dma_start3A_1958] : memref<125000x8x32xf32, #tpu.memory_space<hbm>> -> memref<1x8x32xf32, #tpu.memory_space<hbm>>
        %dma_start3A_1960 = tpu.memref_squeeze %dma_start3A_1959 : memref<1x8x32xf32, #tpu.memory_space<hbm>> -> memref<8x32xf32, #tpu.memory_space<hbm>>
        tpu.enqueue_dma source(%dma_start3A_1960 : memref<8x32xf32, #tpu.memory_space<hbm>>) target(%dma_start3A_1956 : memref<8x32xf32, #tpu.memory_space<vmem>>) target_semaphore(%arg12 : memref<!tpu.dma_semaphore, #tpu.memory_space<semaphore_mem>>)
        %slice3A_1961 = vector.extract_strided_slice %get3A_1800 {offsets = [8], sizes = [1], strides = [1]} : vector<16xi32> to vector<1xi32>
        %squeeze3A_1962 = vector.extract %slice3A_1961[0] : i32 from vector<1xi32>
        %dma_start3A_1963 = arith.constant 1 : i32
        %dma_start3A_1964 = arith.constant 24 : i32
        %dma_start3A_1965 = arith.constant 0 : i32
        %dma_start3A_1966 = arith.constant 0 : i32
        %dma_start3A_1967 = tpu.memref_slice %arg8[%dma_start3A_1963, %dma_start3A_1964, %dma_start3A_1965, %dma_start3A_1966] : memref<2x32x8x32xf32, #tpu.memory_space<vmem>> -> memref<1x1x8x32xf32, #tpu.memory_space<vmem>>
        %dma_start3A_1968 = tpu.memref_squeeze %dma_start3A_1967 : memref<1x1x8x32xf32, #tpu.memory_space<vmem>> -> memref<8x32xf32, #tpu.memory_space<vmem>>
        %dma_start3A_1969 = arith.constant 0 : i32
        %dma_start3A_1970 = arith.constant 0 : i32
        %dma_start3A_1971 = tpu.memref_slice %arg3[%squeeze3A_1962, %dma_start3A_1969, %dma_start3A_1970] : memref<125000x8x32xf32, #tpu.memory_space<hbm>> -> memref<1x8x32xf32, #tpu.memory_space<hbm>>
        %dma_start3A_1972 = tpu.memref_squeeze %dma_start3A_1971 : memref<1x8x32xf32, #tpu.memory_space<hbm>> -> memref<8x32xf32, #tpu.memory_space<hbm>>
        %dma_start3A_1973 = arith.constant 0 : i32
        %dma_start3A_1974 = arith.constant 0 : i32
        %dma_start3A_1975 = tpu.memref_slice %arg8[%dma_start3A_1963, %dma_start3A_1964, %dma_start3A_1973, %dma_start3A_1974] : memref<2x32x8x32xf32, #tpu.memory_space<vmem>> -> memref<1x1x8x32xf32, #tpu.memory_space<vmem>>
        %dma_start3A_1976 = tpu.memref_squeeze %dma_start3A_1975 : memref<1x1x8x32xf32, #tpu.memory_space<vmem>> -> memref<8x32xf32, #tpu.memory_space<vmem>>
        %dma_start3A_1977 = arith.constant 0 : i32
        %dma_start3A_1978 = arith.constant 0 : i32
        %dma_start3A_1979 = tpu.memref_slice %arg3[%squeeze3A_1962, %dma_start3A_1977, %dma_start3A_1978] : memref<125000x8x32xf32, #tpu.memory_space<hbm>> -> memref<1x8x32xf32, #tpu.memory_space<hbm>>
        %dma_start3A_1980 = tpu.memref_squeeze %dma_start3A_1979 : memref<1x8x32xf32, #tpu.memory_space<hbm>> -> memref<8x32xf32, #tpu.memory_space<hbm>>
        tpu.enqueue_dma source(%dma_start3A_1980 : memref<8x32xf32, #tpu.memory_space<hbm>>) target(%dma_start3A_1976 : memref<8x32xf32, #tpu.memory_space<vmem>>) target_semaphore(%arg12 : memref<!tpu.dma_semaphore, #tpu.memory_space<semaphore_mem>>)
        %slice3A_1981 = vector.extract_strided_slice %get3A_1800 {offsets = [9], sizes = [1], strides = [1]} : vector<16xi32> to vector<1xi32>
        %squeeze3A_1982 = vector.extract %slice3A_1981[0] : i32 from vector<1xi32>
        %dma_start3A_1983 = arith.constant 1 : i32
        %dma_start3A_1984 = arith.constant 25 : i32
        %dma_start3A_1985 = arith.constant 0 : i32
        %dma_start3A_1986 = arith.constant 0 : i32
        %dma_start3A_1987 = tpu.memref_slice %arg8[%dma_start3A_1983, %dma_start3A_1984, %dma_start3A_1985, %dma_start3A_1986] : memref<2x32x8x32xf32, #tpu.memory_space<vmem>> -> memref<1x1x8x32xf32, #tpu.memory_space<vmem>>
        %dma_start3A_1988 = tpu.memref_squeeze %dma_start3A_1987 : memref<1x1x8x32xf32, #tpu.memory_space<vmem>> -> memref<8x32xf32, #tpu.memory_space<vmem>>
        %dma_start3A_1989 = arith.constant 0 : i32
        %dma_start3A_1990 = arith.constant 0 : i32
        %dma_start3A_1991 = tpu.memref_slice %arg3[%squeeze3A_1982, %dma_start3A_1989, %dma_start3A_1990] : memref<125000x8x32xf32, #tpu.memory_space<hbm>> -> memref<1x8x32xf32, #tpu.memory_space<hbm>>
        %dma_start3A_1992 = tpu.memref_squeeze %dma_start3A_1991 : memref<1x8x32xf32, #tpu.memory_space<hbm>> -> memref<8x32xf32, #tpu.memory_space<hbm>>
        %dma_start3A_1993 = arith.constant 0 : i32
        %dma_start3A_1994 = arith.constant 0 : i32
        %dma_start3A_1995 = tpu.memref_slice %arg8[%dma_start3A_1983, %dma_start3A_1984, %dma_start3A_1993, %dma_start3A_1994] : memref<2x32x8x32xf32, #tpu.memory_space<vmem>> -> memref<1x1x8x32xf32, #tpu.memory_space<vmem>>
        %dma_start3A_1996 = tpu.memref_squeeze %dma_start3A_1995 : memref<1x1x8x32xf32, #tpu.memory_space<vmem>> -> memref<8x32xf32, #tpu.memory_space<vmem>>
        %dma_start3A_1997 = arith.constant 0 : i32
        %dma_start3A_1998 = arith.constant 0 : i32
        %dma_start3A_1999 = tpu.memref_slice %arg3[%squeeze3A_1982, %dma_start3A_1997, %dma_start3A_1998] : memref<125000x8x32xf32, #tpu.memory_space<hbm>> -> memref<1x8x32xf32, #tpu.memory_space<hbm>>
        %dma_start3A_2000 = tpu.memref_squeeze %dma_start3A_1999 : memref<1x8x32xf32, #tpu.memory_space<hbm>> -> memref<8x32xf32, #tpu.memory_space<hbm>>
        tpu.enqueue_dma source(%dma_start3A_2000 : memref<8x32xf32, #tpu.memory_space<hbm>>) target(%dma_start3A_1996 : memref<8x32xf32, #tpu.memory_space<vmem>>) target_semaphore(%arg12 : memref<!tpu.dma_semaphore, #tpu.memory_space<semaphore_mem>>)
        %slice3A_2001 = vector.extract_strided_slice %get3A_1800 {offsets = [10], sizes = [1], strides = [1]} : vector<16xi32> to vector<1xi32>
        %squeeze3A_2002 = vector.extract %slice3A_2001[0] : i32 from vector<1xi32>
        %dma_start3A_2003 = arith.constant 1 : i32
        %dma_start3A_2004 = arith.constant 26 : i32
        %dma_start3A_2005 = arith.constant 0 : i32
        %dma_start3A_2006 = arith.constant 0 : i32
        %dma_start3A_2007 = tpu.memref_slice %arg8[%dma_start3A_2003, %dma_start3A_2004, %dma_start3A_2005, %dma_start3A_2006] : memref<2x32x8x32xf32, #tpu.memory_space<vmem>> -> memref<1x1x8x32xf32, #tpu.memory_space<vmem>>
        %dma_start3A_2008 = tpu.memref_squeeze %dma_start3A_2007 : memref<1x1x8x32xf32, #tpu.memory_space<vmem>> -> memref<8x32xf32, #tpu.memory_space<vmem>>
        %dma_start3A_2009 = arith.constant 0 : i32
        %dma_start3A_2010 = arith.constant 0 : i32
        %dma_start3A_2011 = tpu.memref_slice %arg3[%squeeze3A_2002, %dma_start3A_2009, %dma_start3A_2010] : memref<125000x8x32xf32, #tpu.memory_space<hbm>> -> memref<1x8x32xf32, #tpu.memory_space<hbm>>
        %dma_start3A_2012 = tpu.memref_squeeze %dma_start3A_2011 : memref<1x8x32xf32, #tpu.memory_space<hbm>> -> memref<8x32xf32, #tpu.memory_space<hbm>>
        %dma_start3A_2013 = arith.constant 0 : i32
        %dma_start3A_2014 = arith.constant 0 : i32
        %dma_start3A_2015 = tpu.memref_slice %arg8[%dma_start3A_2003, %dma_start3A_2004, %dma_start3A_2013, %dma_start3A_2014] : memref<2x32x8x32xf32, #tpu.memory_space<vmem>> -> memref<1x1x8x32xf32, #tpu.memory_space<vmem>>
        %dma_start3A_2016 = tpu.memref_squeeze %dma_start3A_2015 : memref<1x1x8x32xf32, #tpu.memory_space<vmem>> -> memref<8x32xf32, #tpu.memory_space<vmem>>
        %dma_start3A_2017 = arith.constant 0 : i32
        %dma_start3A_2018 = arith.constant 0 : i32
        %dma_start3A_2019 = tpu.memref_slice %arg3[%squeeze3A_2002, %dma_start3A_2017, %dma_start3A_2018] : memref<125000x8x32xf32, #tpu.memory_space<hbm>> -> memref<1x8x32xf32, #tpu.memory_space<hbm>>
        %dma_start3A_2020 = tpu.memref_squeeze %dma_start3A_2019 : memref<1x8x32xf32, #tpu.memory_space<hbm>> -> memref<8x32xf32, #tpu.memory_space<hbm>>
        tpu.enqueue_dma source(%dma_start3A_2020 : memref<8x32xf32, #tpu.memory_space<hbm>>) target(%dma_start3A_2016 : memref<8x32xf32, #tpu.memory_space<vmem>>) target_semaphore(%arg12 : memref<!tpu.dma_semaphore, #tpu.memory_space<semaphore_mem>>)
        %slice3A_2021 = vector.extract_strided_slice %get3A_1800 {offsets = [11], sizes = [1], strides = [1]} : vector<16xi32> to vector<1xi32>
        %squeeze3A_2022 = vector.extract %slice3A_2021[0] : i32 from vector<1xi32>
        %dma_start3A_2023 = arith.constant 1 : i32
        %dma_start3A_2024 = arith.constant 27 : i32
        %dma_start3A_2025 = arith.constant 0 : i32
        %dma_start3A_2026 = arith.constant 0 : i32
        %dma_start3A_2027 = tpu.memref_slice %arg8[%dma_start3A_2023, %dma_start3A_2024, %dma_start3A_2025, %dma_start3A_2026] : memref<2x32x8x32xf32, #tpu.memory_space<vmem>> -> memref<1x1x8x32xf32, #tpu.memory_space<vmem>>
        %dma_start3A_2028 = tpu.memref_squeeze %dma_start3A_2027 : memref<1x1x8x32xf32, #tpu.memory_space<vmem>> -> memref<8x32xf32, #tpu.memory_space<vmem>>
        %dma_start3A_2029 = arith.constant 0 : i32
        %dma_start3A_2030 = arith.constant 0 : i32
        %dma_start3A_2031 = tpu.memref_slice %arg3[%squeeze3A_2022, %dma_start3A_2029, %dma_start3A_2030] : memref<125000x8x32xf32, #tpu.memory_space<hbm>> -> memref<1x8x32xf32, #tpu.memory_space<hbm>>
        %dma_start3A_2032 = tpu.memref_squeeze %dma_start3A_2031 : memref<1x8x32xf32, #tpu.memory_space<hbm>> -> memref<8x32xf32, #tpu.memory_space<hbm>>
        %dma_start3A_2033 = arith.constant 0 : i32
        %dma_start3A_2034 = arith.constant 0 : i32
        %dma_start3A_2035 = tpu.memref_slice %arg8[%dma_start3A_2023, %dma_start3A_2024, %dma_start3A_2033, %dma_start3A_2034] : memref<2x32x8x32xf32, #tpu.memory_space<vmem>> -> memref<1x1x8x32xf32, #tpu.memory_space<vmem>>
        %dma_start3A_2036 = tpu.memref_squeeze %dma_start3A_2035 : memref<1x1x8x32xf32, #tpu.memory_space<vmem>> -> memref<8x32xf32, #tpu.memory_space<vmem>>
        %dma_start3A_2037 = arith.constant 0 : i32
        %dma_start3A_2038 = arith.constant 0 : i32
        %dma_start3A_2039 = tpu.memref_slice %arg3[%squeeze3A_2022, %dma_start3A_2037, %dma_start3A_2038] : memref<125000x8x32xf32, #tpu.memory_space<hbm>> -> memref<1x8x32xf32, #tpu.memory_space<hbm>>
        %dma_start3A_2040 = tpu.memref_squeeze %dma_start3A_2039 : memref<1x8x32xf32, #tpu.memory_space<hbm>> -> memref<8x32xf32, #tpu.memory_space<hbm>>
        tpu.enqueue_dma source(%dma_start3A_2040 : memref<8x32xf32, #tpu.memory_space<hbm>>) target(%dma_start3A_2036 : memref<8x32xf32, #tpu.memory_space<vmem>>) target_semaphore(%arg12 : memref<!tpu.dma_semaphore, #tpu.memory_space<semaphore_mem>>)
        %slice3A_2041 = vector.extract_strided_slice %get3A_1800 {offsets = [12], sizes = [1], strides = [1]} : vector<16xi32> to vector<1xi32>
        %squeeze3A_2042 = vector.extract %slice3A_2041[0] : i32 from vector<1xi32>
        %dma_start3A_2043 = arith.constant 1 : i32
        %dma_start3A_2044 = arith.constant 28 : i32
        %dma_start3A_2045 = arith.constant 0 : i32
        %dma_start3A_2046 = arith.constant 0 : i32
        %dma_start3A_2047 = tpu.memref_slice %arg8[%dma_start3A_2043, %dma_start3A_2044, %dma_start3A_2045, %dma_start3A_2046] : memref<2x32x8x32xf32, #tpu.memory_space<vmem>> -> memref<1x1x8x32xf32, #tpu.memory_space<vmem>>
        %dma_start3A_2048 = tpu.memref_squeeze %dma_start3A_2047 : memref<1x1x8x32xf32, #tpu.memory_space<vmem>> -> memref<8x32xf32, #tpu.memory_space<vmem>>
        %dma_start3A_2049 = arith.constant 0 : i32
        %dma_start3A_2050 = arith.constant 0 : i32
        %dma_start3A_2051 = tpu.memref_slice %arg3[%squeeze3A_2042, %dma_start3A_2049, %dma_start3A_2050] : memref<125000x8x32xf32, #tpu.memory_space<hbm>> -> memref<1x8x32xf32, #tpu.memory_space<hbm>>
        %dma_start3A_2052 = tpu.memref_squeeze %dma_start3A_2051 : memref<1x8x32xf32, #tpu.memory_space<hbm>> -> memref<8x32xf32, #tpu.memory_space<hbm>>
        %dma_start3A_2053 = arith.constant 0 : i32
        %dma_start3A_2054 = arith.constant 0 : i32
        %dma_start3A_2055 = tpu.memref_slice %arg8[%dma_start3A_2043, %dma_start3A_2044, %dma_start3A_2053, %dma_start3A_2054] : memref<2x32x8x32xf32, #tpu.memory_space<vmem>> -> memref<1x1x8x32xf32, #tpu.memory_space<vmem>>
        %dma_start3A_2056 = tpu.memref_squeeze %dma_start3A_2055 : memref<1x1x8x32xf32, #tpu.memory_space<vmem>> -> memref<8x32xf32, #tpu.memory_space<vmem>>
        %dma_start3A_2057 = arith.constant 0 : i32
        %dma_start3A_2058 = arith.constant 0 : i32
        %dma_start3A_2059 = tpu.memref_slice %arg3[%squeeze3A_2042, %dma_start3A_2057, %dma_start3A_2058] : memref<125000x8x32xf32, #tpu.memory_space<hbm>> -> memref<1x8x32xf32, #tpu.memory_space<hbm>>
        %dma_start3A_2060 = tpu.memref_squeeze %dma_start3A_2059 : memref<1x8x32xf32, #tpu.memory_space<hbm>> -> memref<8x32xf32, #tpu.memory_space<hbm>>
        tpu.enqueue_dma source(%dma_start3A_2060 : memref<8x32xf32, #tpu.memory_space<hbm>>) target(%dma_start3A_2056 : memref<8x32xf32, #tpu.memory_space<vmem>>) target_semaphore(%arg12 : memref<!tpu.dma_semaphore, #tpu.memory_space<semaphore_mem>>)
        %slice3A_2061 = vector.extract_strided_slice %get3A_1800 {offsets = [13], sizes = [1], strides = [1]} : vector<16xi32> to vector<1xi32>
        %squeeze3A_2062 = vector.extract %slice3A_2061[0] : i32 from vector<1xi32>
        %dma_start3A_2063 = arith.constant 1 : i32
        %dma_start3A_2064 = arith.constant 29 : i32
        %dma_start3A_2065 = arith.constant 0 : i32
        %dma_start3A_2066 = arith.constant 0 : i32
        %dma_start3A_2067 = tpu.memref_slice %arg8[%dma_start3A_2063, %dma_start3A_2064, %dma_start3A_2065, %dma_start3A_2066] : memref<2x32x8x32xf32, #tpu.memory_space<vmem>> -> memref<1x1x8x32xf32, #tpu.memory_space<vmem>>
        %dma_start3A_2068 = tpu.memref_squeeze %dma_start3A_2067 : memref<1x1x8x32xf32, #tpu.memory_space<vmem>> -> memref<8x32xf32, #tpu.memory_space<vmem>>
        %dma_start3A_2069 = arith.constant 0 : i32
        %dma_start3A_2070 = arith.constant 0 : i32
        %dma_start3A_2071 = tpu.memref_slice %arg3[%squeeze3A_2062, %dma_start3A_2069, %dma_start3A_2070] : memref<125000x8x32xf32, #tpu.memory_space<hbm>> -> memref<1x8x32xf32, #tpu.memory_space<hbm>>
        %dma_start3A_2072 = tpu.memref_squeeze %dma_start3A_2071 : memref<1x8x32xf32, #tpu.memory_space<hbm>> -> memref<8x32xf32, #tpu.memory_space<hbm>>
        %dma_start3A_2073 = arith.constant 0 : i32
        %dma_start3A_2074 = arith.constant 0 : i32
        %dma_start3A_2075 = tpu.memref_slice %arg8[%dma_start3A_2063, %dma_start3A_2064, %dma_start3A_2073, %dma_start3A_2074] : memref<2x32x8x32xf32, #tpu.memory_space<vmem>> -> memref<1x1x8x32xf32, #tpu.memory_space<vmem>>
        %dma_start3A_2076 = tpu.memref_squeeze %dma_start3A_2075 : memref<1x1x8x32xf32, #tpu.memory_space<vmem>> -> memref<8x32xf32, #tpu.memory_space<vmem>>
        %dma_start3A_2077 = arith.constant 0 : i32
        %dma_start3A_2078 = arith.constant 0 : i32
        %dma_start3A_2079 = tpu.memref_slice %arg3[%squeeze3A_2062, %dma_start3A_2077, %dma_start3A_2078] : memref<125000x8x32xf32, #tpu.memory_space<hbm>> -> memref<1x8x32xf32, #tpu.memory_space<hbm>>
        %dma_start3A_2080 = tpu.memref_squeeze %dma_start3A_2079 : memref<1x8x32xf32, #tpu.memory_space<hbm>> -> memref<8x32xf32, #tpu.memory_space<hbm>>
        tpu.enqueue_dma source(%dma_start3A_2080 : memref<8x32xf32, #tpu.memory_space<hbm>>) target(%dma_start3A_2076 : memref<8x32xf32, #tpu.memory_space<vmem>>) target_semaphore(%arg12 : memref<!tpu.dma_semaphore, #tpu.memory_space<semaphore_mem>>)
        %slice3A_2081 = vector.extract_strided_slice %get3A_1800 {offsets = [14], sizes = [1], strides = [1]} : vector<16xi32> to vector<1xi32>
        %squeeze3A_2082 = vector.extract %slice3A_2081[0] : i32 from vector<1xi32>
        %dma_start3A_2083 = arith.constant 1 : i32
        %dma_start3A_2084 = arith.constant 30 : i32
        %dma_start3A_2085 = arith.constant 0 : i32
        %dma_start3A_2086 = arith.constant 0 : i32
        %dma_start3A_2087 = tpu.memref_slice %arg8[%dma_start3A_2083, %dma_start3A_2084, %dma_start3A_2085, %dma_start3A_2086] : memref<2x32x8x32xf32, #tpu.memory_space<vmem>> -> memref<1x1x8x32xf32, #tpu.memory_space<vmem>>
        %dma_start3A_2088 = tpu.memref_squeeze %dma_start3A_2087 : memref<1x1x8x32xf32, #tpu.memory_space<vmem>> -> memref<8x32xf32, #tpu.memory_space<vmem>>
        %dma_start3A_2089 = arith.constant 0 : i32
        %dma_start3A_2090 = arith.constant 0 : i32
        %dma_start3A_2091 = tpu.memref_slice %arg3[%squeeze3A_2082, %dma_start3A_2089, %dma_start3A_2090] : memref<125000x8x32xf32, #tpu.memory_space<hbm>> -> memref<1x8x32xf32, #tpu.memory_space<hbm>>
        %dma_start3A_2092 = tpu.memref_squeeze %dma_start3A_2091 : memref<1x8x32xf32, #tpu.memory_space<hbm>> -> memref<8x32xf32, #tpu.memory_space<hbm>>
        %dma_start3A_2093 = arith.constant 0 : i32
        %dma_start3A_2094 = arith.constant 0 : i32
        %dma_start3A_2095 = tpu.memref_slice %arg8[%dma_start3A_2083, %dma_start3A_2084, %dma_start3A_2093, %dma_start3A_2094] : memref<2x32x8x32xf32, #tpu.memory_space<vmem>> -> memref<1x1x8x32xf32, #tpu.memory_space<vmem>>
        %dma_start3A_2096 = tpu.memref_squeeze %dma_start3A_2095 : memref<1x1x8x32xf32, #tpu.memory_space<vmem>> -> memref<8x32xf32, #tpu.memory_space<vmem>>
        %dma_start3A_2097 = arith.constant 0 : i32
        %dma_start3A_2098 = arith.constant 0 : i32
        %dma_start3A_2099 = tpu.memref_slice %arg3[%squeeze3A_2082, %dma_start3A_2097, %dma_start3A_2098] : memref<125000x8x32xf32, #tpu.memory_space<hbm>> -> memref<1x8x32xf32, #tpu.memory_space<hbm>>
        %dma_start3A_2100 = tpu.memref_squeeze %dma_start3A_2099 : memref<1x8x32xf32, #tpu.memory_space<hbm>> -> memref<8x32xf32, #tpu.memory_space<hbm>>
        tpu.enqueue_dma source(%dma_start3A_2100 : memref<8x32xf32, #tpu.memory_space<hbm>>) target(%dma_start3A_2096 : memref<8x32xf32, #tpu.memory_space<vmem>>) target_semaphore(%arg12 : memref<!tpu.dma_semaphore, #tpu.memory_space<semaphore_mem>>)
        %slice3A_2101 = vector.extract_strided_slice %get3A_1800 {offsets = [15], sizes = [1], strides = [1]} : vector<16xi32> to vector<1xi32>
        %squeeze3A_2102 = vector.extract %slice3A_2101[0] : i32 from vector<1xi32>
        %dma_start3A_2103 = arith.constant 1 : i32
        %dma_start3A_2104 = arith.constant 31 : i32
        %dma_start3A_2105 = arith.constant 0 : i32
        %dma_start3A_2106 = arith.constant 0 : i32
        %dma_start3A_2107 = tpu.memref_slice %arg8[%dma_start3A_2103, %dma_start3A_2104, %dma_start3A_2105, %dma_start3A_2106] : memref<2x32x8x32xf32, #tpu.memory_space<vmem>> -> memref<1x1x8x32xf32, #tpu.memory_space<vmem>>
        %dma_start3A_2108 = tpu.memref_squeeze %dma_start3A_2107 : memref<1x1x8x32xf32, #tpu.memory_space<vmem>> -> memref<8x32xf32, #tpu.memory_space<vmem>>
        %dma_start3A_2109 = arith.constant 0 : i32
        %dma_start3A_2110 = arith.constant 0 : i32
        %dma_start3A_2111 = tpu.memref_slice %arg3[%squeeze3A_2102, %dma_start3A_2109, %dma_start3A_2110] : memref<125000x8x32xf32, #tpu.memory_space<hbm>> -> memref<1x8x32xf32, #tpu.memory_space<hbm>>
        %dma_start3A_2112 = tpu.memref_squeeze %dma_start3A_2111 : memref<1x8x32xf32, #tpu.memory_space<hbm>> -> memref<8x32xf32, #tpu.memory_space<hbm>>
        %dma_start3A_2113 = arith.constant 0 : i32
        %dma_start3A_2114 = arith.constant 0 : i32
        %dma_start3A_2115 = tpu.memref_slice %arg8[%dma_start3A_2103, %dma_start3A_2104, %dma_start3A_2113, %dma_start3A_2114] : memref<2x32x8x32xf32, #tpu.memory_space<vmem>> -> memref<1x1x8x32xf32, #tpu.memory_space<vmem>>
        %dma_start3A_2116 = tpu.memref_squeeze %dma_start3A_2115 : memref<1x1x8x32xf32, #tpu.memory_space<vmem>> -> memref<8x32xf32, #tpu.memory_space<vmem>>
        %dma_start3A_2117 = arith.constant 0 : i32
        %dma_start3A_2118 = arith.constant 0 : i32
        %dma_start3A_2119 = tpu.memref_slice %arg3[%squeeze3A_2102, %dma_start3A_2117, %dma_start3A_2118] : memref<125000x8x32xf32, #tpu.memory_space<hbm>> -> memref<1x8x32xf32, #tpu.memory_space<hbm>>
        %dma_start3A_2120 = tpu.memref_squeeze %dma_start3A_2119 : memref<1x8x32xf32, #tpu.memory_space<hbm>> -> memref<8x32xf32, #tpu.memory_space<hbm>>
        tpu.enqueue_dma source(%dma_start3A_2120 : memref<8x32xf32, #tpu.memory_space<hbm>>) target(%dma_start3A_2116 : memref<8x32xf32, #tpu.memory_space<vmem>>) target_semaphore(%arg12 : memref<!tpu.dma_semaphore, #tpu.memory_space<semaphore_mem>>)
      } else {
      }
      %dma_wait3A = arith.constant 0 : i32
      %dma_wait3A_729 = arith.constant 0 : i32
      %dma_wait3A_730 = arith.constant 0 : i32
      %dma_wait3A_731 = arith.constant 0 : i32
      %dma_wait3A_732 = tpu.memref_slice %arg8[%dma_wait3A, %dma_wait3A_729, %dma_wait3A_730, %dma_wait3A_731] : memref<2x32x8x32xf32, #tpu.memory_space<vmem>> -> memref<1x32x8x32xf32, #tpu.memory_space<vmem>>
      %dma_wait3A_733 = tpu.memref_squeeze %dma_wait3A_732 : memref<1x32x8x32xf32, #tpu.memory_space<vmem>> -> memref<32x8x32xf32, #tpu.memory_space<vmem>>
      %dma_wait3A_734 = arith.constant 0 : i32
      %dma_wait3A_735 = arith.constant 0 : i32
      %dma_wait3A_736 = arith.constant 0 : i32
      %dma_wait3A_737 = tpu.memref_slice %arg3[%dma_wait3A_734, %dma_wait3A_735, %dma_wait3A_736] : memref<125000x8x32xf32, #tpu.memory_space<hbm>> -> memref<32x8x32xf32, #tpu.memory_space<hbm>>
      %dma_wait3A_738 = arith.constant 0 : i32
      %dma_wait3A_739 = arith.constant 0 : i32
      %dma_wait3A_740 = arith.constant 0 : i32
      %dma_wait3A_741 = tpu.memref_slice %arg8[%dma_wait3A, %dma_wait3A_738, %dma_wait3A_739, %dma_wait3A_740] : memref<2x32x8x32xf32, #tpu.memory_space<vmem>> -> memref<1x32x8x32xf32, #tpu.memory_space<vmem>>
      %dma_wait3A_742 = tpu.memref_squeeze %dma_wait3A_741 : memref<1x32x8x32xf32, #tpu.memory_space<vmem>> -> memref<32x8x32xf32, #tpu.memory_space<vmem>>
      %dma_wait3A_743 = arith.constant 0 : i32
      %dma_wait3A_744 = arith.constant 0 : i32
      %dma_wait3A_745 = arith.constant 0 : i32
      %dma_wait3A_746 = tpu.memref_slice %arg3[%dma_wait3A_743, %dma_wait3A_744, %dma_wait3A_745] : memref<125000x8x32xf32, #tpu.memory_space<hbm>> -> memref<32x8x32xf32, #tpu.memory_space<hbm>>
      tpu.wait_dma2 semaphore(%arg11 : memref<!tpu.dma_semaphore, #tpu.memory_space<semaphore_mem>>) src(%dma_wait3A_746 : memref<32x8x32xf32, #tpu.memory_space<hbm>>) dst(%dma_wait3A_742 : memref<32x8x32xf32, #tpu.memory_space<vmem>>)
      %mul3A_747 = arith.constant 32 : i32
      %mul3A_748 = arith.muli %add3A_724, %mul3A_747 : i32
      %broadcast_in_dim3A = arith.constant 0 : i32
      %broadcast_in_dim3A_749 = vector.broadcast %broadcast_in_dim3A : i32 to vector<16xi32>
      %add3A_750 = arith.constant 0 : i32
      %add3A_751 = arith.addi %mul3A_748, %add3A_750 : i32
      %get3A_752 = arith.index_cast %add3A_751 : i32 to index
      %get3A_753 = tpu.vector_load %arg6[%get3A_752] {strides = array<i32>} : memref<512xi32, #tpu.memory_space<vmem>>, vector<16xi32>,
      %and3A = arith.constant 7 : i32
      %and3A_754 = vector.broadcast %and3A : i32 to vector<16xi32>
      %and3A_755 = arith.andi %get3A_753, %and3A_754 : vector<16xi32>
      %add3A_756 = arith.constant 0 : i32
      %add3A_757 = vector.broadcast %add3A_756 : i32 to vector<16xi32>
      %add3A_758 = arith.addi %iota3A, %add3A_757 : vector<16xi32>
      %broadcast_in_dim3A_759 = arith.constant 0 : i32
      %broadcast_in_dim3A_760 = vector.broadcast %broadcast_in_dim3A_759 : i32 to vector<16xi32>
      %gather3A = tpu.vector_load_idx %arg8[%broadcast_in_dim3A_749, %add3A_758, %and3A_755, %broadcast_in_dim3A_760] : memref<2x32x8x32xf32, #tpu.memory_space<vmem>>[vector<16xi32>, vector<16xi32>, vector<16xi32>, vector<16xi32>], vector<16xf32>,
      %mul3A_761 = arith.mulf %gather3A, %get3A_8 : vector<16xf32>
      %add3A_762 = arith.addf %get3A_72, %mul3A_761 : vector<16xf32>
      %broadcast_in_dim3A_763 = arith.constant 1 : i32
      %broadcast_in_dim3A_764 = vector.broadcast %broadcast_in_dim3A_763 : i32 to vector<16xi32>
      %gather3A_765 = tpu.vector_load_idx %arg8[%broadcast_in_dim3A_749, %add3A_758, %and3A_755, %broadcast_in_dim3A_764] : memref<2x32x8x32xf32, #tpu.memory_space<vmem>>[vector<16xi32>, vector<16xi32>, vector<16xi32>, vector<16xi32>], vector<16xf32>,
      %mul3A_766 = arith.mulf %gather3A_765, %get3A_10 : vector<16xf32>
      %add3A_767 = arith.addf %add3A_762, %mul3A_766 : vector<16xf32>
      %broadcast_in_dim3A_768 = arith.constant 2 : i32
      %broadcast_in_dim3A_769 = vector.broadcast %broadcast_in_dim3A_768 : i32 to vector<16xi32>
      %gather3A_770 = tpu.vector_load_idx %arg8[%broadcast_in_dim3A_749, %add3A_758, %and3A_755, %broadcast_in_dim3A_769] : memref<2x32x8x32xf32, #tpu.memory_space<vmem>>[vector<16xi32>, vector<16xi32>, vector<16xi32>, vector<16xi32>], vector<16xf32>,
      %mul3A_771 = arith.mulf %gather3A_770, %get3A_12 : vector<16xf32>
      %add3A_772 = arith.addf %add3A_767, %mul3A_771 : vector<16xf32>
      %broadcast_in_dim3A_773 = arith.constant 3 : i32
      %broadcast_in_dim3A_774 = vector.broadcast %broadcast_in_dim3A_773 : i32 to vector<16xi32>
      %gather3A_775 = tpu.vector_load_idx %arg8[%broadcast_in_dim3A_749, %add3A_758, %and3A_755, %broadcast_in_dim3A_774] : memref<2x32x8x32xf32, #tpu.memory_space<vmem>>[vector<16xi32>, vector<16xi32>, vector<16xi32>, vector<16xi32>], vector<16xf32>,
      %mul3A_776 = arith.mulf %gather3A_775, %get3A_14 : vector<16xf32>
      %add3A_777 = arith.addf %add3A_772, %mul3A_776 : vector<16xf32>
      %broadcast_in_dim3A_778 = arith.constant 4 : i32
      %broadcast_in_dim3A_779 = vector.broadcast %broadcast_in_dim3A_778 : i32 to vector<16xi32>
      %gather3A_780 = tpu.vector_load_idx %arg8[%broadcast_in_dim3A_749, %add3A_758, %and3A_755, %broadcast_in_dim3A_779] : memref<2x32x8x32xf32, #tpu.memory_space<vmem>>[vector<16xi32>, vector<16xi32>, vector<16xi32>, vector<16xi32>], vector<16xf32>,
      %mul3A_781 = arith.mulf %gather3A_780, %get3A_16 : vector<16xf32>
      %add3A_782 = arith.addf %add3A_777, %mul3A_781 : vector<16xf32>
      %broadcast_in_dim3A_783 = arith.constant 5 : i32
      %broadcast_in_dim3A_784 = vector.broadcast %broadcast_in_dim3A_783 : i32 to vector<16xi32>
      %gather3A_785 = tpu.vector_load_idx %arg8[%broadcast_in_dim3A_749, %add3A_758, %and3A_755, %broadcast_in_dim3A_784] : memref<2x32x8x32xf32, #tpu.memory_space<vmem>>[vector<16xi32>, vector<16xi32>, vector<16xi32>, vector<16xi32>], vector<16xf32>,
      %mul3A_786 = arith.mulf %gather3A_785, %get3A_18 : vector<16xf32>
      %add3A_787 = arith.addf %add3A_782, %mul3A_786 : vector<16xf32>
      %broadcast_in_dim3A_788 = arith.constant 6 : i32
      %broadcast_in_dim3A_789 = vector.broadcast %broadcast_in_dim3A_788 : i32 to vector<16xi32>
      %gather3A_790 = tpu.vector_load_idx %arg8[%broadcast_in_dim3A_749, %add3A_758, %and3A_755, %broadcast_in_dim3A_789] : memref<2x32x8x32xf32, #tpu.memory_space<vmem>>[vector<16xi32>, vector<16xi32>, vector<16xi32>, vector<16xi32>], vector<16xf32>,
      %mul3A_791 = arith.mulf %gather3A_790, %get3A_20 : vector<16xf32>
      %add3A_792 = arith.addf %add3A_787, %mul3A_791 : vector<16xf32>
      %broadcast_in_dim3A_793 = arith.constant 7 : i32
      %broadcast_in_dim3A_794 = vector.broadcast %broadcast_in_dim3A_793 : i32 to vector<16xi32>
      %gather3A_795 = tpu.vector_load_idx %arg8[%broadcast_in_dim3A_749, %add3A_758, %and3A_755, %broadcast_in_dim3A_794] : memref<2x32x8x32xf32, #tpu.memory_space<vmem>>[vector<16xi32>, vector<16xi32>, vector<16xi32>, vector<16xi32>], vector<16xf32>,
      %mul3A_796 = arith.mulf %gather3A_795, %get3A_22 : vector<16xf32>
      %add3A_797 = arith.addf %add3A_792, %mul3A_796 : vector<16xf32>
      %broadcast_in_dim3A_798 = arith.constant 8 : i32
      %broadcast_in_dim3A_799 = vector.broadcast %broadcast_in_dim3A_798 : i32 to vector<16xi32>
      %gather3A_800 = tpu.vector_load_idx %arg8[%broadcast_in_dim3A_749, %add3A_758, %and3A_755, %broadcast_in_dim3A_799] : memref<2x32x8x32xf32, #tpu.memory_space<vmem>>[vector<16xi32>, vector<16xi32>, vector<16xi32>, vector<16xi32>], vector<16xf32>,
      %mul3A_801 = arith.mulf %gather3A_800, %get3A_24 : vector<16xf32>
      %add3A_802 = arith.addf %add3A_797, %mul3A_801 : vector<16xf32>
      %broadcast_in_dim3A_803 = arith.constant 9 : i32
      %broadcast_in_dim3A_804 = vector.broadcast %broadcast_in_dim3A_803 : i32 to vector<16xi32>
      %gather3A_805 = tpu.vector_load_idx %arg8[%broadcast_in_dim3A_749, %add3A_758, %and3A_755, %broadcast_in_dim3A_804] : memref<2x32x8x32xf32, #tpu.memory_space<vmem>>[vector<16xi32>, vector<16xi32>, vector<16xi32>, vector<16xi32>], vector<16xf32>,
      %mul3A_806 = arith.mulf %gather3A_805, %get3A_26 : vector<16xf32>
      %add3A_807 = arith.addf %add3A_802, %mul3A_806 : vector<16xf32>
      %broadcast_in_dim3A_808 = arith.constant 10 : i32
      %broadcast_in_dim3A_809 = vector.broadcast %broadcast_in_dim3A_808 : i32 to vector<16xi32>
      %gather3A_810 = tpu.vector_load_idx %arg8[%broadcast_in_dim3A_749, %add3A_758, %and3A_755, %broadcast_in_dim3A_809] : memref<2x32x8x32xf32, #tpu.memory_space<vmem>>[vector<16xi32>, vector<16xi32>, vector<16xi32>, vector<16xi32>], vector<16xf32>,
      %mul3A_811 = arith.mulf %gather3A_810, %get3A_28 : vector<16xf32>
      %add3A_812 = arith.addf %add3A_807, %mul3A_811 : vector<16xf32>
      %broadcast_in_dim3A_813 = arith.constant 11 : i32
      %broadcast_in_dim3A_814 = vector.broadcast %broadcast_in_dim3A_813 : i32 to vector<16xi32>
      %gather3A_815 = tpu.vector_load_idx %arg8[%broadcast_in_dim3A_749, %add3A_758, %and3A_755, %broadcast_in_dim3A_814] : memref<2x32x8x32xf32, #tpu.memory_space<vmem>>[vector<16xi32>, vector<16xi32>, vector<16xi32>, vector<16xi32>], vector<16xf32>,
      %mul3A_816 = arith.mulf %gather3A_815, %get3A_30 : vector<16xf32>
      %add3A_817 = arith.addf %add3A_812, %mul3A_816 : vector<16xf32>
      %broadcast_in_dim3A_818 = arith.constant 12 : i32
      %broadcast_in_dim3A_819 = vector.broadcast %broadcast_in_dim3A_818 : i32 to vector<16xi32>
      %gather3A_820 = tpu.vector_load_idx %arg8[%broadcast_in_dim3A_749, %add3A_758, %and3A_755, %broadcast_in_dim3A_819] : memref<2x32x8x32xf32, #tpu.memory_space<vmem>>[vector<16xi32>, vector<16xi32>, vector<16xi32>, vector<16xi32>], vector<16xf32>,
      %mul3A_821 = arith.mulf %gather3A_820, %get3A_32 : vector<16xf32>
      %add3A_822 = arith.addf %add3A_817, %mul3A_821 : vector<16xf32>
      %broadcast_in_dim3A_823 = arith.constant 13 : i32
      %broadcast_in_dim3A_824 = vector.broadcast %broadcast_in_dim3A_823 : i32 to vector<16xi32>
      %gather3A_825 = tpu.vector_load_idx %arg8[%broadcast_in_dim3A_749, %add3A_758, %and3A_755, %broadcast_in_dim3A_824] : memref<2x32x8x32xf32, #tpu.memory_space<vmem>>[vector<16xi32>, vector<16xi32>, vector<16xi32>, vector<16xi32>], vector<16xf32>,
      %mul3A_826 = arith.mulf %gather3A_825, %get3A_34 : vector<16xf32>
      %add3A_827 = arith.addf %add3A_822, %mul3A_826 : vector<16xf32>
      %broadcast_in_dim3A_828 = arith.constant 14 : i32
      %broadcast_in_dim3A_829 = vector.broadcast %broadcast_in_dim3A_828 : i32 to vector<16xi32>
      %gather3A_830 = tpu.vector_load_idx %arg8[%broadcast_in_dim3A_749, %add3A_758, %and3A_755, %broadcast_in_dim3A_829] : memref<2x32x8x32xf32, #tpu.memory_space<vmem>>[vector<16xi32>, vector<16xi32>, vector<16xi32>, vector<16xi32>], vector<16xf32>,
      %mul3A_831 = arith.mulf %gather3A_830, %get3A_36 : vector<16xf32>
      %add3A_832 = arith.addf %add3A_827, %mul3A_831 : vector<16xf32>
      %broadcast_in_dim3A_833 = arith.constant 15 : i32
      %broadcast_in_dim3A_834 = vector.broadcast %broadcast_in_dim3A_833 : i32 to vector<16xi32>
      %gather3A_835 = tpu.vector_load_idx %arg8[%broadcast_in_dim3A_749, %add3A_758, %and3A_755, %broadcast_in_dim3A_834] : memref<2x32x8x32xf32, #tpu.memory_space<vmem>>[vector<16xi32>, vector<16xi32>, vector<16xi32>, vector<16xi32>], vector<16xf32>,
      %mul3A_836 = arith.mulf %gather3A_835, %get3A_38 : vector<16xf32>
      %add3A_837 = arith.addf %add3A_832, %mul3A_836 : vector<16xf32>
      %broadcast_in_dim3A_838 = arith.constant 16 : i32
      %broadcast_in_dim3A_839 = vector.broadcast %broadcast_in_dim3A_838 : i32 to vector<16xi32>
      %gather3A_840 = tpu.vector_load_idx %arg8[%broadcast_in_dim3A_749, %add3A_758, %and3A_755, %broadcast_in_dim3A_839] : memref<2x32x8x32xf32, #tpu.memory_space<vmem>>[vector<16xi32>, vector<16xi32>, vector<16xi32>, vector<16xi32>], vector<16xf32>,
      %mul3A_841 = arith.mulf %gather3A_840, %get3A_40 : vector<16xf32>
      %add3A_842 = arith.addf %add3A_837, %mul3A_841 : vector<16xf32>
      %broadcast_in_dim3A_843 = arith.constant 17 : i32
      %broadcast_in_dim3A_844 = vector.broadcast %broadcast_in_dim3A_843 : i32 to vector<16xi32>
      %gather3A_845 = tpu.vector_load_idx %arg8[%broadcast_in_dim3A_749, %add3A_758, %and3A_755, %broadcast_in_dim3A_844] : memref<2x32x8x32xf32, #tpu.memory_space<vmem>>[vector<16xi32>, vector<16xi32>, vector<16xi32>, vector<16xi32>], vector<16xf32>,
      %mul3A_846 = arith.mulf %gather3A_845, %get3A_42 : vector<16xf32>
      %add3A_847 = arith.addf %add3A_842, %mul3A_846 : vector<16xf32>
      %broadcast_in_dim3A_848 = arith.constant 18 : i32
      %broadcast_in_dim3A_849 = vector.broadcast %broadcast_in_dim3A_848 : i32 to vector<16xi32>
      %gather3A_850 = tpu.vector_load_idx %arg8[%broadcast_in_dim3A_749, %add3A_758, %and3A_755, %broadcast_in_dim3A_849] : memref<2x32x8x32xf32, #tpu.memory_space<vmem>>[vector<16xi32>, vector<16xi32>, vector<16xi32>, vector<16xi32>], vector<16xf32>,
      %mul3A_851 = arith.mulf %gather3A_850, %get3A_44 : vector<16xf32>
      %add3A_852 = arith.addf %add3A_847, %mul3A_851 : vector<16xf32>
      %broadcast_in_dim3A_853 = arith.constant 19 : i32
      %broadcast_in_dim3A_854 = vector.broadcast %broadcast_in_dim3A_853 : i32 to vector<16xi32>
      %gather3A_855 = tpu.vector_load_idx %arg8[%broadcast_in_dim3A_749, %add3A_758, %and3A_755, %broadcast_in_dim3A_854] : memref<2x32x8x32xf32, #tpu.memory_space<vmem>>[vector<16xi32>, vector<16xi32>, vector<16xi32>, vector<16xi32>], vector<16xf32>,
      %mul3A_856 = arith.mulf %gather3A_855, %get3A_46 : vector<16xf32>
      %add3A_857 = arith.addf %add3A_852, %mul3A_856 : vector<16xf32>
      %broadcast_in_dim3A_858 = arith.constant 20 : i32
      %broadcast_in_dim3A_859 = vector.broadcast %broadcast_in_dim3A_858 : i32 to vector<16xi32>
      %gather3A_860 = tpu.vector_load_idx %arg8[%broadcast_in_dim3A_749, %add3A_758, %and3A_755, %broadcast_in_dim3A_859] : memref<2x32x8x32xf32, #tpu.memory_space<vmem>>[vector<16xi32>, vector<16xi32>, vector<16xi32>, vector<16xi32>], vector<16xf32>,
      %mul3A_861 = arith.mulf %gather3A_860, %get3A_48 : vector<16xf32>
      %add3A_862 = arith.addf %add3A_857, %mul3A_861 : vector<16xf32>
      %broadcast_in_dim3A_863 = arith.constant 21 : i32
      %broadcast_in_dim3A_864 = vector.broadcast %broadcast_in_dim3A_863 : i32 to vector<16xi32>
      %gather3A_865 = tpu.vector_load_idx %arg8[%broadcast_in_dim3A_749, %add3A_758, %and3A_755, %broadcast_in_dim3A_864] : memref<2x32x8x32xf32, #tpu.memory_space<vmem>>[vector<16xi32>, vector<16xi32>, vector<16xi32>, vector<16xi32>], vector<16xf32>,
      %mul3A_866 = arith.mulf %gather3A_865, %get3A_50 : vector<16xf32>
      %add3A_867 = arith.addf %add3A_862, %mul3A_866 : vector<16xf32>
      %broadcast_in_dim3A_868 = arith.constant 22 : i32
      %broadcast_in_dim3A_869 = vector.broadcast %broadcast_in_dim3A_868 : i32 to vector<16xi32>
      %gather3A_870 = tpu.vector_load_idx %arg8[%broadcast_in_dim3A_749, %add3A_758, %and3A_755, %broadcast_in_dim3A_869] : memref<2x32x8x32xf32, #tpu.memory_space<vmem>>[vector<16xi32>, vector<16xi32>, vector<16xi32>, vector<16xi32>], vector<16xf32>,
      %mul3A_871 = arith.mulf %gather3A_870, %get3A_52 : vector<16xf32>
      %add3A_872 = arith.addf %add3A_867, %mul3A_871 : vector<16xf32>
      %broadcast_in_dim3A_873 = arith.constant 23 : i32
      %broadcast_in_dim3A_874 = vector.broadcast %broadcast_in_dim3A_873 : i32 to vector<16xi32>
      %gather3A_875 = tpu.vector_load_idx %arg8[%broadcast_in_dim3A_749, %add3A_758, %and3A_755, %broadcast_in_dim3A_874] : memref<2x32x8x32xf32, #tpu.memory_space<vmem>>[vector<16xi32>, vector<16xi32>, vector<16xi32>, vector<16xi32>], vector<16xf32>,
      %mul3A_876 = arith.mulf %gather3A_875, %get3A_54 : vector<16xf32>
      %add3A_877 = arith.addf %add3A_872, %mul3A_876 : vector<16xf32>
      %broadcast_in_dim3A_878 = arith.constant 24 : i32
      %broadcast_in_dim3A_879 = vector.broadcast %broadcast_in_dim3A_878 : i32 to vector<16xi32>
      %gather3A_880 = tpu.vector_load_idx %arg8[%broadcast_in_dim3A_749, %add3A_758, %and3A_755, %broadcast_in_dim3A_879] : memref<2x32x8x32xf32, #tpu.memory_space<vmem>>[vector<16xi32>, vector<16xi32>, vector<16xi32>, vector<16xi32>], vector<16xf32>,
      %mul3A_881 = arith.mulf %gather3A_880, %get3A_56 : vector<16xf32>
      %add3A_882 = arith.addf %add3A_877, %mul3A_881 : vector<16xf32>
      %broadcast_in_dim3A_883 = arith.constant 25 : i32
      %broadcast_in_dim3A_884 = vector.broadcast %broadcast_in_dim3A_883 : i32 to vector<16xi32>
      %gather3A_885 = tpu.vector_load_idx %arg8[%broadcast_in_dim3A_749, %add3A_758, %and3A_755, %broadcast_in_dim3A_884] : memref<2x32x8x32xf32, #tpu.memory_space<vmem>>[vector<16xi32>, vector<16xi32>, vector<16xi32>, vector<16xi32>], vector<16xf32>,
      %mul3A_886 = arith.mulf %gather3A_885, %get3A_58 : vector<16xf32>
      %add3A_887 = arith.addf %add3A_882, %mul3A_886 : vector<16xf32>
      %broadcast_in_dim3A_888 = arith.constant 26 : i32
      %broadcast_in_dim3A_889 = vector.broadcast %broadcast_in_dim3A_888 : i32 to vector<16xi32>
      %gather3A_890 = tpu.vector_load_idx %arg8[%broadcast_in_dim3A_749, %add3A_758, %and3A_755, %broadcast_in_dim3A_889] : memref<2x32x8x32xf32, #tpu.memory_space<vmem>>[vector<16xi32>, vector<16xi32>, vector<16xi32>, vector<16xi32>], vector<16xf32>,
      %mul3A_891 = arith.mulf %gather3A_890, %get3A_60 : vector<16xf32>
      %add3A_892 = arith.addf %add3A_887, %mul3A_891 : vector<16xf32>
      %broadcast_in_dim3A_893 = arith.constant 27 : i32
      %broadcast_in_dim3A_894 = vector.broadcast %broadcast_in_dim3A_893 : i32 to vector<16xi32>
      %gather3A_895 = tpu.vector_load_idx %arg8[%broadcast_in_dim3A_749, %add3A_758, %and3A_755, %broadcast_in_dim3A_894] : memref<2x32x8x32xf32, #tpu.memory_space<vmem>>[vector<16xi32>, vector<16xi32>, vector<16xi32>, vector<16xi32>], vector<16xf32>,
      %mul3A_896 = arith.mulf %gather3A_895, %get3A_62 : vector<16xf32>
      %add3A_897 = arith.addf %add3A_892, %mul3A_896 : vector<16xf32>
      %broadcast_in_dim3A_898 = arith.constant 28 : i32
      %broadcast_in_dim3A_899 = vector.broadcast %broadcast_in_dim3A_898 : i32 to vector<16xi32>
      %gather3A_900 = tpu.vector_load_idx %arg8[%broadcast_in_dim3A_749, %add3A_758, %and3A_755, %broadcast_in_dim3A_899] : memref<2x32x8x32xf32, #tpu.memory_space<vmem>>[vector<16xi32>, vector<16xi32>, vector<16xi32>, vector<16xi32>], vector<16xf32>,
      %mul3A_901 = arith.mulf %gather3A_900, %get3A_64 : vector<16xf32>
      %add3A_902 = arith.addf %add3A_897, %mul3A_901 : vector<16xf32>
      %broadcast_in_dim3A_903 = arith.constant 29 : i32
      %broadcast_in_dim3A_904 = vector.broadcast %broadcast_in_dim3A_903 : i32 to vector<16xi32>
      %gather3A_905 = tpu.vector_load_idx %arg8[%broadcast_in_dim3A_749, %add3A_758, %and3A_755, %broadcast_in_dim3A_904] : memref<2x32x8x32xf32, #tpu.memory_space<vmem>>[vector<16xi32>, vector<16xi32>, vector<16xi32>, vector<16xi32>], vector<16xf32>,
      %mul3A_906 = arith.mulf %gather3A_905, %get3A_66 : vector<16xf32>
      %add3A_907 = arith.addf %add3A_902, %mul3A_906 : vector<16xf32>
      %broadcast_in_dim3A_908 = arith.constant 30 : i32
      %broadcast_in_dim3A_909 = vector.broadcast %broadcast_in_dim3A_908 : i32 to vector<16xi32>
      %gather3A_910 = tpu.vector_load_idx %arg8[%broadcast_in_dim3A_749, %add3A_758, %and3A_755, %broadcast_in_dim3A_909] : memref<2x32x8x32xf32, #tpu.memory_space<vmem>>[vector<16xi32>, vector<16xi32>, vector<16xi32>, vector<16xi32>], vector<16xf32>,
      %mul3A_911 = arith.mulf %gather3A_910, %get3A_68 : vector<16xf32>
      %add3A_912 = arith.addf %add3A_907, %mul3A_911 : vector<16xf32>
      %broadcast_in_dim3A_913 = arith.constant 31 : i32
      %broadcast_in_dim3A_914 = vector.broadcast %broadcast_in_dim3A_913 : i32 to vector<16xi32>
      %gather3A_915 = tpu.vector_load_idx %arg8[%broadcast_in_dim3A_749, %add3A_758, %and3A_755, %broadcast_in_dim3A_914] : memref<2x32x8x32xf32, #tpu.memory_space<vmem>>[vector<16xi32>, vector<16xi32>, vector<16xi32>, vector<16xi32>], vector<16xf32>,
      %mul3A_916 = arith.mulf %gather3A_915, %get3A_70 : vector<16xf32>
      %add3A_917 = arith.addf %add3A_912, %mul3A_916 : vector<16xf32>
      %swap3A = arith.index_cast %add3A_751 : i32 to index
      %swap3A_918 = tpu.vector_load %arg10[%swap3A] {strides = array<i32>} : memref<512xf32, #tpu.memory_space<vmem>>, vector<16xf32>,
      tpu.vector_store %arg10[%swap3A], %add3A_917 {strides = array<i32>} : memref<512xf32, #tpu.memory_space<vmem>>, vector<16xf32>,
      %add3A_919 = arith.constant 16 : i32
      %add3A_920 = arith.addi %mul3A_748, %add3A_919 : i32
      %get3A_921 = arith.index_cast %add3A_920 : i32 to index
      %get3A_922 = tpu.vector_load %arg6[%get3A_921] {strides = array<i32>} : memref<512xi32, #tpu.memory_space<vmem>>, vector<16xi32>,
      %and3A_923 = arith.constant 7 : i32
      %and3A_924 = vector.broadcast %and3A_923 : i32 to vector<16xi32>
      %and3A_925 = arith.andi %get3A_922, %and3A_924 : vector<16xi32>
      %add3A_926 = arith.constant 16 : i32
      %add3A_927 = vector.broadcast %add3A_926 : i32 to vector<16xi32>
      %add3A_928 = arith.addi %iota3A, %add3A_927 : vector<16xi32>
      %broadcast_in_dim3A_929 = arith.constant 0 : i32
      %broadcast_in_dim3A_930 = vector.broadcast %broadcast_in_dim3A_929 : i32 to vector<16xi32>
      %gather3A_931 = tpu.vector_load_idx %arg8[%broadcast_in_dim3A_749, %add3A_928, %and3A_925, %broadcast_in_dim3A_930] : memref<2x32x8x32xf32, #tpu.memory_space<vmem>>[vector<16xi32>, vector<16xi32>, vector<16xi32>, vector<16xi32>], vector<16xf32>,
      %mul3A_932 = arith.mulf %gather3A_931, %get3A_8 : vector<16xf32>
      %add3A_933 = arith.addf %get3A_72, %mul3A_932 : vector<16xf32>
      %broadcast_in_dim3A_934 = arith.constant 1 : i32
      %broadcast_in_dim3A_935 = vector.broadcast %broadcast_in_dim3A_934 : i32 to vector<16xi32>
      %gather3A_936 = tpu.vector_load_idx %arg8[%broadcast_in_dim3A_749, %add3A_928, %and3A_925, %broadcast_in_dim3A_935] : memref<2x32x8x32xf32, #tpu.memory_space<vmem>>[vector<16xi32>, vector<16xi32>, vector<16xi32>, vector<16xi32>], vector<16xf32>,
      %mul3A_937 = arith.mulf %gather3A_936, %get3A_10 : vector<16xf32>
      %add3A_938 = arith.addf %add3A_933, %mul3A_937 : vector<16xf32>
      %broadcast_in_dim3A_939 = arith.constant 2 : i32
      %broadcast_in_dim3A_940 = vector.broadcast %broadcast_in_dim3A_939 : i32 to vector<16xi32>
      %gather3A_941 = tpu.vector_load_idx %arg8[%broadcast_in_dim3A_749, %add3A_928, %and3A_925, %broadcast_in_dim3A_940] : memref<2x32x8x32xf32, #tpu.memory_space<vmem>>[vector<16xi32>, vector<16xi32>, vector<16xi32>, vector<16xi32>], vector<16xf32>,
      %mul3A_942 = arith.mulf %gather3A_941, %get3A_12 : vector<16xf32>
      %add3A_943 = arith.addf %add3A_938, %mul3A_942 : vector<16xf32>
      %broadcast_in_dim3A_944 = arith.constant 3 : i32
      %broadcast_in_dim3A_945 = vector.broadcast %broadcast_in_dim3A_944 : i32 to vector<16xi32>
      %gather3A_946 = tpu.vector_load_idx %arg8[%broadcast_in_dim3A_749, %add3A_928, %and3A_925, %broadcast_in_dim3A_945] : memref<2x32x8x32xf32, #tpu.memory_space<vmem>>[vector<16xi32>, vector<16xi32>, vector<16xi32>, vector<16xi32>], vector<16xf32>,
      %mul3A_947 = arith.mulf %gather3A_946, %get3A_14 : vector<16xf32>
      %add3A_948 = arith.addf %add3A_943, %mul3A_947 : vector<16xf32>
      %broadcast_in_dim3A_949 = arith.constant 4 : i32
      %broadcast_in_dim3A_950 = vector.broadcast %broadcast_in_dim3A_949 : i32 to vector<16xi32>
      %gather3A_951 = tpu.vector_load_idx %arg8[%broadcast_in_dim3A_749, %add3A_928, %and3A_925, %broadcast_in_dim3A_950] : memref<2x32x8x32xf32, #tpu.memory_space<vmem>>[vector<16xi32>, vector<16xi32>, vector<16xi32>, vector<16xi32>], vector<16xf32>,
      %mul3A_952 = arith.mulf %gather3A_951, %get3A_16 : vector<16xf32>
      %add3A_953 = arith.addf %add3A_948, %mul3A_952 : vector<16xf32>
      %broadcast_in_dim3A_954 = arith.constant 5 : i32
      %broadcast_in_dim3A_955 = vector.broadcast %broadcast_in_dim3A_954 : i32 to vector<16xi32>
      %gather3A_956 = tpu.vector_load_idx %arg8[%broadcast_in_dim3A_749, %add3A_928, %and3A_925, %broadcast_in_dim3A_955] : memref<2x32x8x32xf32, #tpu.memory_space<vmem>>[vector<16xi32>, vector<16xi32>, vector<16xi32>, vector<16xi32>], vector<16xf32>,
      %mul3A_957 = arith.mulf %gather3A_956, %get3A_18 : vector<16xf32>
      %add3A_958 = arith.addf %add3A_953, %mul3A_957 : vector<16xf32>
      %broadcast_in_dim3A_959 = arith.constant 6 : i32
      %broadcast_in_dim3A_960 = vector.broadcast %broadcast_in_dim3A_959 : i32 to vector<16xi32>
      %gather3A_961 = tpu.vector_load_idx %arg8[%broadcast_in_dim3A_749, %add3A_928, %and3A_925, %broadcast_in_dim3A_960] : memref<2x32x8x32xf32, #tpu.memory_space<vmem>>[vector<16xi32>, vector<16xi32>, vector<16xi32>, vector<16xi32>], vector<16xf32>,
      %mul3A_962 = arith.mulf %gather3A_961, %get3A_20 : vector<16xf32>
      %add3A_963 = arith.addf %add3A_958, %mul3A_962 : vector<16xf32>
      %broadcast_in_dim3A_964 = arith.constant 7 : i32
      %broadcast_in_dim3A_965 = vector.broadcast %broadcast_in_dim3A_964 : i32 to vector<16xi32>
      %gather3A_966 = tpu.vector_load_idx %arg8[%broadcast_in_dim3A_749, %add3A_928, %and3A_925, %broadcast_in_dim3A_965] : memref<2x32x8x32xf32, #tpu.memory_space<vmem>>[vector<16xi32>, vector<16xi32>, vector<16xi32>, vector<16xi32>], vector<16xf32>,
      %mul3A_967 = arith.mulf %gather3A_966, %get3A_22 : vector<16xf32>
      %add3A_968 = arith.addf %add3A_963, %mul3A_967 : vector<16xf32>
      %broadcast_in_dim3A_969 = arith.constant 8 : i32
      %broadcast_in_dim3A_970 = vector.broadcast %broadcast_in_dim3A_969 : i32 to vector<16xi32>
      %gather3A_971 = tpu.vector_load_idx %arg8[%broadcast_in_dim3A_749, %add3A_928, %and3A_925, %broadcast_in_dim3A_970] : memref<2x32x8x32xf32, #tpu.memory_space<vmem>>[vector<16xi32>, vector<16xi32>, vector<16xi32>, vector<16xi32>], vector<16xf32>,
      %mul3A_972 = arith.mulf %gather3A_971, %get3A_24 : vector<16xf32>
      %add3A_973 = arith.addf %add3A_968, %mul3A_972 : vector<16xf32>
      %broadcast_in_dim3A_974 = arith.constant 9 : i32
      %broadcast_in_dim3A_975 = vector.broadcast %broadcast_in_dim3A_974 : i32 to vector<16xi32>
      %gather3A_976 = tpu.vector_load_idx %arg8[%broadcast_in_dim3A_749, %add3A_928, %and3A_925, %broadcast_in_dim3A_975] : memref<2x32x8x32xf32, #tpu.memory_space<vmem>>[vector<16xi32>, vector<16xi32>, vector<16xi32>, vector<16xi32>], vector<16xf32>,
      %mul3A_977 = arith.mulf %gather3A_976, %get3A_26 : vector<16xf32>
      %add3A_978 = arith.addf %add3A_973, %mul3A_977 : vector<16xf32>
      %broadcast_in_dim3A_979 = arith.constant 10 : i32
      %broadcast_in_dim3A_980 = vector.broadcast %broadcast_in_dim3A_979 : i32 to vector<16xi32>
      %gather3A_981 = tpu.vector_load_idx %arg8[%broadcast_in_dim3A_749, %add3A_928, %and3A_925, %broadcast_in_dim3A_980] : memref<2x32x8x32xf32, #tpu.memory_space<vmem>>[vector<16xi32>, vector<16xi32>, vector<16xi32>, vector<16xi32>], vector<16xf32>,
      %mul3A_982 = arith.mulf %gather3A_981, %get3A_28 : vector<16xf32>
      %add3A_983 = arith.addf %add3A_978, %mul3A_982 : vector<16xf32>
      %broadcast_in_dim3A_984 = arith.constant 11 : i32
      %broadcast_in_dim3A_985 = vector.broadcast %broadcast_in_dim3A_984 : i32 to vector<16xi32>
      %gather3A_986 = tpu.vector_load_idx %arg8[%broadcast_in_dim3A_749, %add3A_928, %and3A_925, %broadcast_in_dim3A_985] : memref<2x32x8x32xf32, #tpu.memory_space<vmem>>[vector<16xi32>, vector<16xi32>, vector<16xi32>, vector<16xi32>], vector<16xf32>,
      %mul3A_987 = arith.mulf %gather3A_986, %get3A_30 : vector<16xf32>
      %add3A_988 = arith.addf %add3A_983, %mul3A_987 : vector<16xf32>
      %broadcast_in_dim3A_989 = arith.constant 12 : i32
      %broadcast_in_dim3A_990 = vector.broadcast %broadcast_in_dim3A_989 : i32 to vector<16xi32>
      %gather3A_991 = tpu.vector_load_idx %arg8[%broadcast_in_dim3A_749, %add3A_928, %and3A_925, %broadcast_in_dim3A_990] : memref<2x32x8x32xf32, #tpu.memory_space<vmem>>[vector<16xi32>, vector<16xi32>, vector<16xi32>, vector<16xi32>], vector<16xf32>,
      %mul3A_992 = arith.mulf %gather3A_991, %get3A_32 : vector<16xf32>
      %add3A_993 = arith.addf %add3A_988, %mul3A_992 : vector<16xf32>
      %broadcast_in_dim3A_994 = arith.constant 13 : i32
      %broadcast_in_dim3A_995 = vector.broadcast %broadcast_in_dim3A_994 : i32 to vector<16xi32>
      %gather3A_996 = tpu.vector_load_idx %arg8[%broadcast_in_dim3A_749, %add3A_928, %and3A_925, %broadcast_in_dim3A_995] : memref<2x32x8x32xf32, #tpu.memory_space<vmem>>[vector<16xi32>, vector<16xi32>, vector<16xi32>, vector<16xi32>], vector<16xf32>,
      %mul3A_997 = arith.mulf %gather3A_996, %get3A_34 : vector<16xf32>
      %add3A_998 = arith.addf %add3A_993, %mul3A_997 : vector<16xf32>
      %broadcast_in_dim3A_999 = arith.constant 14 : i32
      %broadcast_in_dim3A_1000 = vector.broadcast %broadcast_in_dim3A_999 : i32 to vector<16xi32>
      %gather3A_1001 = tpu.vector_load_idx %arg8[%broadcast_in_dim3A_749, %add3A_928, %and3A_925, %broadcast_in_dim3A_1000] : memref<2x32x8x32xf32, #tpu.memory_space<vmem>>[vector<16xi32>, vector<16xi32>, vector<16xi32>, vector<16xi32>], vector<16xf32>,
      %mul3A_1002 = arith.mulf %gather3A_1001, %get3A_36 : vector<16xf32>
      %add3A_1003 = arith.addf %add3A_998, %mul3A_1002 : vector<16xf32>
      %broadcast_in_dim3A_1004 = arith.constant 15 : i32
      %broadcast_in_dim3A_1005 = vector.broadcast %broadcast_in_dim3A_1004 : i32 to vector<16xi32>
      %gather3A_1006 = tpu.vector_load_idx %arg8[%broadcast_in_dim3A_749, %add3A_928, %and3A_925, %broadcast_in_dim3A_1005] : memref<2x32x8x32xf32, #tpu.memory_space<vmem>>[vector<16xi32>, vector<16xi32>, vector<16xi32>, vector<16xi32>], vector<16xf32>,
      %mul3A_1007 = arith.mulf %gather3A_1006, %get3A_38 : vector<16xf32>
      %add3A_1008 = arith.addf %add3A_1003, %mul3A_1007 : vector<16xf32>
      %broadcast_in_dim3A_1009 = arith.constant 16 : i32
      %broadcast_in_dim3A_1010 = vector.broadcast %broadcast_in_dim3A_1009 : i32 to vector<16xi32>
      %gather3A_1011 = tpu.vector_load_idx %arg8[%broadcast_in_dim3A_749, %add3A_928, %and3A_925, %broadcast_in_dim3A_1010] : memref<2x32x8x32xf32, #tpu.memory_space<vmem>>[vector<16xi32>, vector<16xi32>, vector<16xi32>, vector<16xi32>], vector<16xf32>,
      %mul3A_1012 = arith.mulf %gather3A_1011, %get3A_40 : vector<16xf32>
      %add3A_1013 = arith.addf %add3A_1008, %mul3A_1012 : vector<16xf32>
      %broadcast_in_dim3A_1014 = arith.constant 17 : i32
      %broadcast_in_dim3A_1015 = vector.broadcast %broadcast_in_dim3A_1014 : i32 to vector<16xi32>
      %gather3A_1016 = tpu.vector_load_idx %arg8[%broadcast_in_dim3A_749, %add3A_928, %and3A_925, %broadcast_in_dim3A_1015] : memref<2x32x8x32xf32, #tpu.memory_space<vmem>>[vector<16xi32>, vector<16xi32>, vector<16xi32>, vector<16xi32>], vector<16xf32>,
      %mul3A_1017 = arith.mulf %gather3A_1016, %get3A_42 : vector<16xf32>
      %add3A_1018 = arith.addf %add3A_1013, %mul3A_1017 : vector<16xf32>
      %broadcast_in_dim3A_1019 = arith.constant 18 : i32
      %broadcast_in_dim3A_1020 = vector.broadcast %broadcast_in_dim3A_1019 : i32 to vector<16xi32>
      %gather3A_1021 = tpu.vector_load_idx %arg8[%broadcast_in_dim3A_749, %add3A_928, %and3A_925, %broadcast_in_dim3A_1020] : memref<2x32x8x32xf32, #tpu.memory_space<vmem>>[vector<16xi32>, vector<16xi32>, vector<16xi32>, vector<16xi32>], vector<16xf32>,
      %mul3A_1022 = arith.mulf %gather3A_1021, %get3A_44 : vector<16xf32>
      %add3A_1023 = arith.addf %add3A_1018, %mul3A_1022 : vector<16xf32>
      %broadcast_in_dim3A_1024 = arith.constant 19 : i32
      %broadcast_in_dim3A_1025 = vector.broadcast %broadcast_in_dim3A_1024 : i32 to vector<16xi32>
      %gather3A_1026 = tpu.vector_load_idx %arg8[%broadcast_in_dim3A_749, %add3A_928, %and3A_925, %broadcast_in_dim3A_1025] : memref<2x32x8x32xf32, #tpu.memory_space<vmem>>[vector<16xi32>, vector<16xi32>, vector<16xi32>, vector<16xi32>], vector<16xf32>,
      %mul3A_1027 = arith.mulf %gather3A_1026, %get3A_46 : vector<16xf32>
      %add3A_1028 = arith.addf %add3A_1023, %mul3A_1027 : vector<16xf32>
      %broadcast_in_dim3A_1029 = arith.constant 20 : i32
      %broadcast_in_dim3A_1030 = vector.broadcast %broadcast_in_dim3A_1029 : i32 to vector<16xi32>
      %gather3A_1031 = tpu.vector_load_idx %arg8[%broadcast_in_dim3A_749, %add3A_928, %and3A_925, %broadcast_in_dim3A_1030] : memref<2x32x8x32xf32, #tpu.memory_space<vmem>>[vector<16xi32>, vector<16xi32>, vector<16xi32>, vector<16xi32>], vector<16xf32>,
      %mul3A_1032 = arith.mulf %gather3A_1031, %get3A_48 : vector<16xf32>
      %add3A_1033 = arith.addf %add3A_1028, %mul3A_1032 : vector<16xf32>
      %broadcast_in_dim3A_1034 = arith.constant 21 : i32
      %broadcast_in_dim3A_1035 = vector.broadcast %broadcast_in_dim3A_1034 : i32 to vector<16xi32>
      %gather3A_1036 = tpu.vector_load_idx %arg8[%broadcast_in_dim3A_749, %add3A_928, %and3A_925, %broadcast_in_dim3A_1035] : memref<2x32x8x32xf32, #tpu.memory_space<vmem>>[vector<16xi32>, vector<16xi32>, vector<16xi32>, vector<16xi32>], vector<16xf32>,
      %mul3A_1037 = arith.mulf %gather3A_1036, %get3A_50 : vector<16xf32>
      %add3A_1038 = arith.addf %add3A_1033, %mul3A_1037 : vector<16xf32>
      %broadcast_in_dim3A_1039 = arith.constant 22 : i32
      %broadcast_in_dim3A_1040 = vector.broadcast %broadcast_in_dim3A_1039 : i32 to vector<16xi32>
      %gather3A_1041 = tpu.vector_load_idx %arg8[%broadcast_in_dim3A_749, %add3A_928, %and3A_925, %broadcast_in_dim3A_1040] : memref<2x32x8x32xf32, #tpu.memory_space<vmem>>[vector<16xi32>, vector<16xi32>, vector<16xi32>, vector<16xi32>], vector<16xf32>,
      %mul3A_1042 = arith.mulf %gather3A_1041, %get3A_52 : vector<16xf32>
      %add3A_1043 = arith.addf %add3A_1038, %mul3A_1042 : vector<16xf32>
      %broadcast_in_dim3A_1044 = arith.constant 23 : i32
      %broadcast_in_dim3A_1045 = vector.broadcast %broadcast_in_dim3A_1044 : i32 to vector<16xi32>
      %gather3A_1046 = tpu.vector_load_idx %arg8[%broadcast_in_dim3A_749, %add3A_928, %and3A_925, %broadcast_in_dim3A_1045] : memref<2x32x8x32xf32, #tpu.memory_space<vmem>>[vector<16xi32>, vector<16xi32>, vector<16xi32>, vector<16xi32>], vector<16xf32>,
      %mul3A_1047 = arith.mulf %gather3A_1046, %get3A_54 : vector<16xf32>
      %add3A_1048 = arith.addf %add3A_1043, %mul3A_1047 : vector<16xf32>
      %broadcast_in_dim3A_1049 = arith.constant 24 : i32
      %broadcast_in_dim3A_1050 = vector.broadcast %broadcast_in_dim3A_1049 : i32 to vector<16xi32>
      %gather3A_1051 = tpu.vector_load_idx %arg8[%broadcast_in_dim3A_749, %add3A_928, %and3A_925, %broadcast_in_dim3A_1050] : memref<2x32x8x32xf32, #tpu.memory_space<vmem>>[vector<16xi32>, vector<16xi32>, vector<16xi32>, vector<16xi32>], vector<16xf32>,
      %mul3A_1052 = arith.mulf %gather3A_1051, %get3A_56 : vector<16xf32>
      %add3A_1053 = arith.addf %add3A_1048, %mul3A_1052 : vector<16xf32>
      %broadcast_in_dim3A_1054 = arith.constant 25 : i32
      %broadcast_in_dim3A_1055 = vector.broadcast %broadcast_in_dim3A_1054 : i32 to vector<16xi32>
      %gather3A_1056 = tpu.vector_load_idx %arg8[%broadcast_in_dim3A_749, %add3A_928, %and3A_925, %broadcast_in_dim3A_1055] : memref<2x32x8x32xf32, #tpu.memory_space<vmem>>[vector<16xi32>, vector<16xi32>, vector<16xi32>, vector<16xi32>], vector<16xf32>,
      %mul3A_1057 = arith.mulf %gather3A_1056, %get3A_58 : vector<16xf32>
      %add3A_1058 = arith.addf %add3A_1053, %mul3A_1057 : vector<16xf32>
      %broadcast_in_dim3A_1059 = arith.constant 26 : i32
      %broadcast_in_dim3A_1060 = vector.broadcast %broadcast_in_dim3A_1059 : i32 to vector<16xi32>
      %gather3A_1061 = tpu.vector_load_idx %arg8[%broadcast_in_dim3A_749, %add3A_928, %and3A_925, %broadcast_in_dim3A_1060] : memref<2x32x8x32xf32, #tpu.memory_space<vmem>>[vector<16xi32>, vector<16xi32>, vector<16xi32>, vector<16xi32>], vector<16xf32>,
      %mul3A_1062 = arith.mulf %gather3A_1061, %get3A_60 : vector<16xf32>
      %add3A_1063 = arith.addf %add3A_1058, %mul3A_1062 : vector<16xf32>
      %broadcast_in_dim3A_1064 = arith.constant 27 : i32
      %broadcast_in_dim3A_1065 = vector.broadcast %broadcast_in_dim3A_1064 : i32 to vector<16xi32>
      %gather3A_1066 = tpu.vector_load_idx %arg8[%broadcast_in_dim3A_749, %add3A_928, %and3A_925, %broadcast_in_dim3A_1065] : memref<2x32x8x32xf32, #tpu.memory_space<vmem>>[vector<16xi32>, vector<16xi32>, vector<16xi32>, vector<16xi32>], vector<16xf32>,
      %mul3A_1067 = arith.mulf %gather3A_1066, %get3A_62 : vector<16xf32>
      %add3A_1068 = arith.addf %add3A_1063, %mul3A_1067 : vector<16xf32>
      %broadcast_in_dim3A_1069 = arith.constant 28 : i32
      %broadcast_in_dim3A_1070 = vector.broadcast %broadcast_in_dim3A_1069 : i32 to vector<16xi32>
      %gather3A_1071 = tpu.vector_load_idx %arg8[%broadcast_in_dim3A_749, %add3A_928, %and3A_925, %broadcast_in_dim3A_1070] : memref<2x32x8x32xf32, #tpu.memory_space<vmem>>[vector<16xi32>, vector<16xi32>, vector<16xi32>, vector<16xi32>], vector<16xf32>,
      %mul3A_1072 = arith.mulf %gather3A_1071, %get3A_64 : vector<16xf32>
      %add3A_1073 = arith.addf %add3A_1068, %mul3A_1072 : vector<16xf32>
      %broadcast_in_dim3A_1074 = arith.constant 29 : i32
      %broadcast_in_dim3A_1075 = vector.broadcast %broadcast_in_dim3A_1074 : i32 to vector<16xi32>
      %gather3A_1076 = tpu.vector_load_idx %arg8[%broadcast_in_dim3A_749, %add3A_928, %and3A_925, %broadcast_in_dim3A_1075] : memref<2x32x8x32xf32, #tpu.memory_space<vmem>>[vector<16xi32>, vector<16xi32>, vector<16xi32>, vector<16xi32>], vector<16xf32>,
      %mul3A_1077 = arith.mulf %gather3A_1076, %get3A_66 : vector<16xf32>
      %add3A_1078 = arith.addf %add3A_1073, %mul3A_1077 : vector<16xf32>
      %broadcast_in_dim3A_1079 = arith.constant 30 : i32
      %broadcast_in_dim3A_1080 = vector.broadcast %broadcast_in_dim3A_1079 : i32 to vector<16xi32>
      %gather3A_1081 = tpu.vector_load_idx %arg8[%broadcast_in_dim3A_749, %add3A_928, %and3A_925, %broadcast_in_dim3A_1080] : memref<2x32x8x32xf32, #tpu.memory_space<vmem>>[vector<16xi32>, vector<16xi32>, vector<16xi32>, vector<16xi32>], vector<16xf32>,
      %mul3A_1082 = arith.mulf %gather3A_1081, %get3A_68 : vector<16xf32>
      %add3A_1083 = arith.addf %add3A_1078, %mul3A_1082 : vector<16xf32>
      %broadcast_in_dim3A_1084 = arith.constant 31 : i32
      %broadcast_in_dim3A_1085 = vector.broadcast %broadcast_in_dim3A_1084 : i32 to vector<16xi32>
      %gather3A_1086 = tpu.vector_load_idx %arg8[%broadcast_in_dim3A_749, %add3A_928, %and3A_925, %broadcast_in_dim3A_1085] : memref<2x32x8x32xf32, #tpu.memory_space<vmem>>[vector<16xi32>, vector<16xi32>, vector<16xi32>, vector<16xi32>], vector<16xf32>,
      %mul3A_1087 = arith.mulf %gather3A_1086, %get3A_70 : vector<16xf32>
      %add3A_1088 = arith.addf %add3A_1083, %mul3A_1087 : vector<16xf32>
      %swap3A_1089 = arith.index_cast %add3A_920 : i32 to index
      %swap3A_1090 = tpu.vector_load %arg10[%swap3A_1089] {strides = array<i32>} : memref<512xf32, #tpu.memory_space<vmem>>, vector<16xf32>,
      tpu.vector_store %arg10[%swap3A_1089], %add3A_1088 {strides = array<i32>} : memref<512xf32, #tpu.memory_space<vmem>>, vector<16xf32>,
      %mul3A_1091 = arith.constant 2 : i32
      %mul3A_1092 = arith.muli %scan3A_720, %mul3A_1091 : i32
      %add3A_1093 = arith.constant 1 : i32
      %add3A_1094 = arith.addi %mul3A_1092, %add3A_1093 : i32
      %add3A_1095 = arith.constant 1 : i32
      %add3A_1096 = arith.addi %add3A_1094, %add3A_1095 : i32
      %lt3A_1097 = arith.constant 16 : i32
      %lt3A_1098 = arith.cmpi slt, %add3A_1096, %lt3A_1097 : i32
      %convert_element_type3A_1099 = arith.extui %lt3A_1098 : i1 to i32
      %cond3A_1100 = arith.constant 0 : i32
      %cond3A_1101 = arith.cmpi ne, %convert_element_type3A_1099, %cond3A_1100 : i32
      scf.if %cond3A_1101 {
        %add3A_1469 = arith.constant 1 : i32
        %add3A_1470 = arith.addi %add3A_1094, %add3A_1469 : i32
        %mul3A_1471 = arith.constant 32 : i32
        %mul3A_1472 = arith.muli %add3A_1470, %mul3A_1471 : i32
        %add3A_1473 = arith.constant 0 : i32
        %add3A_1474 = arith.addi %mul3A_1472, %add3A_1473 : i32
        %get3A_1475 = arith.index_cast %add3A_1474 : i32 to index
        %get3A_1476 = tpu.vector_load %arg7[%get3A_1475] {strides = array<i32>} : memref<512xi32, #tpu.memory_space<vmem>>, vector<16xi32>,
        %slice3A_1477 = vector.extract_strided_slice %get3A_1476 {offsets = [0], sizes = [1], strides = [1]} : vector<16xi32> to vector<1xi32>
        %squeeze3A_1478 = vector.extract %slice3A_1477[0] : i32 from vector<1xi32>
        %dma_start3A_1479 = arith.constant 0 : i32
        %dma_start3A_1480 = arith.constant 0 : i32
        %dma_start3A_1481 = arith.constant 0 : i32
        %dma_start3A_1482 = arith.constant 0 : i32
        %dma_start3A_1483 = tpu.memref_slice %arg8[%dma_start3A_1479, %dma_start3A_1480, %dma_start3A_1481, %dma_start3A_1482] : memref<2x32x8x32xf32, #tpu.memory_space<vmem>> -> memref<1x1x8x32xf32, #tpu.memory_space<vmem>>
        %dma_start3A_1484 = tpu.memref_squeeze %dma_start3A_1483 : memref<1x1x8x32xf32, #tpu.memory_space<vmem>> -> memref<8x32xf32, #tpu.memory_space<vmem>>
        %dma_start3A_1485 = arith.constant 0 : i32
        %dma_start3A_1486 = arith.constant 0 : i32
        %dma_start3A_1487 = tpu.memref_slice %arg3[%squeeze3A_1478, %dma_start3A_1485, %dma_start3A_1486] : memref<125000x8x32xf32, #tpu.memory_space<hbm>> -> memref<1x8x32xf32, #tpu.memory_space<hbm>>
        %dma_start3A_1488 = tpu.memref_squeeze %dma_start3A_1487 : memref<1x8x32xf32, #tpu.memory_space<hbm>> -> memref<8x32xf32, #tpu.memory_space<hbm>>
        %dma_start3A_1489 = arith.constant 0 : i32
        %dma_start3A_1490 = arith.constant 0 : i32
        %dma_start3A_1491 = tpu.memref_slice %arg8[%dma_start3A_1479, %dma_start3A_1480, %dma_start3A_1489, %dma_start3A_1490] : memref<2x32x8x32xf32, #tpu.memory_space<vmem>> -> memref<1x1x8x32xf32, #tpu.memory_space<vmem>>
        %dma_start3A_1492 = tpu.memref_squeeze %dma_start3A_1491 : memref<1x1x8x32xf32, #tpu.memory_space<vmem>> -> memref<8x32xf32, #tpu.memory_space<vmem>>
        %dma_start3A_1493 = arith.constant 0 : i32
        %dma_start3A_1494 = arith.constant 0 : i32
        %dma_start3A_1495 = tpu.memref_slice %arg3[%squeeze3A_1478, %dma_start3A_1493, %dma_start3A_1494] : memref<125000x8x32xf32, #tpu.memory_space<hbm>> -> memref<1x8x32xf32, #tpu.memory_space<hbm>>
        %dma_start3A_1496 = tpu.memref_squeeze %dma_start3A_1495 : memref<1x8x32xf32, #tpu.memory_space<hbm>> -> memref<8x32xf32, #tpu.memory_space<hbm>>
        tpu.enqueue_dma source(%dma_start3A_1496 : memref<8x32xf32, #tpu.memory_space<hbm>>) target(%dma_start3A_1492 : memref<8x32xf32, #tpu.memory_space<vmem>>) target_semaphore(%arg11 : memref<!tpu.dma_semaphore, #tpu.memory_space<semaphore_mem>>)
        %slice3A_1497 = vector.extract_strided_slice %get3A_1476 {offsets = [1], sizes = [1], strides = [1]} : vector<16xi32> to vector<1xi32>
        %squeeze3A_1498 = vector.extract %slice3A_1497[0] : i32 from vector<1xi32>
        %dma_start3A_1499 = arith.constant 0 : i32
        %dma_start3A_1500 = arith.constant 1 : i32
        %dma_start3A_1501 = arith.constant 0 : i32
        %dma_start3A_1502 = arith.constant 0 : i32
        %dma_start3A_1503 = tpu.memref_slice %arg8[%dma_start3A_1499, %dma_start3A_1500, %dma_start3A_1501, %dma_start3A_1502] : memref<2x32x8x32xf32, #tpu.memory_space<vmem>> -> memref<1x1x8x32xf32, #tpu.memory_space<vmem>>
        %dma_start3A_1504 = tpu.memref_squeeze %dma_start3A_1503 : memref<1x1x8x32xf32, #tpu.memory_space<vmem>> -> memref<8x32xf32, #tpu.memory_space<vmem>>
        %dma_start3A_1505 = arith.constant 0 : i32
        %dma_start3A_1506 = arith.constant 0 : i32
        %dma_start3A_1507 = tpu.memref_slice %arg3[%squeeze3A_1498, %dma_start3A_1505, %dma_start3A_1506] : memref<125000x8x32xf32, #tpu.memory_space<hbm>> -> memref<1x8x32xf32, #tpu.memory_space<hbm>>
        %dma_start3A_1508 = tpu.memref_squeeze %dma_start3A_1507 : memref<1x8x32xf32, #tpu.memory_space<hbm>> -> memref<8x32xf32, #tpu.memory_space<hbm>>
        %dma_start3A_1509 = arith.constant 0 : i32
        %dma_start3A_1510 = arith.constant 0 : i32
        %dma_start3A_1511 = tpu.memref_slice %arg8[%dma_start3A_1499, %dma_start3A_1500, %dma_start3A_1509, %dma_start3A_1510] : memref<2x32x8x32xf32, #tpu.memory_space<vmem>> -> memref<1x1x8x32xf32, #tpu.memory_space<vmem>>
        %dma_start3A_1512 = tpu.memref_squeeze %dma_start3A_1511 : memref<1x1x8x32xf32, #tpu.memory_space<vmem>> -> memref<8x32xf32, #tpu.memory_space<vmem>>
        %dma_start3A_1513 = arith.constant 0 : i32
        %dma_start3A_1514 = arith.constant 0 : i32
        %dma_start3A_1515 = tpu.memref_slice %arg3[%squeeze3A_1498, %dma_start3A_1513, %dma_start3A_1514] : memref<125000x8x32xf32, #tpu.memory_space<hbm>> -> memref<1x8x32xf32, #tpu.memory_space<hbm>>
        %dma_start3A_1516 = tpu.memref_squeeze %dma_start3A_1515 : memref<1x8x32xf32, #tpu.memory_space<hbm>> -> memref<8x32xf32, #tpu.memory_space<hbm>>
        tpu.enqueue_dma source(%dma_start3A_1516 : memref<8x32xf32, #tpu.memory_space<hbm>>) target(%dma_start3A_1512 : memref<8x32xf32, #tpu.memory_space<vmem>>) target_semaphore(%arg11 : memref<!tpu.dma_semaphore, #tpu.memory_space<semaphore_mem>>)
        %slice3A_1517 = vector.extract_strided_slice %get3A_1476 {offsets = [2], sizes = [1], strides = [1]} : vector<16xi32> to vector<1xi32>
        %squeeze3A_1518 = vector.extract %slice3A_1517[0] : i32 from vector<1xi32>
        %dma_start3A_1519 = arith.constant 0 : i32
        %dma_start3A_1520 = arith.constant 2 : i32
        %dma_start3A_1521 = arith.constant 0 : i32
        %dma_start3A_1522 = arith.constant 0 : i32
        %dma_start3A_1523 = tpu.memref_slice %arg8[%dma_start3A_1519, %dma_start3A_1520, %dma_start3A_1521, %dma_start3A_1522] : memref<2x32x8x32xf32, #tpu.memory_space<vmem>> -> memref<1x1x8x32xf32, #tpu.memory_space<vmem>>
        %dma_start3A_1524 = tpu.memref_squeeze %dma_start3A_1523 : memref<1x1x8x32xf32, #tpu.memory_space<vmem>> -> memref<8x32xf32, #tpu.memory_space<vmem>>
        %dma_start3A_1525 = arith.constant 0 : i32
        %dma_start3A_1526 = arith.constant 0 : i32
        %dma_start3A_1527 = tpu.memref_slice %arg3[%squeeze3A_1518, %dma_start3A_1525, %dma_start3A_1526] : memref<125000x8x32xf32, #tpu.memory_space<hbm>> -> memref<1x8x32xf32, #tpu.memory_space<hbm>>
        %dma_start3A_1528 = tpu.memref_squeeze %dma_start3A_1527 : memref<1x8x32xf32, #tpu.memory_space<hbm>> -> memref<8x32xf32, #tpu.memory_space<hbm>>
        %dma_start3A_1529 = arith.constant 0 : i32
        %dma_start3A_1530 = arith.constant 0 : i32
        %dma_start3A_1531 = tpu.memref_slice %arg8[%dma_start3A_1519, %dma_start3A_1520, %dma_start3A_1529, %dma_start3A_1530] : memref<2x32x8x32xf32, #tpu.memory_space<vmem>> -> memref<1x1x8x32xf32, #tpu.memory_space<vmem>>
        %dma_start3A_1532 = tpu.memref_squeeze %dma_start3A_1531 : memref<1x1x8x32xf32, #tpu.memory_space<vmem>> -> memref<8x32xf32, #tpu.memory_space<vmem>>
        %dma_start3A_1533 = arith.constant 0 : i32
        %dma_start3A_1534 = arith.constant 0 : i32
        %dma_start3A_1535 = tpu.memref_slice %arg3[%squeeze3A_1518, %dma_start3A_1533, %dma_start3A_1534] : memref<125000x8x32xf32, #tpu.memory_space<hbm>> -> memref<1x8x32xf32, #tpu.memory_space<hbm>>
        %dma_start3A_1536 = tpu.memref_squeeze %dma_start3A_1535 : memref<1x8x32xf32, #tpu.memory_space<hbm>> -> memref<8x32xf32, #tpu.memory_space<hbm>>
        tpu.enqueue_dma source(%dma_start3A_1536 : memref<8x32xf32, #tpu.memory_space<hbm>>) target(%dma_start3A_1532 : memref<8x32xf32, #tpu.memory_space<vmem>>) target_semaphore(%arg11 : memref<!tpu.dma_semaphore, #tpu.memory_space<semaphore_mem>>)
        %slice3A_1537 = vector.extract_strided_slice %get3A_1476 {offsets = [3], sizes = [1], strides = [1]} : vector<16xi32> to vector<1xi32>
        %squeeze3A_1538 = vector.extract %slice3A_1537[0] : i32 from vector<1xi32>
        %dma_start3A_1539 = arith.constant 0 : i32
        %dma_start3A_1540 = arith.constant 3 : i32
        %dma_start3A_1541 = arith.constant 0 : i32
        %dma_start3A_1542 = arith.constant 0 : i32
        %dma_start3A_1543 = tpu.memref_slice %arg8[%dma_start3A_1539, %dma_start3A_1540, %dma_start3A_1541, %dma_start3A_1542] : memref<2x32x8x32xf32, #tpu.memory_space<vmem>> -> memref<1x1x8x32xf32, #tpu.memory_space<vmem>>
        %dma_start3A_1544 = tpu.memref_squeeze %dma_start3A_1543 : memref<1x1x8x32xf32, #tpu.memory_space<vmem>> -> memref<8x32xf32, #tpu.memory_space<vmem>>
        %dma_start3A_1545 = arith.constant 0 : i32
        %dma_start3A_1546 = arith.constant 0 : i32
        %dma_start3A_1547 = tpu.memref_slice %arg3[%squeeze3A_1538, %dma_start3A_1545, %dma_start3A_1546] : memref<125000x8x32xf32, #tpu.memory_space<hbm>> -> memref<1x8x32xf32, #tpu.memory_space<hbm>>
        %dma_start3A_1548 = tpu.memref_squeeze %dma_start3A_1547 : memref<1x8x32xf32, #tpu.memory_space<hbm>> -> memref<8x32xf32, #tpu.memory_space<hbm>>
        %dma_start3A_1549 = arith.constant 0 : i32
        %dma_start3A_1550 = arith.constant 0 : i32
        %dma_start3A_1551 = tpu.memref_slice %arg8[%dma_start3A_1539, %dma_start3A_1540, %dma_start3A_1549, %dma_start3A_1550] : memref<2x32x8x32xf32, #tpu.memory_space<vmem>> -> memref<1x1x8x32xf32, #tpu.memory_space<vmem>>
        %dma_start3A_1552 = tpu.memref_squeeze %dma_start3A_1551 : memref<1x1x8x32xf32, #tpu.memory_space<vmem>> -> memref<8x32xf32, #tpu.memory_space<vmem>>
        %dma_start3A_1553 = arith.constant 0 : i32
        %dma_start3A_1554 = arith.constant 0 : i32
        %dma_start3A_1555 = tpu.memref_slice %arg3[%squeeze3A_1538, %dma_start3A_1553, %dma_start3A_1554] : memref<125000x8x32xf32, #tpu.memory_space<hbm>> -> memref<1x8x32xf32, #tpu.memory_space<hbm>>
        %dma_start3A_1556 = tpu.memref_squeeze %dma_start3A_1555 : memref<1x8x32xf32, #tpu.memory_space<hbm>> -> memref<8x32xf32, #tpu.memory_space<hbm>>
        tpu.enqueue_dma source(%dma_start3A_1556 : memref<8x32xf32, #tpu.memory_space<hbm>>) target(%dma_start3A_1552 : memref<8x32xf32, #tpu.memory_space<vmem>>) target_semaphore(%arg11 : memref<!tpu.dma_semaphore, #tpu.memory_space<semaphore_mem>>)
        %slice3A_1557 = vector.extract_strided_slice %get3A_1476 {offsets = [4], sizes = [1], strides = [1]} : vector<16xi32> to vector<1xi32>
        %squeeze3A_1558 = vector.extract %slice3A_1557[0] : i32 from vector<1xi32>
        %dma_start3A_1559 = arith.constant 0 : i32
        %dma_start3A_1560 = arith.constant 4 : i32
        %dma_start3A_1561 = arith.constant 0 : i32
        %dma_start3A_1562 = arith.constant 0 : i32
        %dma_start3A_1563 = tpu.memref_slice %arg8[%dma_start3A_1559, %dma_start3A_1560, %dma_start3A_1561, %dma_start3A_1562] : memref<2x32x8x32xf32, #tpu.memory_space<vmem>> -> memref<1x1x8x32xf32, #tpu.memory_space<vmem>>
        %dma_start3A_1564 = tpu.memref_squeeze %dma_start3A_1563 : memref<1x1x8x32xf32, #tpu.memory_space<vmem>> -> memref<8x32xf32, #tpu.memory_space<vmem>>
        %dma_start3A_1565 = arith.constant 0 : i32
        %dma_start3A_1566 = arith.constant 0 : i32
        %dma_start3A_1567 = tpu.memref_slice %arg3[%squeeze3A_1558, %dma_start3A_1565, %dma_start3A_1566] : memref<125000x8x32xf32, #tpu.memory_space<hbm>> -> memref<1x8x32xf32, #tpu.memory_space<hbm>>
        %dma_start3A_1568 = tpu.memref_squeeze %dma_start3A_1567 : memref<1x8x32xf32, #tpu.memory_space<hbm>> -> memref<8x32xf32, #tpu.memory_space<hbm>>
        %dma_start3A_1569 = arith.constant 0 : i32
        %dma_start3A_1570 = arith.constant 0 : i32
        %dma_start3A_1571 = tpu.memref_slice %arg8[%dma_start3A_1559, %dma_start3A_1560, %dma_start3A_1569, %dma_start3A_1570] : memref<2x32x8x32xf32, #tpu.memory_space<vmem>> -> memref<1x1x8x32xf32, #tpu.memory_space<vmem>>
        %dma_start3A_1572 = tpu.memref_squeeze %dma_start3A_1571 : memref<1x1x8x32xf32, #tpu.memory_space<vmem>> -> memref<8x32xf32, #tpu.memory_space<vmem>>
        %dma_start3A_1573 = arith.constant 0 : i32
        %dma_start3A_1574 = arith.constant 0 : i32
        %dma_start3A_1575 = tpu.memref_slice %arg3[%squeeze3A_1558, %dma_start3A_1573, %dma_start3A_1574] : memref<125000x8x32xf32, #tpu.memory_space<hbm>> -> memref<1x8x32xf32, #tpu.memory_space<hbm>>
        %dma_start3A_1576 = tpu.memref_squeeze %dma_start3A_1575 : memref<1x8x32xf32, #tpu.memory_space<hbm>> -> memref<8x32xf32, #tpu.memory_space<hbm>>
        tpu.enqueue_dma source(%dma_start3A_1576 : memref<8x32xf32, #tpu.memory_space<hbm>>) target(%dma_start3A_1572 : memref<8x32xf32, #tpu.memory_space<vmem>>) target_semaphore(%arg11 : memref<!tpu.dma_semaphore, #tpu.memory_space<semaphore_mem>>)
        %slice3A_1577 = vector.extract_strided_slice %get3A_1476 {offsets = [5], sizes = [1], strides = [1]} : vector<16xi32> to vector<1xi32>
        %squeeze3A_1578 = vector.extract %slice3A_1577[0] : i32 from vector<1xi32>
        %dma_start3A_1579 = arith.constant 0 : i32
        %dma_start3A_1580 = arith.constant 5 : i32
        %dma_start3A_1581 = arith.constant 0 : i32
        %dma_start3A_1582 = arith.constant 0 : i32
        %dma_start3A_1583 = tpu.memref_slice %arg8[%dma_start3A_1579, %dma_start3A_1580, %dma_start3A_1581, %dma_start3A_1582] : memref<2x32x8x32xf32, #tpu.memory_space<vmem>> -> memref<1x1x8x32xf32, #tpu.memory_space<vmem>>
        %dma_start3A_1584 = tpu.memref_squeeze %dma_start3A_1583 : memref<1x1x8x32xf32, #tpu.memory_space<vmem>> -> memref<8x32xf32, #tpu.memory_space<vmem>>
        %dma_start3A_1585 = arith.constant 0 : i32
        %dma_start3A_1586 = arith.constant 0 : i32
        %dma_start3A_1587 = tpu.memref_slice %arg3[%squeeze3A_1578, %dma_start3A_1585, %dma_start3A_1586] : memref<125000x8x32xf32, #tpu.memory_space<hbm>> -> memref<1x8x32xf32, #tpu.memory_space<hbm>>
        %dma_start3A_1588 = tpu.memref_squeeze %dma_start3A_1587 : memref<1x8x32xf32, #tpu.memory_space<hbm>> -> memref<8x32xf32, #tpu.memory_space<hbm>>
        %dma_start3A_1589 = arith.constant 0 : i32
        %dma_start3A_1590 = arith.constant 0 : i32
        %dma_start3A_1591 = tpu.memref_slice %arg8[%dma_start3A_1579, %dma_start3A_1580, %dma_start3A_1589, %dma_start3A_1590] : memref<2x32x8x32xf32, #tpu.memory_space<vmem>> -> memref<1x1x8x32xf32, #tpu.memory_space<vmem>>
        %dma_start3A_1592 = tpu.memref_squeeze %dma_start3A_1591 : memref<1x1x8x32xf32, #tpu.memory_space<vmem>> -> memref<8x32xf32, #tpu.memory_space<vmem>>
        %dma_start3A_1593 = arith.constant 0 : i32
        %dma_start3A_1594 = arith.constant 0 : i32
        %dma_start3A_1595 = tpu.memref_slice %arg3[%squeeze3A_1578, %dma_start3A_1593, %dma_start3A_1594] : memref<125000x8x32xf32, #tpu.memory_space<hbm>> -> memref<1x8x32xf32, #tpu.memory_space<hbm>>
        %dma_start3A_1596 = tpu.memref_squeeze %dma_start3A_1595 : memref<1x8x32xf32, #tpu.memory_space<hbm>> -> memref<8x32xf32, #tpu.memory_space<hbm>>
        tpu.enqueue_dma source(%dma_start3A_1596 : memref<8x32xf32, #tpu.memory_space<hbm>>) target(%dma_start3A_1592 : memref<8x32xf32, #tpu.memory_space<vmem>>) target_semaphore(%arg11 : memref<!tpu.dma_semaphore, #tpu.memory_space<semaphore_mem>>)
        %slice3A_1597 = vector.extract_strided_slice %get3A_1476 {offsets = [6], sizes = [1], strides = [1]} : vector<16xi32> to vector<1xi32>
        %squeeze3A_1598 = vector.extract %slice3A_1597[0] : i32 from vector<1xi32>
        %dma_start3A_1599 = arith.constant 0 : i32
        %dma_start3A_1600 = arith.constant 6 : i32
        %dma_start3A_1601 = arith.constant 0 : i32
        %dma_start3A_1602 = arith.constant 0 : i32
        %dma_start3A_1603 = tpu.memref_slice %arg8[%dma_start3A_1599, %dma_start3A_1600, %dma_start3A_1601, %dma_start3A_1602] : memref<2x32x8x32xf32, #tpu.memory_space<vmem>> -> memref<1x1x8x32xf32, #tpu.memory_space<vmem>>
        %dma_start3A_1604 = tpu.memref_squeeze %dma_start3A_1603 : memref<1x1x8x32xf32, #tpu.memory_space<vmem>> -> memref<8x32xf32, #tpu.memory_space<vmem>>
        %dma_start3A_1605 = arith.constant 0 : i32
        %dma_start3A_1606 = arith.constant 0 : i32
        %dma_start3A_1607 = tpu.memref_slice %arg3[%squeeze3A_1598, %dma_start3A_1605, %dma_start3A_1606] : memref<125000x8x32xf32, #tpu.memory_space<hbm>> -> memref<1x8x32xf32, #tpu.memory_space<hbm>>
        %dma_start3A_1608 = tpu.memref_squeeze %dma_start3A_1607 : memref<1x8x32xf32, #tpu.memory_space<hbm>> -> memref<8x32xf32, #tpu.memory_space<hbm>>
        %dma_start3A_1609 = arith.constant 0 : i32
        %dma_start3A_1610 = arith.constant 0 : i32
        %dma_start3A_1611 = tpu.memref_slice %arg8[%dma_start3A_1599, %dma_start3A_1600, %dma_start3A_1609, %dma_start3A_1610] : memref<2x32x8x32xf32, #tpu.memory_space<vmem>> -> memref<1x1x8x32xf32, #tpu.memory_space<vmem>>
        %dma_start3A_1612 = tpu.memref_squeeze %dma_start3A_1611 : memref<1x1x8x32xf32, #tpu.memory_space<vmem>> -> memref<8x32xf32, #tpu.memory_space<vmem>>
        %dma_start3A_1613 = arith.constant 0 : i32
        %dma_start3A_1614 = arith.constant 0 : i32
        %dma_start3A_1615 = tpu.memref_slice %arg3[%squeeze3A_1598, %dma_start3A_1613, %dma_start3A_1614] : memref<125000x8x32xf32, #tpu.memory_space<hbm>> -> memref<1x8x32xf32, #tpu.memory_space<hbm>>
        %dma_start3A_1616 = tpu.memref_squeeze %dma_start3A_1615 : memref<1x8x32xf32, #tpu.memory_space<hbm>> -> memref<8x32xf32, #tpu.memory_space<hbm>>
        tpu.enqueue_dma source(%dma_start3A_1616 : memref<8x32xf32, #tpu.memory_space<hbm>>) target(%dma_start3A_1612 : memref<8x32xf32, #tpu.memory_space<vmem>>) target_semaphore(%arg11 : memref<!tpu.dma_semaphore, #tpu.memory_space<semaphore_mem>>)
        %slice3A_1617 = vector.extract_strided_slice %get3A_1476 {offsets = [7], sizes = [1], strides = [1]} : vector<16xi32> to vector<1xi32>
        %squeeze3A_1618 = vector.extract %slice3A_1617[0] : i32 from vector<1xi32>
        %dma_start3A_1619 = arith.constant 0 : i32
        %dma_start3A_1620 = arith.constant 7 : i32
        %dma_start3A_1621 = arith.constant 0 : i32
        %dma_start3A_1622 = arith.constant 0 : i32
        %dma_start3A_1623 = tpu.memref_slice %arg8[%dma_start3A_1619, %dma_start3A_1620, %dma_start3A_1621, %dma_start3A_1622] : memref<2x32x8x32xf32, #tpu.memory_space<vmem>> -> memref<1x1x8x32xf32, #tpu.memory_space<vmem>>
        %dma_start3A_1624 = tpu.memref_squeeze %dma_start3A_1623 : memref<1x1x8x32xf32, #tpu.memory_space<vmem>> -> memref<8x32xf32, #tpu.memory_space<vmem>>
        %dma_start3A_1625 = arith.constant 0 : i32
        %dma_start3A_1626 = arith.constant 0 : i32
        %dma_start3A_1627 = tpu.memref_slice %arg3[%squeeze3A_1618, %dma_start3A_1625, %dma_start3A_1626] : memref<125000x8x32xf32, #tpu.memory_space<hbm>> -> memref<1x8x32xf32, #tpu.memory_space<hbm>>
        %dma_start3A_1628 = tpu.memref_squeeze %dma_start3A_1627 : memref<1x8x32xf32, #tpu.memory_space<hbm>> -> memref<8x32xf32, #tpu.memory_space<hbm>>
        %dma_start3A_1629 = arith.constant 0 : i32
        %dma_start3A_1630 = arith.constant 0 : i32
        %dma_start3A_1631 = tpu.memref_slice %arg8[%dma_start3A_1619, %dma_start3A_1620, %dma_start3A_1629, %dma_start3A_1630] : memref<2x32x8x32xf32, #tpu.memory_space<vmem>> -> memref<1x1x8x32xf32, #tpu.memory_space<vmem>>
        %dma_start3A_1632 = tpu.memref_squeeze %dma_start3A_1631 : memref<1x1x8x32xf32, #tpu.memory_space<vmem>> -> memref<8x32xf32, #tpu.memory_space<vmem>>
        %dma_start3A_1633 = arith.constant 0 : i32
        %dma_start3A_1634 = arith.constant 0 : i32
        %dma_start3A_1635 = tpu.memref_slice %arg3[%squeeze3A_1618, %dma_start3A_1633, %dma_start3A_1634] : memref<125000x8x32xf32, #tpu.memory_space<hbm>> -> memref<1x8x32xf32, #tpu.memory_space<hbm>>
        %dma_start3A_1636 = tpu.memref_squeeze %dma_start3A_1635 : memref<1x8x32xf32, #tpu.memory_space<hbm>> -> memref<8x32xf32, #tpu.memory_space<hbm>>
        tpu.enqueue_dma source(%dma_start3A_1636 : memref<8x32xf32, #tpu.memory_space<hbm>>) target(%dma_start3A_1632 : memref<8x32xf32, #tpu.memory_space<vmem>>) target_semaphore(%arg11 : memref<!tpu.dma_semaphore, #tpu.memory_space<semaphore_mem>>)
        %slice3A_1637 = vector.extract_strided_slice %get3A_1476 {offsets = [8], sizes = [1], strides = [1]} : vector<16xi32> to vector<1xi32>
        %squeeze3A_1638 = vector.extract %slice3A_1637[0] : i32 from vector<1xi32>
        %dma_start3A_1639 = arith.constant 0 : i32
        %dma_start3A_1640 = arith.constant 8 : i32
        %dma_start3A_1641 = arith.constant 0 : i32
        %dma_start3A_1642 = arith.constant 0 : i32
        %dma_start3A_1643 = tpu.memref_slice %arg8[%dma_start3A_1639, %dma_start3A_1640, %dma_start3A_1641, %dma_start3A_1642] : memref<2x32x8x32xf32, #tpu.memory_space<vmem>> -> memref<1x1x8x32xf32, #tpu.memory_space<vmem>>
        %dma_start3A_1644 = tpu.memref_squeeze %dma_start3A_1643 : memref<1x1x8x32xf32, #tpu.memory_space<vmem>> -> memref<8x32xf32, #tpu.memory_space<vmem>>
        %dma_start3A_1645 = arith.constant 0 : i32
        %dma_start3A_1646 = arith.constant 0 : i32
        %dma_start3A_1647 = tpu.memref_slice %arg3[%squeeze3A_1638, %dma_start3A_1645, %dma_start3A_1646] : memref<125000x8x32xf32, #tpu.memory_space<hbm>> -> memref<1x8x32xf32, #tpu.memory_space<hbm>>
        %dma_start3A_1648 = tpu.memref_squeeze %dma_start3A_1647 : memref<1x8x32xf32, #tpu.memory_space<hbm>> -> memref<8x32xf32, #tpu.memory_space<hbm>>
        %dma_start3A_1649 = arith.constant 0 : i32
        %dma_start3A_1650 = arith.constant 0 : i32
        %dma_start3A_1651 = tpu.memref_slice %arg8[%dma_start3A_1639, %dma_start3A_1640, %dma_start3A_1649, %dma_start3A_1650] : memref<2x32x8x32xf32, #tpu.memory_space<vmem>> -> memref<1x1x8x32xf32, #tpu.memory_space<vmem>>
        %dma_start3A_1652 = tpu.memref_squeeze %dma_start3A_1651 : memref<1x1x8x32xf32, #tpu.memory_space<vmem>> -> memref<8x32xf32, #tpu.memory_space<vmem>>
        %dma_start3A_1653 = arith.constant 0 : i32
        %dma_start3A_1654 = arith.constant 0 : i32
        %dma_start3A_1655 = tpu.memref_slice %arg3[%squeeze3A_1638, %dma_start3A_1653, %dma_start3A_1654] : memref<125000x8x32xf32, #tpu.memory_space<hbm>> -> memref<1x8x32xf32, #tpu.memory_space<hbm>>
        %dma_start3A_1656 = tpu.memref_squeeze %dma_start3A_1655 : memref<1x8x32xf32, #tpu.memory_space<hbm>> -> memref<8x32xf32, #tpu.memory_space<hbm>>
        tpu.enqueue_dma source(%dma_start3A_1656 : memref<8x32xf32, #tpu.memory_space<hbm>>) target(%dma_start3A_1652 : memref<8x32xf32, #tpu.memory_space<vmem>>) target_semaphore(%arg11 : memref<!tpu.dma_semaphore, #tpu.memory_space<semaphore_mem>>)
        %slice3A_1657 = vector.extract_strided_slice %get3A_1476 {offsets = [9], sizes = [1], strides = [1]} : vector<16xi32> to vector<1xi32>
        %squeeze3A_1658 = vector.extract %slice3A_1657[0] : i32 from vector<1xi32>
        %dma_start3A_1659 = arith.constant 0 : i32
        %dma_start3A_1660 = arith.constant 9 : i32
        %dma_start3A_1661 = arith.constant 0 : i32
        %dma_start3A_1662 = arith.constant 0 : i32
        %dma_start3A_1663 = tpu.memref_slice %arg8[%dma_start3A_1659, %dma_start3A_1660, %dma_start3A_1661, %dma_start3A_1662] : memref<2x32x8x32xf32, #tpu.memory_space<vmem>> -> memref<1x1x8x32xf32, #tpu.memory_space<vmem>>
        %dma_start3A_1664 = tpu.memref_squeeze %dma_start3A_1663 : memref<1x1x8x32xf32, #tpu.memory_space<vmem>> -> memref<8x32xf32, #tpu.memory_space<vmem>>
        %dma_start3A_1665 = arith.constant 0 : i32
        %dma_start3A_1666 = arith.constant 0 : i32
        %dma_start3A_1667 = tpu.memref_slice %arg3[%squeeze3A_1658, %dma_start3A_1665, %dma_start3A_1666] : memref<125000x8x32xf32, #tpu.memory_space<hbm>> -> memref<1x8x32xf32, #tpu.memory_space<hbm>>
        %dma_start3A_1668 = tpu.memref_squeeze %dma_start3A_1667 : memref<1x8x32xf32, #tpu.memory_space<hbm>> -> memref<8x32xf32, #tpu.memory_space<hbm>>
        %dma_start3A_1669 = arith.constant 0 : i32
        %dma_start3A_1670 = arith.constant 0 : i32
        %dma_start3A_1671 = tpu.memref_slice %arg8[%dma_start3A_1659, %dma_start3A_1660, %dma_start3A_1669, %dma_start3A_1670] : memref<2x32x8x32xf32, #tpu.memory_space<vmem>> -> memref<1x1x8x32xf32, #tpu.memory_space<vmem>>
        %dma_start3A_1672 = tpu.memref_squeeze %dma_start3A_1671 : memref<1x1x8x32xf32, #tpu.memory_space<vmem>> -> memref<8x32xf32, #tpu.memory_space<vmem>>
        %dma_start3A_1673 = arith.constant 0 : i32
        %dma_start3A_1674 = arith.constant 0 : i32
        %dma_start3A_1675 = tpu.memref_slice %arg3[%squeeze3A_1658, %dma_start3A_1673, %dma_start3A_1674] : memref<125000x8x32xf32, #tpu.memory_space<hbm>> -> memref<1x8x32xf32, #tpu.memory_space<hbm>>
        %dma_start3A_1676 = tpu.memref_squeeze %dma_start3A_1675 : memref<1x8x32xf32, #tpu.memory_space<hbm>> -> memref<8x32xf32, #tpu.memory_space<hbm>>
        tpu.enqueue_dma source(%dma_start3A_1676 : memref<8x32xf32, #tpu.memory_space<hbm>>) target(%dma_start3A_1672 : memref<8x32xf32, #tpu.memory_space<vmem>>) target_semaphore(%arg11 : memref<!tpu.dma_semaphore, #tpu.memory_space<semaphore_mem>>)
        %slice3A_1677 = vector.extract_strided_slice %get3A_1476 {offsets = [10], sizes = [1], strides = [1]} : vector<16xi32> to vector<1xi32>
        %squeeze3A_1678 = vector.extract %slice3A_1677[0] : i32 from vector<1xi32>
        %dma_start3A_1679 = arith.constant 0 : i32
        %dma_start3A_1680 = arith.constant 10 : i32
        %dma_start3A_1681 = arith.constant 0 : i32
        %dma_start3A_1682 = arith.constant 0 : i32
        %dma_start3A_1683 = tpu.memref_slice %arg8[%dma_start3A_1679, %dma_start3A_1680, %dma_start3A_1681, %dma_start3A_1682] : memref<2x32x8x32xf32, #tpu.memory_space<vmem>> -> memref<1x1x8x32xf32, #tpu.memory_space<vmem>>
        %dma_start3A_1684 = tpu.memref_squeeze %dma_start3A_1683 : memref<1x1x8x32xf32, #tpu.memory_space<vmem>> -> memref<8x32xf32, #tpu.memory_space<vmem>>
        %dma_start3A_1685 = arith.constant 0 : i32
        %dma_start3A_1686 = arith.constant 0 : i32
        %dma_start3A_1687 = tpu.memref_slice %arg3[%squeeze3A_1678, %dma_start3A_1685, %dma_start3A_1686] : memref<125000x8x32xf32, #tpu.memory_space<hbm>> -> memref<1x8x32xf32, #tpu.memory_space<hbm>>
        %dma_start3A_1688 = tpu.memref_squeeze %dma_start3A_1687 : memref<1x8x32xf32, #tpu.memory_space<hbm>> -> memref<8x32xf32, #tpu.memory_space<hbm>>
        %dma_start3A_1689 = arith.constant 0 : i32
        %dma_start3A_1690 = arith.constant 0 : i32
        %dma_start3A_1691 = tpu.memref_slice %arg8[%dma_start3A_1679, %dma_start3A_1680, %dma_start3A_1689, %dma_start3A_1690] : memref<2x32x8x32xf32, #tpu.memory_space<vmem>> -> memref<1x1x8x32xf32, #tpu.memory_space<vmem>>
        %dma_start3A_1692 = tpu.memref_squeeze %dma_start3A_1691 : memref<1x1x8x32xf32, #tpu.memory_space<vmem>> -> memref<8x32xf32, #tpu.memory_space<vmem>>
        %dma_start3A_1693 = arith.constant 0 : i32
        %dma_start3A_1694 = arith.constant 0 : i32
        %dma_start3A_1695 = tpu.memref_slice %arg3[%squeeze3A_1678, %dma_start3A_1693, %dma_start3A_1694] : memref<125000x8x32xf32, #tpu.memory_space<hbm>> -> memref<1x8x32xf32, #tpu.memory_space<hbm>>
        %dma_start3A_1696 = tpu.memref_squeeze %dma_start3A_1695 : memref<1x8x32xf32, #tpu.memory_space<hbm>> -> memref<8x32xf32, #tpu.memory_space<hbm>>
        tpu.enqueue_dma source(%dma_start3A_1696 : memref<8x32xf32, #tpu.memory_space<hbm>>) target(%dma_start3A_1692 : memref<8x32xf32, #tpu.memory_space<vmem>>) target_semaphore(%arg11 : memref<!tpu.dma_semaphore, #tpu.memory_space<semaphore_mem>>)
        %slice3A_1697 = vector.extract_strided_slice %get3A_1476 {offsets = [11], sizes = [1], strides = [1]} : vector<16xi32> to vector<1xi32>
        %squeeze3A_1698 = vector.extract %slice3A_1697[0] : i32 from vector<1xi32>
        %dma_start3A_1699 = arith.constant 0 : i32
        %dma_start3A_1700 = arith.constant 11 : i32
        %dma_start3A_1701 = arith.constant 0 : i32
        %dma_start3A_1702 = arith.constant 0 : i32
        %dma_start3A_1703 = tpu.memref_slice %arg8[%dma_start3A_1699, %dma_start3A_1700, %dma_start3A_1701, %dma_start3A_1702] : memref<2x32x8x32xf32, #tpu.memory_space<vmem>> -> memref<1x1x8x32xf32, #tpu.memory_space<vmem>>
        %dma_start3A_1704 = tpu.memref_squeeze %dma_start3A_1703 : memref<1x1x8x32xf32, #tpu.memory_space<vmem>> -> memref<8x32xf32, #tpu.memory_space<vmem>>
        %dma_start3A_1705 = arith.constant 0 : i32
        %dma_start3A_1706 = arith.constant 0 : i32
        %dma_start3A_1707 = tpu.memref_slice %arg3[%squeeze3A_1698, %dma_start3A_1705, %dma_start3A_1706] : memref<125000x8x32xf32, #tpu.memory_space<hbm>> -> memref<1x8x32xf32, #tpu.memory_space<hbm>>
        %dma_start3A_1708 = tpu.memref_squeeze %dma_start3A_1707 : memref<1x8x32xf32, #tpu.memory_space<hbm>> -> memref<8x32xf32, #tpu.memory_space<hbm>>
        %dma_start3A_1709 = arith.constant 0 : i32
        %dma_start3A_1710 = arith.constant 0 : i32
        %dma_start3A_1711 = tpu.memref_slice %arg8[%dma_start3A_1699, %dma_start3A_1700, %dma_start3A_1709, %dma_start3A_1710] : memref<2x32x8x32xf32, #tpu.memory_space<vmem>> -> memref<1x1x8x32xf32, #tpu.memory_space<vmem>>
        %dma_start3A_1712 = tpu.memref_squeeze %dma_start3A_1711 : memref<1x1x8x32xf32, #tpu.memory_space<vmem>> -> memref<8x32xf32, #tpu.memory_space<vmem>>
        %dma_start3A_1713 = arith.constant 0 : i32
        %dma_start3A_1714 = arith.constant 0 : i32
        %dma_start3A_1715 = tpu.memref_slice %arg3[%squeeze3A_1698, %dma_start3A_1713, %dma_start3A_1714] : memref<125000x8x32xf32, #tpu.memory_space<hbm>> -> memref<1x8x32xf32, #tpu.memory_space<hbm>>
        %dma_start3A_1716 = tpu.memref_squeeze %dma_start3A_1715 : memref<1x8x32xf32, #tpu.memory_space<hbm>> -> memref<8x32xf32, #tpu.memory_space<hbm>>
        tpu.enqueue_dma source(%dma_start3A_1716 : memref<8x32xf32, #tpu.memory_space<hbm>>) target(%dma_start3A_1712 : memref<8x32xf32, #tpu.memory_space<vmem>>) target_semaphore(%arg11 : memref<!tpu.dma_semaphore, #tpu.memory_space<semaphore_mem>>)
        %slice3A_1717 = vector.extract_strided_slice %get3A_1476 {offsets = [12], sizes = [1], strides = [1]} : vector<16xi32> to vector<1xi32>
        %squeeze3A_1718 = vector.extract %slice3A_1717[0] : i32 from vector<1xi32>
        %dma_start3A_1719 = arith.constant 0 : i32
        %dma_start3A_1720 = arith.constant 12 : i32
        %dma_start3A_1721 = arith.constant 0 : i32
        %dma_start3A_1722 = arith.constant 0 : i32
        %dma_start3A_1723 = tpu.memref_slice %arg8[%dma_start3A_1719, %dma_start3A_1720, %dma_start3A_1721, %dma_start3A_1722] : memref<2x32x8x32xf32, #tpu.memory_space<vmem>> -> memref<1x1x8x32xf32, #tpu.memory_space<vmem>>
        %dma_start3A_1724 = tpu.memref_squeeze %dma_start3A_1723 : memref<1x1x8x32xf32, #tpu.memory_space<vmem>> -> memref<8x32xf32, #tpu.memory_space<vmem>>
        %dma_start3A_1725 = arith.constant 0 : i32
        %dma_start3A_1726 = arith.constant 0 : i32
        %dma_start3A_1727 = tpu.memref_slice %arg3[%squeeze3A_1718, %dma_start3A_1725, %dma_start3A_1726] : memref<125000x8x32xf32, #tpu.memory_space<hbm>> -> memref<1x8x32xf32, #tpu.memory_space<hbm>>
        %dma_start3A_1728 = tpu.memref_squeeze %dma_start3A_1727 : memref<1x8x32xf32, #tpu.memory_space<hbm>> -> memref<8x32xf32, #tpu.memory_space<hbm>>
        %dma_start3A_1729 = arith.constant 0 : i32
        %dma_start3A_1730 = arith.constant 0 : i32
        %dma_start3A_1731 = tpu.memref_slice %arg8[%dma_start3A_1719, %dma_start3A_1720, %dma_start3A_1729, %dma_start3A_1730] : memref<2x32x8x32xf32, #tpu.memory_space<vmem>> -> memref<1x1x8x32xf32, #tpu.memory_space<vmem>>
        %dma_start3A_1732 = tpu.memref_squeeze %dma_start3A_1731 : memref<1x1x8x32xf32, #tpu.memory_space<vmem>> -> memref<8x32xf32, #tpu.memory_space<vmem>>
        %dma_start3A_1733 = arith.constant 0 : i32
        %dma_start3A_1734 = arith.constant 0 : i32
        %dma_start3A_1735 = tpu.memref_slice %arg3[%squeeze3A_1718, %dma_start3A_1733, %dma_start3A_1734] : memref<125000x8x32xf32, #tpu.memory_space<hbm>> -> memref<1x8x32xf32, #tpu.memory_space<hbm>>
        %dma_start3A_1736 = tpu.memref_squeeze %dma_start3A_1735 : memref<1x8x32xf32, #tpu.memory_space<hbm>> -> memref<8x32xf32, #tpu.memory_space<hbm>>
        tpu.enqueue_dma source(%dma_start3A_1736 : memref<8x32xf32, #tpu.memory_space<hbm>>) target(%dma_start3A_1732 : memref<8x32xf32, #tpu.memory_space<vmem>>) target_semaphore(%arg11 : memref<!tpu.dma_semaphore, #tpu.memory_space<semaphore_mem>>)
        %slice3A_1737 = vector.extract_strided_slice %get3A_1476 {offsets = [13], sizes = [1], strides = [1]} : vector<16xi32> to vector<1xi32>
        %squeeze3A_1738 = vector.extract %slice3A_1737[0] : i32 from vector<1xi32>
        %dma_start3A_1739 = arith.constant 0 : i32
        %dma_start3A_1740 = arith.constant 13 : i32
        %dma_start3A_1741 = arith.constant 0 : i32
        %dma_start3A_1742 = arith.constant 0 : i32
        %dma_start3A_1743 = tpu.memref_slice %arg8[%dma_start3A_1739, %dma_start3A_1740, %dma_start3A_1741, %dma_start3A_1742] : memref<2x32x8x32xf32, #tpu.memory_space<vmem>> -> memref<1x1x8x32xf32, #tpu.memory_space<vmem>>
        %dma_start3A_1744 = tpu.memref_squeeze %dma_start3A_1743 : memref<1x1x8x32xf32, #tpu.memory_space<vmem>> -> memref<8x32xf32, #tpu.memory_space<vmem>>
        %dma_start3A_1745 = arith.constant 0 : i32
        %dma_start3A_1746 = arith.constant 0 : i32
        %dma_start3A_1747 = tpu.memref_slice %arg3[%squeeze3A_1738, %dma_start3A_1745, %dma_start3A_1746] : memref<125000x8x32xf32, #tpu.memory_space<hbm>> -> memref<1x8x32xf32, #tpu.memory_space<hbm>>
        %dma_start3A_1748 = tpu.memref_squeeze %dma_start3A_1747 : memref<1x8x32xf32, #tpu.memory_space<hbm>> -> memref<8x32xf32, #tpu.memory_space<hbm>>
        %dma_start3A_1749 = arith.constant 0 : i32
        %dma_start3A_1750 = arith.constant 0 : i32
        %dma_start3A_1751 = tpu.memref_slice %arg8[%dma_start3A_1739, %dma_start3A_1740, %dma_start3A_1749, %dma_start3A_1750] : memref<2x32x8x32xf32, #tpu.memory_space<vmem>> -> memref<1x1x8x32xf32, #tpu.memory_space<vmem>>
        %dma_start3A_1752 = tpu.memref_squeeze %dma_start3A_1751 : memref<1x1x8x32xf32, #tpu.memory_space<vmem>> -> memref<8x32xf32, #tpu.memory_space<vmem>>
        %dma_start3A_1753 = arith.constant 0 : i32
        %dma_start3A_1754 = arith.constant 0 : i32
        %dma_start3A_1755 = tpu.memref_slice %arg3[%squeeze3A_1738, %dma_start3A_1753, %dma_start3A_1754] : memref<125000x8x32xf32, #tpu.memory_space<hbm>> -> memref<1x8x32xf32, #tpu.memory_space<hbm>>
        %dma_start3A_1756 = tpu.memref_squeeze %dma_start3A_1755 : memref<1x8x32xf32, #tpu.memory_space<hbm>> -> memref<8x32xf32, #tpu.memory_space<hbm>>
        tpu.enqueue_dma source(%dma_start3A_1756 : memref<8x32xf32, #tpu.memory_space<hbm>>) target(%dma_start3A_1752 : memref<8x32xf32, #tpu.memory_space<vmem>>) target_semaphore(%arg11 : memref<!tpu.dma_semaphore, #tpu.memory_space<semaphore_mem>>)
        %slice3A_1757 = vector.extract_strided_slice %get3A_1476 {offsets = [14], sizes = [1], strides = [1]} : vector<16xi32> to vector<1xi32>
        %squeeze3A_1758 = vector.extract %slice3A_1757[0] : i32 from vector<1xi32>
        %dma_start3A_1759 = arith.constant 0 : i32
        %dma_start3A_1760 = arith.constant 14 : i32
        %dma_start3A_1761 = arith.constant 0 : i32
        %dma_start3A_1762 = arith.constant 0 : i32
        %dma_start3A_1763 = tpu.memref_slice %arg8[%dma_start3A_1759, %dma_start3A_1760, %dma_start3A_1761, %dma_start3A_1762] : memref<2x32x8x32xf32, #tpu.memory_space<vmem>> -> memref<1x1x8x32xf32, #tpu.memory_space<vmem>>
        %dma_start3A_1764 = tpu.memref_squeeze %dma_start3A_1763 : memref<1x1x8x32xf32, #tpu.memory_space<vmem>> -> memref<8x32xf32, #tpu.memory_space<vmem>>
        %dma_start3A_1765 = arith.constant 0 : i32
        %dma_start3A_1766 = arith.constant 0 : i32
        %dma_start3A_1767 = tpu.memref_slice %arg3[%squeeze3A_1758, %dma_start3A_1765, %dma_start3A_1766] : memref<125000x8x32xf32, #tpu.memory_space<hbm>> -> memref<1x8x32xf32, #tpu.memory_space<hbm>>
        %dma_start3A_1768 = tpu.memref_squeeze %dma_start3A_1767 : memref<1x8x32xf32, #tpu.memory_space<hbm>> -> memref<8x32xf32, #tpu.memory_space<hbm>>
        %dma_start3A_1769 = arith.constant 0 : i32
        %dma_start3A_1770 = arith.constant 0 : i32
        %dma_start3A_1771 = tpu.memref_slice %arg8[%dma_start3A_1759, %dma_start3A_1760, %dma_start3A_1769, %dma_start3A_1770] : memref<2x32x8x32xf32, #tpu.memory_space<vmem>> -> memref<1x1x8x32xf32, #tpu.memory_space<vmem>>
        %dma_start3A_1772 = tpu.memref_squeeze %dma_start3A_1771 : memref<1x1x8x32xf32, #tpu.memory_space<vmem>> -> memref<8x32xf32, #tpu.memory_space<vmem>>
        %dma_start3A_1773 = arith.constant 0 : i32
        %dma_start3A_1774 = arith.constant 0 : i32
        %dma_start3A_1775 = tpu.memref_slice %arg3[%squeeze3A_1758, %dma_start3A_1773, %dma_start3A_1774] : memref<125000x8x32xf32, #tpu.memory_space<hbm>> -> memref<1x8x32xf32, #tpu.memory_space<hbm>>
        %dma_start3A_1776 = tpu.memref_squeeze %dma_start3A_1775 : memref<1x8x32xf32, #tpu.memory_space<hbm>> -> memref<8x32xf32, #tpu.memory_space<hbm>>
        tpu.enqueue_dma source(%dma_start3A_1776 : memref<8x32xf32, #tpu.memory_space<hbm>>) target(%dma_start3A_1772 : memref<8x32xf32, #tpu.memory_space<vmem>>) target_semaphore(%arg11 : memref<!tpu.dma_semaphore, #tpu.memory_space<semaphore_mem>>)
        %slice3A_1777 = vector.extract_strided_slice %get3A_1476 {offsets = [15], sizes = [1], strides = [1]} : vector<16xi32> to vector<1xi32>
        %squeeze3A_1778 = vector.extract %slice3A_1777[0] : i32 from vector<1xi32>
        %dma_start3A_1779 = arith.constant 0 : i32
        %dma_start3A_1780 = arith.constant 15 : i32
        %dma_start3A_1781 = arith.constant 0 : i32
        %dma_start3A_1782 = arith.constant 0 : i32
        %dma_start3A_1783 = tpu.memref_slice %arg8[%dma_start3A_1779, %dma_start3A_1780, %dma_start3A_1781, %dma_start3A_1782] : memref<2x32x8x32xf32, #tpu.memory_space<vmem>> -> memref<1x1x8x32xf32, #tpu.memory_space<vmem>>
        %dma_start3A_1784 = tpu.memref_squeeze %dma_start3A_1783 : memref<1x1x8x32xf32, #tpu.memory_space<vmem>> -> memref<8x32xf32, #tpu.memory_space<vmem>>
        %dma_start3A_1785 = arith.constant 0 : i32
        %dma_start3A_1786 = arith.constant 0 : i32
        %dma_start3A_1787 = tpu.memref_slice %arg3[%squeeze3A_1778, %dma_start3A_1785, %dma_start3A_1786] : memref<125000x8x32xf32, #tpu.memory_space<hbm>> -> memref<1x8x32xf32, #tpu.memory_space<hbm>>
        %dma_start3A_1788 = tpu.memref_squeeze %dma_start3A_1787 : memref<1x8x32xf32, #tpu.memory_space<hbm>> -> memref<8x32xf32, #tpu.memory_space<hbm>>
        %dma_start3A_1789 = arith.constant 0 : i32
        %dma_start3A_1790 = arith.constant 0 : i32
        %dma_start3A_1791 = tpu.memref_slice %arg8[%dma_start3A_1779, %dma_start3A_1780, %dma_start3A_1789, %dma_start3A_1790] : memref<2x32x8x32xf32, #tpu.memory_space<vmem>> -> memref<1x1x8x32xf32, #tpu.memory_space<vmem>>
        %dma_start3A_1792 = tpu.memref_squeeze %dma_start3A_1791 : memref<1x1x8x32xf32, #tpu.memory_space<vmem>> -> memref<8x32xf32, #tpu.memory_space<vmem>>
        %dma_start3A_1793 = arith.constant 0 : i32
        %dma_start3A_1794 = arith.constant 0 : i32
        %dma_start3A_1795 = tpu.memref_slice %arg3[%squeeze3A_1778, %dma_start3A_1793, %dma_start3A_1794] : memref<125000x8x32xf32, #tpu.memory_space<hbm>> -> memref<1x8x32xf32, #tpu.memory_space<hbm>>
        %dma_start3A_1796 = tpu.memref_squeeze %dma_start3A_1795 : memref<1x8x32xf32, #tpu.memory_space<hbm>> -> memref<8x32xf32, #tpu.memory_space<hbm>>
        tpu.enqueue_dma source(%dma_start3A_1796 : memref<8x32xf32, #tpu.memory_space<hbm>>) target(%dma_start3A_1792 : memref<8x32xf32, #tpu.memory_space<vmem>>) target_semaphore(%arg11 : memref<!tpu.dma_semaphore, #tpu.memory_space<semaphore_mem>>)
        %add3A_1797 = arith.constant 16 : i32
        %add3A_1798 = arith.addi %mul3A_1472, %add3A_1797 : i32
        %get3A_1799 = arith.index_cast %add3A_1798 : i32 to index
        %get3A_1800 = tpu.vector_load %arg7[%get3A_1799] {strides = array<i32>} : memref<512xi32, #tpu.memory_space<vmem>>, vector<16xi32>,
        %slice3A_1801 = vector.extract_strided_slice %get3A_1800 {offsets = [0], sizes = [1], strides = [1]} : vector<16xi32> to vector<1xi32>
        %squeeze3A_1802 = vector.extract %slice3A_1801[0] : i32 from vector<1xi32>
        %dma_start3A_1803 = arith.constant 0 : i32
        %dma_start3A_1804 = arith.constant 16 : i32
        %dma_start3A_1805 = arith.constant 0 : i32
        %dma_start3A_1806 = arith.constant 0 : i32
        %dma_start3A_1807 = tpu.memref_slice %arg8[%dma_start3A_1803, %dma_start3A_1804, %dma_start3A_1805, %dma_start3A_1806] : memref<2x32x8x32xf32, #tpu.memory_space<vmem>> -> memref<1x1x8x32xf32, #tpu.memory_space<vmem>>
        %dma_start3A_1808 = tpu.memref_squeeze %dma_start3A_1807 : memref<1x1x8x32xf32, #tpu.memory_space<vmem>> -> memref<8x32xf32, #tpu.memory_space<vmem>>
        %dma_start3A_1809 = arith.constant 0 : i32
        %dma_start3A_1810 = arith.constant 0 : i32
        %dma_start3A_1811 = tpu.memref_slice %arg3[%squeeze3A_1802, %dma_start3A_1809, %dma_start3A_1810] : memref<125000x8x32xf32, #tpu.memory_space<hbm>> -> memref<1x8x32xf32, #tpu.memory_space<hbm>>
        %dma_start3A_1812 = tpu.memref_squeeze %dma_start3A_1811 : memref<1x8x32xf32, #tpu.memory_space<hbm>> -> memref<8x32xf32, #tpu.memory_space<hbm>>
        %dma_start3A_1813 = arith.constant 0 : i32
        %dma_start3A_1814 = arith.constant 0 : i32
        %dma_start3A_1815 = tpu.memref_slice %arg8[%dma_start3A_1803, %dma_start3A_1804, %dma_start3A_1813, %dma_start3A_1814] : memref<2x32x8x32xf32, #tpu.memory_space<vmem>> -> memref<1x1x8x32xf32, #tpu.memory_space<vmem>>
        %dma_start3A_1816 = tpu.memref_squeeze %dma_start3A_1815 : memref<1x1x8x32xf32, #tpu.memory_space<vmem>> -> memref<8x32xf32, #tpu.memory_space<vmem>>
        %dma_start3A_1817 = arith.constant 0 : i32
        %dma_start3A_1818 = arith.constant 0 : i32
        %dma_start3A_1819 = tpu.memref_slice %arg3[%squeeze3A_1802, %dma_start3A_1817, %dma_start3A_1818] : memref<125000x8x32xf32, #tpu.memory_space<hbm>> -> memref<1x8x32xf32, #tpu.memory_space<hbm>>
        %dma_start3A_1820 = tpu.memref_squeeze %dma_start3A_1819 : memref<1x8x32xf32, #tpu.memory_space<hbm>> -> memref<8x32xf32, #tpu.memory_space<hbm>>
        tpu.enqueue_dma source(%dma_start3A_1820 : memref<8x32xf32, #tpu.memory_space<hbm>>) target(%dma_start3A_1816 : memref<8x32xf32, #tpu.memory_space<vmem>>) target_semaphore(%arg11 : memref<!tpu.dma_semaphore, #tpu.memory_space<semaphore_mem>>)
        %slice3A_1821 = vector.extract_strided_slice %get3A_1800 {offsets = [1], sizes = [1], strides = [1]} : vector<16xi32> to vector<1xi32>
        %squeeze3A_1822 = vector.extract %slice3A_1821[0] : i32 from vector<1xi32>
        %dma_start3A_1823 = arith.constant 0 : i32
        %dma_start3A_1824 = arith.constant 17 : i32
        %dma_start3A_1825 = arith.constant 0 : i32
        %dma_start3A_1826 = arith.constant 0 : i32
        %dma_start3A_1827 = tpu.memref_slice %arg8[%dma_start3A_1823, %dma_start3A_1824, %dma_start3A_1825, %dma_start3A_1826] : memref<2x32x8x32xf32, #tpu.memory_space<vmem>> -> memref<1x1x8x32xf32, #tpu.memory_space<vmem>>
        %dma_start3A_1828 = tpu.memref_squeeze %dma_start3A_1827 : memref<1x1x8x32xf32, #tpu.memory_space<vmem>> -> memref<8x32xf32, #tpu.memory_space<vmem>>
        %dma_start3A_1829 = arith.constant 0 : i32
        %dma_start3A_1830 = arith.constant 0 : i32
        %dma_start3A_1831 = tpu.memref_slice %arg3[%squeeze3A_1822, %dma_start3A_1829, %dma_start3A_1830] : memref<125000x8x32xf32, #tpu.memory_space<hbm>> -> memref<1x8x32xf32, #tpu.memory_space<hbm>>
        %dma_start3A_1832 = tpu.memref_squeeze %dma_start3A_1831 : memref<1x8x32xf32, #tpu.memory_space<hbm>> -> memref<8x32xf32, #tpu.memory_space<hbm>>
        %dma_start3A_1833 = arith.constant 0 : i32
        %dma_start3A_1834 = arith.constant 0 : i32
        %dma_start3A_1835 = tpu.memref_slice %arg8[%dma_start3A_1823, %dma_start3A_1824, %dma_start3A_1833, %dma_start3A_1834] : memref<2x32x8x32xf32, #tpu.memory_space<vmem>> -> memref<1x1x8x32xf32, #tpu.memory_space<vmem>>
        %dma_start3A_1836 = tpu.memref_squeeze %dma_start3A_1835 : memref<1x1x8x32xf32, #tpu.memory_space<vmem>> -> memref<8x32xf32, #tpu.memory_space<vmem>>
        %dma_start3A_1837 = arith.constant 0 : i32
        %dma_start3A_1838 = arith.constant 0 : i32
        %dma_start3A_1839 = tpu.memref_slice %arg3[%squeeze3A_1822, %dma_start3A_1837, %dma_start3A_1838] : memref<125000x8x32xf32, #tpu.memory_space<hbm>> -> memref<1x8x32xf32, #tpu.memory_space<hbm>>
        %dma_start3A_1840 = tpu.memref_squeeze %dma_start3A_1839 : memref<1x8x32xf32, #tpu.memory_space<hbm>> -> memref<8x32xf32, #tpu.memory_space<hbm>>
        tpu.enqueue_dma source(%dma_start3A_1840 : memref<8x32xf32, #tpu.memory_space<hbm>>) target(%dma_start3A_1836 : memref<8x32xf32, #tpu.memory_space<vmem>>) target_semaphore(%arg11 : memref<!tpu.dma_semaphore, #tpu.memory_space<semaphore_mem>>)
        %slice3A_1841 = vector.extract_strided_slice %get3A_1800 {offsets = [2], sizes = [1], strides = [1]} : vector<16xi32> to vector<1xi32>
        %squeeze3A_1842 = vector.extract %slice3A_1841[0] : i32 from vector<1xi32>
        %dma_start3A_1843 = arith.constant 0 : i32
        %dma_start3A_1844 = arith.constant 18 : i32
        %dma_start3A_1845 = arith.constant 0 : i32
        %dma_start3A_1846 = arith.constant 0 : i32
        %dma_start3A_1847 = tpu.memref_slice %arg8[%dma_start3A_1843, %dma_start3A_1844, %dma_start3A_1845, %dma_start3A_1846] : memref<2x32x8x32xf32, #tpu.memory_space<vmem>> -> memref<1x1x8x32xf32, #tpu.memory_space<vmem>>
        %dma_start3A_1848 = tpu.memref_squeeze %dma_start3A_1847 : memref<1x1x8x32xf32, #tpu.memory_space<vmem>> -> memref<8x32xf32, #tpu.memory_space<vmem>>
        %dma_start3A_1849 = arith.constant 0 : i32
        %dma_start3A_1850 = arith.constant 0 : i32
        %dma_start3A_1851 = tpu.memref_slice %arg3[%squeeze3A_1842, %dma_start3A_1849, %dma_start3A_1850] : memref<125000x8x32xf32, #tpu.memory_space<hbm>> -> memref<1x8x32xf32, #tpu.memory_space<hbm>>
        %dma_start3A_1852 = tpu.memref_squeeze %dma_start3A_1851 : memref<1x8x32xf32, #tpu.memory_space<hbm>> -> memref<8x32xf32, #tpu.memory_space<hbm>>
        %dma_start3A_1853 = arith.constant 0 : i32
        %dma_start3A_1854 = arith.constant 0 : i32
        %dma_start3A_1855 = tpu.memref_slice %arg8[%dma_start3A_1843, %dma_start3A_1844, %dma_start3A_1853, %dma_start3A_1854] : memref<2x32x8x32xf32, #tpu.memory_space<vmem>> -> memref<1x1x8x32xf32, #tpu.memory_space<vmem>>
        %dma_start3A_1856 = tpu.memref_squeeze %dma_start3A_1855 : memref<1x1x8x32xf32, #tpu.memory_space<vmem>> -> memref<8x32xf32, #tpu.memory_space<vmem>>
        %dma_start3A_1857 = arith.constant 0 : i32
        %dma_start3A_1858 = arith.constant 0 : i32
        %dma_start3A_1859 = tpu.memref_slice %arg3[%squeeze3A_1842, %dma_start3A_1857, %dma_start3A_1858] : memref<125000x8x32xf32, #tpu.memory_space<hbm>> -> memref<1x8x32xf32, #tpu.memory_space<hbm>>
        %dma_start3A_1860 = tpu.memref_squeeze %dma_start3A_1859 : memref<1x8x32xf32, #tpu.memory_space<hbm>> -> memref<8x32xf32, #tpu.memory_space<hbm>>
        tpu.enqueue_dma source(%dma_start3A_1860 : memref<8x32xf32, #tpu.memory_space<hbm>>) target(%dma_start3A_1856 : memref<8x32xf32, #tpu.memory_space<vmem>>) target_semaphore(%arg11 : memref<!tpu.dma_semaphore, #tpu.memory_space<semaphore_mem>>)
        %slice3A_1861 = vector.extract_strided_slice %get3A_1800 {offsets = [3], sizes = [1], strides = [1]} : vector<16xi32> to vector<1xi32>
        %squeeze3A_1862 = vector.extract %slice3A_1861[0] : i32 from vector<1xi32>
        %dma_start3A_1863 = arith.constant 0 : i32
        %dma_start3A_1864 = arith.constant 19 : i32
        %dma_start3A_1865 = arith.constant 0 : i32
        %dma_start3A_1866 = arith.constant 0 : i32
        %dma_start3A_1867 = tpu.memref_slice %arg8[%dma_start3A_1863, %dma_start3A_1864, %dma_start3A_1865, %dma_start3A_1866] : memref<2x32x8x32xf32, #tpu.memory_space<vmem>> -> memref<1x1x8x32xf32, #tpu.memory_space<vmem>>
        %dma_start3A_1868 = tpu.memref_squeeze %dma_start3A_1867 : memref<1x1x8x32xf32, #tpu.memory_space<vmem>> -> memref<8x32xf32, #tpu.memory_space<vmem>>
        %dma_start3A_1869 = arith.constant 0 : i32
        %dma_start3A_1870 = arith.constant 0 : i32
        %dma_start3A_1871 = tpu.memref_slice %arg3[%squeeze3A_1862, %dma_start3A_1869, %dma_start3A_1870] : memref<125000x8x32xf32, #tpu.memory_space<hbm>> -> memref<1x8x32xf32, #tpu.memory_space<hbm>>
        %dma_start3A_1872 = tpu.memref_squeeze %dma_start3A_1871 : memref<1x8x32xf32, #tpu.memory_space<hbm>> -> memref<8x32xf32, #tpu.memory_space<hbm>>
        %dma_start3A_1873 = arith.constant 0 : i32
        %dma_start3A_1874 = arith.constant 0 : i32
        %dma_start3A_1875 = tpu.memref_slice %arg8[%dma_start3A_1863, %dma_start3A_1864, %dma_start3A_1873, %dma_start3A_1874] : memref<2x32x8x32xf32, #tpu.memory_space<vmem>> -> memref<1x1x8x32xf32, #tpu.memory_space<vmem>>
        %dma_start3A_1876 = tpu.memref_squeeze %dma_start3A_1875 : memref<1x1x8x32xf32, #tpu.memory_space<vmem>> -> memref<8x32xf32, #tpu.memory_space<vmem>>
        %dma_start3A_1877 = arith.constant 0 : i32
        %dma_start3A_1878 = arith.constant 0 : i32
        %dma_start3A_1879 = tpu.memref_slice %arg3[%squeeze3A_1862, %dma_start3A_1877, %dma_start3A_1878] : memref<125000x8x32xf32, #tpu.memory_space<hbm>> -> memref<1x8x32xf32, #tpu.memory_space<hbm>>
        %dma_start3A_1880 = tpu.memref_squeeze %dma_start3A_1879 : memref<1x8x32xf32, #tpu.memory_space<hbm>> -> memref<8x32xf32, #tpu.memory_space<hbm>>
        tpu.enqueue_dma source(%dma_start3A_1880 : memref<8x32xf32, #tpu.memory_space<hbm>>) target(%dma_start3A_1876 : memref<8x32xf32, #tpu.memory_space<vmem>>) target_semaphore(%arg11 : memref<!tpu.dma_semaphore, #tpu.memory_space<semaphore_mem>>)
        %slice3A_1881 = vector.extract_strided_slice %get3A_1800 {offsets = [4], sizes = [1], strides = [1]} : vector<16xi32> to vector<1xi32>
        %squeeze3A_1882 = vector.extract %slice3A_1881[0] : i32 from vector<1xi32>
        %dma_start3A_1883 = arith.constant 0 : i32
        %dma_start3A_1884 = arith.constant 20 : i32
        %dma_start3A_1885 = arith.constant 0 : i32
        %dma_start3A_1886 = arith.constant 0 : i32
        %dma_start3A_1887 = tpu.memref_slice %arg8[%dma_start3A_1883, %dma_start3A_1884, %dma_start3A_1885, %dma_start3A_1886] : memref<2x32x8x32xf32, #tpu.memory_space<vmem>> -> memref<1x1x8x32xf32, #tpu.memory_space<vmem>>
        %dma_start3A_1888 = tpu.memref_squeeze %dma_start3A_1887 : memref<1x1x8x32xf32, #tpu.memory_space<vmem>> -> memref<8x32xf32, #tpu.memory_space<vmem>>
        %dma_start3A_1889 = arith.constant 0 : i32
        %dma_start3A_1890 = arith.constant 0 : i32
        %dma_start3A_1891 = tpu.memref_slice %arg3[%squeeze3A_1882, %dma_start3A_1889, %dma_start3A_1890] : memref<125000x8x32xf32, #tpu.memory_space<hbm>> -> memref<1x8x32xf32, #tpu.memory_space<hbm>>
        %dma_start3A_1892 = tpu.memref_squeeze %dma_start3A_1891 : memref<1x8x32xf32, #tpu.memory_space<hbm>> -> memref<8x32xf32, #tpu.memory_space<hbm>>
        %dma_start3A_1893 = arith.constant 0 : i32
        %dma_start3A_1894 = arith.constant 0 : i32
        %dma_start3A_1895 = tpu.memref_slice %arg8[%dma_start3A_1883, %dma_start3A_1884, %dma_start3A_1893, %dma_start3A_1894] : memref<2x32x8x32xf32, #tpu.memory_space<vmem>> -> memref<1x1x8x32xf32, #tpu.memory_space<vmem>>
        %dma_start3A_1896 = tpu.memref_squeeze %dma_start3A_1895 : memref<1x1x8x32xf32, #tpu.memory_space<vmem>> -> memref<8x32xf32, #tpu.memory_space<vmem>>
        %dma_start3A_1897 = arith.constant 0 : i32
        %dma_start3A_1898 = arith.constant 0 : i32
        %dma_start3A_1899 = tpu.memref_slice %arg3[%squeeze3A_1882, %dma_start3A_1897, %dma_start3A_1898] : memref<125000x8x32xf32, #tpu.memory_space<hbm>> -> memref<1x8x32xf32, #tpu.memory_space<hbm>>
        %dma_start3A_1900 = tpu.memref_squeeze %dma_start3A_1899 : memref<1x8x32xf32, #tpu.memory_space<hbm>> -> memref<8x32xf32, #tpu.memory_space<hbm>>
        tpu.enqueue_dma source(%dma_start3A_1900 : memref<8x32xf32, #tpu.memory_space<hbm>>) target(%dma_start3A_1896 : memref<8x32xf32, #tpu.memory_space<vmem>>) target_semaphore(%arg11 : memref<!tpu.dma_semaphore, #tpu.memory_space<semaphore_mem>>)
        %slice3A_1901 = vector.extract_strided_slice %get3A_1800 {offsets = [5], sizes = [1], strides = [1]} : vector<16xi32> to vector<1xi32>
        %squeeze3A_1902 = vector.extract %slice3A_1901[0] : i32 from vector<1xi32>
        %dma_start3A_1903 = arith.constant 0 : i32
        %dma_start3A_1904 = arith.constant 21 : i32
        %dma_start3A_1905 = arith.constant 0 : i32
        %dma_start3A_1906 = arith.constant 0 : i32
        %dma_start3A_1907 = tpu.memref_slice %arg8[%dma_start3A_1903, %dma_start3A_1904, %dma_start3A_1905, %dma_start3A_1906] : memref<2x32x8x32xf32, #tpu.memory_space<vmem>> -> memref<1x1x8x32xf32, #tpu.memory_space<vmem>>
        %dma_start3A_1908 = tpu.memref_squeeze %dma_start3A_1907 : memref<1x1x8x32xf32, #tpu.memory_space<vmem>> -> memref<8x32xf32, #tpu.memory_space<vmem>>
        %dma_start3A_1909 = arith.constant 0 : i32
        %dma_start3A_1910 = arith.constant 0 : i32
        %dma_start3A_1911 = tpu.memref_slice %arg3[%squeeze3A_1902, %dma_start3A_1909, %dma_start3A_1910] : memref<125000x8x32xf32, #tpu.memory_space<hbm>> -> memref<1x8x32xf32, #tpu.memory_space<hbm>>
        %dma_start3A_1912 = tpu.memref_squeeze %dma_start3A_1911 : memref<1x8x32xf32, #tpu.memory_space<hbm>> -> memref<8x32xf32, #tpu.memory_space<hbm>>
        %dma_start3A_1913 = arith.constant 0 : i32
        %dma_start3A_1914 = arith.constant 0 : i32
        %dma_start3A_1915 = tpu.memref_slice %arg8[%dma_start3A_1903, %dma_start3A_1904, %dma_start3A_1913, %dma_start3A_1914] : memref<2x32x8x32xf32, #tpu.memory_space<vmem>> -> memref<1x1x8x32xf32, #tpu.memory_space<vmem>>
        %dma_start3A_1916 = tpu.memref_squeeze %dma_start3A_1915 : memref<1x1x8x32xf32, #tpu.memory_space<vmem>> -> memref<8x32xf32, #tpu.memory_space<vmem>>
        %dma_start3A_1917 = arith.constant 0 : i32
        %dma_start3A_1918 = arith.constant 0 : i32
        %dma_start3A_1919 = tpu.memref_slice %arg3[%squeeze3A_1902, %dma_start3A_1917, %dma_start3A_1918] : memref<125000x8x32xf32, #tpu.memory_space<hbm>> -> memref<1x8x32xf32, #tpu.memory_space<hbm>>
        %dma_start3A_1920 = tpu.memref_squeeze %dma_start3A_1919 : memref<1x8x32xf32, #tpu.memory_space<hbm>> -> memref<8x32xf32, #tpu.memory_space<hbm>>
        tpu.enqueue_dma source(%dma_start3A_1920 : memref<8x32xf32, #tpu.memory_space<hbm>>) target(%dma_start3A_1916 : memref<8x32xf32, #tpu.memory_space<vmem>>) target_semaphore(%arg11 : memref<!tpu.dma_semaphore, #tpu.memory_space<semaphore_mem>>)
        %slice3A_1921 = vector.extract_strided_slice %get3A_1800 {offsets = [6], sizes = [1], strides = [1]} : vector<16xi32> to vector<1xi32>
        %squeeze3A_1922 = vector.extract %slice3A_1921[0] : i32 from vector<1xi32>
        %dma_start3A_1923 = arith.constant 0 : i32
        %dma_start3A_1924 = arith.constant 22 : i32
        %dma_start3A_1925 = arith.constant 0 : i32
        %dma_start3A_1926 = arith.constant 0 : i32
        %dma_start3A_1927 = tpu.memref_slice %arg8[%dma_start3A_1923, %dma_start3A_1924, %dma_start3A_1925, %dma_start3A_1926] : memref<2x32x8x32xf32, #tpu.memory_space<vmem>> -> memref<1x1x8x32xf32, #tpu.memory_space<vmem>>
        %dma_start3A_1928 = tpu.memref_squeeze %dma_start3A_1927 : memref<1x1x8x32xf32, #tpu.memory_space<vmem>> -> memref<8x32xf32, #tpu.memory_space<vmem>>
        %dma_start3A_1929 = arith.constant 0 : i32
        %dma_start3A_1930 = arith.constant 0 : i32
        %dma_start3A_1931 = tpu.memref_slice %arg3[%squeeze3A_1922, %dma_start3A_1929, %dma_start3A_1930] : memref<125000x8x32xf32, #tpu.memory_space<hbm>> -> memref<1x8x32xf32, #tpu.memory_space<hbm>>
        %dma_start3A_1932 = tpu.memref_squeeze %dma_start3A_1931 : memref<1x8x32xf32, #tpu.memory_space<hbm>> -> memref<8x32xf32, #tpu.memory_space<hbm>>
        %dma_start3A_1933 = arith.constant 0 : i32
        %dma_start3A_1934 = arith.constant 0 : i32
        %dma_start3A_1935 = tpu.memref_slice %arg8[%dma_start3A_1923, %dma_start3A_1924, %dma_start3A_1933, %dma_start3A_1934] : memref<2x32x8x32xf32, #tpu.memory_space<vmem>> -> memref<1x1x8x32xf32, #tpu.memory_space<vmem>>
        %dma_start3A_1936 = tpu.memref_squeeze %dma_start3A_1935 : memref<1x1x8x32xf32, #tpu.memory_space<vmem>> -> memref<8x32xf32, #tpu.memory_space<vmem>>
        %dma_start3A_1937 = arith.constant 0 : i32
        %dma_start3A_1938 = arith.constant 0 : i32
        %dma_start3A_1939 = tpu.memref_slice %arg3[%squeeze3A_1922, %dma_start3A_1937, %dma_start3A_1938] : memref<125000x8x32xf32, #tpu.memory_space<hbm>> -> memref<1x8x32xf32, #tpu.memory_space<hbm>>
        %dma_start3A_1940 = tpu.memref_squeeze %dma_start3A_1939 : memref<1x8x32xf32, #tpu.memory_space<hbm>> -> memref<8x32xf32, #tpu.memory_space<hbm>>
        tpu.enqueue_dma source(%dma_start3A_1940 : memref<8x32xf32, #tpu.memory_space<hbm>>) target(%dma_start3A_1936 : memref<8x32xf32, #tpu.memory_space<vmem>>) target_semaphore(%arg11 : memref<!tpu.dma_semaphore, #tpu.memory_space<semaphore_mem>>)
        %slice3A_1941 = vector.extract_strided_slice %get3A_1800 {offsets = [7], sizes = [1], strides = [1]} : vector<16xi32> to vector<1xi32>
        %squeeze3A_1942 = vector.extract %slice3A_1941[0] : i32 from vector<1xi32>
        %dma_start3A_1943 = arith.constant 0 : i32
        %dma_start3A_1944 = arith.constant 23 : i32
        %dma_start3A_1945 = arith.constant 0 : i32
        %dma_start3A_1946 = arith.constant 0 : i32
        %dma_start3A_1947 = tpu.memref_slice %arg8[%dma_start3A_1943, %dma_start3A_1944, %dma_start3A_1945, %dma_start3A_1946] : memref<2x32x8x32xf32, #tpu.memory_space<vmem>> -> memref<1x1x8x32xf32, #tpu.memory_space<vmem>>
        %dma_start3A_1948 = tpu.memref_squeeze %dma_start3A_1947 : memref<1x1x8x32xf32, #tpu.memory_space<vmem>> -> memref<8x32xf32, #tpu.memory_space<vmem>>
        %dma_start3A_1949 = arith.constant 0 : i32
        %dma_start3A_1950 = arith.constant 0 : i32
        %dma_start3A_1951 = tpu.memref_slice %arg3[%squeeze3A_1942, %dma_start3A_1949, %dma_start3A_1950] : memref<125000x8x32xf32, #tpu.memory_space<hbm>> -> memref<1x8x32xf32, #tpu.memory_space<hbm>>
        %dma_start3A_1952 = tpu.memref_squeeze %dma_start3A_1951 : memref<1x8x32xf32, #tpu.memory_space<hbm>> -> memref<8x32xf32, #tpu.memory_space<hbm>>
        %dma_start3A_1953 = arith.constant 0 : i32
        %dma_start3A_1954 = arith.constant 0 : i32
        %dma_start3A_1955 = tpu.memref_slice %arg8[%dma_start3A_1943, %dma_start3A_1944, %dma_start3A_1953, %dma_start3A_1954] : memref<2x32x8x32xf32, #tpu.memory_space<vmem>> -> memref<1x1x8x32xf32, #tpu.memory_space<vmem>>
        %dma_start3A_1956 = tpu.memref_squeeze %dma_start3A_1955 : memref<1x1x8x32xf32, #tpu.memory_space<vmem>> -> memref<8x32xf32, #tpu.memory_space<vmem>>
        %dma_start3A_1957 = arith.constant 0 : i32
        %dma_start3A_1958 = arith.constant 0 : i32
        %dma_start3A_1959 = tpu.memref_slice %arg3[%squeeze3A_1942, %dma_start3A_1957, %dma_start3A_1958] : memref<125000x8x32xf32, #tpu.memory_space<hbm>> -> memref<1x8x32xf32, #tpu.memory_space<hbm>>
        %dma_start3A_1960 = tpu.memref_squeeze %dma_start3A_1959 : memref<1x8x32xf32, #tpu.memory_space<hbm>> -> memref<8x32xf32, #tpu.memory_space<hbm>>
        tpu.enqueue_dma source(%dma_start3A_1960 : memref<8x32xf32, #tpu.memory_space<hbm>>) target(%dma_start3A_1956 : memref<8x32xf32, #tpu.memory_space<vmem>>) target_semaphore(%arg11 : memref<!tpu.dma_semaphore, #tpu.memory_space<semaphore_mem>>)
        %slice3A_1961 = vector.extract_strided_slice %get3A_1800 {offsets = [8], sizes = [1], strides = [1]} : vector<16xi32> to vector<1xi32>
        %squeeze3A_1962 = vector.extract %slice3A_1961[0] : i32 from vector<1xi32>
        %dma_start3A_1963 = arith.constant 0 : i32
        %dma_start3A_1964 = arith.constant 24 : i32
        %dma_start3A_1965 = arith.constant 0 : i32
        %dma_start3A_1966 = arith.constant 0 : i32
        %dma_start3A_1967 = tpu.memref_slice %arg8[%dma_start3A_1963, %dma_start3A_1964, %dma_start3A_1965, %dma_start3A_1966] : memref<2x32x8x32xf32, #tpu.memory_space<vmem>> -> memref<1x1x8x32xf32, #tpu.memory_space<vmem>>
        %dma_start3A_1968 = tpu.memref_squeeze %dma_start3A_1967 : memref<1x1x8x32xf32, #tpu.memory_space<vmem>> -> memref<8x32xf32, #tpu.memory_space<vmem>>
        %dma_start3A_1969 = arith.constant 0 : i32
        %dma_start3A_1970 = arith.constant 0 : i32
        %dma_start3A_1971 = tpu.memref_slice %arg3[%squeeze3A_1962, %dma_start3A_1969, %dma_start3A_1970] : memref<125000x8x32xf32, #tpu.memory_space<hbm>> -> memref<1x8x32xf32, #tpu.memory_space<hbm>>
        %dma_start3A_1972 = tpu.memref_squeeze %dma_start3A_1971 : memref<1x8x32xf32, #tpu.memory_space<hbm>> -> memref<8x32xf32, #tpu.memory_space<hbm>>
        %dma_start3A_1973 = arith.constant 0 : i32
        %dma_start3A_1974 = arith.constant 0 : i32
        %dma_start3A_1975 = tpu.memref_slice %arg8[%dma_start3A_1963, %dma_start3A_1964, %dma_start3A_1973, %dma_start3A_1974] : memref<2x32x8x32xf32, #tpu.memory_space<vmem>> -> memref<1x1x8x32xf32, #tpu.memory_space<vmem>>
        %dma_start3A_1976 = tpu.memref_squeeze %dma_start3A_1975 : memref<1x1x8x32xf32, #tpu.memory_space<vmem>> -> memref<8x32xf32, #tpu.memory_space<vmem>>
        %dma_start3A_1977 = arith.constant 0 : i32
        %dma_start3A_1978 = arith.constant 0 : i32
        %dma_start3A_1979 = tpu.memref_slice %arg3[%squeeze3A_1962, %dma_start3A_1977, %dma_start3A_1978] : memref<125000x8x32xf32, #tpu.memory_space<hbm>> -> memref<1x8x32xf32, #tpu.memory_space<hbm>>
        %dma_start3A_1980 = tpu.memref_squeeze %dma_start3A_1979 : memref<1x8x32xf32, #tpu.memory_space<hbm>> -> memref<8x32xf32, #tpu.memory_space<hbm>>
        tpu.enqueue_dma source(%dma_start3A_1980 : memref<8x32xf32, #tpu.memory_space<hbm>>) target(%dma_start3A_1976 : memref<8x32xf32, #tpu.memory_space<vmem>>) target_semaphore(%arg11 : memref<!tpu.dma_semaphore, #tpu.memory_space<semaphore_mem>>)
        %slice3A_1981 = vector.extract_strided_slice %get3A_1800 {offsets = [9], sizes = [1], strides = [1]} : vector<16xi32> to vector<1xi32>
        %squeeze3A_1982 = vector.extract %slice3A_1981[0] : i32 from vector<1xi32>
        %dma_start3A_1983 = arith.constant 0 : i32
        %dma_start3A_1984 = arith.constant 25 : i32
        %dma_start3A_1985 = arith.constant 0 : i32
        %dma_start3A_1986 = arith.constant 0 : i32
        %dma_start3A_1987 = tpu.memref_slice %arg8[%dma_start3A_1983, %dma_start3A_1984, %dma_start3A_1985, %dma_start3A_1986] : memref<2x32x8x32xf32, #tpu.memory_space<vmem>> -> memref<1x1x8x32xf32, #tpu.memory_space<vmem>>
        %dma_start3A_1988 = tpu.memref_squeeze %dma_start3A_1987 : memref<1x1x8x32xf32, #tpu.memory_space<vmem>> -> memref<8x32xf32, #tpu.memory_space<vmem>>
        %dma_start3A_1989 = arith.constant 0 : i32
        %dma_start3A_1990 = arith.constant 0 : i32
        %dma_start3A_1991 = tpu.memref_slice %arg3[%squeeze3A_1982, %dma_start3A_1989, %dma_start3A_1990] : memref<125000x8x32xf32, #tpu.memory_space<hbm>> -> memref<1x8x32xf32, #tpu.memory_space<hbm>>
        %dma_start3A_1992 = tpu.memref_squeeze %dma_start3A_1991 : memref<1x8x32xf32, #tpu.memory_space<hbm>> -> memref<8x32xf32, #tpu.memory_space<hbm>>
        %dma_start3A_1993 = arith.constant 0 : i32
        %dma_start3A_1994 = arith.constant 0 : i32
        %dma_start3A_1995 = tpu.memref_slice %arg8[%dma_start3A_1983, %dma_start3A_1984, %dma_start3A_1993, %dma_start3A_1994] : memref<2x32x8x32xf32, #tpu.memory_space<vmem>> -> memref<1x1x8x32xf32, #tpu.memory_space<vmem>>
        %dma_start3A_1996 = tpu.memref_squeeze %dma_start3A_1995 : memref<1x1x8x32xf32, #tpu.memory_space<vmem>> -> memref<8x32xf32, #tpu.memory_space<vmem>>
        %dma_start3A_1997 = arith.constant 0 : i32
        %dma_start3A_1998 = arith.constant 0 : i32
        %dma_start3A_1999 = tpu.memref_slice %arg3[%squeeze3A_1982, %dma_start3A_1997, %dma_start3A_1998] : memref<125000x8x32xf32, #tpu.memory_space<hbm>> -> memref<1x8x32xf32, #tpu.memory_space<hbm>>
        %dma_start3A_2000 = tpu.memref_squeeze %dma_start3A_1999 : memref<1x8x32xf32, #tpu.memory_space<hbm>> -> memref<8x32xf32, #tpu.memory_space<hbm>>
        tpu.enqueue_dma source(%dma_start3A_2000 : memref<8x32xf32, #tpu.memory_space<hbm>>) target(%dma_start3A_1996 : memref<8x32xf32, #tpu.memory_space<vmem>>) target_semaphore(%arg11 : memref<!tpu.dma_semaphore, #tpu.memory_space<semaphore_mem>>)
        %slice3A_2001 = vector.extract_strided_slice %get3A_1800 {offsets = [10], sizes = [1], strides = [1]} : vector<16xi32> to vector<1xi32>
        %squeeze3A_2002 = vector.extract %slice3A_2001[0] : i32 from vector<1xi32>
        %dma_start3A_2003 = arith.constant 0 : i32
        %dma_start3A_2004 = arith.constant 26 : i32
        %dma_start3A_2005 = arith.constant 0 : i32
        %dma_start3A_2006 = arith.constant 0 : i32
        %dma_start3A_2007 = tpu.memref_slice %arg8[%dma_start3A_2003, %dma_start3A_2004, %dma_start3A_2005, %dma_start3A_2006] : memref<2x32x8x32xf32, #tpu.memory_space<vmem>> -> memref<1x1x8x32xf32, #tpu.memory_space<vmem>>
        %dma_start3A_2008 = tpu.memref_squeeze %dma_start3A_2007 : memref<1x1x8x32xf32, #tpu.memory_space<vmem>> -> memref<8x32xf32, #tpu.memory_space<vmem>>
        %dma_start3A_2009 = arith.constant 0 : i32
        %dma_start3A_2010 = arith.constant 0 : i32
        %dma_start3A_2011 = tpu.memref_slice %arg3[%squeeze3A_2002, %dma_start3A_2009, %dma_start3A_2010] : memref<125000x8x32xf32, #tpu.memory_space<hbm>> -> memref<1x8x32xf32, #tpu.memory_space<hbm>>
        %dma_start3A_2012 = tpu.memref_squeeze %dma_start3A_2011 : memref<1x8x32xf32, #tpu.memory_space<hbm>> -> memref<8x32xf32, #tpu.memory_space<hbm>>
        %dma_start3A_2013 = arith.constant 0 : i32
        %dma_start3A_2014 = arith.constant 0 : i32
        %dma_start3A_2015 = tpu.memref_slice %arg8[%dma_start3A_2003, %dma_start3A_2004, %dma_start3A_2013, %dma_start3A_2014] : memref<2x32x8x32xf32, #tpu.memory_space<vmem>> -> memref<1x1x8x32xf32, #tpu.memory_space<vmem>>
        %dma_start3A_2016 = tpu.memref_squeeze %dma_start3A_2015 : memref<1x1x8x32xf32, #tpu.memory_space<vmem>> -> memref<8x32xf32, #tpu.memory_space<vmem>>
        %dma_start3A_2017 = arith.constant 0 : i32
        %dma_start3A_2018 = arith.constant 0 : i32
        %dma_start3A_2019 = tpu.memref_slice %arg3[%squeeze3A_2002, %dma_start3A_2017, %dma_start3A_2018] : memref<125000x8x32xf32, #tpu.memory_space<hbm>> -> memref<1x8x32xf32, #tpu.memory_space<hbm>>
        %dma_start3A_2020 = tpu.memref_squeeze %dma_start3A_2019 : memref<1x8x32xf32, #tpu.memory_space<hbm>> -> memref<8x32xf32, #tpu.memory_space<hbm>>
        tpu.enqueue_dma source(%dma_start3A_2020 : memref<8x32xf32, #tpu.memory_space<hbm>>) target(%dma_start3A_2016 : memref<8x32xf32, #tpu.memory_space<vmem>>) target_semaphore(%arg11 : memref<!tpu.dma_semaphore, #tpu.memory_space<semaphore_mem>>)
        %slice3A_2021 = vector.extract_strided_slice %get3A_1800 {offsets = [11], sizes = [1], strides = [1]} : vector<16xi32> to vector<1xi32>
        %squeeze3A_2022 = vector.extract %slice3A_2021[0] : i32 from vector<1xi32>
        %dma_start3A_2023 = arith.constant 0 : i32
        %dma_start3A_2024 = arith.constant 27 : i32
        %dma_start3A_2025 = arith.constant 0 : i32
        %dma_start3A_2026 = arith.constant 0 : i32
        %dma_start3A_2027 = tpu.memref_slice %arg8[%dma_start3A_2023, %dma_start3A_2024, %dma_start3A_2025, %dma_start3A_2026] : memref<2x32x8x32xf32, #tpu.memory_space<vmem>> -> memref<1x1x8x32xf32, #tpu.memory_space<vmem>>
        %dma_start3A_2028 = tpu.memref_squeeze %dma_start3A_2027 : memref<1x1x8x32xf32, #tpu.memory_space<vmem>> -> memref<8x32xf32, #tpu.memory_space<vmem>>
        %dma_start3A_2029 = arith.constant 0 : i32
        %dma_start3A_2030 = arith.constant 0 : i32
        %dma_start3A_2031 = tpu.memref_slice %arg3[%squeeze3A_2022, %dma_start3A_2029, %dma_start3A_2030] : memref<125000x8x32xf32, #tpu.memory_space<hbm>> -> memref<1x8x32xf32, #tpu.memory_space<hbm>>
        %dma_start3A_2032 = tpu.memref_squeeze %dma_start3A_2031 : memref<1x8x32xf32, #tpu.memory_space<hbm>> -> memref<8x32xf32, #tpu.memory_space<hbm>>
        %dma_start3A_2033 = arith.constant 0 : i32
        %dma_start3A_2034 = arith.constant 0 : i32
        %dma_start3A_2035 = tpu.memref_slice %arg8[%dma_start3A_2023, %dma_start3A_2024, %dma_start3A_2033, %dma_start3A_2034] : memref<2x32x8x32xf32, #tpu.memory_space<vmem>> -> memref<1x1x8x32xf32, #tpu.memory_space<vmem>>
        %dma_start3A_2036 = tpu.memref_squeeze %dma_start3A_2035 : memref<1x1x8x32xf32, #tpu.memory_space<vmem>> -> memref<8x32xf32, #tpu.memory_space<vmem>>
        %dma_start3A_2037 = arith.constant 0 : i32
        %dma_start3A_2038 = arith.constant 0 : i32
        %dma_start3A_2039 = tpu.memref_slice %arg3[%squeeze3A_2022, %dma_start3A_2037, %dma_start3A_2038] : memref<125000x8x32xf32, #tpu.memory_space<hbm>> -> memref<1x8x32xf32, #tpu.memory_space<hbm>>
        %dma_start3A_2040 = tpu.memref_squeeze %dma_start3A_2039 : memref<1x8x32xf32, #tpu.memory_space<hbm>> -> memref<8x32xf32, #tpu.memory_space<hbm>>
        tpu.enqueue_dma source(%dma_start3A_2040 : memref<8x32xf32, #tpu.memory_space<hbm>>) target(%dma_start3A_2036 : memref<8x32xf32, #tpu.memory_space<vmem>>) target_semaphore(%arg11 : memref<!tpu.dma_semaphore, #tpu.memory_space<semaphore_mem>>)
        %slice3A_2041 = vector.extract_strided_slice %get3A_1800 {offsets = [12], sizes = [1], strides = [1]} : vector<16xi32> to vector<1xi32>
        %squeeze3A_2042 = vector.extract %slice3A_2041[0] : i32 from vector<1xi32>
        %dma_start3A_2043 = arith.constant 0 : i32
        %dma_start3A_2044 = arith.constant 28 : i32
        %dma_start3A_2045 = arith.constant 0 : i32
        %dma_start3A_2046 = arith.constant 0 : i32
        %dma_start3A_2047 = tpu.memref_slice %arg8[%dma_start3A_2043, %dma_start3A_2044, %dma_start3A_2045, %dma_start3A_2046] : memref<2x32x8x32xf32, #tpu.memory_space<vmem>> -> memref<1x1x8x32xf32, #tpu.memory_space<vmem>>
        %dma_start3A_2048 = tpu.memref_squeeze %dma_start3A_2047 : memref<1x1x8x32xf32, #tpu.memory_space<vmem>> -> memref<8x32xf32, #tpu.memory_space<vmem>>
        %dma_start3A_2049 = arith.constant 0 : i32
        %dma_start3A_2050 = arith.constant 0 : i32
        %dma_start3A_2051 = tpu.memref_slice %arg3[%squeeze3A_2042, %dma_start3A_2049, %dma_start3A_2050] : memref<125000x8x32xf32, #tpu.memory_space<hbm>> -> memref<1x8x32xf32, #tpu.memory_space<hbm>>
        %dma_start3A_2052 = tpu.memref_squeeze %dma_start3A_2051 : memref<1x8x32xf32, #tpu.memory_space<hbm>> -> memref<8x32xf32, #tpu.memory_space<hbm>>
        %dma_start3A_2053 = arith.constant 0 : i32
        %dma_start3A_2054 = arith.constant 0 : i32
        %dma_start3A_2055 = tpu.memref_slice %arg8[%dma_start3A_2043, %dma_start3A_2044, %dma_start3A_2053, %dma_start3A_2054] : memref<2x32x8x32xf32, #tpu.memory_space<vmem>> -> memref<1x1x8x32xf32, #tpu.memory_space<vmem>>
        %dma_start3A_2056 = tpu.memref_squeeze %dma_start3A_2055 : memref<1x1x8x32xf32, #tpu.memory_space<vmem>> -> memref<8x32xf32, #tpu.memory_space<vmem>>
        %dma_start3A_2057 = arith.constant 0 : i32
        %dma_start3A_2058 = arith.constant 0 : i32
        %dma_start3A_2059 = tpu.memref_slice %arg3[%squeeze3A_2042, %dma_start3A_2057, %dma_start3A_2058] : memref<125000x8x32xf32, #tpu.memory_space<hbm>> -> memref<1x8x32xf32, #tpu.memory_space<hbm>>
        %dma_start3A_2060 = tpu.memref_squeeze %dma_start3A_2059 : memref<1x8x32xf32, #tpu.memory_space<hbm>> -> memref<8x32xf32, #tpu.memory_space<hbm>>
        tpu.enqueue_dma source(%dma_start3A_2060 : memref<8x32xf32, #tpu.memory_space<hbm>>) target(%dma_start3A_2056 : memref<8x32xf32, #tpu.memory_space<vmem>>) target_semaphore(%arg11 : memref<!tpu.dma_semaphore, #tpu.memory_space<semaphore_mem>>)
        %slice3A_2061 = vector.extract_strided_slice %get3A_1800 {offsets = [13], sizes = [1], strides = [1]} : vector<16xi32> to vector<1xi32>
        %squeeze3A_2062 = vector.extract %slice3A_2061[0] : i32 from vector<1xi32>
        %dma_start3A_2063 = arith.constant 0 : i32
        %dma_start3A_2064 = arith.constant 29 : i32
        %dma_start3A_2065 = arith.constant 0 : i32
        %dma_start3A_2066 = arith.constant 0 : i32
        %dma_start3A_2067 = tpu.memref_slice %arg8[%dma_start3A_2063, %dma_start3A_2064, %dma_start3A_2065, %dma_start3A_2066] : memref<2x32x8x32xf32, #tpu.memory_space<vmem>> -> memref<1x1x8x32xf32, #tpu.memory_space<vmem>>
        %dma_start3A_2068 = tpu.memref_squeeze %dma_start3A_2067 : memref<1x1x8x32xf32, #tpu.memory_space<vmem>> -> memref<8x32xf32, #tpu.memory_space<vmem>>
        %dma_start3A_2069 = arith.constant 0 : i32
        %dma_start3A_2070 = arith.constant 0 : i32
        %dma_start3A_2071 = tpu.memref_slice %arg3[%squeeze3A_2062, %dma_start3A_2069, %dma_start3A_2070] : memref<125000x8x32xf32, #tpu.memory_space<hbm>> -> memref<1x8x32xf32, #tpu.memory_space<hbm>>
        %dma_start3A_2072 = tpu.memref_squeeze %dma_start3A_2071 : memref<1x8x32xf32, #tpu.memory_space<hbm>> -> memref<8x32xf32, #tpu.memory_space<hbm>>
        %dma_start3A_2073 = arith.constant 0 : i32
        %dma_start3A_2074 = arith.constant 0 : i32
        %dma_start3A_2075 = tpu.memref_slice %arg8[%dma_start3A_2063, %dma_start3A_2064, %dma_start3A_2073, %dma_start3A_2074] : memref<2x32x8x32xf32, #tpu.memory_space<vmem>> -> memref<1x1x8x32xf32, #tpu.memory_space<vmem>>
        %dma_start3A_2076 = tpu.memref_squeeze %dma_start3A_2075 : memref<1x1x8x32xf32, #tpu.memory_space<vmem>> -> memref<8x32xf32, #tpu.memory_space<vmem>>
        %dma_start3A_2077 = arith.constant 0 : i32
        %dma_start3A_2078 = arith.constant 0 : i32
        %dma_start3A_2079 = tpu.memref_slice %arg3[%squeeze3A_2062, %dma_start3A_2077, %dma_start3A_2078] : memref<125000x8x32xf32, #tpu.memory_space<hbm>> -> memref<1x8x32xf32, #tpu.memory_space<hbm>>
        %dma_start3A_2080 = tpu.memref_squeeze %dma_start3A_2079 : memref<1x8x32xf32, #tpu.memory_space<hbm>> -> memref<8x32xf32, #tpu.memory_space<hbm>>
        tpu.enqueue_dma source(%dma_start3A_2080 : memref<8x32xf32, #tpu.memory_space<hbm>>) target(%dma_start3A_2076 : memref<8x32xf32, #tpu.memory_space<vmem>>) target_semaphore(%arg11 : memref<!tpu.dma_semaphore, #tpu.memory_space<semaphore_mem>>)
        %slice3A_2081 = vector.extract_strided_slice %get3A_1800 {offsets = [14], sizes = [1], strides = [1]} : vector<16xi32> to vector<1xi32>
        %squeeze3A_2082 = vector.extract %slice3A_2081[0] : i32 from vector<1xi32>
        %dma_start3A_2083 = arith.constant 0 : i32
        %dma_start3A_2084 = arith.constant 30 : i32
        %dma_start3A_2085 = arith.constant 0 : i32
        %dma_start3A_2086 = arith.constant 0 : i32
        %dma_start3A_2087 = tpu.memref_slice %arg8[%dma_start3A_2083, %dma_start3A_2084, %dma_start3A_2085, %dma_start3A_2086] : memref<2x32x8x32xf32, #tpu.memory_space<vmem>> -> memref<1x1x8x32xf32, #tpu.memory_space<vmem>>
        %dma_start3A_2088 = tpu.memref_squeeze %dma_start3A_2087 : memref<1x1x8x32xf32, #tpu.memory_space<vmem>> -> memref<8x32xf32, #tpu.memory_space<vmem>>
        %dma_start3A_2089 = arith.constant 0 : i32
        %dma_start3A_2090 = arith.constant 0 : i32
        %dma_start3A_2091 = tpu.memref_slice %arg3[%squeeze3A_2082, %dma_start3A_2089, %dma_start3A_2090] : memref<125000x8x32xf32, #tpu.memory_space<hbm>> -> memref<1x8x32xf32, #tpu.memory_space<hbm>>
        %dma_start3A_2092 = tpu.memref_squeeze %dma_start3A_2091 : memref<1x8x32xf32, #tpu.memory_space<hbm>> -> memref<8x32xf32, #tpu.memory_space<hbm>>
        %dma_start3A_2093 = arith.constant 0 : i32
        %dma_start3A_2094 = arith.constant 0 : i32
        %dma_start3A_2095 = tpu.memref_slice %arg8[%dma_start3A_2083, %dma_start3A_2084, %dma_start3A_2093, %dma_start3A_2094] : memref<2x32x8x32xf32, #tpu.memory_space<vmem>> -> memref<1x1x8x32xf32, #tpu.memory_space<vmem>>
        %dma_start3A_2096 = tpu.memref_squeeze %dma_start3A_2095 : memref<1x1x8x32xf32, #tpu.memory_space<vmem>> -> memref<8x32xf32, #tpu.memory_space<vmem>>
        %dma_start3A_2097 = arith.constant 0 : i32
        %dma_start3A_2098 = arith.constant 0 : i32
        %dma_start3A_2099 = tpu.memref_slice %arg3[%squeeze3A_2082, %dma_start3A_2097, %dma_start3A_2098] : memref<125000x8x32xf32, #tpu.memory_space<hbm>> -> memref<1x8x32xf32, #tpu.memory_space<hbm>>
        %dma_start3A_2100 = tpu.memref_squeeze %dma_start3A_2099 : memref<1x8x32xf32, #tpu.memory_space<hbm>> -> memref<8x32xf32, #tpu.memory_space<hbm>>
        tpu.enqueue_dma source(%dma_start3A_2100 : memref<8x32xf32, #tpu.memory_space<hbm>>) target(%dma_start3A_2096 : memref<8x32xf32, #tpu.memory_space<vmem>>) target_semaphore(%arg11 : memref<!tpu.dma_semaphore, #tpu.memory_space<semaphore_mem>>)
        %slice3A_2101 = vector.extract_strided_slice %get3A_1800 {offsets = [15], sizes = [1], strides = [1]} : vector<16xi32> to vector<1xi32>
        %squeeze3A_2102 = vector.extract %slice3A_2101[0] : i32 from vector<1xi32>
        %dma_start3A_2103 = arith.constant 0 : i32
        %dma_start3A_2104 = arith.constant 31 : i32
        %dma_start3A_2105 = arith.constant 0 : i32
        %dma_start3A_2106 = arith.constant 0 : i32
        %dma_start3A_2107 = tpu.memref_slice %arg8[%dma_start3A_2103, %dma_start3A_2104, %dma_start3A_2105, %dma_start3A_2106] : memref<2x32x8x32xf32, #tpu.memory_space<vmem>> -> memref<1x1x8x32xf32, #tpu.memory_space<vmem>>
        %dma_start3A_2108 = tpu.memref_squeeze %dma_start3A_2107 : memref<1x1x8x32xf32, #tpu.memory_space<vmem>> -> memref<8x32xf32, #tpu.memory_space<vmem>>
        %dma_start3A_2109 = arith.constant 0 : i32
        %dma_start3A_2110 = arith.constant 0 : i32
        %dma_start3A_2111 = tpu.memref_slice %arg3[%squeeze3A_2102, %dma_start3A_2109, %dma_start3A_2110] : memref<125000x8x32xf32, #tpu.memory_space<hbm>> -> memref<1x8x32xf32, #tpu.memory_space<hbm>>
        %dma_start3A_2112 = tpu.memref_squeeze %dma_start3A_2111 : memref<1x8x32xf32, #tpu.memory_space<hbm>> -> memref<8x32xf32, #tpu.memory_space<hbm>>
        %dma_start3A_2113 = arith.constant 0 : i32
        %dma_start3A_2114 = arith.constant 0 : i32
        %dma_start3A_2115 = tpu.memref_slice %arg8[%dma_start3A_2103, %dma_start3A_2104, %dma_start3A_2113, %dma_start3A_2114] : memref<2x32x8x32xf32, #tpu.memory_space<vmem>> -> memref<1x1x8x32xf32, #tpu.memory_space<vmem>>
        %dma_start3A_2116 = tpu.memref_squeeze %dma_start3A_2115 : memref<1x1x8x32xf32, #tpu.memory_space<vmem>> -> memref<8x32xf32, #tpu.memory_space<vmem>>
        %dma_start3A_2117 = arith.constant 0 : i32
        %dma_start3A_2118 = arith.constant 0 : i32
        %dma_start3A_2119 = tpu.memref_slice %arg3[%squeeze3A_2102, %dma_start3A_2117, %dma_start3A_2118] : memref<125000x8x32xf32, #tpu.memory_space<hbm>> -> memref<1x8x32xf32, #tpu.memory_space<hbm>>
        %dma_start3A_2120 = tpu.memref_squeeze %dma_start3A_2119 : memref<1x8x32xf32, #tpu.memory_space<hbm>> -> memref<8x32xf32, #tpu.memory_space<hbm>>
        tpu.enqueue_dma source(%dma_start3A_2120 : memref<8x32xf32, #tpu.memory_space<hbm>>) target(%dma_start3A_2116 : memref<8x32xf32, #tpu.memory_space<vmem>>) target_semaphore(%arg11 : memref<!tpu.dma_semaphore, #tpu.memory_space<semaphore_mem>>)
      } else {
      }
      %dma_wait3A_1102 = arith.constant 1 : i32
      %dma_wait3A_1103 = arith.constant 0 : i32
      %dma_wait3A_1104 = arith.constant 0 : i32
      %dma_wait3A_1105 = arith.constant 0 : i32
      %dma_wait3A_1106 = tpu.memref_slice %arg8[%dma_wait3A_1102, %dma_wait3A_1103, %dma_wait3A_1104, %dma_wait3A_1105] : memref<2x32x8x32xf32, #tpu.memory_space<vmem>> -> memref<1x32x8x32xf32, #tpu.memory_space<vmem>>
      %dma_wait3A_1107 = tpu.memref_squeeze %dma_wait3A_1106 : memref<1x32x8x32xf32, #tpu.memory_space<vmem>> -> memref<32x8x32xf32, #tpu.memory_space<vmem>>
      %dma_wait3A_1108 = arith.constant 0 : i32
      %dma_wait3A_1109 = arith.constant 0 : i32
      %dma_wait3A_1110 = arith.constant 0 : i32
      %dma_wait3A_1111 = tpu.memref_slice %arg3[%dma_wait3A_1108, %dma_wait3A_1109, %dma_wait3A_1110] : memref<125000x8x32xf32, #tpu.memory_space<hbm>> -> memref<32x8x32xf32, #tpu.memory_space<hbm>>
      %dma_wait3A_1112 = arith.constant 0 : i32
      %dma_wait3A_1113 = arith.constant 0 : i32
      %dma_wait3A_1114 = arith.constant 0 : i32
      %dma_wait3A_1115 = tpu.memref_slice %arg8[%dma_wait3A_1102, %dma_wait3A_1112, %dma_wait3A_1113, %dma_wait3A_1114] : memref<2x32x8x32xf32, #tpu.memory_space<vmem>> -> memref<1x32x8x32xf32, #tpu.memory_space<vmem>>
      %dma_wait3A_1116 = tpu.memref_squeeze %dma_wait3A_1115 : memref<1x32x8x32xf32, #tpu.memory_space<vmem>> -> memref<32x8x32xf32, #tpu.memory_space<vmem>>
      %dma_wait3A_1117 = arith.constant 0 : i32
      %dma_wait3A_1118 = arith.constant 0 : i32
      %dma_wait3A_1119 = arith.constant 0 : i32
      %dma_wait3A_1120 = tpu.memref_slice %arg3[%dma_wait3A_1117, %dma_wait3A_1118, %dma_wait3A_1119] : memref<125000x8x32xf32, #tpu.memory_space<hbm>> -> memref<32x8x32xf32, #tpu.memory_space<hbm>>
      tpu.wait_dma2 semaphore(%arg12 : memref<!tpu.dma_semaphore, #tpu.memory_space<semaphore_mem>>) src(%dma_wait3A_1120 : memref<32x8x32xf32, #tpu.memory_space<hbm>>) dst(%dma_wait3A_1116 : memref<32x8x32xf32, #tpu.memory_space<vmem>>)
      %mul3A_1121 = arith.constant 32 : i32
      %mul3A_1122 = arith.muli %add3A_1094, %mul3A_1121 : i32
      %broadcast_in_dim3A_1123 = arith.constant 1 : i32
      %broadcast_in_dim3A_1124 = vector.broadcast %broadcast_in_dim3A_1123 : i32 to vector<16xi32>
      %add3A_1125 = arith.constant 0 : i32
      %add3A_1126 = arith.addi %mul3A_1122, %add3A_1125 : i32
      %get3A_1127 = arith.index_cast %add3A_1126 : i32 to index
      %get3A_1128 = tpu.vector_load %arg6[%get3A_1127] {strides = array<i32>} : memref<512xi32, #tpu.memory_space<vmem>>, vector<16xi32>,
      %and3A_1129 = arith.constant 7 : i32
      %and3A_1130 = vector.broadcast %and3A_1129 : i32 to vector<16xi32>
      %and3A_1131 = arith.andi %get3A_1128, %and3A_1130 : vector<16xi32>
      %add3A_1132 = arith.constant 0 : i32
      %add3A_1133 = vector.broadcast %add3A_1132 : i32 to vector<16xi32>
      %add3A_1134 = arith.addi %iota3A, %add3A_1133 : vector<16xi32>
      %broadcast_in_dim3A_1135 = arith.constant 0 : i32
      %broadcast_in_dim3A_1136 = vector.broadcast %broadcast_in_dim3A_1135 : i32 to vector<16xi32>
      %gather3A_1137 = tpu.vector_load_idx %arg8[%broadcast_in_dim3A_1124, %add3A_1134, %and3A_1131, %broadcast_in_dim3A_1136] : memref<2x32x8x32xf32, #tpu.memory_space<vmem>>[vector<16xi32>, vector<16xi32>, vector<16xi32>, vector<16xi32>], vector<16xf32>,
      %mul3A_1138 = arith.mulf %gather3A_1137, %get3A_8 : vector<16xf32>
      %add3A_1139 = arith.addf %get3A_72, %mul3A_1138 : vector<16xf32>
      %broadcast_in_dim3A_1140 = arith.constant 1 : i32
      %broadcast_in_dim3A_1141 = vector.broadcast %broadcast_in_dim3A_1140 : i32 to vector<16xi32>
      %gather3A_1142 = tpu.vector_load_idx %arg8[%broadcast_in_dim3A_1124, %add3A_1134, %and3A_1131, %broadcast_in_dim3A_1141] : memref<2x32x8x32xf32, #tpu.memory_space<vmem>>[vector<16xi32>, vector<16xi32>, vector<16xi32>, vector<16xi32>], vector<16xf32>,
      %mul3A_1143 = arith.mulf %gather3A_1142, %get3A_10 : vector<16xf32>
      %add3A_1144 = arith.addf %add3A_1139, %mul3A_1143 : vector<16xf32>
      %broadcast_in_dim3A_1145 = arith.constant 2 : i32
      %broadcast_in_dim3A_1146 = vector.broadcast %broadcast_in_dim3A_1145 : i32 to vector<16xi32>
      %gather3A_1147 = tpu.vector_load_idx %arg8[%broadcast_in_dim3A_1124, %add3A_1134, %and3A_1131, %broadcast_in_dim3A_1146] : memref<2x32x8x32xf32, #tpu.memory_space<vmem>>[vector<16xi32>, vector<16xi32>, vector<16xi32>, vector<16xi32>], vector<16xf32>,
      %mul3A_1148 = arith.mulf %gather3A_1147, %get3A_12 : vector<16xf32>
      %add3A_1149 = arith.addf %add3A_1144, %mul3A_1148 : vector<16xf32>
      %broadcast_in_dim3A_1150 = arith.constant 3 : i32
      %broadcast_in_dim3A_1151 = vector.broadcast %broadcast_in_dim3A_1150 : i32 to vector<16xi32>
      %gather3A_1152 = tpu.vector_load_idx %arg8[%broadcast_in_dim3A_1124, %add3A_1134, %and3A_1131, %broadcast_in_dim3A_1151] : memref<2x32x8x32xf32, #tpu.memory_space<vmem>>[vector<16xi32>, vector<16xi32>, vector<16xi32>, vector<16xi32>], vector<16xf32>,
      %mul3A_1153 = arith.mulf %gather3A_1152, %get3A_14 : vector<16xf32>
      %add3A_1154 = arith.addf %add3A_1149, %mul3A_1153 : vector<16xf32>
      %broadcast_in_dim3A_1155 = arith.constant 4 : i32
      %broadcast_in_dim3A_1156 = vector.broadcast %broadcast_in_dim3A_1155 : i32 to vector<16xi32>
      %gather3A_1157 = tpu.vector_load_idx %arg8[%broadcast_in_dim3A_1124, %add3A_1134, %and3A_1131, %broadcast_in_dim3A_1156] : memref<2x32x8x32xf32, #tpu.memory_space<vmem>>[vector<16xi32>, vector<16xi32>, vector<16xi32>, vector<16xi32>], vector<16xf32>,
      %mul3A_1158 = arith.mulf %gather3A_1157, %get3A_16 : vector<16xf32>
      %add3A_1159 = arith.addf %add3A_1154, %mul3A_1158 : vector<16xf32>
      %broadcast_in_dim3A_1160 = arith.constant 5 : i32
      %broadcast_in_dim3A_1161 = vector.broadcast %broadcast_in_dim3A_1160 : i32 to vector<16xi32>
      %gather3A_1162 = tpu.vector_load_idx %arg8[%broadcast_in_dim3A_1124, %add3A_1134, %and3A_1131, %broadcast_in_dim3A_1161] : memref<2x32x8x32xf32, #tpu.memory_space<vmem>>[vector<16xi32>, vector<16xi32>, vector<16xi32>, vector<16xi32>], vector<16xf32>,
      %mul3A_1163 = arith.mulf %gather3A_1162, %get3A_18 : vector<16xf32>
      %add3A_1164 = arith.addf %add3A_1159, %mul3A_1163 : vector<16xf32>
      %broadcast_in_dim3A_1165 = arith.constant 6 : i32
      %broadcast_in_dim3A_1166 = vector.broadcast %broadcast_in_dim3A_1165 : i32 to vector<16xi32>
      %gather3A_1167 = tpu.vector_load_idx %arg8[%broadcast_in_dim3A_1124, %add3A_1134, %and3A_1131, %broadcast_in_dim3A_1166] : memref<2x32x8x32xf32, #tpu.memory_space<vmem>>[vector<16xi32>, vector<16xi32>, vector<16xi32>, vector<16xi32>], vector<16xf32>,
      %mul3A_1168 = arith.mulf %gather3A_1167, %get3A_20 : vector<16xf32>
      %add3A_1169 = arith.addf %add3A_1164, %mul3A_1168 : vector<16xf32>
      %broadcast_in_dim3A_1170 = arith.constant 7 : i32
      %broadcast_in_dim3A_1171 = vector.broadcast %broadcast_in_dim3A_1170 : i32 to vector<16xi32>
      %gather3A_1172 = tpu.vector_load_idx %arg8[%broadcast_in_dim3A_1124, %add3A_1134, %and3A_1131, %broadcast_in_dim3A_1171] : memref<2x32x8x32xf32, #tpu.memory_space<vmem>>[vector<16xi32>, vector<16xi32>, vector<16xi32>, vector<16xi32>], vector<16xf32>,
      %mul3A_1173 = arith.mulf %gather3A_1172, %get3A_22 : vector<16xf32>
      %add3A_1174 = arith.addf %add3A_1169, %mul3A_1173 : vector<16xf32>
      %broadcast_in_dim3A_1175 = arith.constant 8 : i32
      %broadcast_in_dim3A_1176 = vector.broadcast %broadcast_in_dim3A_1175 : i32 to vector<16xi32>
      %gather3A_1177 = tpu.vector_load_idx %arg8[%broadcast_in_dim3A_1124, %add3A_1134, %and3A_1131, %broadcast_in_dim3A_1176] : memref<2x32x8x32xf32, #tpu.memory_space<vmem>>[vector<16xi32>, vector<16xi32>, vector<16xi32>, vector<16xi32>], vector<16xf32>,
      %mul3A_1178 = arith.mulf %gather3A_1177, %get3A_24 : vector<16xf32>
      %add3A_1179 = arith.addf %add3A_1174, %mul3A_1178 : vector<16xf32>
      %broadcast_in_dim3A_1180 = arith.constant 9 : i32
      %broadcast_in_dim3A_1181 = vector.broadcast %broadcast_in_dim3A_1180 : i32 to vector<16xi32>
      %gather3A_1182 = tpu.vector_load_idx %arg8[%broadcast_in_dim3A_1124, %add3A_1134, %and3A_1131, %broadcast_in_dim3A_1181] : memref<2x32x8x32xf32, #tpu.memory_space<vmem>>[vector<16xi32>, vector<16xi32>, vector<16xi32>, vector<16xi32>], vector<16xf32>,
      %mul3A_1183 = arith.mulf %gather3A_1182, %get3A_26 : vector<16xf32>
      %add3A_1184 = arith.addf %add3A_1179, %mul3A_1183 : vector<16xf32>
      %broadcast_in_dim3A_1185 = arith.constant 10 : i32
      %broadcast_in_dim3A_1186 = vector.broadcast %broadcast_in_dim3A_1185 : i32 to vector<16xi32>
      %gather3A_1187 = tpu.vector_load_idx %arg8[%broadcast_in_dim3A_1124, %add3A_1134, %and3A_1131, %broadcast_in_dim3A_1186] : memref<2x32x8x32xf32, #tpu.memory_space<vmem>>[vector<16xi32>, vector<16xi32>, vector<16xi32>, vector<16xi32>], vector<16xf32>,
      %mul3A_1188 = arith.mulf %gather3A_1187, %get3A_28 : vector<16xf32>
      %add3A_1189 = arith.addf %add3A_1184, %mul3A_1188 : vector<16xf32>
      %broadcast_in_dim3A_1190 = arith.constant 11 : i32
      %broadcast_in_dim3A_1191 = vector.broadcast %broadcast_in_dim3A_1190 : i32 to vector<16xi32>
      %gather3A_1192 = tpu.vector_load_idx %arg8[%broadcast_in_dim3A_1124, %add3A_1134, %and3A_1131, %broadcast_in_dim3A_1191] : memref<2x32x8x32xf32, #tpu.memory_space<vmem>>[vector<16xi32>, vector<16xi32>, vector<16xi32>, vector<16xi32>], vector<16xf32>,
      %mul3A_1193 = arith.mulf %gather3A_1192, %get3A_30 : vector<16xf32>
      %add3A_1194 = arith.addf %add3A_1189, %mul3A_1193 : vector<16xf32>
      %broadcast_in_dim3A_1195 = arith.constant 12 : i32
      %broadcast_in_dim3A_1196 = vector.broadcast %broadcast_in_dim3A_1195 : i32 to vector<16xi32>
      %gather3A_1197 = tpu.vector_load_idx %arg8[%broadcast_in_dim3A_1124, %add3A_1134, %and3A_1131, %broadcast_in_dim3A_1196] : memref<2x32x8x32xf32, #tpu.memory_space<vmem>>[vector<16xi32>, vector<16xi32>, vector<16xi32>, vector<16xi32>], vector<16xf32>,
      %mul3A_1198 = arith.mulf %gather3A_1197, %get3A_32 : vector<16xf32>
      %add3A_1199 = arith.addf %add3A_1194, %mul3A_1198 : vector<16xf32>
      %broadcast_in_dim3A_1200 = arith.constant 13 : i32
      %broadcast_in_dim3A_1201 = vector.broadcast %broadcast_in_dim3A_1200 : i32 to vector<16xi32>
      %gather3A_1202 = tpu.vector_load_idx %arg8[%broadcast_in_dim3A_1124, %add3A_1134, %and3A_1131, %broadcast_in_dim3A_1201] : memref<2x32x8x32xf32, #tpu.memory_space<vmem>>[vector<16xi32>, vector<16xi32>, vector<16xi32>, vector<16xi32>], vector<16xf32>,
      %mul3A_1203 = arith.mulf %gather3A_1202, %get3A_34 : vector<16xf32>
      %add3A_1204 = arith.addf %add3A_1199, %mul3A_1203 : vector<16xf32>
      %broadcast_in_dim3A_1205 = arith.constant 14 : i32
      %broadcast_in_dim3A_1206 = vector.broadcast %broadcast_in_dim3A_1205 : i32 to vector<16xi32>
      %gather3A_1207 = tpu.vector_load_idx %arg8[%broadcast_in_dim3A_1124, %add3A_1134, %and3A_1131, %broadcast_in_dim3A_1206] : memref<2x32x8x32xf32, #tpu.memory_space<vmem>>[vector<16xi32>, vector<16xi32>, vector<16xi32>, vector<16xi32>], vector<16xf32>,
      %mul3A_1208 = arith.mulf %gather3A_1207, %get3A_36 : vector<16xf32>
      %add3A_1209 = arith.addf %add3A_1204, %mul3A_1208 : vector<16xf32>
      %broadcast_in_dim3A_1210 = arith.constant 15 : i32
      %broadcast_in_dim3A_1211 = vector.broadcast %broadcast_in_dim3A_1210 : i32 to vector<16xi32>
      %gather3A_1212 = tpu.vector_load_idx %arg8[%broadcast_in_dim3A_1124, %add3A_1134, %and3A_1131, %broadcast_in_dim3A_1211] : memref<2x32x8x32xf32, #tpu.memory_space<vmem>>[vector<16xi32>, vector<16xi32>, vector<16xi32>, vector<16xi32>], vector<16xf32>,
      %mul3A_1213 = arith.mulf %gather3A_1212, %get3A_38 : vector<16xf32>
      %add3A_1214 = arith.addf %add3A_1209, %mul3A_1213 : vector<16xf32>
      %broadcast_in_dim3A_1215 = arith.constant 16 : i32
      %broadcast_in_dim3A_1216 = vector.broadcast %broadcast_in_dim3A_1215 : i32 to vector<16xi32>
      %gather3A_1217 = tpu.vector_load_idx %arg8[%broadcast_in_dim3A_1124, %add3A_1134, %and3A_1131, %broadcast_in_dim3A_1216] : memref<2x32x8x32xf32, #tpu.memory_space<vmem>>[vector<16xi32>, vector<16xi32>, vector<16xi32>, vector<16xi32>], vector<16xf32>,
      %mul3A_1218 = arith.mulf %gather3A_1217, %get3A_40 : vector<16xf32>
      %add3A_1219 = arith.addf %add3A_1214, %mul3A_1218 : vector<16xf32>
      %broadcast_in_dim3A_1220 = arith.constant 17 : i32
      %broadcast_in_dim3A_1221 = vector.broadcast %broadcast_in_dim3A_1220 : i32 to vector<16xi32>
      %gather3A_1222 = tpu.vector_load_idx %arg8[%broadcast_in_dim3A_1124, %add3A_1134, %and3A_1131, %broadcast_in_dim3A_1221] : memref<2x32x8x32xf32, #tpu.memory_space<vmem>>[vector<16xi32>, vector<16xi32>, vector<16xi32>, vector<16xi32>], vector<16xf32>,
      %mul3A_1223 = arith.mulf %gather3A_1222, %get3A_42 : vector<16xf32>
      %add3A_1224 = arith.addf %add3A_1219, %mul3A_1223 : vector<16xf32>
      %broadcast_in_dim3A_1225 = arith.constant 18 : i32
      %broadcast_in_dim3A_1226 = vector.broadcast %broadcast_in_dim3A_1225 : i32 to vector<16xi32>
      %gather3A_1227 = tpu.vector_load_idx %arg8[%broadcast_in_dim3A_1124, %add3A_1134, %and3A_1131, %broadcast_in_dim3A_1226] : memref<2x32x8x32xf32, #tpu.memory_space<vmem>>[vector<16xi32>, vector<16xi32>, vector<16xi32>, vector<16xi32>], vector<16xf32>,
      %mul3A_1228 = arith.mulf %gather3A_1227, %get3A_44 : vector<16xf32>
      %add3A_1229 = arith.addf %add3A_1224, %mul3A_1228 : vector<16xf32>
      %broadcast_in_dim3A_1230 = arith.constant 19 : i32
      %broadcast_in_dim3A_1231 = vector.broadcast %broadcast_in_dim3A_1230 : i32 to vector<16xi32>
      %gather3A_1232 = tpu.vector_load_idx %arg8[%broadcast_in_dim3A_1124, %add3A_1134, %and3A_1131, %broadcast_in_dim3A_1231] : memref<2x32x8x32xf32, #tpu.memory_space<vmem>>[vector<16xi32>, vector<16xi32>, vector<16xi32>, vector<16xi32>], vector<16xf32>,
      %mul3A_1233 = arith.mulf %gather3A_1232, %get3A_46 : vector<16xf32>
      %add3A_1234 = arith.addf %add3A_1229, %mul3A_1233 : vector<16xf32>
      %broadcast_in_dim3A_1235 = arith.constant 20 : i32
      %broadcast_in_dim3A_1236 = vector.broadcast %broadcast_in_dim3A_1235 : i32 to vector<16xi32>
      %gather3A_1237 = tpu.vector_load_idx %arg8[%broadcast_in_dim3A_1124, %add3A_1134, %and3A_1131, %broadcast_in_dim3A_1236] : memref<2x32x8x32xf32, #tpu.memory_space<vmem>>[vector<16xi32>, vector<16xi32>, vector<16xi32>, vector<16xi32>], vector<16xf32>,
      %mul3A_1238 = arith.mulf %gather3A_1237, %get3A_48 : vector<16xf32>
      %add3A_1239 = arith.addf %add3A_1234, %mul3A_1238 : vector<16xf32>
      %broadcast_in_dim3A_1240 = arith.constant 21 : i32
      %broadcast_in_dim3A_1241 = vector.broadcast %broadcast_in_dim3A_1240 : i32 to vector<16xi32>
      %gather3A_1242 = tpu.vector_load_idx %arg8[%broadcast_in_dim3A_1124, %add3A_1134, %and3A_1131, %broadcast_in_dim3A_1241] : memref<2x32x8x32xf32, #tpu.memory_space<vmem>>[vector<16xi32>, vector<16xi32>, vector<16xi32>, vector<16xi32>], vector<16xf32>,
      %mul3A_1243 = arith.mulf %gather3A_1242, %get3A_50 : vector<16xf32>
      %add3A_1244 = arith.addf %add3A_1239, %mul3A_1243 : vector<16xf32>
      %broadcast_in_dim3A_1245 = arith.constant 22 : i32
      %broadcast_in_dim3A_1246 = vector.broadcast %broadcast_in_dim3A_1245 : i32 to vector<16xi32>
      %gather3A_1247 = tpu.vector_load_idx %arg8[%broadcast_in_dim3A_1124, %add3A_1134, %and3A_1131, %broadcast_in_dim3A_1246] : memref<2x32x8x32xf32, #tpu.memory_space<vmem>>[vector<16xi32>, vector<16xi32>, vector<16xi32>, vector<16xi32>], vector<16xf32>,
      %mul3A_1248 = arith.mulf %gather3A_1247, %get3A_52 : vector<16xf32>
      %add3A_1249 = arith.addf %add3A_1244, %mul3A_1248 : vector<16xf32>
      %broadcast_in_dim3A_1250 = arith.constant 23 : i32
      %broadcast_in_dim3A_1251 = vector.broadcast %broadcast_in_dim3A_1250 : i32 to vector<16xi32>
      %gather3A_1252 = tpu.vector_load_idx %arg8[%broadcast_in_dim3A_1124, %add3A_1134, %and3A_1131, %broadcast_in_dim3A_1251] : memref<2x32x8x32xf32, #tpu.memory_space<vmem>>[vector<16xi32>, vector<16xi32>, vector<16xi32>, vector<16xi32>], vector<16xf32>,
      %mul3A_1253 = arith.mulf %gather3A_1252, %get3A_54 : vector<16xf32>
      %add3A_1254 = arith.addf %add3A_1249, %mul3A_1253 : vector<16xf32>
      %broadcast_in_dim3A_1255 = arith.constant 24 : i32
      %broadcast_in_dim3A_1256 = vector.broadcast %broadcast_in_dim3A_1255 : i32 to vector<16xi32>
      %gather3A_1257 = tpu.vector_load_idx %arg8[%broadcast_in_dim3A_1124, %add3A_1134, %and3A_1131, %broadcast_in_dim3A_1256] : memref<2x32x8x32xf32, #tpu.memory_space<vmem>>[vector<16xi32>, vector<16xi32>, vector<16xi32>, vector<16xi32>], vector<16xf32>,
      %mul3A_1258 = arith.mulf %gather3A_1257, %get3A_56 : vector<16xf32>
      %add3A_1259 = arith.addf %add3A_1254, %mul3A_1258 : vector<16xf32>
      %broadcast_in_dim3A_1260 = arith.constant 25 : i32
      %broadcast_in_dim3A_1261 = vector.broadcast %broadcast_in_dim3A_1260 : i32 to vector<16xi32>
      %gather3A_1262 = tpu.vector_load_idx %arg8[%broadcast_in_dim3A_1124, %add3A_1134, %and3A_1131, %broadcast_in_dim3A_1261] : memref<2x32x8x32xf32, #tpu.memory_space<vmem>>[vector<16xi32>, vector<16xi32>, vector<16xi32>, vector<16xi32>], vector<16xf32>,
      %mul3A_1263 = arith.mulf %gather3A_1262, %get3A_58 : vector<16xf32>
      %add3A_1264 = arith.addf %add3A_1259, %mul3A_1263 : vector<16xf32>
      %broadcast_in_dim3A_1265 = arith.constant 26 : i32
      %broadcast_in_dim3A_1266 = vector.broadcast %broadcast_in_dim3A_1265 : i32 to vector<16xi32>
      %gather3A_1267 = tpu.vector_load_idx %arg8[%broadcast_in_dim3A_1124, %add3A_1134, %and3A_1131, %broadcast_in_dim3A_1266] : memref<2x32x8x32xf32, #tpu.memory_space<vmem>>[vector<16xi32>, vector<16xi32>, vector<16xi32>, vector<16xi32>], vector<16xf32>,
      %mul3A_1268 = arith.mulf %gather3A_1267, %get3A_60 : vector<16xf32>
      %add3A_1269 = arith.addf %add3A_1264, %mul3A_1268 : vector<16xf32>
      %broadcast_in_dim3A_1270 = arith.constant 27 : i32
      %broadcast_in_dim3A_1271 = vector.broadcast %broadcast_in_dim3A_1270 : i32 to vector<16xi32>
      %gather3A_1272 = tpu.vector_load_idx %arg8[%broadcast_in_dim3A_1124, %add3A_1134, %and3A_1131, %broadcast_in_dim3A_1271] : memref<2x32x8x32xf32, #tpu.memory_space<vmem>>[vector<16xi32>, vector<16xi32>, vector<16xi32>, vector<16xi32>], vector<16xf32>,
      %mul3A_1273 = arith.mulf %gather3A_1272, %get3A_62 : vector<16xf32>
      %add3A_1274 = arith.addf %add3A_1269, %mul3A_1273 : vector<16xf32>
      %broadcast_in_dim3A_1275 = arith.constant 28 : i32
      %broadcast_in_dim3A_1276 = vector.broadcast %broadcast_in_dim3A_1275 : i32 to vector<16xi32>
      %gather3A_1277 = tpu.vector_load_idx %arg8[%broadcast_in_dim3A_1124, %add3A_1134, %and3A_1131, %broadcast_in_dim3A_1276] : memref<2x32x8x32xf32, #tpu.memory_space<vmem>>[vector<16xi32>, vector<16xi32>, vector<16xi32>, vector<16xi32>], vector<16xf32>,
      %mul3A_1278 = arith.mulf %gather3A_1277, %get3A_64 : vector<16xf32>
      %add3A_1279 = arith.addf %add3A_1274, %mul3A_1278 : vector<16xf32>
      %broadcast_in_dim3A_1280 = arith.constant 29 : i32
      %broadcast_in_dim3A_1281 = vector.broadcast %broadcast_in_dim3A_1280 : i32 to vector<16xi32>
      %gather3A_1282 = tpu.vector_load_idx %arg8[%broadcast_in_dim3A_1124, %add3A_1134, %and3A_1131, %broadcast_in_dim3A_1281] : memref<2x32x8x32xf32, #tpu.memory_space<vmem>>[vector<16xi32>, vector<16xi32>, vector<16xi32>, vector<16xi32>], vector<16xf32>,
      %mul3A_1283 = arith.mulf %gather3A_1282, %get3A_66 : vector<16xf32>
      %add3A_1284 = arith.addf %add3A_1279, %mul3A_1283 : vector<16xf32>
      %broadcast_in_dim3A_1285 = arith.constant 30 : i32
      %broadcast_in_dim3A_1286 = vector.broadcast %broadcast_in_dim3A_1285 : i32 to vector<16xi32>
      %gather3A_1287 = tpu.vector_load_idx %arg8[%broadcast_in_dim3A_1124, %add3A_1134, %and3A_1131, %broadcast_in_dim3A_1286] : memref<2x32x8x32xf32, #tpu.memory_space<vmem>>[vector<16xi32>, vector<16xi32>, vector<16xi32>, vector<16xi32>], vector<16xf32>,
      %mul3A_1288 = arith.mulf %gather3A_1287, %get3A_68 : vector<16xf32>
      %add3A_1289 = arith.addf %add3A_1284, %mul3A_1288 : vector<16xf32>
      %broadcast_in_dim3A_1290 = arith.constant 31 : i32
      %broadcast_in_dim3A_1291 = vector.broadcast %broadcast_in_dim3A_1290 : i32 to vector<16xi32>
      %gather3A_1292 = tpu.vector_load_idx %arg8[%broadcast_in_dim3A_1124, %add3A_1134, %and3A_1131, %broadcast_in_dim3A_1291] : memref<2x32x8x32xf32, #tpu.memory_space<vmem>>[vector<16xi32>, vector<16xi32>, vector<16xi32>, vector<16xi32>], vector<16xf32>,
      %mul3A_1293 = arith.mulf %gather3A_1292, %get3A_70 : vector<16xf32>
      %add3A_1294 = arith.addf %add3A_1289, %mul3A_1293 : vector<16xf32>
      %swap3A_1295 = arith.index_cast %add3A_1126 : i32 to index
      %swap3A_1296 = tpu.vector_load %arg10[%swap3A_1295] {strides = array<i32>} : memref<512xf32, #tpu.memory_space<vmem>>, vector<16xf32>,
      tpu.vector_store %arg10[%swap3A_1295], %add3A_1294 {strides = array<i32>} : memref<512xf32, #tpu.memory_space<vmem>>, vector<16xf32>,
      %add3A_1297 = arith.constant 16 : i32
      %add3A_1298 = arith.addi %mul3A_1122, %add3A_1297 : i32
      %get3A_1299 = arith.index_cast %add3A_1298 : i32 to index
      %get3A_1300 = tpu.vector_load %arg6[%get3A_1299] {strides = array<i32>} : memref<512xi32, #tpu.memory_space<vmem>>, vector<16xi32>,
      %and3A_1301 = arith.constant 7 : i32
      %and3A_1302 = vector.broadcast %and3A_1301 : i32 to vector<16xi32>
      %and3A_1303 = arith.andi %get3A_1300, %and3A_1302 : vector<16xi32>
      %add3A_1304 = arith.constant 16 : i32
      %add3A_1305 = vector.broadcast %add3A_1304 : i32 to vector<16xi32>
      %add3A_1306 = arith.addi %iota3A, %add3A_1305 : vector<16xi32>
      %broadcast_in_dim3A_1307 = arith.constant 0 : i32
      %broadcast_in_dim3A_1308 = vector.broadcast %broadcast_in_dim3A_1307 : i32 to vector<16xi32>
      %gather3A_1309 = tpu.vector_load_idx %arg8[%broadcast_in_dim3A_1124, %add3A_1306, %and3A_1303, %broadcast_in_dim3A_1308] : memref<2x32x8x32xf32, #tpu.memory_space<vmem>>[vector<16xi32>, vector<16xi32>, vector<16xi32>, vector<16xi32>], vector<16xf32>,
      %mul3A_1310 = arith.mulf %gather3A_1309, %get3A_8 : vector<16xf32>
      %add3A_1311 = arith.addf %get3A_72, %mul3A_1310 : vector<16xf32>
      %broadcast_in_dim3A_1312 = arith.constant 1 : i32
      %broadcast_in_dim3A_1313 = vector.broadcast %broadcast_in_dim3A_1312 : i32 to vector<16xi32>
      %gather3A_1314 = tpu.vector_load_idx %arg8[%broadcast_in_dim3A_1124, %add3A_1306, %and3A_1303, %broadcast_in_dim3A_1313] : memref<2x32x8x32xf32, #tpu.memory_space<vmem>>[vector<16xi32>, vector<16xi32>, vector<16xi32>, vector<16xi32>], vector<16xf32>,
      %mul3A_1315 = arith.mulf %gather3A_1314, %get3A_10 : vector<16xf32>
      %add3A_1316 = arith.addf %add3A_1311, %mul3A_1315 : vector<16xf32>
      %broadcast_in_dim3A_1317 = arith.constant 2 : i32
      %broadcast_in_dim3A_1318 = vector.broadcast %broadcast_in_dim3A_1317 : i32 to vector<16xi32>
      %gather3A_1319 = tpu.vector_load_idx %arg8[%broadcast_in_dim3A_1124, %add3A_1306, %and3A_1303, %broadcast_in_dim3A_1318] : memref<2x32x8x32xf32, #tpu.memory_space<vmem>>[vector<16xi32>, vector<16xi32>, vector<16xi32>, vector<16xi32>], vector<16xf32>,
      %mul3A_1320 = arith.mulf %gather3A_1319, %get3A_12 : vector<16xf32>
      %add3A_1321 = arith.addf %add3A_1316, %mul3A_1320 : vector<16xf32>
      %broadcast_in_dim3A_1322 = arith.constant 3 : i32
      %broadcast_in_dim3A_1323 = vector.broadcast %broadcast_in_dim3A_1322 : i32 to vector<16xi32>
      %gather3A_1324 = tpu.vector_load_idx %arg8[%broadcast_in_dim3A_1124, %add3A_1306, %and3A_1303, %broadcast_in_dim3A_1323] : memref<2x32x8x32xf32, #tpu.memory_space<vmem>>[vector<16xi32>, vector<16xi32>, vector<16xi32>, vector<16xi32>], vector<16xf32>,
      %mul3A_1325 = arith.mulf %gather3A_1324, %get3A_14 : vector<16xf32>
      %add3A_1326 = arith.addf %add3A_1321, %mul3A_1325 : vector<16xf32>
      %broadcast_in_dim3A_1327 = arith.constant 4 : i32
      %broadcast_in_dim3A_1328 = vector.broadcast %broadcast_in_dim3A_1327 : i32 to vector<16xi32>
      %gather3A_1329 = tpu.vector_load_idx %arg8[%broadcast_in_dim3A_1124, %add3A_1306, %and3A_1303, %broadcast_in_dim3A_1328] : memref<2x32x8x32xf32, #tpu.memory_space<vmem>>[vector<16xi32>, vector<16xi32>, vector<16xi32>, vector<16xi32>], vector<16xf32>,
      %mul3A_1330 = arith.mulf %gather3A_1329, %get3A_16 : vector<16xf32>
      %add3A_1331 = arith.addf %add3A_1326, %mul3A_1330 : vector<16xf32>
      %broadcast_in_dim3A_1332 = arith.constant 5 : i32
      %broadcast_in_dim3A_1333 = vector.broadcast %broadcast_in_dim3A_1332 : i32 to vector<16xi32>
      %gather3A_1334 = tpu.vector_load_idx %arg8[%broadcast_in_dim3A_1124, %add3A_1306, %and3A_1303, %broadcast_in_dim3A_1333] : memref<2x32x8x32xf32, #tpu.memory_space<vmem>>[vector<16xi32>, vector<16xi32>, vector<16xi32>, vector<16xi32>], vector<16xf32>,
      %mul3A_1335 = arith.mulf %gather3A_1334, %get3A_18 : vector<16xf32>
      %add3A_1336 = arith.addf %add3A_1331, %mul3A_1335 : vector<16xf32>
      %broadcast_in_dim3A_1337 = arith.constant 6 : i32
      %broadcast_in_dim3A_1338 = vector.broadcast %broadcast_in_dim3A_1337 : i32 to vector<16xi32>
      %gather3A_1339 = tpu.vector_load_idx %arg8[%broadcast_in_dim3A_1124, %add3A_1306, %and3A_1303, %broadcast_in_dim3A_1338] : memref<2x32x8x32xf32, #tpu.memory_space<vmem>>[vector<16xi32>, vector<16xi32>, vector<16xi32>, vector<16xi32>], vector<16xf32>,
      %mul3A_1340 = arith.mulf %gather3A_1339, %get3A_20 : vector<16xf32>
      %add3A_1341 = arith.addf %add3A_1336, %mul3A_1340 : vector<16xf32>
      %broadcast_in_dim3A_1342 = arith.constant 7 : i32
      %broadcast_in_dim3A_1343 = vector.broadcast %broadcast_in_dim3A_1342 : i32 to vector<16xi32>
      %gather3A_1344 = tpu.vector_load_idx %arg8[%broadcast_in_dim3A_1124, %add3A_1306, %and3A_1303, %broadcast_in_dim3A_1343] : memref<2x32x8x32xf32, #tpu.memory_space<vmem>>[vector<16xi32>, vector<16xi32>, vector<16xi32>, vector<16xi32>], vector<16xf32>,
      %mul3A_1345 = arith.mulf %gather3A_1344, %get3A_22 : vector<16xf32>
      %add3A_1346 = arith.addf %add3A_1341, %mul3A_1345 : vector<16xf32>
      %broadcast_in_dim3A_1347 = arith.constant 8 : i32
      %broadcast_in_dim3A_1348 = vector.broadcast %broadcast_in_dim3A_1347 : i32 to vector<16xi32>
      %gather3A_1349 = tpu.vector_load_idx %arg8[%broadcast_in_dim3A_1124, %add3A_1306, %and3A_1303, %broadcast_in_dim3A_1348] : memref<2x32x8x32xf32, #tpu.memory_space<vmem>>[vector<16xi32>, vector<16xi32>, vector<16xi32>, vector<16xi32>], vector<16xf32>,
      %mul3A_1350 = arith.mulf %gather3A_1349, %get3A_24 : vector<16xf32>
      %add3A_1351 = arith.addf %add3A_1346, %mul3A_1350 : vector<16xf32>
      %broadcast_in_dim3A_1352 = arith.constant 9 : i32
      %broadcast_in_dim3A_1353 = vector.broadcast %broadcast_in_dim3A_1352 : i32 to vector<16xi32>
      %gather3A_1354 = tpu.vector_load_idx %arg8[%broadcast_in_dim3A_1124, %add3A_1306, %and3A_1303, %broadcast_in_dim3A_1353] : memref<2x32x8x32xf32, #tpu.memory_space<vmem>>[vector<16xi32>, vector<16xi32>, vector<16xi32>, vector<16xi32>], vector<16xf32>,
      %mul3A_1355 = arith.mulf %gather3A_1354, %get3A_26 : vector<16xf32>
      %add3A_1356 = arith.addf %add3A_1351, %mul3A_1355 : vector<16xf32>
      %broadcast_in_dim3A_1357 = arith.constant 10 : i32
      %broadcast_in_dim3A_1358 = vector.broadcast %broadcast_in_dim3A_1357 : i32 to vector<16xi32>
      %gather3A_1359 = tpu.vector_load_idx %arg8[%broadcast_in_dim3A_1124, %add3A_1306, %and3A_1303, %broadcast_in_dim3A_1358] : memref<2x32x8x32xf32, #tpu.memory_space<vmem>>[vector<16xi32>, vector<16xi32>, vector<16xi32>, vector<16xi32>], vector<16xf32>,
      %mul3A_1360 = arith.mulf %gather3A_1359, %get3A_28 : vector<16xf32>
      %add3A_1361 = arith.addf %add3A_1356, %mul3A_1360 : vector<16xf32>
      %broadcast_in_dim3A_1362 = arith.constant 11 : i32
      %broadcast_in_dim3A_1363 = vector.broadcast %broadcast_in_dim3A_1362 : i32 to vector<16xi32>
      %gather3A_1364 = tpu.vector_load_idx %arg8[%broadcast_in_dim3A_1124, %add3A_1306, %and3A_1303, %broadcast_in_dim3A_1363] : memref<2x32x8x32xf32, #tpu.memory_space<vmem>>[vector<16xi32>, vector<16xi32>, vector<16xi32>, vector<16xi32>], vector<16xf32>,
      %mul3A_1365 = arith.mulf %gather3A_1364, %get3A_30 : vector<16xf32>
      %add3A_1366 = arith.addf %add3A_1361, %mul3A_1365 : vector<16xf32>
      %broadcast_in_dim3A_1367 = arith.constant 12 : i32
      %broadcast_in_dim3A_1368 = vector.broadcast %broadcast_in_dim3A_1367 : i32 to vector<16xi32>
      %gather3A_1369 = tpu.vector_load_idx %arg8[%broadcast_in_dim3A_1124, %add3A_1306, %and3A_1303, %broadcast_in_dim3A_1368] : memref<2x32x8x32xf32, #tpu.memory_space<vmem>>[vector<16xi32>, vector<16xi32>, vector<16xi32>, vector<16xi32>], vector<16xf32>,
      %mul3A_1370 = arith.mulf %gather3A_1369, %get3A_32 : vector<16xf32>
      %add3A_1371 = arith.addf %add3A_1366, %mul3A_1370 : vector<16xf32>
      %broadcast_in_dim3A_1372 = arith.constant 13 : i32
      %broadcast_in_dim3A_1373 = vector.broadcast %broadcast_in_dim3A_1372 : i32 to vector<16xi32>
      %gather3A_1374 = tpu.vector_load_idx %arg8[%broadcast_in_dim3A_1124, %add3A_1306, %and3A_1303, %broadcast_in_dim3A_1373] : memref<2x32x8x32xf32, #tpu.memory_space<vmem>>[vector<16xi32>, vector<16xi32>, vector<16xi32>, vector<16xi32>], vector<16xf32>,
      %mul3A_1375 = arith.mulf %gather3A_1374, %get3A_34 : vector<16xf32>
      %add3A_1376 = arith.addf %add3A_1371, %mul3A_1375 : vector<16xf32>
      %broadcast_in_dim3A_1377 = arith.constant 14 : i32
      %broadcast_in_dim3A_1378 = vector.broadcast %broadcast_in_dim3A_1377 : i32 to vector<16xi32>
      %gather3A_1379 = tpu.vector_load_idx %arg8[%broadcast_in_dim3A_1124, %add3A_1306, %and3A_1303, %broadcast_in_dim3A_1378] : memref<2x32x8x32xf32, #tpu.memory_space<vmem>>[vector<16xi32>, vector<16xi32>, vector<16xi32>, vector<16xi32>], vector<16xf32>,
      %mul3A_1380 = arith.mulf %gather3A_1379, %get3A_36 : vector<16xf32>
      %add3A_1381 = arith.addf %add3A_1376, %mul3A_1380 : vector<16xf32>
      %broadcast_in_dim3A_1382 = arith.constant 15 : i32
      %broadcast_in_dim3A_1383 = vector.broadcast %broadcast_in_dim3A_1382 : i32 to vector<16xi32>
      %gather3A_1384 = tpu.vector_load_idx %arg8[%broadcast_in_dim3A_1124, %add3A_1306, %and3A_1303, %broadcast_in_dim3A_1383] : memref<2x32x8x32xf32, #tpu.memory_space<vmem>>[vector<16xi32>, vector<16xi32>, vector<16xi32>, vector<16xi32>], vector<16xf32>,
      %mul3A_1385 = arith.mulf %gather3A_1384, %get3A_38 : vector<16xf32>
      %add3A_1386 = arith.addf %add3A_1381, %mul3A_1385 : vector<16xf32>
      %broadcast_in_dim3A_1387 = arith.constant 16 : i32
      %broadcast_in_dim3A_1388 = vector.broadcast %broadcast_in_dim3A_1387 : i32 to vector<16xi32>
      %gather3A_1389 = tpu.vector_load_idx %arg8[%broadcast_in_dim3A_1124, %add3A_1306, %and3A_1303, %broadcast_in_dim3A_1388] : memref<2x32x8x32xf32, #tpu.memory_space<vmem>>[vector<16xi32>, vector<16xi32>, vector<16xi32>, vector<16xi32>], vector<16xf32>,
      %mul3A_1390 = arith.mulf %gather3A_1389, %get3A_40 : vector<16xf32>
      %add3A_1391 = arith.addf %add3A_1386, %mul3A_1390 : vector<16xf32>
      %broadcast_in_dim3A_1392 = arith.constant 17 : i32
      %broadcast_in_dim3A_1393 = vector.broadcast %broadcast_in_dim3A_1392 : i32 to vector<16xi32>
      %gather3A_1394 = tpu.vector_load_idx %arg8[%broadcast_in_dim3A_1124, %add3A_1306, %and3A_1303, %broadcast_in_dim3A_1393] : memref<2x32x8x32xf32, #tpu.memory_space<vmem>>[vector<16xi32>, vector<16xi32>, vector<16xi32>, vector<16xi32>], vector<16xf32>,
      %mul3A_1395 = arith.mulf %gather3A_1394, %get3A_42 : vector<16xf32>
      %add3A_1396 = arith.addf %add3A_1391, %mul3A_1395 : vector<16xf32>
      %broadcast_in_dim3A_1397 = arith.constant 18 : i32
      %broadcast_in_dim3A_1398 = vector.broadcast %broadcast_in_dim3A_1397 : i32 to vector<16xi32>
      %gather3A_1399 = tpu.vector_load_idx %arg8[%broadcast_in_dim3A_1124, %add3A_1306, %and3A_1303, %broadcast_in_dim3A_1398] : memref<2x32x8x32xf32, #tpu.memory_space<vmem>>[vector<16xi32>, vector<16xi32>, vector<16xi32>, vector<16xi32>], vector<16xf32>,
      %mul3A_1400 = arith.mulf %gather3A_1399, %get3A_44 : vector<16xf32>
      %add3A_1401 = arith.addf %add3A_1396, %mul3A_1400 : vector<16xf32>
      %broadcast_in_dim3A_1402 = arith.constant 19 : i32
      %broadcast_in_dim3A_1403 = vector.broadcast %broadcast_in_dim3A_1402 : i32 to vector<16xi32>
      %gather3A_1404 = tpu.vector_load_idx %arg8[%broadcast_in_dim3A_1124, %add3A_1306, %and3A_1303, %broadcast_in_dim3A_1403] : memref<2x32x8x32xf32, #tpu.memory_space<vmem>>[vector<16xi32>, vector<16xi32>, vector<16xi32>, vector<16xi32>], vector<16xf32>,
      %mul3A_1405 = arith.mulf %gather3A_1404, %get3A_46 : vector<16xf32>
      %add3A_1406 = arith.addf %add3A_1401, %mul3A_1405 : vector<16xf32>
      %broadcast_in_dim3A_1407 = arith.constant 20 : i32
      %broadcast_in_dim3A_1408 = vector.broadcast %broadcast_in_dim3A_1407 : i32 to vector<16xi32>
      %gather3A_1409 = tpu.vector_load_idx %arg8[%broadcast_in_dim3A_1124, %add3A_1306, %and3A_1303, %broadcast_in_dim3A_1408] : memref<2x32x8x32xf32, #tpu.memory_space<vmem>>[vector<16xi32>, vector<16xi32>, vector<16xi32>, vector<16xi32>], vector<16xf32>,
      %mul3A_1410 = arith.mulf %gather3A_1409, %get3A_48 : vector<16xf32>
      %add3A_1411 = arith.addf %add3A_1406, %mul3A_1410 : vector<16xf32>
      %broadcast_in_dim3A_1412 = arith.constant 21 : i32
      %broadcast_in_dim3A_1413 = vector.broadcast %broadcast_in_dim3A_1412 : i32 to vector<16xi32>
      %gather3A_1414 = tpu.vector_load_idx %arg8[%broadcast_in_dim3A_1124, %add3A_1306, %and3A_1303, %broadcast_in_dim3A_1413] : memref<2x32x8x32xf32, #tpu.memory_space<vmem>>[vector<16xi32>, vector<16xi32>, vector<16xi32>, vector<16xi32>], vector<16xf32>,
      %mul3A_1415 = arith.mulf %gather3A_1414, %get3A_50 : vector<16xf32>
      %add3A_1416 = arith.addf %add3A_1411, %mul3A_1415 : vector<16xf32>
      %broadcast_in_dim3A_1417 = arith.constant 22 : i32
      %broadcast_in_dim3A_1418 = vector.broadcast %broadcast_in_dim3A_1417 : i32 to vector<16xi32>
      %gather3A_1419 = tpu.vector_load_idx %arg8[%broadcast_in_dim3A_1124, %add3A_1306, %and3A_1303, %broadcast_in_dim3A_1418] : memref<2x32x8x32xf32, #tpu.memory_space<vmem>>[vector<16xi32>, vector<16xi32>, vector<16xi32>, vector<16xi32>], vector<16xf32>,
      %mul3A_1420 = arith.mulf %gather3A_1419, %get3A_52 : vector<16xf32>
      %add3A_1421 = arith.addf %add3A_1416, %mul3A_1420 : vector<16xf32>
      %broadcast_in_dim3A_1422 = arith.constant 23 : i32
      %broadcast_in_dim3A_1423 = vector.broadcast %broadcast_in_dim3A_1422 : i32 to vector<16xi32>
      %gather3A_1424 = tpu.vector_load_idx %arg8[%broadcast_in_dim3A_1124, %add3A_1306, %and3A_1303, %broadcast_in_dim3A_1423] : memref<2x32x8x32xf32, #tpu.memory_space<vmem>>[vector<16xi32>, vector<16xi32>, vector<16xi32>, vector<16xi32>], vector<16xf32>,
      %mul3A_1425 = arith.mulf %gather3A_1424, %get3A_54 : vector<16xf32>
      %add3A_1426 = arith.addf %add3A_1421, %mul3A_1425 : vector<16xf32>
      %broadcast_in_dim3A_1427 = arith.constant 24 : i32
      %broadcast_in_dim3A_1428 = vector.broadcast %broadcast_in_dim3A_1427 : i32 to vector<16xi32>
      %gather3A_1429 = tpu.vector_load_idx %arg8[%broadcast_in_dim3A_1124, %add3A_1306, %and3A_1303, %broadcast_in_dim3A_1428] : memref<2x32x8x32xf32, #tpu.memory_space<vmem>>[vector<16xi32>, vector<16xi32>, vector<16xi32>, vector<16xi32>], vector<16xf32>,
      %mul3A_1430 = arith.mulf %gather3A_1429, %get3A_56 : vector<16xf32>
      %add3A_1431 = arith.addf %add3A_1426, %mul3A_1430 : vector<16xf32>
      %broadcast_in_dim3A_1432 = arith.constant 25 : i32
      %broadcast_in_dim3A_1433 = vector.broadcast %broadcast_in_dim3A_1432 : i32 to vector<16xi32>
      %gather3A_1434 = tpu.vector_load_idx %arg8[%broadcast_in_dim3A_1124, %add3A_1306, %and3A_1303, %broadcast_in_dim3A_1433] : memref<2x32x8x32xf32, #tpu.memory_space<vmem>>[vector<16xi32>, vector<16xi32>, vector<16xi32>, vector<16xi32>], vector<16xf32>,
      %mul3A_1435 = arith.mulf %gather3A_1434, %get3A_58 : vector<16xf32>
      %add3A_1436 = arith.addf %add3A_1431, %mul3A_1435 : vector<16xf32>
      %broadcast_in_dim3A_1437 = arith.constant 26 : i32
      %broadcast_in_dim3A_1438 = vector.broadcast %broadcast_in_dim3A_1437 : i32 to vector<16xi32>
      %gather3A_1439 = tpu.vector_load_idx %arg8[%broadcast_in_dim3A_1124, %add3A_1306, %and3A_1303, %broadcast_in_dim3A_1438] : memref<2x32x8x32xf32, #tpu.memory_space<vmem>>[vector<16xi32>, vector<16xi32>, vector<16xi32>, vector<16xi32>], vector<16xf32>,
      %mul3A_1440 = arith.mulf %gather3A_1439, %get3A_60 : vector<16xf32>
      %add3A_1441 = arith.addf %add3A_1436, %mul3A_1440 : vector<16xf32>
      %broadcast_in_dim3A_1442 = arith.constant 27 : i32
      %broadcast_in_dim3A_1443 = vector.broadcast %broadcast_in_dim3A_1442 : i32 to vector<16xi32>
      %gather3A_1444 = tpu.vector_load_idx %arg8[%broadcast_in_dim3A_1124, %add3A_1306, %and3A_1303, %broadcast_in_dim3A_1443] : memref<2x32x8x32xf32, #tpu.memory_space<vmem>>[vector<16xi32>, vector<16xi32>, vector<16xi32>, vector<16xi32>], vector<16xf32>,
      %mul3A_1445 = arith.mulf %gather3A_1444, %get3A_62 : vector<16xf32>
      %add3A_1446 = arith.addf %add3A_1441, %mul3A_1445 : vector<16xf32>
      %broadcast_in_dim3A_1447 = arith.constant 28 : i32
      %broadcast_in_dim3A_1448 = vector.broadcast %broadcast_in_dim3A_1447 : i32 to vector<16xi32>
      %gather3A_1449 = tpu.vector_load_idx %arg8[%broadcast_in_dim3A_1124, %add3A_1306, %and3A_1303, %broadcast_in_dim3A_1448] : memref<2x32x8x32xf32, #tpu.memory_space<vmem>>[vector<16xi32>, vector<16xi32>, vector<16xi32>, vector<16xi32>], vector<16xf32>,
      %mul3A_1450 = arith.mulf %gather3A_1449, %get3A_64 : vector<16xf32>
      %add3A_1451 = arith.addf %add3A_1446, %mul3A_1450 : vector<16xf32>
      %broadcast_in_dim3A_1452 = arith.constant 29 : i32
      %broadcast_in_dim3A_1453 = vector.broadcast %broadcast_in_dim3A_1452 : i32 to vector<16xi32>
      %gather3A_1454 = tpu.vector_load_idx %arg8[%broadcast_in_dim3A_1124, %add3A_1306, %and3A_1303, %broadcast_in_dim3A_1453] : memref<2x32x8x32xf32, #tpu.memory_space<vmem>>[vector<16xi32>, vector<16xi32>, vector<16xi32>, vector<16xi32>], vector<16xf32>,
      %mul3A_1455 = arith.mulf %gather3A_1454, %get3A_66 : vector<16xf32>
      %add3A_1456 = arith.addf %add3A_1451, %mul3A_1455 : vector<16xf32>
      %broadcast_in_dim3A_1457 = arith.constant 30 : i32
      %broadcast_in_dim3A_1458 = vector.broadcast %broadcast_in_dim3A_1457 : i32 to vector<16xi32>
      %gather3A_1459 = tpu.vector_load_idx %arg8[%broadcast_in_dim3A_1124, %add3A_1306, %and3A_1303, %broadcast_in_dim3A_1458] : memref<2x32x8x32xf32, #tpu.memory_space<vmem>>[vector<16xi32>, vector<16xi32>, vector<16xi32>, vector<16xi32>], vector<16xf32>,
      %mul3A_1460 = arith.mulf %gather3A_1459, %get3A_68 : vector<16xf32>
      %add3A_1461 = arith.addf %add3A_1456, %mul3A_1460 : vector<16xf32>
      %broadcast_in_dim3A_1462 = arith.constant 31 : i32
      %broadcast_in_dim3A_1463 = vector.broadcast %broadcast_in_dim3A_1462 : i32 to vector<16xi32>
      %gather3A_1464 = tpu.vector_load_idx %arg8[%broadcast_in_dim3A_1124, %add3A_1306, %and3A_1303, %broadcast_in_dim3A_1463] : memref<2x32x8x32xf32, #tpu.memory_space<vmem>>[vector<16xi32>, vector<16xi32>, vector<16xi32>, vector<16xi32>], vector<16xf32>,
      %mul3A_1465 = arith.mulf %gather3A_1464, %get3A_70 : vector<16xf32>
      %add3A_1466 = arith.addf %add3A_1461, %mul3A_1465 : vector<16xf32>
      %swap3A_1467 = arith.index_cast %add3A_1298 : i32 to index
      %swap3A_1468 = tpu.vector_load %arg10[%swap3A_1467] {strides = array<i32>} : memref<512xf32, #tpu.memory_space<vmem>>, vector<16xf32>,
      tpu.vector_store %arg10[%swap3A_1467], %add3A_1466 {strides = array<i32>} : memref<512xf32, #tpu.memory_space<vmem>>, vector<16xf32>,
    }
    %scan3A_719 = arith.constant 8 : i32
    "tpu.region"() ({
      %run_scoped3A = tpu.sem_alloc : memref<!tpu.dma_semaphore, #tpu.memory_space<semaphore_mem>>
      %dma_start3A_720 = tpu.memref_slice %arg5[%mul3A_2] : memref<16384xf32, #tpu.memory_space<hbm>> -> memref<512xf32, #tpu.memory_space<hbm>>
      %dma_start3A_721 = tpu.memref_slice %arg5[%mul3A_2] : memref<16384xf32, #tpu.memory_space<hbm>> -> memref<512xf32, #tpu.memory_space<hbm>>
      tpu.enqueue_dma source(%arg10 : memref<512xf32, #tpu.memory_space<vmem>>) target(%dma_start3A_721 : memref<512xf32, #tpu.memory_space<hbm>>) target_semaphore(%run_scoped3A : memref<!tpu.dma_semaphore, #tpu.memory_space<semaphore_mem>>)
      %dma_wait3A = tpu.memref_slice %arg5[%mul3A_2] : memref<16384xf32, #tpu.memory_space<hbm>> -> memref<512xf32, #tpu.memory_space<hbm>>
      %dma_wait3A_722 = tpu.memref_slice %arg5[%mul3A_2] : memref<16384xf32, #tpu.memory_space<hbm>> -> memref<512xf32, #tpu.memory_space<hbm>>
      tpu.wait_dma2 semaphore(%run_scoped3A : memref<!tpu.dma_semaphore, #tpu.memory_space<semaphore_mem>>) src(%arg10 : memref<512xf32, #tpu.memory_space<vmem>>) dst(%dma_wait3A_722 : memref<512xf32, #tpu.memory_space<hbm>>)
      tpu.yield
    }) : () -> ()
    return
  }
}

</mosaic_0001>

<sc_bundles>
// kernel: kernel.3.cloned.1.call-start
scs
__scs_entry_jumppad:
0x0: {  	(pc) =	sbr.rel $0x88, $3  }
0x1: {  	(tag) =	ssettag $0x0;
	lr =	simm.s32 $0x1  }
0x2: {  	[smem:$0x3F9D] =	sst lr;
	_ =	strace $0xD0000000  }
0x3: {  	_ = 	snop  }
0x4: {  	_ = 	snop  }
0x5: {  	_ = 	snop  }
0x6: {  	_ = 	snop  }
0x7: {  	_ = 	snop  }
__scs_overlays_trampoline_lowered:
0x8: {  	[smem:$0x3FAC] =	sst s0  }
0x9: {  	[smem:$0x3FAD] =	sst s1  }
0xa: {  	[smem:$0x3FAE] =	sst s2  }
0xb: {  	[smem:$0x3FAF] =	sst s3  }
0xc: {  	[smem:$0x3FB0] =	sst s4  }
0xd: {  	[smem:$0x3FB1] =	sst s5  }
0xe: {  	[smem:$0x3FB2] =	sst s6  }
0xf: {  	[smem:$0x3FB3] =	sst s7  }
0x10: {  	[smem:$0x3FB4] =	sst s8  }
0x11: {  	[smem:$0x3FB5] =	sst s9;
	s0 =	simm.s32 @!p0 $0x0  }
0x12: {  	s1 =	sld [smem:$0x3F9B];
	s0 =	simm.s32 @p0 $0x1  }
0x13: {  	[smem:$0x3FB6] =	sst s0;
	s0 =	simm.s32 @!p1 $0x0  }
0x14: {  	s2 =	sld [smem:$0x3F9A];
	s0 =	simm.s32 @p1 $0x1  }
0x15: {  	[smem:$0x3FB7] =	sst s0;
	s0 =	simm.s32 @!p2 $0x0  }
0x16: {  	s3 =	sld [smem:$0x3FDB];
	s0 =	simm.s32 @p2 $0x1  }
0x17: {  	s4 =	simm.s32 $0x1BF5;
	[smem:$0x3FB9] =	sst s0  }
0x18: {  	s0 =	sld [smem:$0x3F9C];
	_ =	swait.ge [sflag:s4], $0x0  }
0x19: {  	s7 =	sld [smem:$0x3F9D]  }
0x1a: {  	s8 =	sadd.s32 $0xFFFFE003, lr  }
0x1b: {  	s9 =	sadd.s32 $0xFFFFFEF7, lr;
	s5 =	simm.s32 $0xFFFFFFFF;
	p2 =	slt.u32 s8, $0xFFFFF086  }
0x1c: {  	p1 =	slt.u32 s9, $0xF7A;
	s5 =	simm.s32 @!p2 $0x0  }
0x1d: {  	s5 =	simm.s32 @p1 $0x1;
	p0 =	seq.s32 s7, s2  }
0x1e: {  	s7 =	smul.u32 @!p0 $0xF7A, s2;
	p2 =	seq.s32 @!p0 s5, $0x0  }
0x1f: {  	s9 =	smul.u32 $0xF7A, s1;
	s8 =	simm.s32 @!p0 $0x1BF5;
	p2 =	por !p2, p0  }
0x20: {  	[sflag:s8] =	ssyncset.s32 @!p0 $0xFFFFF086;
	s6 =	sadd.s32 @!p0 s3, s7;
	s7 =	simm.s32 @!p0 $0x108  }
0x21: {  	s3 =	sadd.s32 s3, s9;
	s6 =	sadd.s32 @!p0 $0x88, s6;
	s7 =	simm.s32 @p2 $0x1082  }
0x22: {  	[simem:s7], [sflag:s8] =	dma.local @!p0 [hbm:s6], $0xF7A  }
0x23: {  	s9 =	sor.u32 $0xD0000000, s2;
	s6 =	simm.s32 $0x108;
	_ =	swait.ge @!p0 [sflag:s8], $0x0  }
0x24: {  	s3 =	sadd.s32 $0x88, s3;
	s6 =	simm.s32 @!p1 $0x1082;
	[sflag:s4] =	ssyncset.s32 $0xFFFFF086  }
0x25: {  	[simem:s6], [sflag:s4] =	dma.local [hbm:s3], $0xF7A  }
0x26: {  	[smem:$0x3F9D] =	sst s1;
	(tag) =	ssettag s2;
	_ =	strace s9  }
0x27: {  	s1 =	sld [smem:$0x3FAD]  }
0x28: {  	s2 =	sld [smem:$0x3FAE]  }
0x29: {  	s4 =	sld [smem:$0x3FB0]  }
0x2a: {  	p0 =	seq.s32 s5, $0x0;
	s5 =	sld [smem:$0x3FB1]  }
0x2b: {  	s6 =	sld [smem:$0x3FB2]  }
0x2c: {  	s7 =	sld [smem:$0x3FB3]  }
0x2d: {  	s3 =	simm.s32 $0x108;
	s8 =	sld [smem:$0x3FB4]  }
0x2e: {  	s3 =	simm.s32 @!p0 $0x1082;
	s9 =	sld [smem:$0x3FB5]  }
0x2f: {  	lr =	sadd.s32 s0, s3;
	s0 =	sld [smem:$0x3FAC]  }
0x30: {  	s3 =	sld [smem:$0x3FAF]  }
0x31: {  	[smem:$0x3FB8] =	sst s10  }
0x32: {  	s10 =	sld [smem:$0x3FB6];
	_ =	sdelay $0x3  }
0x33: {  	p0 =	seq.s32 s10, $0x1;
	s10 =	sld [smem:$0x3FB8];
	_ =	sdelay $0x3  }
0x34: {  	[smem:$0x3FB8] =	sst s10  }
0x35: {  	s10 =	sld [smem:$0x3FB7];
	_ =	sdelay $0x3  }
0x36: {  	p1 =	seq.s32 s10, $0x1;
	s10 =	sld [smem:$0x3FB8];
	_ =	sdelay $0x3  }
0x37: {  	[smem:$0x3FB8] =	sst s10  }
0x38: {  	s10 =	sld [smem:$0x3FB9]  }
0x39: {  	_ = 	snop;
	(pc) =	sbr.ind lr, $3  }
0x3a: {  	_ = 	snop  }
0x3b: {  	_ = 	snop  }
0x3c: {  	p2 =	seq.s32 s10, $0x1;
	s10 =	sld [smem:$0x3FB8]  }
0x3d: {  	_ =	shalt  }
0x3e: {  	_ =	shalt  }
0x3f: {  	_ =	shalt  }
0x40: {  	_ =	shalt  }
0x41: {  	_ =	shalt  }
0x42: {  	_ =	shalt  }
0x43: {  	_ =	shalt  }
0x44: {  	_ =	shalt  }
0x45: {  	_ =	shalt  }
0x46: {  	_ =	shalt  }
0x47: {  	_ =	shalt  }
0x48: {  	_ =	shalt  }
0x49: {  	_ =	shalt  }
0x4a: {  	_ =	shalt  }
0x4b: {  	_ =	shalt  }
0x4c: {  	_ =	shalt  }
0x4d: {  	_ =	shalt  }
0x4e: {  	_ =	shalt  }
0x4f: {  	_ =	shalt  }
0x50: {  	_ =	shalt  }
0x51: {  	_ =	shalt  }
0x52: {  	_ =	shalt  }
0x53: {  	_ =	shalt  }
0x54: {  	_ =	shalt  }
0x55: {  	_ =	shalt  }
0x56: {  	_ =	shalt  }
0x57: {  	_ =	shalt  }
0x58: {  	_ =	shalt  }
0x59: {  	_ =	shalt  }
0x5a: {  	_ =	shalt  }
0x5b: {  	_ =	shalt  }
0x5c: {  	_ =	shalt  }
0x5d: {  	_ =	shalt  }
0x5e: {  	_ =	shalt  }
0x5f: {  	_ =	shalt  }
0x60: {  	_ =	shalt  }
0x61: {  	_ =	shalt  }
0x62: {  	_ =	shalt  }
0x63: {  	_ =	shalt  }
0x64: {  	_ =	shalt  }
0x65: {  	_ =	shalt  }
0x66: {  	_ =	shalt  }
0x67: {  	_ =	shalt  }
0x68: {  	_ =	shalt  }
0x69: {  	_ =	shalt  }
0x6a: {  	_ =	shalt  }
0x6b: {  	_ =	shalt  }
0x6c: {  	_ =	shalt  }
0x6d: {  	_ =	shalt  }
0x6e: {  	_ =	shalt  }
0x6f: {  	_ =	shalt  }
0x70: {  	_ =	shalt  }
0x71: {  	_ =	shalt  }
0x72: {  	_ =	shalt  }
0x73: {  	_ =	shalt  }
0x74: {  	_ =	shalt  }
0x75: {  	_ =	shalt  }
0x76: {  	_ =	shalt  }
0x77: {  	_ =	shalt  }
0x78: {  	_ =	shalt  }
0x79: {  	_ =	shalt  }
0x7a: {  	_ =	shalt  }
0x7b: {  	_ =	shalt  }
0x7c: {  	_ =	shalt  }
0x7d: {  	_ =	shalt  }
0x7e: {  	_ =	shalt  }
0x7f: {  	_ =	shalt  }
0x80: {  	_ =	shalt  }
0x81: {  	_ =	shalt  }
0x82: {  	_ =	shalt  }
0x83: {  	_ =	shalt  }
0x84: {  	_ =	shalt  }
0x85: {  	_ =	shalt  }
0x86: {  	_ =	shalt  }
0x87: {  	_ =	shalt  }
.Lfunc_end0:
.L_simem_size_0:
called_computation_lowered:
.L_overlay_start_0:
0x88: {  	s2 =	sld [smem:$0x3FD9]  }
0x89: {  	s3 =	sld [smem:$0x3FFE];
	_ =	sdelay $0x1  }
0x8a: {  	s1 =	srdreg.scid  }
0x8b: {  	s0 =	sand.u32 $0x1, s1  }
0x8c: {  	s17 =	sshll.u32 s0, $0xA;
	s2 =	sadd.s32 s3, s2  }
0x8d: {  	s2 =	sadd.s32 s2, s17  }
0x8e: {  	[smem:$0x3FC4] =	sst s2  }
0x8f: {  	_ = 	snop  }
0x90: {  	s2 =	sld [smem:$0x3FC9]  }
0x91: {  	s18 =	sld [smem:$0x3FD0];
	(tm) =	ssettm $0x1  }
0x92: {  	s4 =	sld [smem:$0x3FFB];
	_ =	sdelay $0x3  }
0x93: {  	_ =	strace s4  }
0x94: {  	s4 =	sld [smem:$0x3FFC];
	_ =	sdelay $0x3  }
0x95: {  	_ =	strace s4  }
0x96: {  	s4 =	sld [smem:$0x3FFD];
	_ =	sdelay $0x3  }
0x97: {  	_ =	strace s4  }
0x98: {  	_ =	strace $0x8FFFFFFF  }
0x99: {  	s19 =	sld [smem:$0x3FDB];
	_ =	sdelay $0x1  }
0x9a: {  	s5 =	simm.s32 $_scs_section_size  }
0x9b: {  	s6 =	simm.s32 $_size__tile_overlayer_lowered;
	s7 =	simm.s32 $_tile_overlayer_lowered  }
0x9c: {  	s22 =	simm.s32 $0x1BFF;
	s21 =	sshll.u32 s7, $0x1;
	s4 =	sadd.s32 s5, s19  }
0x9d: {  	s8 =	simm.s32 $0x0;
	s20 =	sshll.u32 s6, $0x1;
	s6 =	sadd.s32 s21, s4  }
0x9e: {  	[timem:s8], [sflag:s22] =	dma.local [hbm:s6], s20  }
0x9f: {  	_ =	swait.ge [sflag:s22], s20  }
0xa0: {  	s5 =	ssub.s32 $0x0, s20;
	[sflag:s22] =	ssyncset.done $0x0  }
0xa1: {  	[sflag:s22] =	ssyncadd.s32 s5;
	_ =	sdelay $0x1  }
0xa2: {  	s23 =	simm.s32 $0x1B8B  }
0xa3: {  	_ =	swait.ge [sflag:s23], $0x1  }
0xa4: {  	[sflag:s23] =	ssyncset.done $0x0  }
0xa5: {  	s25 =	simm.s32 $0x1B8E;
	s24 =	sld [smem:$0x3FFE];
	[sflag:s23] =	ssyncadd.s32 $0xFFFFFFFF  }
0xa6: {  	s26 =	simm.s32 $execute0_lowered;
	[smem:$0x3FD2] =	sst s25  }
0xa7: {  	s6 =	sshll.u32 s26, $0x1;
	_ =	strace $0x80000046;
	[dreg:$0x1] =	wrdreg $0xFFFFFFFF  }
0xa8: {  	s28 =	simm.s32 $_size_execute0_lowered;
	s4 =	sadd.s32 s4, s6;
	[dreg:$0x0] =	wrdreg $0x0  }
0xa9: {  	s6 =	sshll.u32 s28, $0x1;
	[dreg:$0x2] =	wrdreg s4  }
0xaa: {  	[dreg:$0x3] =	wrdreg s6  }
0xab: {  	[dreg:$0x4] =	wrdreg $0xC0  }
0xac: {  	_ =	task [dreg:s8], $0x5FFFF  }
0xad: {  	[dreg:$0x1] =	wrdreg $0xFFFFFFFF  }
0xae: {  	[dreg:$0x0] =	wrdreg $0x60  }
0xaf: {  	[dreg:$0x2] =	wrdreg s2  }
0xb0: {  	[dreg:$0x3] =	wrdreg s24  }
0xb1: {  	[dreg:$0x4] =	wrdreg s18  }
0xb2: {  	[dreg:$0x5] =	wrdreg $0x9  }
0xb3: {  	_ =	task.clear_ibuf [dreg:s8], $0x6FFFF;
	_ =	strace $0x90000046  }
0xb4: {  	s29 =	simm.s32 $0x9;
	_ =	strace $0x80000048  }
0xb5: {  	_ =	swait.ge [sflag:s29], $0x1  }
0xb6: {  	[sflag:s29] =	ssyncadd.s32 $0xFFFFFFFF  }
0xb7: {  	_ =	strace $0x90000048  }
0xb8: {  	_ =	sfence  }
0xb9: {  	s30 =	sld [smem:$0x0];
	_ =	sdelay $0x2  }
0xba: {  	s31 =	sshll.u32 s1, $0xD;
	s1 =	sshrl.u32 s1, $0x2  }
0xbb: {  	s3 =	sand.u32 $0x4000, s31;
	s1 =	sadd.s32 s1, s30  }
0xbc: {  	s0 =	sor.u32 s3, s0;
	s1 =	sshll.u32 s1, $0x11  }
0xbd: {  	s0 =	sor.u32 s1, s0  }
0xbe: {  	s0 =	sadd.s32 $0x8F2B, s0  }
0xbf: {  	[sflag:s0] =	ssyncadd.remote.s32 $0x1  }
0xc0: {  	_ =	sfence.sel $0xFFFF  }
0xc1: {  	[dreg:$0x0] =	wrdreg $0xFFFFFFFF;
	(pc) =	sbr.abs _section_cstart, $3  }
0xc2: {  	[dreg:$0x1] =	wrdreg $0xFFFFFFFF  }
0xc3: {  	_ =	task.clear_ibuf [dreg:s8], $0x2FFFF;
	_ =	strace $0x9FFFFFFF  }
0xc4: {  	(tm) =	ssettm $0x7FFFFFFF  }
0xc5: {  	_ =	shalt  }
tec
execute0_lowered:
.L_overlay_start_1:
0x0: {  	(tag) =	ssettag $0x1  }
0x1: {  	s0 =	rddreg [dreg:$0x0]  }
0x2: {  	s1 =	rddreg [dreg:$0x1]  }
0x3: {  	s4 =	rddreg [dreg:$0x2];
	s2 =	simm.s32 $0x0  }
0x4: {  	s3 =	srdreg.scid;
	s6 =	stileid.u32;
	s21 =	simm.s32 $0x3  }
0x5: {  	s10 =	simm.s32 $0x400;
	s23 =	simm.s32 $0x8400;
	s28 =	simm.s32 $0xB800  }
0x6: {  	s29 =	simm.s32 $0xBC00;
	s30 =	simm.s32 $0xC000;
	s31 =	simm.s32 $0xC400  }
0x7: {  	v0 =	vlaneseq.u32;
	s9 =	simm.s32 $0xD000;
	s11 =	simm.s32 $0xE800;
	s12 =	simm.s32 $0xEC00  }
0x8: {  	s13 =	simm.s32 $0xF000;
	s14 =	simm.s32 $0xF400;
	s15 =	simm.s32 $0xF800;
	v0 =	vmul.u32 $0x400, v0  }
0x9: {  	s16 =	simm.s32 $0xFC00;
	s17 =	simm.s32 $0x10000;
	s18 =	simm.s32 $0x1  }
0xa: {  	s19 =	simm.s32 $0x2;
	s22 =	simm.s32 $0x0;
	[smem:$0x7FF] =	sst s2;
	v1 =	vor.u32 $0x1, v0  }
0xb: {  	s3 =	sand.u32 $0x1, s3;
	s6 =	sshll.u32 s6, $0x7;
	_ =	strace $0x80000047;
	v8 =	vor.u32 $0x8, v0;
	v9 =	vor.u32 $0x9, v0;
	v10 =	vor.u32 $0xA, v0  }
0xc: {  	s5 =	ssub.s32 $0x2, s3;
	s7 =	sshll.u32 s3, $0x6;
	s3 =	sadd.s32 $0x600, s1;
	v11 =	vor.u32 $0xB, v0;
	v12 =	vor.u32 $0xC, v0;
	v13 =	vor.u32 $0xD, v0  }
0xd: {  	s1 =	sadd.s32 $0x400, s1;
	s8 =	sshrl.u32 s5, $0x1;
	s6 =	sor.u32 s7, s6;
	v14 =	vor.u32 $0xE, v0;
	v15 =	vor.u32 $0xF, v0;
	[tilespmem:$0x1FF90] =	vst v1;
	v1 =	vor.u32 $0x2, v0  }
0xe: {  	[dreg:$0x4] =	wrdreg s1;
	s1 =	simm.s32 $0xCC00;
	v16 =	vor.u32 $0x10, v0;
	s7 =	simm.s32 $0xE000;
	v17 =	vor.u32 $0x11, v0;
	[tilespmem:$0x1FFA0] =	vst v1;
	v1 =	vor.u32 $0x3, v0  }
.Ltmp0:
0xf: {  	v18 =	vor.u32 $0x12, v0;
	v19 =	vor.u32 $0x13, v0;
	s24 =	ssub.s32 s5, s8;
	s0 =	sadd.s32 s0, s6;
	[tilespmem:$0x1FFB0] =	vst v1;
	v1 =	vor.u32 $0x4, v0;
	(pc) =	sbr.rel .LBB2_1-.Ltmp0, $4  }
0x10: {  	v20 =	vor.u32 $0x14, v0;
	v21 =	vor.u32 $0x15, v0;
	s25 =	sadd.s32 s4, s6;
	s4 =	simm.s32 $0xD400;
	s5 =	simm.s32 $0xD800;
	[tilespmem:$0x1FFC0] =	vst v1;
	v1 =	vor.u32 $0x5, v0  }
0x11: {  	v22 =	vor.u32 $0x16, v0;
	v23 =	vor.u32 $0x17, v0;
	s6 =	simm.s32 $0xDC00;
	s8 =	simm.s32 $0xE400;
	[dreg:$0x5] =	wrdreg s0;
	[tilespmem:$0x1FFD0] =	vst v1;
	v1 =	vor.u32 $0x6, v0  }
0x12: {  	v24 =	vor.u32 $0x18, v0;
	v25 =	vor.u32 $0x19, v0;
	[dreg:$0x6] =	wrdreg s25;
	s26 =	smax.u32 s24, $0x1;
	s25 =	simm.s32 $0xB000;
	[tilespmem:$0x1FFE0] =	vst v1;
	v1 =	vor.u32 $0x7, v0  }
0x13: {  	v26 =	vor.u32 $0x1A, v0;
	v27 =	vor.u32 $0x1B, v0;
	v28 =	vor.u32 $0x1C, v0;
	s0 =	simm.s32 $0xC800;
	[dreg:$0x7] =	wrdreg s26;
	s26 =	simm.s32 $0xB400;
	[tilespmem:$0x1FFF0] =	vst v1  }
.LBB2_7:
0x14: {  	s20 =	rddreg [dreg:$0x6];
	s21 =	simm.s32 $0x10680  }
0x15: {  	[hbm4b:s20+s2] =	stream.linear.scatter [tilespmem:s21], [sflag:$0x3], $0x200, $0x38;
	[tilespmem:$0x10880] =	vst v63  }
0x16: {  	s21 =	simm.s32 $0x3  }
0x17: {  	_ =	swait.ge [sflag:s21], $0x200  }
0x18: {  	s22 =	rddreg [dreg:$0x8]  }
0x19: {  	s24 =	rddreg [dreg:$0x7];
	s22 =	sadd.s32 $0x1, s22  }
0x1a: {  	p0 =	sne.s32 s22, s24  }
.Ltmp1:
0x1b: {  	_ = 	snop;
	(pc) =	sbr.rel @!p0 .LBB2_8-.Ltmp1, $3  }
0x1c: {  	_ =	sdelay $0x1  }
0x1d: {  	[sflag:s21] =	ssyncset.done $0x0  }
0x1e: {  	[sflag:s21] =	ssyncadd.s32 $0xFFFFFE00  }
.LBB2_1:
0x1f: {  	[dreg:$0x8] =	wrdreg s22  }
0x20: {  	s20 =	rddreg [dreg:$0x5]  }
0x21: {  	[tilespmem:s2], [sflag:$0x3] =	stream.linear.gather [hbm4b:s20+s2], $0x200, $0x38;
	[tilespmem:$0x10880] =	vst v63  }
0x22: {  	_ =	swait.ge [sflag:s21], $0x200  }
0x23: {  	[sflag:s21] =	ssyncset.done $0x0  }
0x24: {  	s24 =	simm.s32 $0x10400;
	s22 =	rddreg [dreg:$0x4];
	[sflag:s21] =	ssyncadd.s32 $0xFFFFFE00  }
0x25: {  	[tilespmem:s24], [sflag:$0x3] =	stream.linear.gather [hbm4b:s22+s2], $0x280, $0x38;
	[tilespmem:$0x10880] =	vst v63  }
0x26: {  	_ =	swait.ge [sflag:s21], $0x280  }
0x27: {  	[sflag:s21] =	ssyncset.done $0x0  }
0x28: {  	s20 =	simm.s32 $0x0;
	[sflag:s21] =	ssyncadd.s32 $0xFFFFFD80  }
0x29: {  	s21 =	simm.s32 $0x40;
	v29 =	vld [tilespmem:s20+$0x0]  }
.LBB2_2:
0x2a: {  	p0 =	sne.s32 s21, $0x7C0  }
.Ltmp2:
0x2b: {  	_ = 	snop;
	(pc) =	sbr.rel @p0 .LBB2_2-.Ltmp2, $3  }
0x2c: {  	_ =	sdelay $0x1  }
0x2d: {  	s22 =	sshra.s32 s21, $0x2;
	s21 =	sadd.s32 $0x40, s21;
	v30 =	vshrl.u32 v29, $0x3  }
0x2e: {  	v29 =	vld [tilespmem:s22+$0x0];
	[tilespmem:s20+$0x200] =	vst v30;
	s20 =	smov.u32 s22  }
0x2f: {  	_ =	sdelay $0x3  }
0x30: {  	v29 =	vshrl.u32 v29, $0x3  }
0x31: {  	[tilespmem:s20+$0x200] =	vst v29  }
0x32: {  	v29 =	vld [tilespmem:$0x10400]  }
0x33: {  	v30 =	vld [tilespmem:$0x10410]  }
0x34: {  	v31 =	vld [tilespmem:$0x10420]  }
0x35: {  	v32 =	vld [tilespmem:$0x10430]  }
0x36: {  	v33 =	vld [tilespmem:$0x10440]  }
0x37: {  	v34 =	vld [tilespmem:$0x10450]  }
0x38: {  	v35 =	vld [tilespmem:$0x10460]  }
0x39: {  	v36 =	vld [tilespmem:$0x10470]  }
0x3a: {  	v37 =	vld [tilespmem:$0x10480]  }
0x3b: {  	v44 =	vld [tilespmem:$0x200]  }
0x3c: {  	v38 =	vld [tilespmem:$0x10490]  }
0x3d: {  	v39 =	vld [tilespmem:$0x104A0]  }
0x3e: {  	v40 =	vld [tilespmem:$0x104B0]  }
0x3f: {  	v41 =	vld [tilespmem:$0x104C0]  }
0x40: {  	v42 =	vld [tilespmem:$0x104D0];
	v62 =	vshll.u32 v44, $0x7  }
0x41: {  	v43 =	vld [tilespmem:$0x104E0];
	(v2sf) =	vpush v62, $0x0  }
0x42: {  	v45 =	vld [tilespmem:$0x10500]  }
0x43: {  	v46 =	vld [tilespmem:$0x10510];
	(v2sf) =	vpush v62, $0x1  }
0x44: {  	v47 =	vld [tilespmem:$0x10520]  }
0x45: {  	v48 =	vld [tilespmem:$0x10530]  }
0x46: {  	v49 =	vld [tilespmem:$0x10540]  }
0x47: {  	v50 =	vld [tilespmem:$0x10550]  }
0x48: {  	v51 =	vld [tilespmem:$0x10560];
	(v2sf) =	vpush v62, $0x2  }
0x49: {  	v52 =	vld [tilespmem:$0x10570]  }
0x4a: {  	v53 =	vld [tilespmem:$0x10580];
	(v2sf) =	vpush v62, $0x3  }
0x4b: {  	v54 =	vld [tilespmem:$0x10590]  }
0x4c: {  	v55 =	vld [tilespmem:$0x105A0]  }
0x4d: {  	v56 =	vld [tilespmem:$0x105B0]  }
0x4e: {  	v57 =	vld [tilespmem:$0x105C0]  }
0x4f: {  	v58 =	vld [tilespmem:$0x105D0]  }
0x50: {  	v59 =	vld [tilespmem:$0x105E0];
	s22 =	spop (v2sf);
	(v2sf) =	vpush v62, $0x4  }
0x51: {  	v60 =	vld [tilespmem:$0x105F0];
	s20 =	sand.u32 $0x1FFFFF80, s22  }
0x52: {  	v61 =	vld [tilespmem:$0x10600];
	s24 =	spop (v2sf);
	(v2sf) =	vpush v62, $0x5;
	s21 =	sadd.s32 s3, s20;
	s20 =	simm.s32 $0x0  }
0x53: {  	v44 =	vld [tilespmem:$0x104F0];
	[tilespmem:s10], [sflag:$0x1] =	stream.linear.gather [hbm4b:s21+s20], $0x400, $0x38  }
0x54: {  	s21 =	sand.u32 $0x1FFFFF80, s24  }
0x55: {  	s22 =	simm.s32 $0x800;
	s21 =	sadd.s32 s3, s21  }
0x56: {  	[tilespmem:s22], [sflag:$0x1] =	stream.linear.gather [hbm4b:s21+s20], $0x400, $0x38;
	[tilespmem:$0x10880] =	vst v63  }
0x57: {  	s22 =	spop (v2sf);
	(v2sf) =	vpush v62, $0x6;
	_ =	sdelay $0x1  }
0x58: {  	s21 =	sand.u32 $0x1FFFFF80, s22;
	s22 =	spop (v2sf);
	(v2sf) =	vpush v62, $0x7;
	_ =	sdelay $0x2  }
0x59: {  	s24 =	simm.s32 $0xC00;
	s21 =	sadd.s32 s3, s21  }
0x5a: {  	[tilespmem:s24], [sflag:$0x1] =	stream.linear.gather [hbm4b:s21+s20], $0x400, $0x38;
	[tilespmem:$0x10880] =	vst v63  }
0x5b: {  	s21 =	sand.u32 $0x1FFFFF80, s22  }
0x5c: {  	s24 =	simm.s32 $0x1000;
	s21 =	sadd.s32 s3, s21;
	s22 =	spop (v2sf);
	(v2sf) =	vpush v62, $0x8  }
0x5d: {  	[tilespmem:s24], [sflag:$0x1] =	stream.linear.gather [hbm4b:s21+s20], $0x400, $0x38;
	[tilespmem:$0x10880] =	vst v63  }
0x5e: {  	s21 =	sand.u32 $0x1FFFFF80, s22;
	s22 =	spop (v2sf);
	(v2sf) =	vpush v62, $0x9;
	_ =	sdelay $0x1  }
0x5f: {  	s24 =	simm.s32 $0x1400;
	s21 =	sadd.s32 s3, s21  }
0x60: {  	[tilespmem:s24], [sflag:$0x1] =	stream.linear.gather [hbm4b:s21+s20], $0x400, $0x38;
	[tilespmem:$0x10880] =	vst v63  }
0x61: {  	s21 =	sand.u32 $0x1FFFFF80, s22  }
0x62: {  	s24 =	simm.s32 $0x1800;
	s21 =	sadd.s32 s3, s21;
	s22 =	spop (v2sf);
	(v2sf) =	vpush v62, $0xA  }
0x63: {  	[tilespmem:s24], [sflag:$0x1] =	stream.linear.gather [hbm4b:s21+s20], $0x400, $0x38;
	[tilespmem:$0x10880] =	vst v63  }
0x64: {  	s21 =	sand.u32 $0x1FFFFF80, s22;
	s22 =	spop (v2sf);
	(v2sf) =	vpush v62, $0xB;
	_ =	sdelay $0x2  }
0x65: {  	s24 =	simm.s32 $0x1C00;
	s21 =	sadd.s32 s3, s21  }
0x66: {  	[tilespmem:s24], [sflag:$0x1] =	stream.linear.gather [hbm4b:s21+s20], $0x400, $0x38;
	[tilespmem:$0x10880] =	vst v63  }
0x67: {  	s21 =	sand.u32 $0x1FFFFF80, s22  }
0x68: {  	s24 =	simm.s32 $0x2000;
	s21 =	sadd.s32 s3, s21;
	s22 =	spop (v2sf);
	(v2sf) =	vpush v62, $0xC  }
0x69: {  	[tilespmem:s24], [sflag:$0x1] =	stream.linear.gather [hbm4b:s21+s20], $0x400, $0x38;
	[tilespmem:$0x10880] =	vst v63  }
0x6a: {  	s21 =	sand.u32 $0x1FFFFF80, s22;
	s22 =	spop (v2sf);
	(v2sf) =	vpush v62, $0xD;
	_ =	sdelay $0x1  }
0x6b: {  	s24 =	simm.s32 $0x2400;
	s21 =	sadd.s32 s3, s21  }
0x6c: {  	[tilespmem:s24], [sflag:$0x1] =	stream.linear.gather [hbm4b:s21+s20], $0x400, $0x38;
	[tilespmem:$0x10880] =	vst v63  }
0x6d: {  	s21 =	sand.u32 $0x1FFFFF80, s22  }
0x6e: {  	s24 =	simm.s32 $0x2800;
	s21 =	sadd.s32 s3, s21;
	s22 =	spop (v2sf);
	(v2sf) =	vpush v62, $0xE  }
0x6f: {  	[tilespmem:s24], [sflag:$0x1] =	stream.linear.gather [hbm4b:s21+s20], $0x400, $0x38;
	[tilespmem:$0x10880] =	vst v63  }
0x70: {  	s21 =	sand.u32 $0x1FFFFF80, s22;
	s22 =	spop (v2sf);
	(v2sf) =	vpush v62, $0xF  }
0x71: {  	s24 =	simm.s32 $0x2C00;
	s21 =	sadd.s32 s3, s21  }
0x72: {  	[tilespmem:s24], [sflag:$0x1] =	stream.linear.gather [hbm4b:s21+s20], $0x400, $0x38;
	[tilespmem:$0x10880] =	vst v63  }
0x73: {  	s21 =	sand.u32 $0x1FFFFF80, s22  }
0x74: {  	s24 =	simm.s32 $0x3000;
	s21 =	sadd.s32 s3, s21  }
0x75: {  	[tilespmem:s24], [sflag:$0x1] =	stream.linear.gather [hbm4b:s21+s20], $0x400, $0x38;
	[tilespmem:$0x10880] =	vst v63  }
0x76: {  	s22 =	spop (v2sf)  }
0x77: {  	s21 =	sand.u32 $0x1FFFFF80, s22  }
0x78: {  	s24 =	simm.s32 $0x3400;
	s22 =	spop (v2sf);
	s21 =	sadd.s32 s3, s21  }
0x79: {  	[tilespmem:s24], [sflag:$0x1] =	stream.linear.gather [hbm4b:s21+s20], $0x400, $0x38;
	[tilespmem:$0x10880] =	vst v63  }
0x7a: {  	s21 =	sand.u32 $0x1FFFFF80, s22  }
0x7b: {  	s24 =	simm.s32 $0x3800;
	s21 =	sadd.s32 s3, s21  }
0x7c: {  	[tilespmem:s24], [sflag:$0x1] =	stream.linear.gather [hbm4b:s21+s20], $0x400, $0x38;
	[tilespmem:$0x10880] =	vst v63  }
0x7d: {  	s22 =	spop (v2sf)  }
0x7e: {  	s21 =	sand.u32 $0x1FFFFF80, s22  }
0x7f: {  	s24 =	simm.s32 $0x3C00;
	s22 =	spop (v2sf);
	s21 =	sadd.s32 s3, s21  }
0x80: {  	[tilespmem:s24], [sflag:$0x1] =	stream.linear.gather [hbm4b:s21+s20], $0x400, $0x38;
	[tilespmem:$0x10880] =	vst v63  }
0x81: {  	s21 =	sand.u32 $0x1FFFFF80, s22  }
0x82: {  	s24 =	simm.s32 $0x4000;
	s21 =	sadd.s32 s3, s21  }
0x83: {  	[tilespmem:s24], [sflag:$0x1] =	stream.linear.gather [hbm4b:s21+s20], $0x400, $0x38;
	[tilespmem:$0x10880] =	vst v63  }
0x84: {  	v5 =	vld [tilespmem:$0x210];
	_ =	sdelay $0x4  }
0x85: {  	v62 =	vshll.u32 v5, $0x7  }
0x86: {  	(v2sf) =	vpush v62, $0x0;
	_ =	sdelay $0x1  }
0x87: {  	(v2sf) =	vpush v62, $0x1;
	_ =	sdelay $0x2  }
0x88: {  	(v2sf) =	vpush v62, $0x2;
	_ =	sdelay $0x2  }
0x89: {  	(v2sf) =	vpush v62, $0x3;
	_ =	sdelay $0x6  }
0x8a: {  	s22 =	spop (v2sf);
	(v2sf) =	vpush v62, $0x4;
	_ =	sdelay $0x1  }
0x8b: {  	s21 =	sand.u32 $0x1FFFFF80, s22;
	s22 =	spop (v2sf);
	(v2sf) =	vpush v62, $0x5  }
0x8c: {  	s24 =	simm.s32 $0x4400;
	s21 =	sadd.s32 s3, s21  }
0x8d: {  	[tilespmem:s24], [sflag:$0x1] =	stream.linear.gather [hbm4b:s21+s20], $0x400, $0x38;
	[tilespmem:$0x10880] =	vst v63  }
0x8e: {  	s21 =	sand.u32 $0x1FFFFF80, s22;
	s22 =	spop (v2sf);
	(v2sf) =	vpush v62, $0x6  }
0x8f: {  	s24 =	simm.s32 $0x4800;
	s21 =	sadd.s32 s3, s21  }
0x90: {  	[tilespmem:s24], [sflag:$0x1] =	stream.linear.gather [hbm4b:s21+s20], $0x400, $0x38;
	[tilespmem:$0x10880] =	vst v63  }
0x91: {  	s21 =	sand.u32 $0x1FFFFF80, s22;
	s22 =	spop (v2sf);
	(v2sf) =	vpush v62, $0x7;
	_ =	sdelay $0x3  }
0x92: {  	s24 =	simm.s32 $0x4C00;
	s21 =	sadd.s32 s3, s21  }
0x93: {  	[tilespmem:s24], [sflag:$0x1] =	stream.linear.gather [hbm4b:s21+s20], $0x400, $0x38;
	[tilespmem:$0x10880] =	vst v63  }
0x94: {  	s21 =	sand.u32 $0x1FFFFF80, s22  }
0x95: {  	s24 =	simm.s32 $0x5000;
	s21 =	sadd.s32 s3, s21;
	s22 =	spop (v2sf);
	(v2sf) =	vpush v62, $0x8  }
0x96: {  	[tilespmem:s24], [sflag:$0x1] =	stream.linear.gather [hbm4b:s21+s20], $0x400, $0x38;
	[tilespmem:$0x10880] =	vst v63  }
0x97: {  	s21 =	sand.u32 $0x1FFFFF80, s22;
	s22 =	spop (v2sf);
	(v2sf) =	vpush v62, $0x9  }
0x98: {  	s24 =	simm.s32 $0x5400;
	s21 =	sadd.s32 s3, s21  }
0x99: {  	[tilespmem:s24], [sflag:$0x1] =	stream.linear.gather [hbm4b:s21+s20], $0x400, $0x38;
	[tilespmem:$0x10880] =	vst v63  }
0x9a: {  	s21 =	sand.u32 $0x1FFFFF80, s22;
	s22 =	spop (v2sf);
	(v2sf) =	vpush v62, $0xA  }
0x9b: {  	s24 =	simm.s32 $0x5800;
	s21 =	sadd.s32 s3, s21  }
0x9c: {  	[tilespmem:s24], [sflag:$0x1] =	stream.linear.gather [hbm4b:s21+s20], $0x400, $0x38;
	[tilespmem:$0x10880] =	vst v63  }
0x9d: {  	s21 =	sand.u32 $0x1FFFFF80, s22;
	s22 =	spop (v2sf);
	(v2sf) =	vpush v62, $0xB;
	_ =	sdelay $0x3  }
0x9e: {  	s24 =	simm.s32 $0x5C00;
	s21 =	sadd.s32 s3, s21  }
0x9f: {  	[tilespmem:s24], [sflag:$0x1] =	stream.linear.gather [hbm4b:s21+s20], $0x400, $0x38;
	[tilespmem:$0x10880] =	vst v63  }
0xa0: {  	s21 =	sand.u32 $0x1FFFFF80, s22  }
0xa1: {  	s24 =	simm.s32 $0x6000;
	s21 =	sadd.s32 s3, s21;
	s22 =	spop (v2sf);
	(v2sf) =	vpush v62, $0xC  }
0xa2: {  	[tilespmem:s24], [sflag:$0x1] =	stream.linear.gather [hbm4b:s21+s20], $0x400, $0x38;
	[tilespmem:$0x10880] =	vst v63  }
0xa3: {  	s21 =	sand.u32 $0x1FFFFF80, s22;
	s22 =	spop (v2sf);
	(v2sf) =	vpush v62, $0xD  }
0xa4: {  	s24 =	simm.s32 $0x6400;
	s21 =	sadd.s32 s3, s21  }
0xa5: {  	[tilespmem:s24], [sflag:$0x1] =	stream.linear.gather [hbm4b:s21+s20], $0x400, $0x38;
	[tilespmem:$0x10880] =	vst v63  }
0xa6: {  	s21 =	sand.u32 $0x1FFFFF80, s22;
	s22 =	spop (v2sf);
	(v2sf) =	vpush v62, $0xE  }
0xa7: {  	s24 =	simm.s32 $0x6800;
	s21 =	sadd.s32 s3, s21  }
0xa8: {  	[tilespmem:s24], [sflag:$0x1] =	stream.linear.gather [hbm4b:s21+s20], $0x400, $0x38;
	[tilespmem:$0x10880] =	vst v63  }
0xa9: {  	s21 =	sand.u32 $0x1FFFFF80, s22;
	s22 =	spop (v2sf);
	(v2sf) =	vpush v62, $0xF;
	_ =	sdelay $0x1  }
0xaa: {  	s24 =	simm.s32 $0x6C00;
	s21 =	sadd.s32 s3, s21  }
0xab: {  	[tilespmem:s24], [sflag:$0x1] =	stream.linear.gather [hbm4b:s21+s20], $0x400, $0x38;
	[tilespmem:$0x10880] =	vst v63  }
0xac: {  	s21 =	sand.u32 $0x1FFFFF80, s22  }
0xad: {  	s24 =	simm.s32 $0x7000;
	s21 =	sadd.s32 s3, s21  }
0xae: {  	[tilespmem:s24], [sflag:$0x1] =	stream.linear.gather [hbm4b:s21+s20], $0x400, $0x38;
	[tilespmem:$0x10880] =	vst v63  }
0xaf: {  	s22 =	spop (v2sf)  }
0xb0: {  	s21 =	sand.u32 $0x1FFFFF80, s22  }
0xb1: {  	s24 =	simm.s32 $0x7400;
	s22 =	spop (v2sf);
	s21 =	sadd.s32 s3, s21  }
0xb2: {  	[tilespmem:s24], [sflag:$0x1] =	stream.linear.gather [hbm4b:s21+s20], $0x400, $0x38;
	[tilespmem:$0x10880] =	vst v63  }
0xb3: {  	s21 =	sand.u32 $0x1FFFFF80, s22  }
0xb4: {  	s24 =	simm.s32 $0x7800;
	s22 =	spop (v2sf);
	s21 =	sadd.s32 s3, s21  }
0xb5: {  	[tilespmem:s24], [sflag:$0x1] =	stream.linear.gather [hbm4b:s21+s20], $0x400, $0x38;
	[tilespmem:$0x10880] =	vst v63  }
0xb6: {  	s21 =	sand.u32 $0x1FFFFF80, s22;
	s24 =	simm.s32 $0x7C00  }
.Ltmp3:
0xb7: {  	s22 =	spop (v2sf);
	s21 =	sadd.s32 s3, s21;
	(pc) =	sbr.rel .LBB2_4-.Ltmp3, $4  }
0xb8: {  	[tilespmem:s24], [sflag:$0x1] =	stream.linear.gather [hbm4b:s21+s20], $0x400, $0x38;
	[tilespmem:$0x10880] =	vst v63  }
0xb9: {  	s21 =	sand.u32 $0x1FFFFF80, s22  }
0xba: {  	s24 =	simm.s32 $0x8000;
	s21 =	sadd.s32 s3, s21  }
0xbb: {  	[tilespmem:s24], [sflag:$0x1] =	stream.linear.gather [hbm4b:s21+s20], $0x400, $0x38;
	[tilespmem:$0x10880] =	vst v63  }
.LBB2_6:
0xbc: {  	_ =	swait.ge [sflag:s19], $0x8000  }
0xbd: {  	[sflag:s19] =	ssyncset.done $0x0  }
0xbe: {  	[sflag:s19] =	ssyncadd.s32 $0xFFFF8000  }
0xbf: {  	v1 =	vld [tilespmem:s21+$0x20];
	_ =	sdelay $0x4  }
0xc0: {  	v1 =	vshll.u32 v1, $0x7  }
0xc1: {  	v62 =	vand.u32 $0x380, v1;
	v1 =	vor.u32 $0x8000, v0  }
0xc2: {  	v1 =	vor.u32 v1, v62  }
0xc3: {  	v2 =	vor.u32 $0x8001, v0  }
0xc4: {  	v2 =	vor.u32 v2, v62  }
0xc5: {  	v3 =	vor.u32 $0x8002, v0  }
0xc6: {  	v3 =	vor.u32 v3, v62  }
0xc7: {  	v4 =	vor.u32 $0x8003, v0;
	v1 =	vld.idx.msk [tilespmem:v1+s10+$0x0], $0xffff  }
0xc8: {  	v4 =	vor.u32 v4, v62  }
0xc9: {  	v5 =	vor.u32 $0x8004, v0;
	v2 =	vld.idx.msk [tilespmem:v2+s10+$0x0], $0xffff  }
0xca: {  	v5 =	vor.u32 v5, v62  }
0xcb: {  	v6 =	vor.u32 $0x8005, v0;
	v3 =	vld.idx.msk [tilespmem:v3+s10+$0x0], $0xffff  }
0xcc: {  	v6 =	vor.u32 v6, v62;
	v1 =	vmul.f32 v1, v29  }
0xcd: {  	v7 =	vor.u32 $0x8006, v0;
	v4 =	vld.idx.msk [tilespmem:v4+s10+$0x0], $0xffff  }
0xce: {  	v7 =	vor.u32 v7, v62;
	v2 =	vmul.f32 v2, v30;
	v1 =	vadd.f32 v1, v61  }
0xcf: {  	v63 =	vor.u32 $0x8007, v0;
	v5 =	vld.idx.msk [tilespmem:v5+s10+$0x0], $0xffff  }
0xd0: {  	v1 =	vadd.f32 v2, v1;
	v2 =	vmul.f32 v3, v31;
	v3 =	vor.u32 v63, v62  }
0xd1: {  	v6 =	vld.idx.msk [tilespmem:v6+s10+$0x0], $0xffff;
	v63 =	vor.u32 $0x8008, v0  }
0xd2: {  	v1 =	vadd.f32 v2, v1;
	v2 =	vmul.f32 v4, v32;
	v4 =	vor.u32 v63, v62  }
0xd3: {  	v7 =	vld.idx.msk [tilespmem:v7+s10+$0x0], $0xffff;
	v63 =	vor.u32 $0x8009, v0  }
0xd4: {  	v1 =	vadd.f32 v2, v1;
	v2 =	vmul.f32 v5, v33;
	v5 =	vor.u32 v63, v62  }
0xd5: {  	v63 =	vor.u32 $0x800A, v0;
	v3 =	vld.idx.msk [tilespmem:v3+s10+$0x0], $0xffff  }
0xd6: {  	v1 =	vadd.f32 v2, v1;
	v2 =	vmul.f32 v6, v34;
	v6 =	vor.u32 v63, v62  }
0xd7: {  	v63 =	vor.u32 $0x800B, v0;
	v4 =	vld.idx.msk [tilespmem:v4+s10+$0x0], $0xffff  }
0xd8: {  	v1 =	vadd.f32 v2, v1;
	v2 =	vmul.f32 v7, v35;
	v7 =	vor.u32 v63, v62  }
0xd9: {  	v63 =	vor.u32 $0x800C, v0;
	v5 =	vld.idx.msk [tilespmem:v5+s10+$0x0], $0xffff  }
0xda: {  	v1 =	vadd.f32 v2, v1;
	v2 =	vmul.f32 v3, v36;
	v3 =	vor.u32 v63, v62  }
0xdb: {  	v63 =	vor.u32 $0x800D, v0;
	v6 =	vld.idx.msk [tilespmem:v6+s10+$0x0], $0xffff  }
0xdc: {  	v1 =	vadd.f32 v2, v1;
	v2 =	vmul.f32 v4, v37;
	v4 =	vor.u32 v63, v62  }
0xdd: {  	v63 =	vor.u32 $0x800E, v0;
	v7 =	vld.idx.msk [tilespmem:v7+s10+$0x0], $0xffff  }
0xde: {  	v1 =	vadd.f32 v2, v1;
	v2 =	vmul.f32 v5, v38;
	v5 =	vor.u32 v63, v62  }
0xdf: {  	v63 =	vor.u32 $0x800F, v0;
	v3 =	vld.idx.msk [tilespmem:v3+s10+$0x0], $0xffff  }
0xe0: {  	v1 =	vadd.f32 v2, v1;
	v2 =	vmul.f32 v6, v39;
	v6 =	vor.u32 v63, v62  }
0xe1: {  	v63 =	vor.u32 $0x8010, v0;
	v4 =	vld.idx.msk [tilespmem:v4+s10+$0x0], $0xffff  }
0xe2: {  	v1 =	vadd.f32 v2, v1;
	v2 =	vmul.f32 v7, v40;
	v7 =	vor.u32 v63, v62  }
0xe3: {  	v63 =	vor.u32 $0x8011, v0;
	v5 =	vld.idx.msk [tilespmem:v5+s10+$0x0], $0xffff  }
0xe4: {  	v1 =	vadd.f32 v2, v1;
	v2 =	vmul.f32 v3, v41;
	v3 =	vor.u32 v63, v62  }
0xe5: {  	v63 =	vor.u32 $0x8012, v0;
	v6 =	vld.idx.msk [tilespmem:v6+s10+$0x0], $0xffff  }
0xe6: {  	v1 =	vadd.f32 v2, v1;
	v2 =	vmul.f32 v4, v42;
	v4 =	vor.u32 v63, v62  }
0xe7: {  	v63 =	vor.u32 $0x8013, v0;
	v7 =	vld.idx.msk [tilespmem:v7+s10+$0x0], $0xffff  }
0xe8: {  	v1 =	vadd.f32 v2, v1;
	v2 =	vmul.f32 v5, v43;
	v5 =	vor.u32 v63, v62  }
0xe9: {  	v63 =	vor.u32 $0x8014, v0;
	v3 =	vld.idx.msk [tilespmem:v3+s10+$0x0], $0xffff  }
0xea: {  	v1 =	vadd.f32 v2, v1;
	v2 =	vmul.f32 v6, v44;
	v6 =	vor.u32 v63, v62  }
0xeb: {  	v63 =	vor.u32 $0x8015, v0;
	v4 =	vld.idx.msk [tilespmem:v4+s10+$0x0], $0xffff  }
0xec: {  	v1 =	vadd.f32 v2, v1;
	v2 =	vmul.f32 v7, v45;
	v7 =	vor.u32 v63, v62  }
0xed: {  	v63 =	vor.u32 $0x8016, v0;
	v5 =	vld.idx.msk [tilespmem:v5+s10+$0x0], $0xffff  }
0xee: {  	v1 =	vadd.f32 v2, v1;
	v2 =	vmul.f32 v3, v46;
	v3 =	vor.u32 v63, v62  }
0xef: {  	v63 =	vor.u32 $0x8017, v0;
	v6 =	vld.idx.msk [tilespmem:v6+s10+$0x0], $0xffff  }
0xf0: {  	v1 =	vadd.f32 v2, v1;
	v2 =	vmul.f32 v4, v47;
	v4 =	vor.u32 v63, v62  }
0xf1: {  	v7 =	vld.idx.msk [tilespmem:v7+s10+$0x0], $0xffff  }
0xf2: {  	v63 =	vor.u32 $0x8018, v0;
	v1 =	vadd.f32 v2, v1;
	v2 =	vmul.f32 v5, v48  }
0xf3: {  	v5 =	vor.u32 v63, v62;
	v3 =	vld.idx.msk [tilespmem:v3+s10+$0x0], $0xffff  }
0xf4: {  	v1 =	vadd.f32 v2, v1;
	v2 =	vmul.f32 v6, v49;
	v6 =	vor.u32 $0x8019, v0  }
0xf5: {  	v4 =	vld.idx.msk [tilespmem:v4+s10+$0x0], $0xffff;
	v6 =	vor.u32 v6, v62  }
0xf6: {  	v1 =	vadd.f32 v2, v1;
	v2 =	vmul.f32 v7, v50;
	v7 =	vor.u32 $0x801A, v0  }
0xf7: {  	v7 =	vor.u32 v7, v62  }
0xf8: {  	v63 =	vor.u32 $0x801B, v0;
	v1 =	vadd.f32 v2, v1;
	v2 =	vmul.f32 v3, v51;
	v3 =	vld.idx.msk [tilespmem:v5+s10+$0x0], $0xffff  }
0xf9: {  	v5 =	vor.u32 v63, v62  }
0xfa: {  	v1 =	vadd.f32 v2, v1;
	v2 =	vmul.f32 v4, v52;
	v4 =	vld.idx.msk [tilespmem:v6+s10+$0x0], $0xffff;
	v6 =	vor.u32 $0x801C, v0  }
0xfb: {  	v6 =	vor.u32 v6, v62  }
0xfc: {  	v1 =	vadd.f32 v2, v1;
	v2 =	vld.idx.msk [tilespmem:v7+s10+$0x0], $0xffff;
	v7 =	vor.u32 $0x801D, v0  }
0xfd: {  	v63 =	vor.u32 $0x801E, v0;
	v3 =	vmul.f32 v3, v53;
	v7 =	vor.u32 v7, v62  }
0xfe: {  	v63 =	vor.u32 v63, v62;
	v5 =	vld.idx.msk [tilespmem:v5+s10+$0x0], $0xffff  }
0xff: {  	v1 =	vadd.f32 v3, v1;
	v3 =	vmul.f32 v4, v54  }
0x100: {  	v4 =	vld.idx.msk [tilespmem:v6+s10+$0x0], $0xffff;
	v6 =	vor.u32 $0x801F, v0  }
0x101: {  	v1 =	vadd.f32 v3, v1;
	v2 =	vmul.f32 v2, v55;
	v3 =	vor.u32 v6, v62  }
0x102: {  	v6 =	vld.idx.msk [tilespmem:v7+s10+$0x0], $0xffff  }
0x103: {  	v63 =	vld.idx.msk [tilespmem:v63+s10+$0x0], $0xffff;
	v1 =	vadd.f32 v2, v1;
	v2 =	vmul.f32 v5, v56  }
0x104: {  	v7 =	vld [tilespmem:s21+$0x30]  }
0x105: {  	v1 =	vadd.f32 v2, v1;
	v2 =	vmul.f32 v4, v57  }
0x106: {  	v3 =	vld.idx.msk [tilespmem:v3+s10+$0x0], $0xffff  }
0x107: {  	v1 =	vadd.f32 v2, v1;
	v2 =	vmul.f32 v6, v58;
	_ =	sdelay $0x1  }
0x108: {  	v62 =	vshll.u32 v7, $0x7;
	v1 =	vadd.f32 v2, v1;
	v2 =	vmul.f32 v63, v59  }
0x109: {  	v62 =	vand.u32 $0x380, v62;
	v63 =	vor.u32 $0xC000, v0  }
0x10a: {  	v1 =	vadd.f32 v2, v1;
	v2 =	vmul.f32 v3, v60;
	v3 =	vor.u32 v63, v62  }
0x10b: {  	v63 =	vor.u32 $0xC001, v0  }
0x10c: {  	v1 =	vadd.f32 v2, v1;
	v2 =	vor.u32 v63, v62  }
0x10d: {  	v63 =	vor.u32 $0xC002, v0  }
0x10e: {  	[tilespmem:s21+$0x106A0] =	vst v1;
	v1 =	vor.u32 v63, v62  }
0x10f: {  	v63 =	vor.u32 $0xC003, v0;
	v3 =	vld.idx.msk [tilespmem:v3+s10+$0x0], $0xffff  }
0x110: {  	v4 =	vor.u32 v63, v62  }
0x111: {  	v63 =	vor.u32 $0xC004, v0;
	v2 =	vld.idx.msk [tilespmem:v2+s10+$0x0], $0xffff  }
0x112: {  	v5 =	vor.u32 v63, v62  }
0x113: {  	v6 =	vor.u32 $0xC005, v0;
	v1 =	vld.idx.msk [tilespmem:v1+s10+$0x0], $0xffff  }
0x114: {  	v6 =	vor.u32 v6, v62;
	v3 =	vmul.f32 v3, v29  }
0x115: {  	v7 =	vor.u32 $0xC006, v0;
	v4 =	vld.idx.msk [tilespmem:v4+s10+$0x0], $0xffff  }
0x116: {  	v7 =	vor.u32 v7, v62;
	v3 =	vadd.f32 v3, v61;
	v2 =	vmul.f32 v2, v30  }
0x117: {  	v63 =	vor.u32 $0xC007, v0;
	v5 =	vld.idx.msk [tilespmem:v5+s10+$0x0], $0xffff  }
0x118: {  	v2 =	vadd.f32 v2, v3;
	v1 =	vmul.f32 v1, v31;
	v3 =	vor.u32 v63, v62  }
0x119: {  	v6 =	vld.idx.msk [tilespmem:v6+s10+$0x0], $0xffff;
	v63 =	vor.u32 $0xC008, v0  }
0x11a: {  	v1 =	vadd.f32 v1, v2;
	v2 =	vmul.f32 v4, v32;
	v4 =	vor.u32 v63, v62  }
0x11b: {  	v7 =	vld.idx.msk [tilespmem:v7+s10+$0x0], $0xffff;
	v63 =	vor.u32 $0xC009, v0  }
0x11c: {  	v1 =	vadd.f32 v2, v1;
	v2 =	vmul.f32 v5, v33;
	v5 =	vor.u32 v63, v62  }
0x11d: {  	v63 =	vor.u32 $0xC00A, v0;
	v3 =	vld.idx.msk [tilespmem:v3+s10+$0x0], $0xffff  }
0x11e: {  	v1 =	vadd.f32 v2, v1;
	v2 =	vmul.f32 v6, v34;
	v6 =	vor.u32 v63, v62  }
0x11f: {  	v63 =	vor.u32 $0xC00B, v0;
	v4 =	vld.idx.msk [tilespmem:v4+s10+$0x0], $0xffff  }
0x120: {  	v1 =	vadd.f32 v2, v1;
	v2 =	vmul.f32 v7, v35;
	v7 =	vor.u32 v63, v62  }
0x121: {  	v63 =	vor.u32 $0xC00C, v0;
	v5 =	vld.idx.msk [tilespmem:v5+s10+$0x0], $0xffff  }
0x122: {  	v1 =	vadd.f32 v2, v1;
	v2 =	vmul.f32 v3, v36;
	v3 =	vor.u32 v63, v62  }
0x123: {  	v63 =	vor.u32 $0xC00D, v0;
	v6 =	vld.idx.msk [tilespmem:v6+s10+$0x0], $0xffff  }
0x124: {  	v1 =	vadd.f32 v2, v1;
	v2 =	vmul.f32 v4, v37;
	v4 =	vor.u32 v63, v62  }
0x125: {  	v63 =	vor.u32 $0xC00E, v0;
	v7 =	vld.idx.msk [tilespmem:v7+s10+$0x0], $0xffff  }
0x126: {  	v1 =	vadd.f32 v2, v1;
	v2 =	vmul.f32 v5, v38;
	v5 =	vor.u32 v63, v62  }
0x127: {  	v63 =	vor.u32 $0xC00F, v0;
	v3 =	vld.idx.msk [tilespmem:v3+s10+$0x0], $0xffff  }
0x128: {  	v1 =	vadd.f32 v2, v1;
	v2 =	vmul.f32 v6, v39;
	v6 =	vor.u32 v63, v62  }
0x129: {  	v63 =	vor.u32 $0xC010, v0;
	v4 =	vld.idx.msk [tilespmem:v4+s10+$0x0], $0xffff  }
0x12a: {  	v1 =	vadd.f32 v2, v1;
	v2 =	vmul.f32 v7, v40;
	v7 =	vor.u32 v63, v62  }
0x12b: {  	v63 =	vor.u32 $0xC011, v0;
	v5 =	vld.idx.msk [tilespmem:v5+s10+$0x0], $0xffff  }
0x12c: {  	v1 =	vadd.f32 v2, v1;
	v2 =	vmul.f32 v3, v41;
	v3 =	vor.u32 v63, v62  }
0x12d: {  	v63 =	vor.u32 $0xC012, v0;
	v6 =	vld.idx.msk [tilespmem:v6+s10+$0x0], $0xffff  }
0x12e: {  	v1 =	vadd.f32 v2, v1;
	v2 =	vmul.f32 v4, v42;
	v4 =	vor.u32 v63, v62  }
0x12f: {  	v63 =	vor.u32 $0xC013, v0;
	v7 =	vld.idx.msk [tilespmem:v7+s10+$0x0], $0xffff  }
0x130: {  	v1 =	vadd.f32 v2, v1;
	v2 =	vmul.f32 v5, v43;
	v5 =	vor.u32 v63, v62  }
0x131: {  	v63 =	vor.u32 $0xC014, v0;
	v3 =	vld.idx.msk [tilespmem:v3+s10+$0x0], $0xffff  }
0x132: {  	v1 =	vadd.f32 v2, v1;
	v2 =	vmul.f32 v6, v44;
	v6 =	vor.u32 v63, v62  }
0x133: {  	v63 =	vor.u32 $0xC015, v0;
	v4 =	vld.idx.msk [tilespmem:v4+s10+$0x0], $0xffff  }
0x134: {  	v1 =	vadd.f32 v2, v1;
	v2 =	vmul.f32 v7, v45;
	v7 =	vor.u32 v63, v62  }
0x135: {  	v63 =	vor.u32 $0xC016, v0;
	v5 =	vld.idx.msk [tilespmem:v5+s10+$0x0], $0xffff  }
0x136: {  	v1 =	vadd.f32 v2, v1;
	v2 =	vmul.f32 v3, v46;
	v3 =	vor.u32 v63, v62  }
0x137: {  	v63 =	vor.u32 $0xC017, v0;
	v6 =	vld.idx.msk [tilespmem:v6+s10+$0x0], $0xffff  }
0x138: {  	v1 =	vadd.f32 v2, v1;
	v2 =	vmul.f32 v4, v47;
	v4 =	vor.u32 v63, v62  }
0x139: {  	v63 =	vor.u32 $0xC018, v0;
	v7 =	vld.idx.msk [tilespmem:v7+s10+$0x0], $0xffff  }
0x13a: {  	v1 =	vadd.f32 v2, v1;
	v2 =	vmul.f32 v5, v48;
	v5 =	vor.u32 v63, v62  }
0x13b: {  	v63 =	vor.u32 $0xC019, v0;
	v3 =	vld.idx.msk [tilespmem:v3+s10+$0x0], $0xffff  }
0x13c: {  	v1 =	vadd.f32 v2, v1;
	v2 =	vmul.f32 v6, v49;
	v6 =	vor.u32 v63, v62  }
0x13d: {  	v63 =	vor.u32 $0xC01A, v0;
	v4 =	vld.idx.msk [tilespmem:v4+s10+$0x0], $0xffff  }
0x13e: {  	v1 =	vadd.f32 v2, v1;
	v2 =	vmul.f32 v7, v50;
	v7 =	vor.u32 v63, v62  }
0x13f: {  	v63 =	vor.u32 $0xC01B, v0;
	v5 =	vld.idx.msk [tilespmem:v5+s10+$0x0], $0xffff  }
0x140: {  	v1 =	vadd.f32 v2, v1;
	v2 =	vmul.f32 v3, v51;
	v3 =	vor.u32 v63, v62  }
0x141: {  	v63 =	vor.u32 $0xC01C, v0;
	v6 =	vld.idx.msk [tilespmem:v6+s10+$0x0], $0xffff  }
0x142: {  	v1 =	vadd.f32 v2, v1;
	v2 =	vmul.f32 v4, v52;
	v4 =	vor.u32 v63, v62  }
0x143: {  	v63 =	vor.u32 $0xC01D, v0;
	v7 =	vld.idx.msk [tilespmem:v7+s10+$0x0], $0xffff  }
0x144: {  	v1 =	vadd.f32 v2, v1;
	v2 =	vmul.f32 v5, v53;
	v5 =	vor.u32 v63, v62  }
0x145: {  	v63 =	vor.u32 $0xC01E, v0;
	v3 =	vld.idx.msk [tilespmem:v3+s10+$0x0], $0xffff  }
0x146: {  	v1 =	vadd.f32 v2, v1;
	v2 =	vmul.f32 v6, v54;
	v6 =	vor.u32 v63, v62  }
0x147: {  	v63 =	vor.u32 $0xC01F, v0;
	v4 =	vld.idx.msk [tilespmem:v4+s10+$0x0], $0xffff  }
0x148: {  	v1 =	vadd.f32 v2, v1;
	v2 =	vor.u32 v63, v62;
	v7 =	vmul.f32 v7, v55  }
0x149: {  	v5 =	vld.idx.msk [tilespmem:v5+s10+$0x0], $0xffff  }
0x14a: {  	v1 =	vadd.f32 v7, v1;
	v3 =	vmul.f32 v3, v56  }
0x14b: {  	v6 =	vld.idx.msk [tilespmem:v6+s10+$0x0], $0xffff  }
0x14c: {  	v1 =	vadd.f32 v3, v1;
	v3 =	vmul.f32 v4, v57  }
0x14d: {  	v2 =	vld.idx.msk [tilespmem:v2+s10+$0x0], $0xffff  }
0x14e: {  	v1 =	vadd.f32 v3, v1;
	v3 =	vmul.f32 v5, v58;
	_ =	sdelay $0x1  }
0x14f: {  	s20 =	sadd.s32 $0x100, s20;
	v1 =	vadd.f32 v3, v1;
	v3 =	vmul.f32 v6, v59  }
0x150: {  	p0 =	sne.s32 s20, $0x800  }
.Ltmp4:
0x151: {  	v1 =	vadd.f32 v3, v1;
	v2 =	vmul.f32 v2, v60;
	(pc) =	sbr.rel @!p0 .LBB2_7-.Ltmp4, $3  }
0x152: {  	_ = 	snop  }
0x153: {  	v1 =	vadd.f32 v2, v1;
	_ =	sdelay $0x1  }
0x154: {  	[tilespmem:s21+$0x106B0] =	vst v1  }
.LBB2_4:
0x155: {  	s21 =	sshra.s32 s20, $0x2  }
0x156: {  	v62 =	vld [tilespmem:s21+$0x220];
	_ =	sdelay $0x4  }
0x157: {  	v62 =	vshll.u32 v62, $0x7  }
0x158: {  	(v2sf) =	vpush v62, $0x0;
	_ =	sdelay $0x1  }
0x159: {  	(v2sf) =	vpush v62, $0x1;
	_ =	sdelay $0x4  }
0x15a: {  	(v2sf) =	vpush v62, $0x2;
	_ =	sdelay $0x3  }
0x15b: {  	(v2sf) =	vpush v62, $0x3;
	_ =	sdelay $0x3  }
0x15c: {  	s22 =	spop (v2sf);
	(v2sf) =	vpush v62, $0x4  }
0x15d: {  	s22 =	sand.u32 $0x1FFFFF80, s22  }
0x15e: {  	s24 =	spop (v2sf);
	s22 =	sadd.s32 s3, s22  }
0x15f: {  	[tilespmem:s23], [sflag:$0x2] =	stream.linear.gather [hbm4b:s22+s2], $0x400, $0x38;
	[tilespmem:$0x10880] =	vst v63  }
0x160: {  	(v2sf) =	vpush v62, $0x5;
	s22 =	sand.u32 $0x1FFFFF80, s24  }
0x161: {  	s24 =	simm.s32 $0x8800;
	s22 =	sadd.s32 s3, s22  }
0x162: {  	[tilespmem:s24], [sflag:$0x2] =	stream.linear.gather [hbm4b:s22+s2], $0x400, $0x38;
	[tilespmem:$0x10880] =	vst v63  }
0x163: {  	s24 =	spop (v2sf)  }
0x164: {  	(v2sf) =	vpush v62, $0x6;
	s22 =	sand.u32 $0x1FFFFF80, s24  }
0x165: {  	s24 =	simm.s32 $0x8C00;
	s22 =	sadd.s32 s3, s22  }
0x166: {  	[tilespmem:s24], [sflag:$0x2] =	stream.linear.gather [hbm4b:s22+s2], $0x400, $0x38;
	[tilespmem:$0x10880] =	vst v63  }
0x167: {  	s24 =	spop (v2sf)  }
0x168: {  	(v2sf) =	vpush v62, $0x7;
	s22 =	sand.u32 $0x1FFFFF80, s24  }
0x169: {  	s24 =	simm.s32 $0x9000;
	s22 =	sadd.s32 s3, s22  }
0x16a: {  	[tilespmem:s24], [sflag:$0x2] =	stream.linear.gather [hbm4b:s22+s2], $0x400, $0x38;
	[tilespmem:$0x10880] =	vst v63  }
0x16b: {  	s24 =	spop (v2sf)  }
0x16c: {  	(v2sf) =	vpush v62, $0x8;
	s22 =	sand.u32 $0x1FFFFF80, s24  }
0x16d: {  	s24 =	simm.s32 $0x9400;
	s22 =	sadd.s32 s3, s22  }
0x16e: {  	[tilespmem:s24], [sflag:$0x2] =	stream.linear.gather [hbm4b:s22+s2], $0x400, $0x38;
	[tilespmem:$0x10880] =	vst v63  }
0x16f: {  	s24 =	spop (v2sf)  }
0x170: {  	(v2sf) =	vpush v62, $0x9;
	s22 =	sand.u32 $0x1FFFFF80, s24  }
0x171: {  	s24 =	simm.s32 $0x9800;
	s22 =	sadd.s32 s3, s22  }
0x172: {  	[tilespmem:s24], [sflag:$0x2] =	stream.linear.gather [hbm4b:s22+s2], $0x400, $0x38;
	[tilespmem:$0x10880] =	vst v63  }
0x173: {  	s24 =	spop (v2sf)  }
0x174: {  	(v2sf) =	vpush v62, $0xA;
	s22 =	sand.u32 $0x1FFFFF80, s24  }
0x175: {  	s24 =	simm.s32 $0x9C00;
	s22 =	sadd.s32 s3, s22  }
0x176: {  	[tilespmem:s24], [sflag:$0x2] =	stream.linear.gather [hbm4b:s22+s2], $0x400, $0x38;
	[tilespmem:$0x10880] =	vst v63  }
0x177: {  	s24 =	spop (v2sf)  }
0x178: {  	(v2sf) =	vpush v62, $0xB;
	s22 =	sand.u32 $0x1FFFFF80, s24  }
0x179: {  	s24 =	simm.s32 $0xA000;
	s22 =	sadd.s32 s3, s22  }
0x17a: {  	[tilespmem:s24], [sflag:$0x2] =	stream.linear.gather [hbm4b:s22+s2], $0x400, $0x38;
	[tilespmem:$0x10880] =	vst v63  }
0x17b: {  	s24 =	spop (v2sf)  }
0x17c: {  	(v2sf) =	vpush v62, $0xC;
	s22 =	sand.u32 $0x1FFFFF80, s24  }
0x17d: {  	s24 =	simm.s32 $0xA400;
	s22 =	sadd.s32 s3, s22  }
0x17e: {  	[tilespmem:s24], [sflag:$0x2] =	stream.linear.gather [hbm4b:s22+s2], $0x400, $0x38;
	[tilespmem:$0x10880] =	vst v63  }
0x17f: {  	s24 =	spop (v2sf)  }
0x180: {  	(v2sf) =	vpush v62, $0xD;
	s22 =	sand.u32 $0x1FFFFF80, s24  }
0x181: {  	s24 =	simm.s32 $0xA800;
	s22 =	sadd.s32 s3, s22  }
0x182: {  	[tilespmem:s24], [sflag:$0x2] =	stream.linear.gather [hbm4b:s22+s2], $0x400, $0x38;
	[tilespmem:$0x10880] =	vst v63  }
0x183: {  	s24 =	spop (v2sf)  }
0x184: {  	(v2sf) =	vpush v62, $0xE;
	s22 =	sand.u32 $0x1FFFFF80, s24  }
0x185: {  	s24 =	simm.s32 $0xAC00;
	s22 =	sadd.s32 s3, s22  }
0x186: {  	[tilespmem:s24], [sflag:$0x2] =	stream.linear.gather [hbm4b:s22+s2], $0x400, $0x38;
	[tilespmem:$0x10880] =	vst v63  }
0x187: {  	s24 =	spop (v2sf)  }
0x188: {  	(v2sf) =	vpush v62, $0xF;
	s22 =	sand.u32 $0x1FFFFF80, s24  }
0x189: {  	s22 =	sadd.s32 s3, s22  }
0x18a: {  	[tilespmem:s25], [sflag:$0x2] =	stream.linear.gather [hbm4b:s22+s2], $0x400, $0x38;
	[tilespmem:$0x10880] =	vst v63  }
0x18b: {  	s24 =	spop (v2sf)  }
0x18c: {  	s22 =	sand.u32 $0x1FFFFF80, s24  }
0x18d: {  	s22 =	sadd.s32 s3, s22  }
0x18e: {  	[tilespmem:s26], [sflag:$0x2] =	stream.linear.gather [hbm4b:s22+s2], $0x400, $0x38;
	[tilespmem:$0x10880] =	vst v63  }
0x18f: {  	s24 =	spop (v2sf)  }
0x190: {  	s22 =	sand.u32 $0x1FFFFF80, s24  }
0x191: {  	s22 =	sadd.s32 s3, s22  }
0x192: {  	[tilespmem:s28], [sflag:$0x2] =	stream.linear.gather [hbm4b:s22+s2], $0x400, $0x38;
	[tilespmem:$0x10880] =	vst v63  }
0x193: {  	s24 =	spop (v2sf)  }
0x194: {  	s22 =	sand.u32 $0x1FFFFF80, s24  }
0x195: {  	s22 =	sadd.s32 s3, s22  }
0x196: {  	[tilespmem:s29], [sflag:$0x2] =	stream.linear.gather [hbm4b:s22+s2], $0x400, $0x38;
	[tilespmem:$0x10880] =	vst v63  }
0x197: {  	s24 =	spop (v2sf)  }
0x198: {  	s22 =	sand.u32 $0x1FFFFF80, s24  }
0x199: {  	s22 =	sadd.s32 s3, s22  }
0x19a: {  	[tilespmem:s30], [sflag:$0x2] =	stream.linear.gather [hbm4b:s22+s2], $0x400, $0x38;
	[tilespmem:$0x10880] =	vst v63  }
0x19b: {  	v4 =	vld [tilespmem:s21+$0x230];
	_ =	sdelay $0x4  }
0x19c: {  	v62 =	vshll.u32 v4, $0x7  }
0x19d: {  	(v2sf) =	vpush v62, $0x0;
	_ =	sdelay $0x1  }
0x19e: {  	(v2sf) =	vpush v62, $0x1;
	_ =	sdelay $0x2  }
0x19f: {  	(v2sf) =	vpush v62, $0x2;
	_ =	sdelay $0x2  }
0x1a0: {  	(v2sf) =	vpush v62, $0x3;
	_ =	sdelay $0x6  }
0x1a1: {  	s24 =	spop (v2sf);
	(v2sf) =	vpush v62, $0x4;
	_ =	sdelay $0x1  }
0x1a2: {  	s22 =	sand.u32 $0x1FFFFF80, s24;
	s24 =	spop (v2sf);
	(v2sf) =	vpush v62, $0x5  }
0x1a3: {  	s22 =	sadd.s32 s3, s22  }
0x1a4: {  	[tilespmem:s31], [sflag:$0x2] =	stream.linear.gather [hbm4b:s22+s2], $0x400, $0x38;
	[tilespmem:$0x10880] =	vst v63  }
0x1a5: {  	s22 =	sand.u32 $0x1FFFFF80, s24;
	s24 =	spop (v2sf);
	(v2sf) =	vpush v62, $0x6  }
0x1a6: {  	s22 =	sadd.s32 s3, s22  }
0x1a7: {  	[tilespmem:s0], [sflag:$0x2] =	stream.linear.gather [hbm4b:s22+s2], $0x400, $0x38;
	[tilespmem:$0x10880] =	vst v63  }
0x1a8: {  	s22 =	sand.u32 $0x1FFFFF80, s24;
	s24 =	spop (v2sf);
	(v2sf) =	vpush v62, $0x7;
	_ =	sdelay $0x3  }
0x1a9: {  	s22 =	sadd.s32 s3, s22  }
0x1aa: {  	[tilespmem:s1], [sflag:$0x2] =	stream.linear.gather [hbm4b:s22+s2], $0x400, $0x38;
	[tilespmem:$0x10880] =	vst v63  }
0x1ab: {  	s22 =	sand.u32 $0x1FFFFF80, s24  }
0x1ac: {  	s22 =	sadd.s32 s3, s22;
	s24 =	spop (v2sf);
	(v2sf) =	vpush v62, $0x8  }
0x1ad: {  	[tilespmem:s9], [sflag:$0x2] =	stream.linear.gather [hbm4b:s22+s2], $0x400, $0x38;
	[tilespmem:$0x10880] =	vst v63  }
0x1ae: {  	s22 =	sand.u32 $0x1FFFFF80, s24;
	s24 =	spop (v2sf);
	(v2sf) =	vpush v62, $0x9  }
0x1af: {  	s22 =	sadd.s32 s3, s22  }
0x1b0: {  	[tilespmem:s4], [sflag:$0x2] =	stream.linear.gather [hbm4b:s22+s2], $0x400, $0x38;
	[tilespmem:$0x10880] =	vst v63  }
0x1b1: {  	s22 =	sand.u32 $0x1FFFFF80, s24;
	s24 =	spop (v2sf);
	(v2sf) =	vpush v62, $0xA  }
0x1b2: {  	s22 =	sadd.s32 s3, s22  }
0x1b3: {  	[tilespmem:s5], [sflag:$0x2] =	stream.linear.gather [hbm4b:s22+s2], $0x400, $0x38;
	[tilespmem:$0x10880] =	vst v63  }
0x1b4: {  	s22 =	sand.u32 $0x1FFFFF80, s24;
	s24 =	spop (v2sf);
	(v2sf) =	vpush v62, $0xB;
	_ =	sdelay $0x3  }
0x1b5: {  	s22 =	sadd.s32 s3, s22  }
0x1b6: {  	[tilespmem:s6], [sflag:$0x2] =	stream.linear.gather [hbm4b:s22+s2], $0x400, $0x38;
	[tilespmem:$0x10880] =	vst v63  }
0x1b7: {  	s22 =	sand.u32 $0x1FFFFF80, s24  }
0x1b8: {  	s22 =	sadd.s32 s3, s22;
	s24 =	spop (v2sf);
	(v2sf) =	vpush v62, $0xC  }
0x1b9: {  	[tilespmem:s7], [sflag:$0x2] =	stream.linear.gather [hbm4b:s22+s2], $0x400, $0x38;
	[tilespmem:$0x10880] =	vst v63  }
0x1ba: {  	s22 =	sand.u32 $0x1FFFFF80, s24;
	s24 =	spop (v2sf);
	(v2sf) =	vpush v62, $0xD  }
0x1bb: {  	s22 =	sadd.s32 s3, s22  }
0x1bc: {  	[tilespmem:s8], [sflag:$0x2] =	stream.linear.gather [hbm4b:s22+s2], $0x400, $0x38;
	[tilespmem:$0x10880] =	vst v63  }
0x1bd: {  	s22 =	sand.u32 $0x1FFFFF80, s24;
	s24 =	spop (v2sf);
	(v2sf) =	vpush v62, $0xE  }
0x1be: {  	s22 =	sadd.s32 s3, s22  }
0x1bf: {  	[tilespmem:s11], [sflag:$0x2] =	stream.linear.gather [hbm4b:s22+s2], $0x400, $0x38;
	[tilespmem:$0x10880] =	vst v63  }
0x1c0: {  	s22 =	sand.u32 $0x1FFFFF80, s24;
	s24 =	spop (v2sf);
	(v2sf) =	vpush v62, $0xF;
	_ =	sdelay $0x1  }
0x1c1: {  	s22 =	sadd.s32 s3, s22  }
0x1c2: {  	[tilespmem:s12], [sflag:$0x2] =	stream.linear.gather [hbm4b:s22+s2], $0x400, $0x38;
	[tilespmem:$0x10880] =	vst v63  }
0x1c3: {  	s22 =	sand.u32 $0x1FFFFF80, s24  }
0x1c4: {  	s22 =	sadd.s32 s3, s22  }
0x1c5: {  	[tilespmem:s13], [sflag:$0x2] =	stream.linear.gather [hbm4b:s22+s2], $0x400, $0x38;
	[tilespmem:$0x10880] =	vst v63  }
0x1c6: {  	s24 =	spop (v2sf)  }
0x1c7: {  	s22 =	sand.u32 $0x1FFFFF80, s24  }
0x1c8: {  	s24 =	spop (v2sf);
	s22 =	sadd.s32 s3, s22  }
0x1c9: {  	[tilespmem:s14], [sflag:$0x2] =	stream.linear.gather [hbm4b:s22+s2], $0x400, $0x38;
	[tilespmem:$0x10880] =	vst v63  }
0x1ca: {  	s22 =	sand.u32 $0x1FFFFF80, s24  }
0x1cb: {  	s24 =	spop (v2sf);
	s22 =	sadd.s32 s3, s22  }
0x1cc: {  	[tilespmem:s15], [sflag:$0x2] =	stream.linear.gather [hbm4b:s22+s2], $0x400, $0x38;
	[tilespmem:$0x10880] =	vst v63  }
0x1cd: {  	s22 =	sand.u32 $0x1FFFFF80, s24  }
0x1ce: {  	s24 =	spop (v2sf);
	s22 =	sadd.s32 s3, s22  }
0x1cf: {  	[tilespmem:s16], [sflag:$0x2] =	stream.linear.gather [hbm4b:s22+s2], $0x400, $0x38;
	[tilespmem:$0x10880] =	vst v63  }
0x1d0: {  	s22 =	sand.u32 $0x1FFFFF80, s24  }
0x1d1: {  	s22 =	sadd.s32 s3, s22  }
0x1d2: {  	[tilespmem:s17], [sflag:$0x2] =	stream.linear.gather [hbm4b:s22+s2], $0x400, $0x38;
	[tilespmem:$0x10880] =	vst v63  }
0x1d3: {  	_ =	swait.ge [sflag:s18], $0x8000  }
0x1d4: {  	[sflag:s18] =	ssyncset.done $0x0  }
0x1d5: {  	[sflag:s18] =	ssyncadd.s32 $0xFFFF8000  }
0x1d6: {  	v5 =	vld [tilespmem:s21+$0x0];
	_ =	sdelay $0x3  }
0x1d7: {  	v1 =	vld [tilespmem:$0x1FF90]  }
0x1d8: {  	v62 =	vshll.u32 v5, $0x7  }
0x1d9: {  	v2 =	vld [tilespmem:$0x1FFA0];
	v62 =	vand.u32 $0x380, v62  }
0x1da: {  	v63 =	vor.u32 v0, v62  }
0x1db: {  	v3 =	vld [tilespmem:$0x1FFB0]  }
0x1dc: {  	v1 =	vor.u32 v1, v62  }
0x1dd: {  	v4 =	vld [tilespmem:$0x1FFC0]  }
0x1de: {  	v5 =	vld [tilespmem:$0x1FFD0];
	v2 =	vor.u32 v2, v62  }
0x1df: {  	v63 =	vld.idx.msk [tilespmem:v63+s10+$0x0], $0xffff  }
0x1e0: {  	v6 =	vld [tilespmem:$0x1FFE0];
	v3 =	vor.u32 v3, v62  }
0x1e1: {  	v1 =	vld.idx.msk [tilespmem:v1+s10+$0x0], $0xffff  }
0x1e2: {  	v7 =	vld [tilespmem:$0x1FFF0];
	v4 =	vor.u32 v4, v62  }
0x1e3: {  	v2 =	vld.idx.msk [tilespmem:v2+s10+$0x0], $0xffff  }
0x1e4: {  	v5 =	vor.u32 v5, v62;
	v63 =	vmul.f32 v63, v29  }
0x1e5: {  	v3 =	vld.idx.msk [tilespmem:v3+s10+$0x0], $0xffff  }
0x1e6: {  	v6 =	vor.u32 v6, v62;
	v1 =	vmul.f32 v1, v30;
	v63 =	vadd.f32 v63, v61  }
0x1e7: {  	v4 =	vld.idx.msk [tilespmem:v4+s10+$0x0], $0xffff  }
0x1e8: {  	v2 =	vmul.f32 v2, v31;
	v1 =	vadd.f32 v1, v63;
	v63 =	vor.u32 v7, v62  }
0x1e9: {  	v5 =	vld.idx.msk [tilespmem:v5+s10+$0x0], $0xffff  }
0x1ea: {  	v1 =	vadd.f32 v2, v1;
	v2 =	vmul.f32 v3, v32;
	v3 =	vor.u32 v8, v62  }
0x1eb: {  	v6 =	vld.idx.msk [tilespmem:v6+s10+$0x0], $0xffff  }
0x1ec: {  	v1 =	vadd.f32 v2, v1;
	v2 =	vmul.f32 v4, v33;
	v4 =	vor.u32 v9, v62  }
0x1ed: {  	v63 =	vld.idx.msk [tilespmem:v63+s10+$0x0], $0xffff  }
0x1ee: {  	v1 =	vadd.f32 v2, v1;
	v2 =	vmul.f32 v5, v34;
	v5 =	vor.u32 v10, v62  }
0x1ef: {  	v3 =	vld.idx.msk [tilespmem:v3+s10+$0x0], $0xffff  }
0x1f0: {  	v1 =	vadd.f32 v2, v1;
	v2 =	vmul.f32 v6, v35;
	v6 =	vor.u32 v11, v62  }
0x1f1: {  	v4 =	vld.idx.msk [tilespmem:v4+s10+$0x0], $0xffff  }
0x1f2: {  	v1 =	vadd.f32 v2, v1;
	v2 =	vmul.f32 v63, v36;
	v63 =	vor.u32 v12, v62  }
0x1f3: {  	v5 =	vld.idx.msk [tilespmem:v5+s10+$0x0], $0xffff  }
0x1f4: {  	v1 =	vadd.f32 v2, v1;
	v2 =	vmul.f32 v3, v37;
	v3 =	vor.u32 v13, v62  }
0x1f5: {  	v6 =	vld.idx.msk [tilespmem:v6+s10+$0x0], $0xffff  }
0x1f6: {  	v1 =	vadd.f32 v2, v1;
	v2 =	vmul.f32 v4, v38;
	v4 =	vor.u32 v14, v62  }
0x1f7: {  	v63 =	vld.idx.msk [tilespmem:v63+s10+$0x0], $0xffff  }
0x1f8: {  	v1 =	vadd.f32 v2, v1;
	v2 =	vmul.f32 v5, v39;
	v5 =	vor.u32 v15, v62  }
0x1f9: {  	v3 =	vld.idx.msk [tilespmem:v3+s10+$0x0], $0xffff  }
0x1fa: {  	v1 =	vadd.f32 v2, v1;
	v2 =	vmul.f32 v6, v40;
	v6 =	vor.u32 v16, v62  }
0x1fb: {  	v4 =	vld.idx.msk [tilespmem:v4+s10+$0x0], $0xffff  }
0x1fc: {  	v1 =	vadd.f32 v2, v1;
	v2 =	vmul.f32 v63, v41;
	v63 =	vor.u32 v17, v62  }
0x1fd: {  	v5 =	vld.idx.msk [tilespmem:v5+s10+$0x0], $0xffff  }
0x1fe: {  	v1 =	vadd.f32 v2, v1;
	v2 =	vmul.f32 v3, v42;
	v3 =	vor.u32 v18, v62  }
0x1ff: {  	v6 =	vld.idx.msk [tilespmem:v6+s10+$0x0], $0xffff  }
0x200: {  	v1 =	vadd.f32 v2, v1;
	v2 =	vmul.f32 v4, v43;
	v4 =	vor.u32 v19, v62  }
0x201: {  	v63 =	vld.idx.msk [tilespmem:v63+s10+$0x0], $0xffff  }
0x202: {  	v1 =	vadd.f32 v2, v1;
	v2 =	vmul.f32 v5, v44;
	v5 =	vor.u32 v20, v62  }
0x203: {  	v3 =	vld.idx.msk [tilespmem:v3+s10+$0x0], $0xffff  }
0x204: {  	v1 =	vadd.f32 v2, v1;
	v2 =	vmul.f32 v6, v45;
	v6 =	vor.u32 v21, v62  }
0x205: {  	v4 =	vld.idx.msk [tilespmem:v4+s10+$0x0], $0xffff  }
0x206: {  	v1 =	vadd.f32 v2, v1;
	v2 =	vmul.f32 v63, v46;
	v63 =	vor.u32 v22, v62  }
0x207: {  	v5 =	vld.idx.msk [tilespmem:v5+s10+$0x0], $0xffff  }
0x208: {  	v1 =	vadd.f32 v2, v1;
	v2 =	vmul.f32 v3, v47;
	v3 =	vor.u32 v23, v62  }
0x209: {  	v6 =	vld.idx.msk [tilespmem:v6+s10+$0x0], $0xffff  }
0x20a: {  	v1 =	vadd.f32 v2, v1;
	v2 =	vmul.f32 v4, v48  }
0x20b: {  	v4 =	vld.idx.msk [tilespmem:v63+s10+$0x0], $0xffff;
	v63 =	vor.u32 v24, v62  }
0x20c: {  	v1 =	vadd.f32 v2, v1;
	v2 =	vmul.f32 v5, v49  }
0x20d: {  	v5 =	vor.u32 v25, v62;
	v3 =	vld.idx.msk [tilespmem:v3+s10+$0x0], $0xffff  }
0x20e: {  	v1 =	vadd.f32 v2, v1;
	v2 =	vmul.f32 v6, v50  }
0x20f: {  	v6 =	vor.u32 v26, v62  }
0x210: {  	v1 =	vadd.f32 v2, v1;
	v2 =	vmul.f32 v4, v51;
	v4 =	vld.idx.msk [tilespmem:v63+s10+$0x0], $0xffff  }
0x211: {  	v63 =	vor.u32 v27, v62  }
0x212: {  	v1 =	vadd.f32 v2, v1;
	v2 =	vmul.f32 v3, v52;
	v3 =	vld.idx.msk [tilespmem:v5+s10+$0x0], $0xffff  }
0x213: {  	v5 =	vor.u32 v28, v62  }
0x214: {  	v1 =	vadd.f32 v2, v1;
	v2 =	vld.idx.msk [tilespmem:v6+s10+$0x0], $0xffff;
	v6 =	vor.u32 $0x1D, v0  }
0x215: {  	v7 =	vor.u32 $0x1E, v0;
	v4 =	vmul.f32 v4, v53;
	v6 =	vor.u32 v6, v62  }
0x216: {  	v7 =	vor.u32 v7, v62;
	v63 =	vld.idx.msk [tilespmem:v63+s10+$0x0], $0xffff  }
0x217: {  	v1 =	vadd.f32 v4, v1;
	v3 =	vmul.f32 v3, v54  }
0x218: {  	v4 =	vld.idx.msk [tilespmem:v5+s10+$0x0], $0xffff;
	v5 =	vor.u32 $0x1F, v0  }
0x219: {  	v1 =	vadd.f32 v3, v1;
	v2 =	vmul.f32 v2, v55;
	v3 =	vor.u32 v5, v62  }
0x21a: {  	v62 =	vld.idx.msk [tilespmem:v6+s10+$0x0], $0xffff  }
0x21b: {  	v6 =	vld.idx.msk [tilespmem:v7+s10+$0x0], $0xffff;
	v1 =	vadd.f32 v2, v1;
	v2 =	vmul.f32 v63, v56  }
0x21c: {  	v7 =	vld [tilespmem:s21+$0x10]  }
0x21d: {  	v1 =	vadd.f32 v2, v1;
	v2 =	vmul.f32 v4, v57  }
0x21e: {  	v3 =	vld.idx.msk [tilespmem:v3+s10+$0x0], $0xffff  }
0x21f: {  	v1 =	vadd.f32 v2, v1;
	v2 =	vmul.f32 v62, v58;
	_ =	sdelay $0x1  }
0x220: {  	v62 =	vshll.u32 v7, $0x7;
	v1 =	vadd.f32 v2, v1;
	v2 =	vmul.f32 v6, v59  }
0x221: {  	v63 =	vor.u32 $0x4000, v0;
	v62 =	vand.u32 $0x380, v62  }
0x222: {  	v1 =	vadd.f32 v2, v1;
	v2 =	vmul.f32 v3, v60;
	v3 =	vor.u32 v63, v62  }
0x223: {  	v63 =	vor.u32 $0x4001, v0  }
0x224: {  	v1 =	vadd.f32 v2, v1;
	v2 =	vor.u32 v63, v62  }
0x225: {  	v63 =	vor.u32 $0x4002, v0  }
0x226: {  	[tilespmem:s21+$0x10680] =	vst v1;
	v1 =	vor.u32 v63, v62  }
0x227: {  	v63 =	vor.u32 $0x4003, v0;
	v3 =	vld.idx.msk [tilespmem:v3+s10+$0x0], $0xffff  }
0x228: {  	v4 =	vor.u32 v63, v62  }
0x229: {  	v63 =	vor.u32 $0x4004, v0;
	v2 =	vld.idx.msk [tilespmem:v2+s10+$0x0], $0xffff  }
0x22a: {  	v5 =	vor.u32 v63, v62  }
0x22b: {  	v6 =	vor.u32 $0x4005, v0;
	v1 =	vld.idx.msk [tilespmem:v1+s10+$0x0], $0xffff  }
0x22c: {  	v6 =	vor.u32 v6, v62;
	v3 =	vmul.f32 v3, v29  }
0x22d: {  	v7 =	vor.u32 $0x4006, v0;
	v4 =	vld.idx.msk [tilespmem:v4+s10+$0x0], $0xffff  }
0x22e: {  	v7 =	vor.u32 v7, v62;
	v3 =	vadd.f32 v3, v61;
	v2 =	vmul.f32 v2, v30  }
0x22f: {  	v63 =	vor.u32 $0x4007, v0;
	v5 =	vld.idx.msk [tilespmem:v5+s10+$0x0], $0xffff  }
0x230: {  	v2 =	vadd.f32 v2, v3;
	v1 =	vmul.f32 v1, v31;
	v3 =	vor.u32 v63, v62  }
0x231: {  	v6 =	vld.idx.msk [tilespmem:v6+s10+$0x0], $0xffff;
	v63 =	vor.u32 $0x4008, v0  }
0x232: {  	v1 =	vadd.f32 v1, v2;
	v2 =	vmul.f32 v4, v32;
	v4 =	vor.u32 v63, v62  }
0x233: {  	v7 =	vld.idx.msk [tilespmem:v7+s10+$0x0], $0xffff;
	v63 =	vor.u32 $0x4009, v0  }
0x234: {  	v1 =	vadd.f32 v2, v1;
	v2 =	vmul.f32 v5, v33;
	v5 =	vor.u32 v63, v62  }
0x235: {  	v63 =	vor.u32 $0x400A, v0;
	v3 =	vld.idx.msk [tilespmem:v3+s10+$0x0], $0xffff  }
0x236: {  	v1 =	vadd.f32 v2, v1;
	v2 =	vmul.f32 v6, v34;
	v6 =	vor.u32 v63, v62  }
0x237: {  	v63 =	vor.u32 $0x400B, v0;
	v4 =	vld.idx.msk [tilespmem:v4+s10+$0x0], $0xffff  }
0x238: {  	v1 =	vadd.f32 v2, v1;
	v2 =	vmul.f32 v7, v35;
	v7 =	vor.u32 v63, v62  }
0x239: {  	v63 =	vor.u32 $0x400C, v0;
	v5 =	vld.idx.msk [tilespmem:v5+s10+$0x0], $0xffff  }
0x23a: {  	v1 =	vadd.f32 v2, v1;
	v2 =	vmul.f32 v3, v36;
	v3 =	vor.u32 v63, v62  }
0x23b: {  	v63 =	vor.u32 $0x400D, v0;
	v6 =	vld.idx.msk [tilespmem:v6+s10+$0x0], $0xffff  }
0x23c: {  	v1 =	vadd.f32 v2, v1;
	v2 =	vmul.f32 v4, v37;
	v4 =	vor.u32 v63, v62  }
0x23d: {  	v63 =	vor.u32 $0x400E, v0;
	v7 =	vld.idx.msk [tilespmem:v7+s10+$0x0], $0xffff  }
0x23e: {  	v1 =	vadd.f32 v2, v1;
	v2 =	vmul.f32 v5, v38;
	v5 =	vor.u32 v63, v62  }
0x23f: {  	v63 =	vor.u32 $0x400F, v0;
	v3 =	vld.idx.msk [tilespmem:v3+s10+$0x0], $0xffff  }
0x240: {  	v1 =	vadd.f32 v2, v1;
	v2 =	vmul.f32 v6, v39;
	v6 =	vor.u32 v63, v62  }
0x241: {  	v63 =	vor.u32 $0x4010, v0;
	v4 =	vld.idx.msk [tilespmem:v4+s10+$0x0], $0xffff  }
0x242: {  	v1 =	vadd.f32 v2, v1;
	v2 =	vmul.f32 v7, v40;
	v7 =	vor.u32 v63, v62  }
0x243: {  	v63 =	vor.u32 $0x4011, v0;
	v5 =	vld.idx.msk [tilespmem:v5+s10+$0x0], $0xffff  }
0x244: {  	v1 =	vadd.f32 v2, v1;
	v2 =	vmul.f32 v3, v41;
	v3 =	vor.u32 v63, v62  }
0x245: {  	v63 =	vor.u32 $0x4012, v0;
	v6 =	vld.idx.msk [tilespmem:v6+s10+$0x0], $0xffff  }
0x246: {  	v1 =	vadd.f32 v2, v1;
	v2 =	vmul.f32 v4, v42;
	v4 =	vor.u32 v63, v62  }
0x247: {  	v63 =	vor.u32 $0x4013, v0;
	v7 =	vld.idx.msk [tilespmem:v7+s10+$0x0], $0xffff  }
0x248: {  	v1 =	vadd.f32 v2, v1;
	v2 =	vmul.f32 v5, v43;
	v5 =	vor.u32 v63, v62  }
0x249: {  	v63 =	vor.u32 $0x4014, v0;
	v3 =	vld.idx.msk [tilespmem:v3+s10+$0x0], $0xffff  }
0x24a: {  	v1 =	vadd.f32 v2, v1;
	v2 =	vmul.f32 v6, v44;
	v6 =	vor.u32 v63, v62  }
0x24b: {  	v63 =	vor.u32 $0x4015, v0;
	v4 =	vld.idx.msk [tilespmem:v4+s10+$0x0], $0xffff  }
0x24c: {  	v1 =	vadd.f32 v2, v1;
	v2 =	vmul.f32 v7, v45;
	v7 =	vor.u32 v63, v62  }
0x24d: {  	v63 =	vor.u32 $0x4016, v0;
	v5 =	vld.idx.msk [tilespmem:v5+s10+$0x0], $0xffff  }
0x24e: {  	v1 =	vadd.f32 v2, v1;
	v2 =	vmul.f32 v3, v46;
	v3 =	vor.u32 v63, v62  }
0x24f: {  	v63 =	vor.u32 $0x4017, v0;
	v6 =	vld.idx.msk [tilespmem:v6+s10+$0x0], $0xffff  }
0x250: {  	v1 =	vadd.f32 v2, v1;
	v2 =	vmul.f32 v4, v47;
	v4 =	vor.u32 v63, v62  }
0x251: {  	v63 =	vor.u32 $0x4018, v0;
	v7 =	vld.idx.msk [tilespmem:v7+s10+$0x0], $0xffff  }
0x252: {  	v1 =	vadd.f32 v2, v1;
	v2 =	vmul.f32 v5, v48;
	v5 =	vor.u32 v63, v62  }
0x253: {  	v63 =	vor.u32 $0x4019, v0;
	v3 =	vld.idx.msk [tilespmem:v3+s10+$0x0], $0xffff  }
0x254: {  	v1 =	vadd.f32 v2, v1;
	v2 =	vmul.f32 v6, v49;
	v6 =	vor.u32 v63, v62  }
0x255: {  	v63 =	vor.u32 $0x401A, v0;
	v4 =	vld.idx.msk [tilespmem:v4+s10+$0x0], $0xffff  }
0x256: {  	v1 =	vadd.f32 v2, v1;
	v2 =	vmul.f32 v7, v50;
	v7 =	vor.u32 v63, v62  }
0x257: {  	v63 =	vor.u32 $0x401B, v0;
	v5 =	vld.idx.msk [tilespmem:v5+s10+$0x0], $0xffff  }
0x258: {  	v1 =	vadd.f32 v2, v1;
	v2 =	vmul.f32 v3, v51;
	v3 =	vor.u32 v63, v62  }
0x259: {  	v63 =	vor.u32 $0x401C, v0;
	v6 =	vld.idx.msk [tilespmem:v6+s10+$0x0], $0xffff  }
0x25a: {  	v1 =	vadd.f32 v2, v1;
	v2 =	vmul.f32 v4, v52;
	v4 =	vor.u32 v63, v62  }
0x25b: {  	v63 =	vor.u32 $0x401D, v0;
	v7 =	vld.idx.msk [tilespmem:v7+s10+$0x0], $0xffff  }
0x25c: {  	v1 =	vadd.f32 v2, v1;
	v2 =	vmul.f32 v5, v53;
	v5 =	vor.u32 v63, v62  }
0x25d: {  	v63 =	vor.u32 $0x401E, v0;
	v3 =	vld.idx.msk [tilespmem:v3+s10+$0x0], $0xffff  }
0x25e: {  	v1 =	vadd.f32 v2, v1;
	v2 =	vmul.f32 v6, v54;
	v6 =	vor.u32 v63, v62  }
0x25f: {  	v63 =	vor.u32 $0x401F, v0;
	v4 =	vld.idx.msk [tilespmem:v4+s10+$0x0], $0xffff  }
0x260: {  	v1 =	vadd.f32 v2, v1;
	v2 =	vor.u32 v63, v62;
	v7 =	vmul.f32 v7, v55  }
0x261: {  	v5 =	vld.idx.msk [tilespmem:v5+s10+$0x0], $0xffff  }
0x262: {  	v1 =	vadd.f32 v7, v1;
	v3 =	vmul.f32 v3, v56  }
0x263: {  	v6 =	vld.idx.msk [tilespmem:v6+s10+$0x0], $0xffff  }
0x264: {  	v1 =	vadd.f32 v3, v1;
	v3 =	vmul.f32 v4, v57  }
0x265: {  	v2 =	vld.idx.msk [tilespmem:v2+s10+$0x0], $0xffff  }
0x266: {  	v1 =	vadd.f32 v3, v1;
	v3 =	vmul.f32 v5, v58;
	_ =	sdelay $0x1  }
0x267: {  	v1 =	vadd.f32 v3, v1;
	v3 =	vmul.f32 v6, v59  }
0x268: {  	p0 =	seq.s32 s20, $0x700  }
.Ltmp5:
0x269: {  	v1 =	vadd.f32 v3, v1;
	v2 =	vmul.f32 v2, v60;
	(pc) =	sbr.rel @p0 .LBB2_6-.Ltmp5, $3  }
0x26a: {  	_ = 	snop  }
0x26b: {  	v1 =	vadd.f32 v2, v1;
	_ =	sdelay $0x1  }
0x26c: {  	[tilespmem:s21+$0x10690] =	vst v1  }
0x26d: {  	v1 =	vld [tilespmem:s21+$0x240];
	_ =	sdelay $0x4  }
0x26e: {  	v1 =	vshll.u32 v1, $0x7  }
0x26f: {  	(v2sf) =	vpush v1, $0x0;
	_ =	sdelay $0x1  }
0x270: {  	(v2sf) =	vpush v1, $0x1;
	_ =	sdelay $0x4  }
0x271: {  	(v2sf) =	vpush v1, $0x2;
	_ =	sdelay $0x1  }
0x272: {  	(v2sf) =	vpush v1, $0x3;
	_ =	sdelay $0x5  }
0x273: {  	s22 =	spop (v2sf);
	(v2sf) =	vpush v1, $0x4  }
0x274: {  	s22 =	sand.u32 $0x1FFFFF80, s22  }
0x275: {  	s24 =	spop (v2sf);
	(v2sf) =	vpush v1, $0x5;
	s22 =	sadd.s32 s3, s22  }
0x276: {  	[tilespmem:s10], [sflag:$0x1] =	stream.linear.gather [hbm4b:s22+s2], $0x400, $0x38;
	[tilespmem:$0x10880] =	vst v63  }
0x277: {  	s22 =	sand.u32 $0x1FFFFF80, s24  }
0x278: {  	s23 =	simm.s32 $0x800;
	s22 =	sadd.s32 s3, s22  }
0x279: {  	[tilespmem:s23], [sflag:$0x1] =	stream.linear.gather [hbm4b:s22+s2], $0x400, $0x38;
	[tilespmem:$0x10880] =	vst v63  }
0x27a: {  	s23 =	spop (v2sf);
	(v2sf) =	vpush v1, $0x6;
	_ =	sdelay $0x1  }
0x27b: {  	s22 =	sand.u32 $0x1FFFFF80, s23;
	s23 =	spop (v2sf);
	(v2sf) =	vpush v1, $0x7;
	_ =	sdelay $0x2  }
0x27c: {  	s24 =	simm.s32 $0xC00;
	s22 =	sadd.s32 s3, s22  }
0x27d: {  	[tilespmem:s24], [sflag:$0x1] =	stream.linear.gather [hbm4b:s22+s2], $0x400, $0x38;
	[tilespmem:$0x10880] =	vst v63  }
0x27e: {  	s22 =	sand.u32 $0x1FFFFF80, s23  }
0x27f: {  	s24 =	simm.s32 $0x1000;
	s22 =	sadd.s32 s3, s22;
	s23 =	spop (v2sf);
	(v2sf) =	vpush v1, $0x8  }
0x280: {  	[tilespmem:s24], [sflag:$0x1] =	stream.linear.gather [hbm4b:s22+s2], $0x400, $0x38;
	[tilespmem:$0x10880] =	vst v63  }
0x281: {  	s22 =	sand.u32 $0x1FFFFF80, s23;
	s23 =	spop (v2sf);
	(v2sf) =	vpush v1, $0x9;
	_ =	sdelay $0x1  }
0x282: {  	s24 =	simm.s32 $0x1400;
	s22 =	sadd.s32 s3, s22  }
0x283: {  	[tilespmem:s24], [sflag:$0x1] =	stream.linear.gather [hbm4b:s22+s2], $0x400, $0x38;
	[tilespmem:$0x10880] =	vst v63  }
0x284: {  	s22 =	sand.u32 $0x1FFFFF80, s23  }
0x285: {  	s24 =	simm.s32 $0x1800;
	s22 =	sadd.s32 s3, s22;
	s23 =	spop (v2sf);
	(v2sf) =	vpush v1, $0xA  }
0x286: {  	[tilespmem:s24], [sflag:$0x1] =	stream.linear.gather [hbm4b:s22+s2], $0x400, $0x38;
	[tilespmem:$0x10880] =	vst v63  }
0x287: {  	s22 =	sand.u32 $0x1FFFFF80, s23;
	s23 =	spop (v2sf);
	(v2sf) =	vpush v1, $0xB;
	_ =	sdelay $0x2  }
0x288: {  	s24 =	simm.s32 $0x1C00;
	s22 =	sadd.s32 s3, s22  }
0x289: {  	[tilespmem:s24], [sflag:$0x1] =	stream.linear.gather [hbm4b:s22+s2], $0x400, $0x38;
	[tilespmem:$0x10880] =	vst v63  }
0x28a: {  	s22 =	sand.u32 $0x1FFFFF80, s23  }
0x28b: {  	s24 =	simm.s32 $0x2000;
	s22 =	sadd.s32 s3, s22;
	s23 =	spop (v2sf);
	(v2sf) =	vpush v1, $0xC  }
0x28c: {  	[tilespmem:s24], [sflag:$0x1] =	stream.linear.gather [hbm4b:s22+s2], $0x400, $0x38;
	[tilespmem:$0x10880] =	vst v63  }
0x28d: {  	s22 =	sand.u32 $0x1FFFFF80, s23;
	s23 =	spop (v2sf);
	(v2sf) =	vpush v1, $0xD;
	_ =	sdelay $0x1  }
0x28e: {  	s24 =	simm.s32 $0x2400;
	s22 =	sadd.s32 s3, s22  }
0x28f: {  	[tilespmem:s24], [sflag:$0x1] =	stream.linear.gather [hbm4b:s22+s2], $0x400, $0x38;
	[tilespmem:$0x10880] =	vst v63  }
0x290: {  	s22 =	sand.u32 $0x1FFFFF80, s23  }
0x291: {  	s24 =	simm.s32 $0x2800;
	s22 =	sadd.s32 s3, s22;
	s23 =	spop (v2sf);
	(v2sf) =	vpush v1, $0xE  }
0x292: {  	[tilespmem:s24], [sflag:$0x1] =	stream.linear.gather [hbm4b:s22+s2], $0x400, $0x38;
	[tilespmem:$0x10880] =	vst v63  }
0x293: {  	s22 =	sand.u32 $0x1FFFFF80, s23;
	s23 =	spop (v2sf);
	(v2sf) =	vpush v1, $0xF  }
0x294: {  	s24 =	simm.s32 $0x2C00;
	s22 =	sadd.s32 s3, s22  }
0x295: {  	[tilespmem:s24], [sflag:$0x1] =	stream.linear.gather [hbm4b:s22+s2], $0x400, $0x38;
	[tilespmem:$0x10880] =	vst v63  }
0x296: {  	s22 =	sand.u32 $0x1FFFFF80, s23  }
0x297: {  	s24 =	simm.s32 $0x3000;
	s22 =	sadd.s32 s3, s22  }
0x298: {  	[tilespmem:s24], [sflag:$0x1] =	stream.linear.gather [hbm4b:s22+s2], $0x400, $0x38;
	[tilespmem:$0x10880] =	vst v63  }
0x299: {  	s23 =	spop (v2sf)  }
0x29a: {  	s22 =	sand.u32 $0x1FFFFF80, s23  }
0x29b: {  	s24 =	simm.s32 $0x3400;
	s23 =	spop (v2sf);
	s22 =	sadd.s32 s3, s22  }
0x29c: {  	[tilespmem:s24], [sflag:$0x1] =	stream.linear.gather [hbm4b:s22+s2], $0x400, $0x38;
	[tilespmem:$0x10880] =	vst v63  }
0x29d: {  	s22 =	sand.u32 $0x1FFFFF80, s23  }
0x29e: {  	s24 =	simm.s32 $0x3800;
	s22 =	sadd.s32 s3, s22  }
0x29f: {  	[tilespmem:s24], [sflag:$0x1] =	stream.linear.gather [hbm4b:s22+s2], $0x400, $0x38;
	[tilespmem:$0x10880] =	vst v63  }
0x2a0: {  	s23 =	spop (v2sf)  }
0x2a1: {  	s22 =	sand.u32 $0x1FFFFF80, s23  }
0x2a2: {  	s24 =	simm.s32 $0x3C00;
	s23 =	spop (v2sf);
	s22 =	sadd.s32 s3, s22  }
0x2a3: {  	[tilespmem:s24], [sflag:$0x1] =	stream.linear.gather [hbm4b:s22+s2], $0x400, $0x38;
	[tilespmem:$0x10880] =	vst v63  }
0x2a4: {  	s22 =	sand.u32 $0x1FFFFF80, s23  }
0x2a5: {  	s24 =	simm.s32 $0x4000;
	s22 =	sadd.s32 s3, s22  }
0x2a6: {  	[tilespmem:s24], [sflag:$0x1] =	stream.linear.gather [hbm4b:s22+s2], $0x400, $0x38;
	[tilespmem:$0x10880] =	vst v63  }
0x2a7: {  	v1 =	vld [tilespmem:s21+$0x250];
	_ =	sdelay $0x4  }
0x2a8: {  	v1 =	vshll.u32 v1, $0x7  }
0x2a9: {  	(v2sf) =	vpush v1, $0x0;
	_ =	sdelay $0x1  }
0x2aa: {  	(v2sf) =	vpush v1, $0x1;
	_ =	sdelay $0x2  }
0x2ab: {  	(v2sf) =	vpush v1, $0x2;
	_ =	sdelay $0x2  }
0x2ac: {  	(v2sf) =	vpush v1, $0x3;
	_ =	sdelay $0x6  }
0x2ad: {  	s23 =	spop (v2sf);
	(v2sf) =	vpush v1, $0x4;
	_ =	sdelay $0x1  }
0x2ae: {  	s22 =	sand.u32 $0x1FFFFF80, s23;
	s23 =	spop (v2sf);
	(v2sf) =	vpush v1, $0x5  }
0x2af: {  	s24 =	simm.s32 $0x4400;
	s22 =	sadd.s32 s3, s22  }
0x2b0: {  	[tilespmem:s24], [sflag:$0x1] =	stream.linear.gather [hbm4b:s22+s2], $0x400, $0x38;
	[tilespmem:$0x10880] =	vst v63  }
0x2b1: {  	s22 =	sand.u32 $0x1FFFFF80, s23;
	s23 =	spop (v2sf);
	(v2sf) =	vpush v1, $0x6  }
0x2b2: {  	s24 =	simm.s32 $0x4800;
	s22 =	sadd.s32 s3, s22  }
0x2b3: {  	[tilespmem:s24], [sflag:$0x1] =	stream.linear.gather [hbm4b:s22+s2], $0x400, $0x38;
	[tilespmem:$0x10880] =	vst v63  }
0x2b4: {  	s22 =	sand.u32 $0x1FFFFF80, s23;
	s23 =	spop (v2sf);
	(v2sf) =	vpush v1, $0x7;
	_ =	sdelay $0x3  }
0x2b5: {  	s24 =	simm.s32 $0x4C00;
	s22 =	sadd.s32 s3, s22  }
0x2b6: {  	[tilespmem:s24], [sflag:$0x1] =	stream.linear.gather [hbm4b:s22+s2], $0x400, $0x38;
	[tilespmem:$0x10880] =	vst v63  }
0x2b7: {  	s22 =	sand.u32 $0x1FFFFF80, s23  }
0x2b8: {  	s24 =	simm.s32 $0x5000;
	s22 =	sadd.s32 s3, s22;
	s23 =	spop (v2sf);
	(v2sf) =	vpush v1, $0x8  }
0x2b9: {  	[tilespmem:s24], [sflag:$0x1] =	stream.linear.gather [hbm4b:s22+s2], $0x400, $0x38;
	[tilespmem:$0x10880] =	vst v63  }
0x2ba: {  	s22 =	sand.u32 $0x1FFFFF80, s23;
	s23 =	spop (v2sf);
	(v2sf) =	vpush v1, $0x9  }
0x2bb: {  	s24 =	simm.s32 $0x5400;
	s22 =	sadd.s32 s3, s22  }
0x2bc: {  	[tilespmem:s24], [sflag:$0x1] =	stream.linear.gather [hbm4b:s22+s2], $0x400, $0x38;
	[tilespmem:$0x10880] =	vst v63  }
0x2bd: {  	s22 =	sand.u32 $0x1FFFFF80, s23;
	s23 =	spop (v2sf);
	(v2sf) =	vpush v1, $0xA  }
0x2be: {  	s24 =	simm.s32 $0x5800;
	s22 =	sadd.s32 s3, s22  }
0x2bf: {  	[tilespmem:s24], [sflag:$0x1] =	stream.linear.gather [hbm4b:s22+s2], $0x400, $0x38;
	[tilespmem:$0x10880] =	vst v63  }
0x2c0: {  	s22 =	sand.u32 $0x1FFFFF80, s23;
	s23 =	spop (v2sf);
	(v2sf) =	vpush v1, $0xB;
	_ =	sdelay $0x3  }
0x2c1: {  	s24 =	simm.s32 $0x5C00;
	s22 =	sadd.s32 s3, s22  }
0x2c2: {  	[tilespmem:s24], [sflag:$0x1] =	stream.linear.gather [hbm4b:s22+s2], $0x400, $0x38;
	[tilespmem:$0x10880] =	vst v63  }
0x2c3: {  	s22 =	sand.u32 $0x1FFFFF80, s23  }
0x2c4: {  	s24 =	simm.s32 $0x6000;
	s22 =	sadd.s32 s3, s22;
	s23 =	spop (v2sf);
	(v2sf) =	vpush v1, $0xC  }
0x2c5: {  	[tilespmem:s24], [sflag:$0x1] =	stream.linear.gather [hbm4b:s22+s2], $0x400, $0x38;
	[tilespmem:$0x10880] =	vst v63  }
0x2c6: {  	s22 =	sand.u32 $0x1FFFFF80, s23;
	s23 =	spop (v2sf);
	(v2sf) =	vpush v1, $0xD  }
0x2c7: {  	s24 =	simm.s32 $0x6400;
	s22 =	sadd.s32 s3, s22  }
0x2c8: {  	[tilespmem:s24], [sflag:$0x1] =	stream.linear.gather [hbm4b:s22+s2], $0x400, $0x38;
	[tilespmem:$0x10880] =	vst v63  }
0x2c9: {  	s22 =	sand.u32 $0x1FFFFF80, s23;
	s23 =	spop (v2sf);
	(v2sf) =	vpush v1, $0xE  }
0x2ca: {  	s24 =	simm.s32 $0x6800;
	s22 =	sadd.s32 s3, s22  }
0x2cb: {  	[tilespmem:s24], [sflag:$0x1] =	stream.linear.gather [hbm4b:s22+s2], $0x400, $0x38;
	[tilespmem:$0x10880] =	vst v63  }
0x2cc: {  	s22 =	sand.u32 $0x1FFFFF80, s23;
	s23 =	spop (v2sf);
	(v2sf) =	vpush v1, $0xF;
	_ =	sdelay $0x1  }
0x2cd: {  	s24 =	simm.s32 $0x6C00;
	s22 =	sadd.s32 s3, s22  }
0x2ce: {  	[tilespmem:s24], [sflag:$0x1] =	stream.linear.gather [hbm4b:s22+s2], $0x400, $0x38;
	[tilespmem:$0x10880] =	vst v63  }
0x2cf: {  	s22 =	sand.u32 $0x1FFFFF80, s23  }
0x2d0: {  	s24 =	simm.s32 $0x7000;
	s22 =	sadd.s32 s3, s22  }
0x2d1: {  	[tilespmem:s24], [sflag:$0x1] =	stream.linear.gather [hbm4b:s22+s2], $0x400, $0x38;
	[tilespmem:$0x10880] =	vst v63  }
0x2d2: {  	s23 =	spop (v2sf)  }
0x2d3: {  	s22 =	sand.u32 $0x1FFFFF80, s23  }
0x2d4: {  	s24 =	simm.s32 $0x7400;
	s23 =	spop (v2sf);
	s22 =	sadd.s32 s3, s22  }
0x2d5: {  	[tilespmem:s24], [sflag:$0x1] =	stream.linear.gather [hbm4b:s22+s2], $0x400, $0x38;
	[tilespmem:$0x10880] =	vst v63  }
0x2d6: {  	s22 =	sand.u32 $0x1FFFFF80, s23  }
0x2d7: {  	s24 =	simm.s32 $0x7800;
	s23 =	spop (v2sf);
	s22 =	sadd.s32 s3, s22  }
0x2d8: {  	[tilespmem:s24], [sflag:$0x1] =	stream.linear.gather [hbm4b:s22+s2], $0x400, $0x38;
	[tilespmem:$0x10880] =	vst v63  }
0x2d9: {  	s22 =	sand.u32 $0x1FFFFF80, s23;
	s24 =	simm.s32 $0x7C00  }
.Ltmp6:
0x2da: {  	s23 =	spop (v2sf);
	s22 =	sadd.s32 s3, s22;
	(pc) =	sbr.rel .LBB2_6-.Ltmp6, $4  }
0x2db: {  	[tilespmem:s24], [sflag:$0x1] =	stream.linear.gather [hbm4b:s22+s2], $0x400, $0x38;
	[tilespmem:$0x10880] =	vst v63  }
0x2dc: {  	s22 =	sand.u32 $0x1FFFFF80, s23  }
0x2dd: {  	s24 =	simm.s32 $0x8000;
	s23 =	simm.s32 $0x8400;
	s22 =	sadd.s32 s3, s22  }
0x2de: {  	[tilespmem:s24], [sflag:$0x1] =	stream.linear.gather [hbm4b:s22+s2], $0x400, $0x38;
	[tilespmem:$0x10880] =	vst v63  }
.LBB2_8:
0x2df: {  	_ =	sfence.sel $0x180000  }
0x2e0: {  	[bflag:$0x0] =	sbarrier.arrive $0xFFFF  }
0x2e1: {  	_ =	strace $0x90000047  }
0x2e2: {  	s0 =	stileid.u32;
	[bflag:$0x2] =	sbarrier.arrive $0xFFFF  }
0x2e3: {  	p0 =	sne.s32 s0, $0x0;
	s0 =	rddreg [dreg:$0x3]  }
0x2e4: {  	s0 =	sadd.s32 @!p0 $0x100000, s0  }
0x2e5: {  	[sflag:s0] =	ssyncadd.tile.s32 @!p0 $0x1;
	_ =	shalt  }
.Lfunc_end2:
_tile_overlayer_lowered:
.L_overlay_start_2:
0x2e6: {  	(tag) =	ssettag $0x2  }
0x2e7: {  	s0 =	rddreg [dreg:$0x0];
	s2 =	stileid.u32  }
0x2e8: {  	s1 =	rddreg [dreg:$0x1];
	p0 =	sne.s32 s2, $0x0  }
0x2e9: {  	s3 =	rddreg [dreg:$0x2];
	[bflag:$0x3] =	sbarrier.arrive $0xFFFF;
	s2 =	simm.s32 @!p0 $0x1C03  }
0x2ea: {  	[timem:s3], [sflag:s2] =	dma.local @!p0 [hbm:s0], s1  }
0x2eb: {  	s0 =	simm.s32 @!p0 $0x3  }
0x2ec: {  	_ =	swait.ge @!p0 [sflag:s0], s1  }
0x2ed: {  	s1 =	ssub.s32 @!p0 $0x0, s1;
	[sflag:s0] =	ssyncset.done @!p0 $0x0  }
0x2ee: {  	[sflag:s0] =	ssyncadd.s32 @!p0 s1  }
0x2ef: {  	[bflag:$0x3] =	sbarrier.arrive $0xFFFF  }
0x2f0: {  	_ =	shalt  }

</sc_bundles>
